<compile_context>
chip_gen: v7x
topology: tpu7x:2x2x1
jax: 0.10.2.dev20260603
libtpu: 0.0.44.dev20260713+nightly
codegen_flags: <defaults>
</compile_context>

<pallas_src>
import functools

import jax
import jax.numpy as jnp
from jax import lax
from jax.experimental import pallas as pl
from jax.experimental.pallas import tpu as pltpu
from jax.experimental.pallas import tpu_sc as plsc

N_NODES = 10000
N_EDGES = 320000
D = 128

NC = 2
NS = 16
NW = NC * NS
CHUNK = 128
E_PER_W = 10240
N_CHUNKS = E_PER_W // CHUNK
SUPER = 16
N_SUPER = N_CHUNKS // SUPER
S_PAIRS = SUPER // 2
IDX_ROWS = SUPER + 2
E_PAD = E_PER_W * NW
N_PAD = 10240
ROWS_PER_TILE = N_PAD // NS


def _sc_aggregate(src2d, dst2d, ew2d, x):
    mesh = plsc.VectorSubcoreMesh(core_axis_name="c", subcore_axis_name="s")

    @functools.partial(
        pl.kernel,
        out_type=jax.ShapeDtypeStruct((NC, N_PAD, D), jnp.float32),
        mesh=mesh,
        scratch_types=[
            pltpu.VMEM((IDX_ROWS, CHUNK), jnp.int32),
            pltpu.VMEM((SUPER, CHUNK), jnp.int32),
            pltpu.VMEM((SUPER, CHUNK), jnp.float32),
            pltpu.VMEM((CHUNK, D), jnp.float32),
            pltpu.VMEM((CHUNK, D), jnp.float32),
            pltpu.VMEM_SHARED((N_PAD, D), jnp.float32),
            pltpu.SemaphoreType.DMA,
            pltpu.SemaphoreType.DMA,
            pltpu.SemaphoreType.DMA,
            pltpu.SemaphoreType.DMA,
        ],
    )
    def body(src_hbm, dst_hbm, ew_hbm, x_hbm, out_hbm, src_v, dst_v, ew_v,
             rows_a, rows_b, acc_sh, sg_a, sg_b, ss_a, ss_b):
        c = lax.axis_index("c")
        s = lax.axis_index("s")
        wid = s * NC + c
        row0 = wid * N_CHUNKS

        for r in (SUPER, SUPER + 1):
            for t in range(CHUNK // 16):
                src_v[r, pl.ds(t * 16, 16)] = jnp.zeros((16,), jnp.int32)

        def zero_row(e, carry):
            for t in range(D // 16):
                rows_a[e, pl.ds(t * 16, 16)] = jnp.zeros((16,), jnp.float32)
            return carry

        lax.fori_loop(0, CHUNK, zero_row, 0)
        base = s * ROWS_PER_TILE
        for k in range(ROWS_PER_TILE // CHUNK):
            pltpu.sync_copy(rows_a, acc_sh.at[pl.ds(base + k * CHUNK, CHUNK)])
        plsc.subcore_barrier()

        def scale(buf, j):
            @plsc.parallel_loop(0, CHUNK // 16, step=1)
            def scale_group(g):
                wvec = ew_v[j, pl.ds(g * 16, 16)]
                for l in range(16):
                    w = wvec[l]
                    e = g * 16 + l
                    for t in range(D // 16):
                        sl = pl.ds(t * 16, 16)
                        buf[e, sl] = buf[e, sl] * w

        def super_chunk(k, carry):
            sbase = row0 + k * SUPER
            pltpu.sync_copy(src_hbm.at[pl.ds(sbase, SUPER)],
                            src_v.at[pl.ds(0, SUPER)])
            pltpu.sync_copy(dst_hbm.at[pl.ds(sbase, SUPER)], dst_v)
            pltpu.sync_copy(ew_hbm.at[pl.ds(sbase, SUPER)], ew_v)
            def pair(i, inner):
                j0 = 2 * i
                j1 = j0 + 1
                ga = pltpu.async_copy(x_hbm.at[src_v.at[j0]], rows_a, sg_a)
                gb = pltpu.async_copy(x_hbm.at[src_v.at[j1]], rows_b, sg_b)
                ga.wait()
                scale(rows_a, j0)
                pltpu.sync_copy(rows_a, acc_sh.at[dst_v.at[j0]], add=True)
                gb.wait()
                scale(rows_b, j1)
                pltpu.sync_copy(rows_b, acc_sh.at[dst_v.at[j1]], add=True)
                return inner

            lax.fori_loop(0, S_PAIRS, pair, 0)
            return carry

        lax.fori_loop(0, N_SUPER, super_chunk, 0)
        plsc.subcore_barrier()

        pltpu.sync_copy(acc_sh.at[pl.ds(base, ROWS_PER_TILE)],
                        out_hbm.at[c, pl.ds(base, ROWS_PER_TILE)])

    return body(src2d, dst2d, ew2d, x)


def _tc_finish(partials, W, b2d):
    R = 1024

    def body(p_ref, w_ref, b_ref, o_ref):
        ssum = p_ref[0] + p_ref[1]
        h = jnp.dot(ssum, w_ref[...], preferred_element_type=jnp.float32)
        o_ref[...] = jnp.maximum(h + b_ref[...], 0.0)

    return pl.pallas_call(
        body,
        grid=(N_PAD // R,),
        in_specs=[
            pl.BlockSpec((2, R, D), lambda i: (0, i, 0)),
            pl.BlockSpec((D, D), lambda i: (0, 0)),
            pl.BlockSpec((1, D), lambda i: (0, 0)),
        ],
        out_specs=pl.BlockSpec((R, D), lambda i: (i, 0)),
        out_shape=jax.ShapeDtypeStruct((N_PAD, D), jnp.float32),
    )(partials, W, b2d)


def kernel(x, edge_index, edge_weight, W, b):
    src = edge_index[1].astype(jnp.int32)
    dst = edge_index[0].astype(jnp.int32)
    ew = edge_weight.astype(jnp.float32)
    pad = E_PAD - N_EDGES
    src = jnp.concatenate([src, jnp.zeros((pad,), jnp.int32)])
    dst = jnp.concatenate([dst, jnp.zeros((pad,), jnp.int32)])
    ew = jnp.concatenate([ew, jnp.zeros((pad,), jnp.float32)])
    shape2d = (E_PAD // CHUNK, CHUNK)
    partials = _sc_aggregate(src.reshape(shape2d), dst.reshape(shape2d),
                             ew.reshape(shape2d), x)
    out = _tc_finish(partials, W, b.reshape(1, D))
    return out[:N_NODES]

# --- scband reference (transcript-rebuilt; emitter-appended) ---
"""Pipeline reference for scband-gconv-78134045049012 (READ-ONLY COPY).

The authoritative reference and input builder live on the scoring server;
editing this copy changes nothing except your own understanding.
"""

import jax, jax.numpy as jnp
import numpy as np

N_NODES = 10000
N_EDGES = 320000
D_IN = 128
UNITS = 128


def setup_inputs(seed: int = 0) -> dict:
    key = jax.random.key(seed)
    k1, k2, k3, k4, k5 = jax.random.split(key, 5)
    x = jax.random.normal(k1, (N_NODES, D_IN), dtype=jnp.float32)
    edge_index = jax.random.randint(k2, (2, N_EDGES), 0, N_NODES).astype(jnp.int64)
    edge_weight = jax.random.uniform(k3, (N_EDGES,), dtype=jnp.float32)
    # learned params: kernel (he_normal-like) and bias (random_normal-like)
    W = jax.random.normal(k4, (D_IN, UNITS), dtype=jnp.float32) * jnp.sqrt(2.0 / D_IN)
    b = jax.random.normal(k5, (UNITS,), dtype=jnp.float32) * 0.05
    return {"x": x, "edge_index": edge_index, "edge_weight": edge_weight, "W": W, "b": b}


def reference(x, edge_index, edge_weight, W, b):
    # output = tf.matmul(x, self.w)
    h = jnp.dot(x, W)
    # output = tf.sparse.sparse_dense_matmul(a, output)
    # sparse A given as COO: rows=edge_index[0] (dst), cols=edge_index[1] (src), vals=edge_weight
    src = edge_index[1]
    dst = edge_index[0]
    msgs = edge_weight[:, None] * jnp.take(h, src, axis=0)
    agg = jax.ops.segment_sum(msgs, dst, num_segments=N_NODES)
    # output = self.act(output + self.b)  with activation='relu'
    out = jax.nn.relu(agg + b)
    return out

if __name__ == "__main__":
    import jax
    _d = setup_inputs()
    print(jax.jit(kernel)(*tuple(_d.values())))

</pallas_src>

<mosaic_0001>
#map = affine_map<(d0, d1) -> (0, 0)>
#map1 = affine_map<(d0, d1) -> (0, 0, 0)>
module attributes {stable_mosaic.version = 14 : i64} {
  func.func @body(%arg0: i32, %arg1: i32, %arg2: memref<2560x128xi32, #tpu.memory_space<hbm>>, %arg3: memref<2560x128xi32, #tpu.memory_space<hbm>>, %arg4: memref<2560x128xf32, #tpu.memory_space<hbm>>, %arg5: memref<10000x128xf32, #tpu.memory_space<hbm>>, %arg6: memref<2x10240x128xf32, #tpu.memory_space<hbm>>, %arg7: memref<18x128xi32, #tpu.memory_space<vmem>>, %arg8: memref<16x128xi32, #tpu.memory_space<vmem>>, %arg9: memref<16x128xf32, #tpu.memory_space<vmem>>, %arg10: memref<128x128xf32, #tpu.memory_space<vmem>>, %arg11: memref<128x128xf32, #tpu.memory_space<vmem>>, %arg12: memref<10240x128xf32, #tpu.memory_space<vmem_shared>>, %arg13: memref<!tpu.dma_semaphore, #tpu.memory_space<semaphore_mem>>, %arg14: memref<!tpu.dma_semaphore, #tpu.memory_space<semaphore_mem>>, %arg15: memref<!tpu.dma_semaphore, #tpu.memory_space<semaphore_mem>>, %arg16: memref<!tpu.dma_semaphore, #tpu.memory_space<semaphore_mem>>) attributes {dimension_semantics = [#tpu.dimension_semantics<core_parallel>, #tpu.dimension_semantics<subcore_parallel>], iteration_bounds = array<i64: 2, 16>, scalar_prefetch = 0 : i64, scratch_operands = 10 : i64, tpu.core_type = #tpu.core_type<sc_vector_subcore>, window_params = [{transform_indices = #map}, {transform_indices = #map}, {transform_indices = #map}, {transform_indices = #map}, {transform_indices = #map1}]} {
    %mul3A = arith.constant 2 : i32
    %mul3A_0 = arith.muli %arg1, %mul3A : i32
    %add3A = arith.addi %mul3A_0, %arg0 : i32
    %mul3A_1 = arith.constant 80 : i32
    %mul3A_2 = arith.muli %add3A, %mul3A_1 : i32
    %broadcast_in_dim3A = arith.constant 0 : i32
    %broadcast_in_dim3A_3 = vector.broadcast %broadcast_in_dim3A : i32 to vector<16xi32>
    %swap3A = arith.constant 16 : i32
    %swap3A_4 = arith.index_cast %swap3A : i32 to index
    %swap3A_5 = arith.constant 0 : index
    %swap3A_6 = tpu.vector_load %arg7[%swap3A_4, %swap3A_5] {strides = array<i32>} : memref<18x128xi32, #tpu.memory_space<vmem>>, vector<1x16xi32>,
    %swap3A_7 = vector.shape_cast %swap3A_6 : vector<1x16xi32> to vector<16xi32>
    %swap3A_8 = vector.shape_cast %broadcast_in_dim3A_3 : vector<16xi32> to vector<1x16xi32>
    tpu.vector_store %arg7[%swap3A_4, %swap3A_5], %swap3A_8 {strides = array<i32>} : memref<18x128xi32, #tpu.memory_space<vmem>>, vector<1x16xi32>,
    %broadcast_in_dim3A_9 = arith.constant 0 : i32
    %broadcast_in_dim3A_10 = vector.broadcast %broadcast_in_dim3A_9 : i32 to vector<16xi32>
    %swap3A_11 = arith.constant 16 : i32
    %swap3A_12 = arith.index_cast %swap3A_11 : i32 to index
    %swap3A_13 = arith.constant 16 : index
    %swap3A_14 = tpu.vector_load %arg7[%swap3A_12, %swap3A_13] {strides = array<i32>} : memref<18x128xi32, #tpu.memory_space<vmem>>, vector<1x16xi32>,
    %swap3A_15 = vector.shape_cast %swap3A_14 : vector<1x16xi32> to vector<16xi32>
    %swap3A_16 = vector.shape_cast %broadcast_in_dim3A_10 : vector<16xi32> to vector<1x16xi32>
    tpu.vector_store %arg7[%swap3A_12, %swap3A_13], %swap3A_16 {strides = array<i32>} : memref<18x128xi32, #tpu.memory_space<vmem>>, vector<1x16xi32>,
    %broadcast_in_dim3A_17 = arith.constant 0 : i32
    %broadcast_in_dim3A_18 = vector.broadcast %broadcast_in_dim3A_17 : i32 to vector<16xi32>
    %swap3A_19 = arith.constant 16 : i32
    %swap3A_20 = arith.index_cast %swap3A_19 : i32 to index
    %swap3A_21 = arith.constant 32 : index
    %swap3A_22 = tpu.vector_load %arg7[%swap3A_20, %swap3A_21] {strides = array<i32>} : memref<18x128xi32, #tpu.memory_space<vmem>>, vector<1x16xi32>,
    %swap3A_23 = vector.shape_cast %swap3A_22 : vector<1x16xi32> to vector<16xi32>
    %swap3A_24 = vector.shape_cast %broadcast_in_dim3A_18 : vector<16xi32> to vector<1x16xi32>
    tpu.vector_store %arg7[%swap3A_20, %swap3A_21], %swap3A_24 {strides = array<i32>} : memref<18x128xi32, #tpu.memory_space<vmem>>, vector<1x16xi32>,
    %broadcast_in_dim3A_25 = arith.constant 0 : i32
    %broadcast_in_dim3A_26 = vector.broadcast %broadcast_in_dim3A_25 : i32 to vector<16xi32>
    %swap3A_27 = arith.constant 16 : i32
    %swap3A_28 = arith.index_cast %swap3A_27 : i32 to index
    %swap3A_29 = arith.constant 48 : index
    %swap3A_30 = tpu.vector_load %arg7[%swap3A_28, %swap3A_29] {strides = array<i32>} : memref<18x128xi32, #tpu.memory_space<vmem>>, vector<1x16xi32>,
    %swap3A_31 = vector.shape_cast %swap3A_30 : vector<1x16xi32> to vector<16xi32>
    %swap3A_32 = vector.shape_cast %broadcast_in_dim3A_26 : vector<16xi32> to vector<1x16xi32>
    tpu.vector_store %arg7[%swap3A_28, %swap3A_29], %swap3A_32 {strides = array<i32>} : memref<18x128xi32, #tpu.memory_space<vmem>>, vector<1x16xi32>,
    %broadcast_in_dim3A_33 = arith.constant 0 : i32
    %broadcast_in_dim3A_34 = vector.broadcast %broadcast_in_dim3A_33 : i32 to vector<16xi32>
    %swap3A_35 = arith.constant 16 : i32
    %swap3A_36 = arith.index_cast %swap3A_35 : i32 to index
    %swap3A_37 = arith.constant 64 : index
    %swap3A_38 = tpu.vector_load %arg7[%swap3A_36, %swap3A_37] {strides = array<i32>} : memref<18x128xi32, #tpu.memory_space<vmem>>, vector<1x16xi32>,
    %swap3A_39 = vector.shape_cast %swap3A_38 : vector<1x16xi32> to vector<16xi32>
    %swap3A_40 = vector.shape_cast %broadcast_in_dim3A_34 : vector<16xi32> to vector<1x16xi32>
    tpu.vector_store %arg7[%swap3A_36, %swap3A_37], %swap3A_40 {strides = array<i32>} : memref<18x128xi32, #tpu.memory_space<vmem>>, vector<1x16xi32>,
    %broadcast_in_dim3A_41 = arith.constant 0 : i32
    %broadcast_in_dim3A_42 = vector.broadcast %broadcast_in_dim3A_41 : i32 to vector<16xi32>
    %swap3A_43 = arith.constant 16 : i32
    %swap3A_44 = arith.index_cast %swap3A_43 : i32 to index
    %swap3A_45 = arith.constant 80 : index
    %swap3A_46 = tpu.vector_load %arg7[%swap3A_44, %swap3A_45] {strides = array<i32>} : memref<18x128xi32, #tpu.memory_space<vmem>>, vector<1x16xi32>,
    %swap3A_47 = vector.shape_cast %swap3A_46 : vector<1x16xi32> to vector<16xi32>
    %swap3A_48 = vector.shape_cast %broadcast_in_dim3A_42 : vector<16xi32> to vector<1x16xi32>
    tpu.vector_store %arg7[%swap3A_44, %swap3A_45], %swap3A_48 {strides = array<i32>} : memref<18x128xi32, #tpu.memory_space<vmem>>, vector<1x16xi32>,
    %broadcast_in_dim3A_49 = arith.constant 0 : i32
    %broadcast_in_dim3A_50 = vector.broadcast %broadcast_in_dim3A_49 : i32 to vector<16xi32>
    %swap3A_51 = arith.constant 16 : i32
    %swap3A_52 = arith.index_cast %swap3A_51 : i32 to index
    %swap3A_53 = arith.constant 96 : index
    %swap3A_54 = tpu.vector_load %arg7[%swap3A_52, %swap3A_53] {strides = array<i32>} : memref<18x128xi32, #tpu.memory_space<vmem>>, vector<1x16xi32>,
    %swap3A_55 = vector.shape_cast %swap3A_54 : vector<1x16xi32> to vector<16xi32>
    %swap3A_56 = vector.shape_cast %broadcast_in_dim3A_50 : vector<16xi32> to vector<1x16xi32>
    tpu.vector_store %arg7[%swap3A_52, %swap3A_53], %swap3A_56 {strides = array<i32>} : memref<18x128xi32, #tpu.memory_space<vmem>>, vector<1x16xi32>,
    %broadcast_in_dim3A_57 = arith.constant 0 : i32
    %broadcast_in_dim3A_58 = vector.broadcast %broadcast_in_dim3A_57 : i32 to vector<16xi32>
    %swap3A_59 = arith.constant 16 : i32
    %swap3A_60 = arith.index_cast %swap3A_59 : i32 to index
    %swap3A_61 = arith.constant 112 : index
    %swap3A_62 = tpu.vector_load %arg7[%swap3A_60, %swap3A_61] {strides = array<i32>} : memref<18x128xi32, #tpu.memory_space<vmem>>, vector<1x16xi32>,
    %swap3A_63 = vector.shape_cast %swap3A_62 : vector<1x16xi32> to vector<16xi32>
    %swap3A_64 = vector.shape_cast %broadcast_in_dim3A_58 : vector<16xi32> to vector<1x16xi32>
    tpu.vector_store %arg7[%swap3A_60, %swap3A_61], %swap3A_64 {strides = array<i32>} : memref<18x128xi32, #tpu.memory_space<vmem>>, vector<1x16xi32>,
    %broadcast_in_dim3A_65 = arith.constant 0 : i32
    %broadcast_in_dim3A_66 = vector.broadcast %broadcast_in_dim3A_65 : i32 to vector<16xi32>
    %swap3A_67 = arith.constant 17 : i32
    %swap3A_68 = arith.index_cast %swap3A_67 : i32 to index
    %swap3A_69 = arith.constant 0 : index
    %swap3A_70 = tpu.vector_load %arg7[%swap3A_68, %swap3A_69] {strides = array<i32>} : memref<18x128xi32, #tpu.memory_space<vmem>>, vector<1x16xi32>,
    %swap3A_71 = vector.shape_cast %swap3A_70 : vector<1x16xi32> to vector<16xi32>
    %swap3A_72 = vector.shape_cast %broadcast_in_dim3A_66 : vector<16xi32> to vector<1x16xi32>
    tpu.vector_store %arg7[%swap3A_68, %swap3A_69], %swap3A_72 {strides = array<i32>} : memref<18x128xi32, #tpu.memory_space<vmem>>, vector<1x16xi32>,
    %broadcast_in_dim3A_73 = arith.constant 0 : i32
    %broadcast_in_dim3A_74 = vector.broadcast %broadcast_in_dim3A_73 : i32 to vector<16xi32>
    %swap3A_75 = arith.constant 17 : i32
    %swap3A_76 = arith.index_cast %swap3A_75 : i32 to index
    %swap3A_77 = arith.constant 16 : index
    %swap3A_78 = tpu.vector_load %arg7[%swap3A_76, %swap3A_77] {strides = array<i32>} : memref<18x128xi32, #tpu.memory_space<vmem>>, vector<1x16xi32>,
    %swap3A_79 = vector.shape_cast %swap3A_78 : vector<1x16xi32> to vector<16xi32>
    %swap3A_80 = vector.shape_cast %broadcast_in_dim3A_74 : vector<16xi32> to vector<1x16xi32>
    tpu.vector_store %arg7[%swap3A_76, %swap3A_77], %swap3A_80 {strides = array<i32>} : memref<18x128xi32, #tpu.memory_space<vmem>>, vector<1x16xi32>,
    %broadcast_in_dim3A_81 = arith.constant 0 : i32
    %broadcast_in_dim3A_82 = vector.broadcast %broadcast_in_dim3A_81 : i32 to vector<16xi32>
    %swap3A_83 = arith.constant 17 : i32
    %swap3A_84 = arith.index_cast %swap3A_83 : i32 to index
    %swap3A_85 = arith.constant 32 : index
    %swap3A_86 = tpu.vector_load %arg7[%swap3A_84, %swap3A_85] {strides = array<i32>} : memref<18x128xi32, #tpu.memory_space<vmem>>, vector<1x16xi32>,
    %swap3A_87 = vector.shape_cast %swap3A_86 : vector<1x16xi32> to vector<16xi32>
    %swap3A_88 = vector.shape_cast %broadcast_in_dim3A_82 : vector<16xi32> to vector<1x16xi32>
    tpu.vector_store %arg7[%swap3A_84, %swap3A_85], %swap3A_88 {strides = array<i32>} : memref<18x128xi32, #tpu.memory_space<vmem>>, vector<1x16xi32>,
    %broadcast_in_dim3A_89 = arith.constant 0 : i32
    %broadcast_in_dim3A_90 = vector.broadcast %broadcast_in_dim3A_89 : i32 to vector<16xi32>
    %swap3A_91 = arith.constant 17 : i32
    %swap3A_92 = arith.index_cast %swap3A_91 : i32 to index
    %swap3A_93 = arith.constant 48 : index
    %swap3A_94 = tpu.vector_load %arg7[%swap3A_92, %swap3A_93] {strides = array<i32>} : memref<18x128xi32, #tpu.memory_space<vmem>>, vector<1x16xi32>,
    %swap3A_95 = vector.shape_cast %swap3A_94 : vector<1x16xi32> to vector<16xi32>
    %swap3A_96 = vector.shape_cast %broadcast_in_dim3A_90 : vector<16xi32> to vector<1x16xi32>
    tpu.vector_store %arg7[%swap3A_92, %swap3A_93], %swap3A_96 {strides = array<i32>} : memref<18x128xi32, #tpu.memory_space<vmem>>, vector<1x16xi32>,
    %broadcast_in_dim3A_97 = arith.constant 0 : i32
    %broadcast_in_dim3A_98 = vector.broadcast %broadcast_in_dim3A_97 : i32 to vector<16xi32>
    %swap3A_99 = arith.constant 17 : i32
    %swap3A_100 = arith.index_cast %swap3A_99 : i32 to index
    %swap3A_101 = arith.constant 64 : index
    %swap3A_102 = tpu.vector_load %arg7[%swap3A_100, %swap3A_101] {strides = array<i32>} : memref<18x128xi32, #tpu.memory_space<vmem>>, vector<1x16xi32>,
    %swap3A_103 = vector.shape_cast %swap3A_102 : vector<1x16xi32> to vector<16xi32>
    %swap3A_104 = vector.shape_cast %broadcast_in_dim3A_98 : vector<16xi32> to vector<1x16xi32>
    tpu.vector_store %arg7[%swap3A_100, %swap3A_101], %swap3A_104 {strides = array<i32>} : memref<18x128xi32, #tpu.memory_space<vmem>>, vector<1x16xi32>,
    %broadcast_in_dim3A_105 = arith.constant 0 : i32
    %broadcast_in_dim3A_106 = vector.broadcast %broadcast_in_dim3A_105 : i32 to vector<16xi32>
    %swap3A_107 = arith.constant 17 : i32
    %swap3A_108 = arith.index_cast %swap3A_107 : i32 to index
    %swap3A_109 = arith.constant 80 : index
    %swap3A_110 = tpu.vector_load %arg7[%swap3A_108, %swap3A_109] {strides = array<i32>} : memref<18x128xi32, #tpu.memory_space<vmem>>, vector<1x16xi32>,
    %swap3A_111 = vector.shape_cast %swap3A_110 : vector<1x16xi32> to vector<16xi32>
    %swap3A_112 = vector.shape_cast %broadcast_in_dim3A_106 : vector<16xi32> to vector<1x16xi32>
    tpu.vector_store %arg7[%swap3A_108, %swap3A_109], %swap3A_112 {strides = array<i32>} : memref<18x128xi32, #tpu.memory_space<vmem>>, vector<1x16xi32>,
    %broadcast_in_dim3A_113 = arith.constant 0 : i32
    %broadcast_in_dim3A_114 = vector.broadcast %broadcast_in_dim3A_113 : i32 to vector<16xi32>
    %swap3A_115 = arith.constant 17 : i32
    %swap3A_116 = arith.index_cast %swap3A_115 : i32 to index
    %swap3A_117 = arith.constant 96 : index
    %swap3A_118 = tpu.vector_load %arg7[%swap3A_116, %swap3A_117] {strides = array<i32>} : memref<18x128xi32, #tpu.memory_space<vmem>>, vector<1x16xi32>,
    %swap3A_119 = vector.shape_cast %swap3A_118 : vector<1x16xi32> to vector<16xi32>
    %swap3A_120 = vector.shape_cast %broadcast_in_dim3A_114 : vector<16xi32> to vector<1x16xi32>
    tpu.vector_store %arg7[%swap3A_116, %swap3A_117], %swap3A_120 {strides = array<i32>} : memref<18x128xi32, #tpu.memory_space<vmem>>, vector<1x16xi32>,
    %broadcast_in_dim3A_121 = arith.constant 0 : i32
    %broadcast_in_dim3A_122 = vector.broadcast %broadcast_in_dim3A_121 : i32 to vector<16xi32>
    %swap3A_123 = arith.constant 17 : i32
    %swap3A_124 = arith.index_cast %swap3A_123 : i32 to index
    %swap3A_125 = arith.constant 112 : index
    %swap3A_126 = tpu.vector_load %arg7[%swap3A_124, %swap3A_125] {strides = array<i32>} : memref<18x128xi32, #tpu.memory_space<vmem>>, vector<1x16xi32>,
    %swap3A_127 = vector.shape_cast %swap3A_126 : vector<1x16xi32> to vector<16xi32>
    %swap3A_128 = vector.shape_cast %broadcast_in_dim3A_122 : vector<16xi32> to vector<1x16xi32>
    tpu.vector_store %arg7[%swap3A_124, %swap3A_125], %swap3A_128 {strides = array<i32>} : memref<18x128xi32, #tpu.memory_space<vmem>>, vector<1x16xi32>,
    %scan3A = arith.constant 0 : i32
    %scan3A_129 = arith.constant 0 : i32
    %scan3A_130 = arith.constant 128 : i32
    %scan3A_131 = arith.addi %scan3A_129, %scan3A_130 : i32
    %scan3A_132 = arith.constant 1 : i32
    scf.for %scan3A_153 = %scan3A_129 to %scan3A_131 step %scan3A_132  : i32 {
      %broadcast_in_dim3A_154 = arith.constant 0.000000e+00 : f32
      %broadcast_in_dim3A_155 = vector.broadcast %broadcast_in_dim3A_154 : f32 to vector<16xf32>
      %swap3A_156 = arith.index_cast %scan3A_153 : i32 to index
      %swap3A_157 = arith.constant 0 : index
      %swap3A_158 = tpu.vector_load %arg10[%swap3A_156, %swap3A_157] {strides = array<i32>} : memref<128x128xf32, #tpu.memory_space<vmem>>, vector<1x16xf32>,
      %swap3A_159 = vector.shape_cast %swap3A_158 : vector<1x16xf32> to vector<16xf32>
      %swap3A_160 = vector.shape_cast %broadcast_in_dim3A_155 : vector<16xf32> to vector<1x16xf32>
      tpu.vector_store %arg10[%swap3A_156, %swap3A_157], %swap3A_160 {strides = array<i32>} : memref<128x128xf32, #tpu.memory_space<vmem>>, vector<1x16xf32>,
      %broadcast_in_dim3A_161 = arith.constant 0.000000e+00 : f32
      %broadcast_in_dim3A_162 = vector.broadcast %broadcast_in_dim3A_161 : f32 to vector<16xf32>
      %swap3A_163 = arith.index_cast %scan3A_153 : i32 to index
      %swap3A_164 = arith.constant 16 : index
      %swap3A_165 = tpu.vector_load %arg10[%swap3A_163, %swap3A_164] {strides = array<i32>} : memref<128x128xf32, #tpu.memory_space<vmem>>, vector<1x16xf32>,
      %swap3A_166 = vector.shape_cast %swap3A_165 : vector<1x16xf32> to vector<16xf32>
      %swap3A_167 = vector.shape_cast %broadcast_in_dim3A_162 : vector<16xf32> to vector<1x16xf32>
      tpu.vector_store %arg10[%swap3A_163, %swap3A_164], %swap3A_167 {strides = array<i32>} : memref<128x128xf32, #tpu.memory_space<vmem>>, vector<1x16xf32>,
      %broadcast_in_dim3A_168 = arith.constant 0.000000e+00 : f32
      %broadcast_in_dim3A_169 = vector.broadcast %broadcast_in_dim3A_168 : f32 to vector<16xf32>
      %swap3A_170 = arith.index_cast %scan3A_153 : i32 to index
      %swap3A_171 = arith.constant 32 : index
      %swap3A_172 = tpu.vector_load %arg10[%swap3A_170, %swap3A_171] {strides = array<i32>} : memref<128x128xf32, #tpu.memory_space<vmem>>, vector<1x16xf32>,
      %swap3A_173 = vector.shape_cast %swap3A_172 : vector<1x16xf32> to vector<16xf32>
      %swap3A_174 = vector.shape_cast %broadcast_in_dim3A_169 : vector<16xf32> to vector<1x16xf32>
      tpu.vector_store %arg10[%swap3A_170, %swap3A_171], %swap3A_174 {strides = array<i32>} : memref<128x128xf32, #tpu.memory_space<vmem>>, vector<1x16xf32>,
      %broadcast_in_dim3A_175 = arith.constant 0.000000e+00 : f32
      %broadcast_in_dim3A_176 = vector.broadcast %broadcast_in_dim3A_175 : f32 to vector<16xf32>
      %swap3A_177 = arith.index_cast %scan3A_153 : i32 to index
      %swap3A_178 = arith.constant 48 : index
      %swap3A_179 = tpu.vector_load %arg10[%swap3A_177, %swap3A_178] {strides = array<i32>} : memref<128x128xf32, #tpu.memory_space<vmem>>, vector<1x16xf32>,
      %swap3A_180 = vector.shape_cast %swap3A_179 : vector<1x16xf32> to vector<16xf32>
      %swap3A_181 = vector.shape_cast %broadcast_in_dim3A_176 : vector<16xf32> to vector<1x16xf32>
      tpu.vector_store %arg10[%swap3A_177, %swap3A_178], %swap3A_181 {strides = array<i32>} : memref<128x128xf32, #tpu.memory_space<vmem>>, vector<1x16xf32>,
      %broadcast_in_dim3A_182 = arith.constant 0.000000e+00 : f32
      %broadcast_in_dim3A_183 = vector.broadcast %broadcast_in_dim3A_182 : f32 to vector<16xf32>
      %swap3A_184 = arith.index_cast %scan3A_153 : i32 to index
      %swap3A_185 = arith.constant 64 : index
      %swap3A_186 = tpu.vector_load %arg10[%swap3A_184, %swap3A_185] {strides = array<i32>} : memref<128x128xf32, #tpu.memory_space<vmem>>, vector<1x16xf32>,
      %swap3A_187 = vector.shape_cast %swap3A_186 : vector<1x16xf32> to vector<16xf32>
      %swap3A_188 = vector.shape_cast %broadcast_in_dim3A_183 : vector<16xf32> to vector<1x16xf32>
      tpu.vector_store %arg10[%swap3A_184, %swap3A_185], %swap3A_188 {strides = array<i32>} : memref<128x128xf32, #tpu.memory_space<vmem>>, vector<1x16xf32>,
      %broadcast_in_dim3A_189 = arith.constant 0.000000e+00 : f32
      %broadcast_in_dim3A_190 = vector.broadcast %broadcast_in_dim3A_189 : f32 to vector<16xf32>
      %swap3A_191 = arith.index_cast %scan3A_153 : i32 to index
      %swap3A_192 = arith.constant 80 : index
      %swap3A_193 = tpu.vector_load %arg10[%swap3A_191, %swap3A_192] {strides = array<i32>} : memref<128x128xf32, #tpu.memory_space<vmem>>, vector<1x16xf32>,
      %swap3A_194 = vector.shape_cast %swap3A_193 : vector<1x16xf32> to vector<16xf32>
      %swap3A_195 = vector.shape_cast %broadcast_in_dim3A_190 : vector<16xf32> to vector<1x16xf32>
      tpu.vector_store %arg10[%swap3A_191, %swap3A_192], %swap3A_195 {strides = array<i32>} : memref<128x128xf32, #tpu.memory_space<vmem>>, vector<1x16xf32>,
      %broadcast_in_dim3A_196 = arith.constant 0.000000e+00 : f32
      %broadcast_in_dim3A_197 = vector.broadcast %broadcast_in_dim3A_196 : f32 to vector<16xf32>
      %swap3A_198 = arith.index_cast %scan3A_153 : i32 to index
      %swap3A_199 = arith.constant 96 : index
      %swap3A_200 = tpu.vector_load %arg10[%swap3A_198, %swap3A_199] {strides = array<i32>} : memref<128x128xf32, #tpu.memory_space<vmem>>, vector<1x16xf32>,
      %swap3A_201 = vector.shape_cast %swap3A_200 : vector<1x16xf32> to vector<16xf32>
      %swap3A_202 = vector.shape_cast %broadcast_in_dim3A_197 : vector<16xf32> to vector<1x16xf32>
      tpu.vector_store %arg10[%swap3A_198, %swap3A_199], %swap3A_202 {strides = array<i32>} : memref<128x128xf32, #tpu.memory_space<vmem>>, vector<1x16xf32>,
      %broadcast_in_dim3A_203 = arith.constant 0.000000e+00 : f32
      %broadcast_in_dim3A_204 = vector.broadcast %broadcast_in_dim3A_203 : f32 to vector<16xf32>
      %swap3A_205 = arith.index_cast %scan3A_153 : i32 to index
      %swap3A_206 = arith.constant 112 : index
      %swap3A_207 = tpu.vector_load %arg10[%swap3A_205, %swap3A_206] {strides = array<i32>} : memref<128x128xf32, #tpu.memory_space<vmem>>, vector<1x16xf32>,
      %swap3A_208 = vector.shape_cast %swap3A_207 : vector<1x16xf32> to vector<16xf32>
      %swap3A_209 = vector.shape_cast %broadcast_in_dim3A_204 : vector<16xf32> to vector<1x16xf32>
      tpu.vector_store %arg10[%swap3A_205, %swap3A_206], %swap3A_209 {strides = array<i32>} : memref<128x128xf32, #tpu.memory_space<vmem>>, vector<1x16xf32>,
    }
    %scan3A_133 = arith.constant 128 : i32
    %mul3A_134 = arith.constant 640 : i32
    %mul3A_135 = arith.muli %arg1, %mul3A_134 : i32
    %add3A_136 = arith.constant 0 : i32
    %add3A_137 = arith.addi %mul3A_135, %add3A_136 : i32
    "tpu.region"() ({
      %run_scoped3A = tpu.sem_alloc : memref<!tpu.dma_semaphore, #tpu.memory_space<semaphore_mem>>
      %dma_start3A = arith.constant 0 : i32
      %dma_start3A_153 = tpu.memref_slice %arg12[%add3A_137, %dma_start3A] : memref<10240x128xf32, #tpu.memory_space<vmem_shared>> -> memref<128x128xf32, #tpu.memory_space<vmem_shared>>
      %dma_start3A_154 = arith.constant 0 : i32
      %dma_start3A_155 = tpu.memref_slice %arg12[%add3A_137, %dma_start3A_154] : memref<10240x128xf32, #tpu.memory_space<vmem_shared>> -> memref<128x128xf32, #tpu.memory_space<vmem_shared>>
      tpu.enqueue_dma source(%arg10 : memref<128x128xf32, #tpu.memory_space<vmem>>) target(%dma_start3A_155 : memref<128x128xf32, #tpu.memory_space<vmem_shared>>) target_semaphore(%run_scoped3A : memref<!tpu.dma_semaphore, #tpu.memory_space<semaphore_mem>>)
      %dma_wait3A = arith.constant 0 : i32
      %dma_wait3A_156 = tpu.memref_slice %arg12[%add3A_137, %dma_wait3A] : memref<10240x128xf32, #tpu.memory_space<vmem_shared>> -> memref<128x128xf32, #tpu.memory_space<vmem_shared>>
      %dma_wait3A_157 = arith.constant 0 : i32
      %dma_wait3A_158 = tpu.memref_slice %arg12[%add3A_137, %dma_wait3A_157] : memref<10240x128xf32, #tpu.memory_space<vmem_shared>> -> memref<128x128xf32, #tpu.memory_space<vmem_shared>>
      tpu.wait_dma2 semaphore(%run_scoped3A : memref<!tpu.dma_semaphore, #tpu.memory_space<semaphore_mem>>) src(%arg10 : memref<128x128xf32, #tpu.memory_space<vmem>>) dst(%dma_wait3A_158 : memref<128x128xf32, #tpu.memory_space<vmem_shared>>)
      tpu.yield
    }) : () -> ()
    %add3A_138 = arith.constant 128 : i32
    %add3A_139 = arith.addi %mul3A_135, %add3A_138 : i32
    "tpu.region"() ({
      %run_scoped3A = tpu.sem_alloc : memref<!tpu.dma_semaphore, #tpu.memory_space<semaphore_mem>>
      %dma_start3A = arith.constant 0 : i32
      %dma_start3A_153 = tpu.memref_slice %arg12[%add3A_139, %dma_start3A] : memref<10240x128xf32, #tpu.memory_space<vmem_shared>> -> memref<128x128xf32, #tpu.memory_space<vmem_shared>>
      %dma_start3A_154 = arith.constant 0 : i32
      %dma_start3A_155 = tpu.memref_slice %arg12[%add3A_139, %dma_start3A_154] : memref<10240x128xf32, #tpu.memory_space<vmem_shared>> -> memref<128x128xf32, #tpu.memory_space<vmem_shared>>
      tpu.enqueue_dma source(%arg10 : memref<128x128xf32, #tpu.memory_space<vmem>>) target(%dma_start3A_155 : memref<128x128xf32, #tpu.memory_space<vmem_shared>>) target_semaphore(%run_scoped3A : memref<!tpu.dma_semaphore, #tpu.memory_space<semaphore_mem>>)
      %dma_wait3A = arith.constant 0 : i32
      %dma_wait3A_156 = tpu.memref_slice %arg12[%add3A_139, %dma_wait3A] : memref<10240x128xf32, #tpu.memory_space<vmem_shared>> -> memref<128x128xf32, #tpu.memory_space<vmem_shared>>
      %dma_wait3A_157 = arith.constant 0 : i32
      %dma_wait3A_158 = tpu.memref_slice %arg12[%add3A_139, %dma_wait3A_157] : memref<10240x128xf32, #tpu.memory_space<vmem_shared>> -> memref<128x128xf32, #tpu.memory_space<vmem_shared>>
      tpu.wait_dma2 semaphore(%run_scoped3A : memref<!tpu.dma_semaphore, #tpu.memory_space<semaphore_mem>>) src(%arg10 : memref<128x128xf32, #tpu.memory_space<vmem>>) dst(%dma_wait3A_158 : memref<128x128xf32, #tpu.memory_space<vmem_shared>>)
      tpu.yield
    }) : () -> ()
    %add3A_140 = arith.constant 256 : i32
    %add3A_141 = arith.addi %mul3A_135, %add3A_140 : i32
    "tpu.region"() ({
      %run_scoped3A = tpu.sem_alloc : memref<!tpu.dma_semaphore, #tpu.memory_space<semaphore_mem>>
      %dma_start3A = arith.constant 0 : i32
      %dma_start3A_153 = tpu.memref_slice %arg12[%add3A_141, %dma_start3A] : memref<10240x128xf32, #tpu.memory_space<vmem_shared>> -> memref<128x128xf32, #tpu.memory_space<vmem_shared>>
      %dma_start3A_154 = arith.constant 0 : i32
      %dma_start3A_155 = tpu.memref_slice %arg12[%add3A_141, %dma_start3A_154] : memref<10240x128xf32, #tpu.memory_space<vmem_shared>> -> memref<128x128xf32, #tpu.memory_space<vmem_shared>>
      tpu.enqueue_dma source(%arg10 : memref<128x128xf32, #tpu.memory_space<vmem>>) target(%dma_start3A_155 : memref<128x128xf32, #tpu.memory_space<vmem_shared>>) target_semaphore(%run_scoped3A : memref<!tpu.dma_semaphore, #tpu.memory_space<semaphore_mem>>)
      %dma_wait3A = arith.constant 0 : i32
      %dma_wait3A_156 = tpu.memref_slice %arg12[%add3A_141, %dma_wait3A] : memref<10240x128xf32, #tpu.memory_space<vmem_shared>> -> memref<128x128xf32, #tpu.memory_space<vmem_shared>>
      %dma_wait3A_157 = arith.constant 0 : i32
      %dma_wait3A_158 = tpu.memref_slice %arg12[%add3A_141, %dma_wait3A_157] : memref<10240x128xf32, #tpu.memory_space<vmem_shared>> -> memref<128x128xf32, #tpu.memory_space<vmem_shared>>
      tpu.wait_dma2 semaphore(%run_scoped3A : memref<!tpu.dma_semaphore, #tpu.memory_space<semaphore_mem>>) src(%arg10 : memref<128x128xf32, #tpu.memory_space<vmem>>) dst(%dma_wait3A_158 : memref<128x128xf32, #tpu.memory_space<vmem_shared>>)
      tpu.yield
    }) : () -> ()
    %add3A_142 = arith.constant 384 : i32
    %add3A_143 = arith.addi %mul3A_135, %add3A_142 : i32
    "tpu.region"() ({
      %run_scoped3A = tpu.sem_alloc : memref<!tpu.dma_semaphore, #tpu.memory_space<semaphore_mem>>
      %dma_start3A = arith.constant 0 : i32
      %dma_start3A_153 = tpu.memref_slice %arg12[%add3A_143, %dma_start3A] : memref<10240x128xf32, #tpu.memory_space<vmem_shared>> -> memref<128x128xf32, #tpu.memory_space<vmem_shared>>
      %dma_start3A_154 = arith.constant 0 : i32
      %dma_start3A_155 = tpu.memref_slice %arg12[%add3A_143, %dma_start3A_154] : memref<10240x128xf32, #tpu.memory_space<vmem_shared>> -> memref<128x128xf32, #tpu.memory_space<vmem_shared>>
      tpu.enqueue_dma source(%arg10 : memref<128x128xf32, #tpu.memory_space<vmem>>) target(%dma_start3A_155 : memref<128x128xf32, #tpu.memory_space<vmem_shared>>) target_semaphore(%run_scoped3A : memref<!tpu.dma_semaphore, #tpu.memory_space<semaphore_mem>>)
      %dma_wait3A = arith.constant 0 : i32
      %dma_wait3A_156 = tpu.memref_slice %arg12[%add3A_143, %dma_wait3A] : memref<10240x128xf32, #tpu.memory_space<vmem_shared>> -> memref<128x128xf32, #tpu.memory_space<vmem_shared>>
      %dma_wait3A_157 = arith.constant 0 : i32
      %dma_wait3A_158 = tpu.memref_slice %arg12[%add3A_143, %dma_wait3A_157] : memref<10240x128xf32, #tpu.memory_space<vmem_shared>> -> memref<128x128xf32, #tpu.memory_space<vmem_shared>>
      tpu.wait_dma2 semaphore(%run_scoped3A : memref<!tpu.dma_semaphore, #tpu.memory_space<semaphore_mem>>) src(%arg10 : memref<128x128xf32, #tpu.memory_space<vmem>>) dst(%dma_wait3A_158 : memref<128x128xf32, #tpu.memory_space<vmem_shared>>)
      tpu.yield
    }) : () -> ()
    %add3A_144 = arith.constant 512 : i32
    %add3A_145 = arith.addi %mul3A_135, %add3A_144 : i32
    "tpu.region"() ({
      %run_scoped3A = tpu.sem_alloc : memref<!tpu.dma_semaphore, #tpu.memory_space<semaphore_mem>>
      %dma_start3A = arith.constant 0 : i32
      %dma_start3A_153 = tpu.memref_slice %arg12[%add3A_145, %dma_start3A] : memref<10240x128xf32, #tpu.memory_space<vmem_shared>> -> memref<128x128xf32, #tpu.memory_space<vmem_shared>>
      %dma_start3A_154 = arith.constant 0 : i32
      %dma_start3A_155 = tpu.memref_slice %arg12[%add3A_145, %dma_start3A_154] : memref<10240x128xf32, #tpu.memory_space<vmem_shared>> -> memref<128x128xf32, #tpu.memory_space<vmem_shared>>
      tpu.enqueue_dma source(%arg10 : memref<128x128xf32, #tpu.memory_space<vmem>>) target(%dma_start3A_155 : memref<128x128xf32, #tpu.memory_space<vmem_shared>>) target_semaphore(%run_scoped3A : memref<!tpu.dma_semaphore, #tpu.memory_space<semaphore_mem>>)
      %dma_wait3A = arith.constant 0 : i32
      %dma_wait3A_156 = tpu.memref_slice %arg12[%add3A_145, %dma_wait3A] : memref<10240x128xf32, #tpu.memory_space<vmem_shared>> -> memref<128x128xf32, #tpu.memory_space<vmem_shared>>
      %dma_wait3A_157 = arith.constant 0 : i32
      %dma_wait3A_158 = tpu.memref_slice %arg12[%add3A_145, %dma_wait3A_157] : memref<10240x128xf32, #tpu.memory_space<vmem_shared>> -> memref<128x128xf32, #tpu.memory_space<vmem_shared>>
      tpu.wait_dma2 semaphore(%run_scoped3A : memref<!tpu.dma_semaphore, #tpu.memory_space<semaphore_mem>>) src(%arg10 : memref<128x128xf32, #tpu.memory_space<vmem>>) dst(%dma_wait3A_158 : memref<128x128xf32, #tpu.memory_space<vmem_shared>>)
      tpu.yield
    }) : () -> ()
    %barrier3A = arith.constant 0 : index
    tpu.barrier barrier_id(%barrier3A)
    %scan3A_146 = arith.constant 0 : i32
    %scan3A_147 = arith.constant 0 : i32
    %scan3A_148 = arith.constant 5 : i32
    %scan3A_149 = arith.addi %scan3A_147, %scan3A_148 : i32
    %scan3A_150 = arith.constant 1 : i32
    scf.for %scan3A_153 = %scan3A_147 to %scan3A_149 step %scan3A_150  : i32 {
      %mul3A_154 = arith.constant 16 : i32
      %mul3A_155 = arith.muli %scan3A_153, %mul3A_154 : i32
      %add3A_156 = arith.addi %mul3A_2, %mul3A_155 : i32
      "tpu.region"() ({
        %run_scoped3A = tpu.sem_alloc : memref<!tpu.dma_semaphore, #tpu.memory_space<semaphore_mem>>
        %dma_start3A = arith.constant 0 : i32
        %dma_start3A_163 = arith.constant 0 : i32
        %dma_start3A_164 = tpu.memref_slice %arg7[%dma_start3A, %dma_start3A_163] : memref<18x128xi32, #tpu.memory_space<vmem>> -> memref<16x128xi32, #tpu.memory_space<vmem>>
        %dma_start3A_165 = arith.constant 0 : i32
        %dma_start3A_166 = tpu.memref_slice %arg2[%add3A_156, %dma_start3A_165] : memref<2560x128xi32, #tpu.memory_space<hbm>> -> memref<16x128xi32, #tpu.memory_space<hbm>>
        %dma_start3A_167 = arith.constant 0 : i32
        %dma_start3A_168 = arith.constant 0 : i32
        %dma_start3A_169 = tpu.memref_slice %arg7[%dma_start3A_167, %dma_start3A_168] : memref<18x128xi32, #tpu.memory_space<vmem>> -> memref<16x128xi32, #tpu.memory_space<vmem>>
        %dma_start3A_170 = arith.constant 0 : i32
        %dma_start3A_171 = tpu.memref_slice %arg2[%add3A_156, %dma_start3A_170] : memref<2560x128xi32, #tpu.memory_space<hbm>> -> memref<16x128xi32, #tpu.memory_space<hbm>>
        tpu.enqueue_dma source(%dma_start3A_171 : memref<16x128xi32, #tpu.memory_space<hbm>>) target(%dma_start3A_169 : memref<16x128xi32, #tpu.memory_space<vmem>>) target_semaphore(%run_scoped3A : memref<!tpu.dma_semaphore, #tpu.memory_space<semaphore_mem>>)
        %dma_wait3A = arith.constant 0 : i32
        %dma_wait3A_172 = arith.constant 0 : i32
        %dma_wait3A_173 = tpu.memref_slice %arg7[%dma_wait3A, %dma_wait3A_172] : memref<18x128xi32, #tpu.memory_space<vmem>> -> memref<16x128xi32, #tpu.memory_space<vmem>>
        %dma_wait3A_174 = arith.constant 0 : i32
        %dma_wait3A_175 = tpu.memref_slice %arg2[%add3A_156, %dma_wait3A_174] : memref<2560x128xi32, #tpu.memory_space<hbm>> -> memref<16x128xi32, #tpu.memory_space<hbm>>
        %dma_wait3A_176 = arith.constant 0 : i32
        %dma_wait3A_177 = arith.constant 0 : i32
        %dma_wait3A_178 = tpu.memref_slice %arg7[%dma_wait3A_176, %dma_wait3A_177] : memref<18x128xi32, #tpu.memory_space<vmem>> -> memref<16x128xi32, #tpu.memory_space<vmem>>
        %dma_wait3A_179 = arith.constant 0 : i32
        %dma_wait3A_180 = tpu.memref_slice %arg2[%add3A_156, %dma_wait3A_179] : memref<2560x128xi32, #tpu.memory_space<hbm>> -> memref<16x128xi32, #tpu.memory_space<hbm>>
        tpu.wait_dma2 semaphore(%run_scoped3A : memref<!tpu.dma_semaphore, #tpu.memory_space<semaphore_mem>>) src(%dma_wait3A_180 : memref<16x128xi32, #tpu.memory_space<hbm>>) dst(%dma_wait3A_178 : memref<16x128xi32, #tpu.memory_space<vmem>>)
        tpu.yield
      }) : () -> ()
      "tpu.region"() ({
        %run_scoped3A = tpu.sem_alloc : memref<!tpu.dma_semaphore, #tpu.memory_space<semaphore_mem>>
        %dma_start3A = arith.constant 0 : i32
        %dma_start3A_163 = tpu.memref_slice %arg3[%add3A_156, %dma_start3A] : memref<2560x128xi32, #tpu.memory_space<hbm>> -> memref<16x128xi32, #tpu.memory_space<hbm>>
        %dma_start3A_164 = arith.constant 0 : i32
        %dma_start3A_165 = tpu.memref_slice %arg3[%add3A_156, %dma_start3A_164] : memref<2560x128xi32, #tpu.memory_space<hbm>> -> memref<16x128xi32, #tpu.memory_space<hbm>>
        tpu.enqueue_dma source(%dma_start3A_165 : memref<16x128xi32, #tpu.memory_space<hbm>>) target(%arg8 : memref<16x128xi32, #tpu.memory_space<vmem>>) target_semaphore(%run_scoped3A : memref<!tpu.dma_semaphore, #tpu.memory_space<semaphore_mem>>)
        %dma_wait3A = arith.constant 0 : i32
        %dma_wait3A_166 = tpu.memref_slice %arg3[%add3A_156, %dma_wait3A] : memref<2560x128xi32, #tpu.memory_space<hbm>> -> memref<16x128xi32, #tpu.memory_space<hbm>>
        %dma_wait3A_167 = arith.constant 0 : i32
        %dma_wait3A_168 = tpu.memref_slice %arg3[%add3A_156, %dma_wait3A_167] : memref<2560x128xi32, #tpu.memory_space<hbm>> -> memref<16x128xi32, #tpu.memory_space<hbm>>
        tpu.wait_dma2 semaphore(%run_scoped3A : memref<!tpu.dma_semaphore, #tpu.memory_space<semaphore_mem>>) src(%dma_wait3A_168 : memref<16x128xi32, #tpu.memory_space<hbm>>) dst(%arg8 : memref<16x128xi32, #tpu.memory_space<vmem>>)
        tpu.yield
      }) : () -> ()
      "tpu.region"() ({
        %run_scoped3A = tpu.sem_alloc : memref<!tpu.dma_semaphore, #tpu.memory_space<semaphore_mem>>
        %dma_start3A = arith.constant 0 : i32
        %dma_start3A_163 = tpu.memref_slice %arg4[%add3A_156, %dma_start3A] : memref<2560x128xf32, #tpu.memory_space<hbm>> -> memref<16x128xf32, #tpu.memory_space<hbm>>
        %dma_start3A_164 = arith.constant 0 : i32
        %dma_start3A_165 = tpu.memref_slice %arg4[%add3A_156, %dma_start3A_164] : memref<2560x128xf32, #tpu.memory_space<hbm>> -> memref<16x128xf32, #tpu.memory_space<hbm>>
        tpu.enqueue_dma source(%dma_start3A_165 : memref<16x128xf32, #tpu.memory_space<hbm>>) target(%arg9 : memref<16x128xf32, #tpu.memory_space<vmem>>) target_semaphore(%run_scoped3A : memref<!tpu.dma_semaphore, #tpu.memory_space<semaphore_mem>>)
        %dma_wait3A = arith.constant 0 : i32
        %dma_wait3A_166 = tpu.memref_slice %arg4[%add3A_156, %dma_wait3A] : memref<2560x128xf32, #tpu.memory_space<hbm>> -> memref<16x128xf32, #tpu.memory_space<hbm>>
        %dma_wait3A_167 = arith.constant 0 : i32
        %dma_wait3A_168 = tpu.memref_slice %arg4[%add3A_156, %dma_wait3A_167] : memref<2560x128xf32, #tpu.memory_space<hbm>> -> memref<16x128xf32, #tpu.memory_space<hbm>>
        tpu.wait_dma2 semaphore(%run_scoped3A : memref<!tpu.dma_semaphore, #tpu.memory_space<semaphore_mem>>) src(%dma_wait3A_168 : memref<16x128xf32, #tpu.memory_space<hbm>>) dst(%arg9 : memref<16x128xf32, #tpu.memory_space<vmem>>)
        tpu.yield
      }) : () -> ()
      %scan3A_157 = arith.constant 0 : i32
      %scan3A_158 = arith.constant 0 : i32
      %scan3A_159 = arith.constant 8 : i32
      %scan3A_160 = arith.addi %scan3A_158, %scan3A_159 : i32
      %scan3A_161 = arith.constant 1 : i32
      scf.for %scan3A_163 = %scan3A_158 to %scan3A_160 step %scan3A_161  : i32 {
        %mul3A_164 = arith.constant 2 : i32
        %mul3A_165 = arith.muli %mul3A_164, %scan3A_163 : i32
        %add3A_166 = arith.constant 1 : i32
        %add3A_167 = arith.addi %mul3A_165, %add3A_166 : i32
        %dma_start3A = arith.constant 0 : i32
        %dma_start3A_168 = tpu.memref_slice %arg7[%mul3A_165, %dma_start3A] : memref<18x128xi32, #tpu.memory_space<vmem>> -> memref<1x128xi32, #tpu.memory_space<vmem>>
        %dma_start3A_169 = tpu.memref_squeeze %dma_start3A_168 : memref<1x128xi32, #tpu.memory_space<vmem>> -> memref<128xi32, #tpu.memory_space<vmem>>
        %dma_start3A_170 = arith.constant 0 : i32
        %dma_start3A_171 = arith.constant 0 : i32
        %dma_start3A_172 = tpu.memref_slice %arg5[%dma_start3A_170, %dma_start3A_171] : memref<10000x128xf32, #tpu.memory_space<hbm>> -> memref<10000x128xf32, #tpu.memory_space<hbm>>
        tpu.enqueue_indirect_dma source(%dma_start3A_172 : memref<10000x128xf32, #tpu.memory_space<hbm>>) target(%arg10 : memref<128x128xf32, #tpu.memory_space<vmem>>) offsets(%dma_start3A_169 : memref<128xi32, #tpu.memory_space<vmem>>) semaphore(%arg13 : memref<!tpu.dma_semaphore, #tpu.memory_space<semaphore_mem>>)
        %dma_start3A_173 = arith.constant 0 : i32
        %dma_start3A_174 = tpu.memref_slice %arg7[%add3A_167, %dma_start3A_173] : memref<18x128xi32, #tpu.memory_space<vmem>> -> memref<1x128xi32, #tpu.memory_space<vmem>>
        %dma_start3A_175 = tpu.memref_squeeze %dma_start3A_174 : memref<1x128xi32, #tpu.memory_space<vmem>> -> memref<128xi32, #tpu.memory_space<vmem>>
        %dma_start3A_176 = arith.constant 0 : i32
        %dma_start3A_177 = arith.constant 0 : i32
        %dma_start3A_178 = tpu.memref_slice %arg5[%dma_start3A_176, %dma_start3A_177] : memref<10000x128xf32, #tpu.memory_space<hbm>> -> memref<10000x128xf32, #tpu.memory_space<hbm>>
        tpu.enqueue_indirect_dma source(%dma_start3A_178 : memref<10000x128xf32, #tpu.memory_space<hbm>>) target(%arg11 : memref<128x128xf32, #tpu.memory_space<vmem>>) offsets(%dma_start3A_175 : memref<128xi32, #tpu.memory_space<vmem>>) semaphore(%arg14 : memref<!tpu.dma_semaphore, #tpu.memory_space<semaphore_mem>>)
        %dma_wait3A = arith.constant 0 : i32
        %dma_wait3A_179 = tpu.memref_slice %arg7[%mul3A_165, %dma_wait3A] : memref<18x128xi32, #tpu.memory_space<vmem>> -> memref<1x128xi32, #tpu.memory_space<vmem>>
        %dma_wait3A_180 = tpu.memref_squeeze %dma_wait3A_179 : memref<1x128xi32, #tpu.memory_space<vmem>> -> memref<128xi32, #tpu.memory_space<vmem>>
        %dma_wait3A_181 = arith.constant 0 : i32
        %dma_wait3A_182 = arith.constant 0 : i32
        %dma_wait3A_183 = tpu.memref_slice %arg5[%dma_wait3A_181, %dma_wait3A_182] : memref<10000x128xf32, #tpu.memory_space<hbm>> -> memref<10000x128xf32, #tpu.memory_space<hbm>>
        tpu.wait_indirect_dma semaphore(%arg13 : memref<!tpu.dma_semaphore, #tpu.memory_space<semaphore_mem>>) src(%dma_wait3A_183 : memref<10000x128xf32, #tpu.memory_space<hbm>>) dst(%arg10 : memref<128x128xf32, #tpu.memory_space<vmem>>)
        %parallel_loop3A = arith.constant 0 : i32
        %parallel_loop3A_184 = arith.constant 8 : i32
        %parallel_loop3A_185 = arith.constant 1 : i32
        scf.for %parallel_loop3A_195 = %parallel_loop3A to %parallel_loop3A_184 step %parallel_loop3A_185  : i32 {
          %parallel_loop3A_196 = arith.constant 16 : i32
          %parallel_loop3A_197 = arith.muli %parallel_loop3A_195, %parallel_loop3A_196 : i32
          %parallel_loop3A_198 = arith.index_cast %mul3A_165 : i32 to index
          %parallel_loop3A_199 = arith.index_cast %parallel_loop3A_197 : i32 to index
          %parallel_loop3A_200 = tpu.vector_load %arg9[%parallel_loop3A_198, %parallel_loop3A_199] {strides = array<i32>} : memref<16x128xf32, #tpu.memory_space<vmem>>, vector<1x16xf32>,
          %parallel_loop3A_201 = vector.shape_cast %parallel_loop3A_200 : vector<1x16xf32> to vector<16xf32>
          %parallel_loop3A_202 = vector.extract_strided_slice %parallel_loop3A_201 {offsets = [0], sizes = [1], strides = [1]} : vector<16xf32> to vector<1xf32>
          %parallel_loop3A_203 = vector.extract %parallel_loop3A_202[0] : f32 from vector<1xf32>
          %parallel_loop3A_204 = arith.constant 16 : i32
          %parallel_loop3A_205 = arith.muli %parallel_loop3A_195, %parallel_loop3A_204 : i32
          %parallel_loop3A_206 = arith.constant 0 : i32
          %parallel_loop3A_207 = arith.addi %parallel_loop3A_205, %parallel_loop3A_206 : i32
          %parallel_loop3A_208 = arith.index_cast %parallel_loop3A_207 : i32 to index
          %parallel_loop3A_209 = arith.constant 0 : index
          %parallel_loop3A_210 = tpu.vector_load %arg10[%parallel_loop3A_208, %parallel_loop3A_209] {strides = array<i32>} : memref<128x128xf32, #tpu.memory_space<vmem>>, vector<1x16xf32>,
          %parallel_loop3A_211 = vector.shape_cast %parallel_loop3A_210 : vector<1x16xf32> to vector<16xf32>
          %parallel_loop3A_212 = vector.broadcast %parallel_loop3A_203 : f32 to vector<16xf32>
          %parallel_loop3A_213 = arith.mulf %parallel_loop3A_211, %parallel_loop3A_212 : vector<16xf32>
          %parallel_loop3A_214 = arith.index_cast %parallel_loop3A_207 : i32 to index
          %parallel_loop3A_215 = arith.constant 0 : index
          %parallel_loop3A_216 = tpu.vector_load %arg10[%parallel_loop3A_214, %parallel_loop3A_215] {strides = array<i32>} : memref<128x128xf32, #tpu.memory_space<vmem>>, vector<1x16xf32>,
          %parallel_loop3A_217 = vector.shape_cast %parallel_loop3A_216 : vector<1x16xf32> to vector<16xf32>
          %parallel_loop3A_218 = vector.shape_cast %parallel_loop3A_213 : vector<16xf32> to vector<1x16xf32>
          tpu.vector_store %arg10[%parallel_loop3A_214, %parallel_loop3A_215], %parallel_loop3A_218 {strides = array<i32>} : memref<128x128xf32, #tpu.memory_space<vmem>>, vector<1x16xf32>,
          %parallel_loop3A_219 = arith.index_cast %parallel_loop3A_207 : i32 to index
          %parallel_loop3A_220 = arith.constant 16 : index
          %parallel_loop3A_221 = tpu.vector_load %arg10[%parallel_loop3A_219, %parallel_loop3A_220] {strides = array<i32>} : memref<128x128xf32, #tpu.memory_space<vmem>>, vector<1x16xf32>,
          %parallel_loop3A_222 = vector.shape_cast %parallel_loop3A_221 : vector<1x16xf32> to vector<16xf32>
          %parallel_loop3A_223 = vector.broadcast %parallel_loop3A_203 : f32 to vector<16xf32>
          %parallel_loop3A_224 = arith.mulf %parallel_loop3A_222, %parallel_loop3A_223 : vector<16xf32>
          %parallel_loop3A_225 = arith.index_cast %parallel_loop3A_207 : i32 to index
          %parallel_loop3A_226 = arith.constant 16 : index
          %parallel_loop3A_227 = tpu.vector_load %arg10[%parallel_loop3A_225, %parallel_loop3A_226] {strides = array<i32>} : memref<128x128xf32, #tpu.memory_space<vmem>>, vector<1x16xf32>,
          %parallel_loop3A_228 = vector.shape_cast %parallel_loop3A_227 : vector<1x16xf32> to vector<16xf32>
          %parallel_loop3A_229 = vector.shape_cast %parallel_loop3A_224 : vector<16xf32> to vector<1x16xf32>
          tpu.vector_store %arg10[%parallel_loop3A_225, %parallel_loop3A_226], %parallel_loop3A_229 {strides = array<i32>} : memref<128x128xf32, #tpu.memory_space<vmem>>, vector<1x16xf32>,
          %parallel_loop3A_230 = arith.index_cast %parallel_loop3A_207 : i32 to index
          %parallel_loop3A_231 = arith.constant 32 : index
          %parallel_loop3A_232 = tpu.vector_load %arg10[%parallel_loop3A_230, %parallel_loop3A_231] {strides = array<i32>} : memref<128x128xf32, #tpu.memory_space<vmem>>, vector<1x16xf32>,
          %parallel_loop3A_233 = vector.shape_cast %parallel_loop3A_232 : vector<1x16xf32> to vector<16xf32>
          %parallel_loop3A_234 = vector.broadcast %parallel_loop3A_203 : f32 to vector<16xf32>
          %parallel_loop3A_235 = arith.mulf %parallel_loop3A_233, %parallel_loop3A_234 : vector<16xf32>
          %parallel_loop3A_236 = arith.index_cast %parallel_loop3A_207 : i32 to index
          %parallel_loop3A_237 = arith.constant 32 : index
          %parallel_loop3A_238 = tpu.vector_load %arg10[%parallel_loop3A_236, %parallel_loop3A_237] {strides = array<i32>} : memref<128x128xf32, #tpu.memory_space<vmem>>, vector<1x16xf32>,
          %parallel_loop3A_239 = vector.shape_cast %parallel_loop3A_238 : vector<1x16xf32> to vector<16xf32>
          %parallel_loop3A_240 = vector.shape_cast %parallel_loop3A_235 : vector<16xf32> to vector<1x16xf32>
          tpu.vector_store %arg10[%parallel_loop3A_236, %parallel_loop3A_237], %parallel_loop3A_240 {strides = array<i32>} : memref<128x128xf32, #tpu.memory_space<vmem>>, vector<1x16xf32>,
          %parallel_loop3A_241 = arith.index_cast %parallel_loop3A_207 : i32 to index
          %parallel_loop3A_242 = arith.constant 48 : index
          %parallel_loop3A_243 = tpu.vector_load %arg10[%parallel_loop3A_241, %parallel_loop3A_242] {strides = array<i32>} : memref<128x128xf32, #tpu.memory_space<vmem>>, vector<1x16xf32>,
          %parallel_loop3A_244 = vector.shape_cast %parallel_loop3A_243 : vector<1x16xf32> to vector<16xf32>
          %parallel_loop3A_245 = vector.broadcast %parallel_loop3A_203 : f32 to vector<16xf32>
          %parallel_loop3A_246 = arith.mulf %parallel_loop3A_244, %parallel_loop3A_245 : vector<16xf32>
          %parallel_loop3A_247 = arith.index_cast %parallel_loop3A_207 : i32 to index
          %parallel_loop3A_248 = arith.constant 48 : index
          %parallel_loop3A_249 = tpu.vector_load %arg10[%parallel_loop3A_247, %parallel_loop3A_248] {strides = array<i32>} : memref<128x128xf32, #tpu.memory_space<vmem>>, vector<1x16xf32>,
          %parallel_loop3A_250 = vector.shape_cast %parallel_loop3A_249 : vector<1x16xf32> to vector<16xf32>
          %parallel_loop3A_251 = vector.shape_cast %parallel_loop3A_246 : vector<16xf32> to vector<1x16xf32>
          tpu.vector_store %arg10[%parallel_loop3A_247, %parallel_loop3A_248], %parallel_loop3A_251 {strides = array<i32>} : memref<128x128xf32, #tpu.memory_space<vmem>>, vector<1x16xf32>,
          %parallel_loop3A_252 = arith.index_cast %parallel_loop3A_207 : i32 to index
          %parallel_loop3A_253 = arith.constant 64 : index
          %parallel_loop3A_254 = tpu.vector_load %arg10[%parallel_loop3A_252, %parallel_loop3A_253] {strides = array<i32>} : memref<128x128xf32, #tpu.memory_space<vmem>>, vector<1x16xf32>,
          %parallel_loop3A_255 = vector.shape_cast %parallel_loop3A_254 : vector<1x16xf32> to vector<16xf32>
          %parallel_loop3A_256 = vector.broadcast %parallel_loop3A_203 : f32 to vector<16xf32>
          %parallel_loop3A_257 = arith.mulf %parallel_loop3A_255, %parallel_loop3A_256 : vector<16xf32>
          %parallel_loop3A_258 = arith.index_cast %parallel_loop3A_207 : i32 to index
          %parallel_loop3A_259 = arith.constant 64 : index
          %parallel_loop3A_260 = tpu.vector_load %arg10[%parallel_loop3A_258, %parallel_loop3A_259] {strides = array<i32>} : memref<128x128xf32, #tpu.memory_space<vmem>>, vector<1x16xf32>,
          %parallel_loop3A_261 = vector.shape_cast %parallel_loop3A_260 : vector<1x16xf32> to vector<16xf32>
          %parallel_loop3A_262 = vector.shape_cast %parallel_loop3A_257 : vector<16xf32> to vector<1x16xf32>
          tpu.vector_store %arg10[%parallel_loop3A_258, %parallel_loop3A_259], %parallel_loop3A_262 {strides = array<i32>} : memref<128x128xf32, #tpu.memory_space<vmem>>, vector<1x16xf32>,
          %parallel_loop3A_263 = arith.index_cast %parallel_loop3A_207 : i32 to index
          %parallel_loop3A_264 = arith.constant 80 : index
          %parallel_loop3A_265 = tpu.vector_load %arg10[%parallel_loop3A_263, %parallel_loop3A_264] {strides = array<i32>} : memref<128x128xf32, #tpu.memory_space<vmem>>, vector<1x16xf32>,
          %parallel_loop3A_266 = vector.shape_cast %parallel_loop3A_265 : vector<1x16xf32> to vector<16xf32>
          %parallel_loop3A_267 = vector.broadcast %parallel_loop3A_203 : f32 to vector<16xf32>
          %parallel_loop3A_268 = arith.mulf %parallel_loop3A_266, %parallel_loop3A_267 : vector<16xf32>
          %parallel_loop3A_269 = arith.index_cast %parallel_loop3A_207 : i32 to index
          %parallel_loop3A_270 = arith.constant 80 : index
          %parallel_loop3A_271 = tpu.vector_load %arg10[%parallel_loop3A_269, %parallel_loop3A_270] {strides = array<i32>} : memref<128x128xf32, #tpu.memory_space<vmem>>, vector<1x16xf32>,
          %parallel_loop3A_272 = vector.shape_cast %parallel_loop3A_271 : vector<1x16xf32> to vector<16xf32>
          %parallel_loop3A_273 = vector.shape_cast %parallel_loop3A_268 : vector<16xf32> to vector<1x16xf32>
          tpu.vector_store %arg10[%parallel_loop3A_269, %parallel_loop3A_270], %parallel_loop3A_273 {strides = array<i32>} : memref<128x128xf32, #tpu.memory_space<vmem>>, vector<1x16xf32>,
          %parallel_loop3A_274 = arith.index_cast %parallel_loop3A_207 : i32 to index
          %parallel_loop3A_275 = arith.constant 96 : index
          %parallel_loop3A_276 = tpu.vector_load %arg10[%parallel_loop3A_274, %parallel_loop3A_275] {strides = array<i32>} : memref<128x128xf32, #tpu.memory_space<vmem>>, vector<1x16xf32>,
          %parallel_loop3A_277 = vector.shape_cast %parallel_loop3A_276 : vector<1x16xf32> to vector<16xf32>
          %parallel_loop3A_278 = vector.broadcast %parallel_loop3A_203 : f32 to vector<16xf32>
          %parallel_loop3A_279 = arith.mulf %parallel_loop3A_277, %parallel_loop3A_278 : vector<16xf32>
          %parallel_loop3A_280 = arith.index_cast %parallel_loop3A_207 : i32 to index
          %parallel_loop3A_281 = arith.constant 96 : index
          %parallel_loop3A_282 = tpu.vector_load %arg10[%parallel_loop3A_280, %parallel_loop3A_281] {strides = array<i32>} : memref<128x128xf32, #tpu.memory_space<vmem>>, vector<1x16xf32>,
          %parallel_loop3A_283 = vector.shape_cast %parallel_loop3A_282 : vector<1x16xf32> to vector<16xf32>
          %parallel_loop3A_284 = vector.shape_cast %parallel_loop3A_279 : vector<16xf32> to vector<1x16xf32>
          tpu.vector_store %arg10[%parallel_loop3A_280, %parallel_loop3A_281], %parallel_loop3A_284 {strides = array<i32>} : memref<128x128xf32, #tpu.memory_space<vmem>>, vector<1x16xf32>,
          %parallel_loop3A_285 = arith.index_cast %parallel_loop3A_207 : i32 to index
          %parallel_loop3A_286 = arith.constant 112 : index
          %parallel_loop3A_287 = tpu.vector_load %arg10[%parallel_loop3A_285, %parallel_loop3A_286] {strides = array<i32>} : memref<128x128xf32, #tpu.memory_space<vmem>>, vector<1x16xf32>,
          %parallel_loop3A_288 = vector.shape_cast %parallel_loop3A_287 : vector<1x16xf32> to vector<16xf32>
          %parallel_loop3A_289 = vector.broadcast %parallel_loop3A_203 : f32 to vector<16xf32>
          %parallel_loop3A_290 = arith.mulf %parallel_loop3A_288, %parallel_loop3A_289 : vector<16xf32>
          %parallel_loop3A_291 = arith.index_cast %parallel_loop3A_207 : i32 to index
          %parallel_loop3A_292 = arith.constant 112 : index
          %parallel_loop3A_293 = tpu.vector_load %arg10[%parallel_loop3A_291, %parallel_loop3A_292] {strides = array<i32>} : memref<128x128xf32, #tpu.memory_space<vmem>>, vector<1x16xf32>,
          %parallel_loop3A_294 = vector.shape_cast %parallel_loop3A_293 : vector<1x16xf32> to vector<16xf32>
          %parallel_loop3A_295 = vector.shape_cast %parallel_loop3A_290 : vector<16xf32> to vector<1x16xf32>
          tpu.vector_store %arg10[%parallel_loop3A_291, %parallel_loop3A_292], %parallel_loop3A_295 {strides = array<i32>} : memref<128x128xf32, #tpu.memory_space<vmem>>, vector<1x16xf32>,
          %parallel_loop3A_296 = vector.extract_strided_slice %parallel_loop3A_201 {offsets = [1], sizes = [1], strides = [1]} : vector<16xf32> to vector<1xf32>
          %parallel_loop3A_297 = vector.extract %parallel_loop3A_296[0] : f32 from vector<1xf32>
          %parallel_loop3A_298 = arith.constant 16 : i32
          %parallel_loop3A_299 = arith.muli %parallel_loop3A_195, %parallel_loop3A_298 : i32
          %parallel_loop3A_300 = arith.constant 1 : i32
          %parallel_loop3A_301 = arith.addi %parallel_loop3A_299, %parallel_loop3A_300 : i32
          %parallel_loop3A_302 = arith.index_cast %parallel_loop3A_301 : i32 to index
          %parallel_loop3A_303 = arith.constant 0 : index
          %parallel_loop3A_304 = tpu.vector_load %arg10[%parallel_loop3A_302, %parallel_loop3A_303] {strides = array<i32>} : memref<128x128xf32, #tpu.memory_space<vmem>>, vector<1x16xf32>,
          %parallel_loop3A_305 = vector.shape_cast %parallel_loop3A_304 : vector<1x16xf32> to vector<16xf32>
          %parallel_loop3A_306 = vector.broadcast %parallel_loop3A_297 : f32 to vector<16xf32>
          %parallel_loop3A_307 = arith.mulf %parallel_loop3A_305, %parallel_loop3A_306 : vector<16xf32>
          %parallel_loop3A_308 = arith.index_cast %parallel_loop3A_301 : i32 to index
          %parallel_loop3A_309 = arith.constant 0 : index
          %parallel_loop3A_310 = tpu.vector_load %arg10[%parallel_loop3A_308, %parallel_loop3A_309] {strides = array<i32>} : memref<128x128xf32, #tpu.memory_space<vmem>>, vector<1x16xf32>,
          %parallel_loop3A_311 = vector.shape_cast %parallel_loop3A_310 : vector<1x16xf32> to vector<16xf32>
          %parallel_loop3A_312 = vector.shape_cast %parallel_loop3A_307 : vector<16xf32> to vector<1x16xf32>
          tpu.vector_store %arg10[%parallel_loop3A_308, %parallel_loop3A_309], %parallel_loop3A_312 {strides = array<i32>} : memref<128x128xf32, #tpu.memory_space<vmem>>, vector<1x16xf32>,
          %parallel_loop3A_313 = arith.index_cast %parallel_loop3A_301 : i32 to index
          %parallel_loop3A_314 = arith.constant 16 : index
          %parallel_loop3A_315 = tpu.vector_load %arg10[%parallel_loop3A_313, %parallel_loop3A_314] {strides = array<i32>} : memref<128x128xf32, #tpu.memory_space<vmem>>, vector<1x16xf32>,
          %parallel_loop3A_316 = vector.shape_cast %parallel_loop3A_315 : vector<1x16xf32> to vector<16xf32>
          %parallel_loop3A_317 = vector.broadcast %parallel_loop3A_297 : f32 to vector<16xf32>
          %parallel_loop3A_318 = arith.mulf %parallel_loop3A_316, %parallel_loop3A_317 : vector<16xf32>
          %parallel_loop3A_319 = arith.index_cast %parallel_loop3A_301 : i32 to index
          %parallel_loop3A_320 = arith.constant 16 : index
          %parallel_loop3A_321 = tpu.vector_load %arg10[%parallel_loop3A_319, %parallel_loop3A_320] {strides = array<i32>} : memref<128x128xf32, #tpu.memory_space<vmem>>, vector<1x16xf32>,
          %parallel_loop3A_322 = vector.shape_cast %parallel_loop3A_321 : vector<1x16xf32> to vector<16xf32>
          %parallel_loop3A_323 = vector.shape_cast %parallel_loop3A_318 : vector<16xf32> to vector<1x16xf32>
          tpu.vector_store %arg10[%parallel_loop3A_319, %parallel_loop3A_320], %parallel_loop3A_323 {strides = array<i32>} : memref<128x128xf32, #tpu.memory_space<vmem>>, vector<1x16xf32>,
          %parallel_loop3A_324 = arith.index_cast %parallel_loop3A_301 : i32 to index
          %parallel_loop3A_325 = arith.constant 32 : index
          %parallel_loop3A_326 = tpu.vector_load %arg10[%parallel_loop3A_324, %parallel_loop3A_325] {strides = array<i32>} : memref<128x128xf32, #tpu.memory_space<vmem>>, vector<1x16xf32>,
          %parallel_loop3A_327 = vector.shape_cast %parallel_loop3A_326 : vector<1x16xf32> to vector<16xf32>
          %parallel_loop3A_328 = vector.broadcast %parallel_loop3A_297 : f32 to vector<16xf32>
          %parallel_loop3A_329 = arith.mulf %parallel_loop3A_327, %parallel_loop3A_328 : vector<16xf32>
          %parallel_loop3A_330 = arith.index_cast %parallel_loop3A_301 : i32 to index
          %parallel_loop3A_331 = arith.constant 32 : index
          %parallel_loop3A_332 = tpu.vector_load %arg10[%parallel_loop3A_330, %parallel_loop3A_331] {strides = array<i32>} : memref<128x128xf32, #tpu.memory_space<vmem>>, vector<1x16xf32>,
          %parallel_loop3A_333 = vector.shape_cast %parallel_loop3A_332 : vector<1x16xf32> to vector<16xf32>
          %parallel_loop3A_334 = vector.shape_cast %parallel_loop3A_329 : vector<16xf32> to vector<1x16xf32>
          tpu.vector_store %arg10[%parallel_loop3A_330, %parallel_loop3A_331], %parallel_loop3A_334 {strides = array<i32>} : memref<128x128xf32, #tpu.memory_space<vmem>>, vector<1x16xf32>,
          %parallel_loop3A_335 = arith.index_cast %parallel_loop3A_301 : i32 to index
          %parallel_loop3A_336 = arith.constant 48 : index
          %parallel_loop3A_337 = tpu.vector_load %arg10[%parallel_loop3A_335, %parallel_loop3A_336] {strides = array<i32>} : memref<128x128xf32, #tpu.memory_space<vmem>>, vector<1x16xf32>,
          %parallel_loop3A_338 = vector.shape_cast %parallel_loop3A_337 : vector<1x16xf32> to vector<16xf32>
          %parallel_loop3A_339 = vector.broadcast %parallel_loop3A_297 : f32 to vector<16xf32>
          %parallel_loop3A_340 = arith.mulf %parallel_loop3A_338, %parallel_loop3A_339 : vector<16xf32>
          %parallel_loop3A_341 = arith.index_cast %parallel_loop3A_301 : i32 to index
          %parallel_loop3A_342 = arith.constant 48 : index
          %parallel_loop3A_343 = tpu.vector_load %arg10[%parallel_loop3A_341, %parallel_loop3A_342] {strides = array<i32>} : memref<128x128xf32, #tpu.memory_space<vmem>>, vector<1x16xf32>,
          %parallel_loop3A_344 = vector.shape_cast %parallel_loop3A_343 : vector<1x16xf32> to vector<16xf32>
          %parallel_loop3A_345 = vector.shape_cast %parallel_loop3A_340 : vector<16xf32> to vector<1x16xf32>
          tpu.vector_store %arg10[%parallel_loop3A_341, %parallel_loop3A_342], %parallel_loop3A_345 {strides = array<i32>} : memref<128x128xf32, #tpu.memory_space<vmem>>, vector<1x16xf32>,
          %parallel_loop3A_346 = arith.index_cast %parallel_loop3A_301 : i32 to index
          %parallel_loop3A_347 = arith.constant 64 : index
          %parallel_loop3A_348 = tpu.vector_load %arg10[%parallel_loop3A_346, %parallel_loop3A_347] {strides = array<i32>} : memref<128x128xf32, #tpu.memory_space<vmem>>, vector<1x16xf32>,
          %parallel_loop3A_349 = vector.shape_cast %parallel_loop3A_348 : vector<1x16xf32> to vector<16xf32>
          %parallel_loop3A_350 = vector.broadcast %parallel_loop3A_297 : f32 to vector<16xf32>
          %parallel_loop3A_351 = arith.mulf %parallel_loop3A_349, %parallel_loop3A_350 : vector<16xf32>
          %parallel_loop3A_352 = arith.index_cast %parallel_loop3A_301 : i32 to index
          %parallel_loop3A_353 = arith.constant 64 : index
          %parallel_loop3A_354 = tpu.vector_load %arg10[%parallel_loop3A_352, %parallel_loop3A_353] {strides = array<i32>} : memref<128x128xf32, #tpu.memory_space<vmem>>, vector<1x16xf32>,
          %parallel_loop3A_355 = vector.shape_cast %parallel_loop3A_354 : vector<1x16xf32> to vector<16xf32>
          %parallel_loop3A_356 = vector.shape_cast %parallel_loop3A_351 : vector<16xf32> to vector<1x16xf32>
          tpu.vector_store %arg10[%parallel_loop3A_352, %parallel_loop3A_353], %parallel_loop3A_356 {strides = array<i32>} : memref<128x128xf32, #tpu.memory_space<vmem>>, vector<1x16xf32>,
          %parallel_loop3A_357 = arith.index_cast %parallel_loop3A_301 : i32 to index
          %parallel_loop3A_358 = arith.constant 80 : index
          %parallel_loop3A_359 = tpu.vector_load %arg10[%parallel_loop3A_357, %parallel_loop3A_358] {strides = array<i32>} : memref<128x128xf32, #tpu.memory_space<vmem>>, vector<1x16xf32>,
          %parallel_loop3A_360 = vector.shape_cast %parallel_loop3A_359 : vector<1x16xf32> to vector<16xf32>
          %parallel_loop3A_361 = vector.broadcast %parallel_loop3A_297 : f32 to vector<16xf32>
          %parallel_loop3A_362 = arith.mulf %parallel_loop3A_360, %parallel_loop3A_361 : vector<16xf32>
          %parallel_loop3A_363 = arith.index_cast %parallel_loop3A_301 : i32 to index
          %parallel_loop3A_364 = arith.constant 80 : index
          %parallel_loop3A_365 = tpu.vector_load %arg10[%parallel_loop3A_363, %parallel_loop3A_364] {strides = array<i32>} : memref<128x128xf32, #tpu.memory_space<vmem>>, vector<1x16xf32>,
          %parallel_loop3A_366 = vector.shape_cast %parallel_loop3A_365 : vector<1x16xf32> to vector<16xf32>
          %parallel_loop3A_367 = vector.shape_cast %parallel_loop3A_362 : vector<16xf32> to vector<1x16xf32>
          tpu.vector_store %arg10[%parallel_loop3A_363, %parallel_loop3A_364], %parallel_loop3A_367 {strides = array<i32>} : memref<128x128xf32, #tpu.memory_space<vmem>>, vector<1x16xf32>,
          %parallel_loop3A_368 = arith.index_cast %parallel_loop3A_301 : i32 to index
          %parallel_loop3A_369 = arith.constant 96 : index
          %parallel_loop3A_370 = tpu.vector_load %arg10[%parallel_loop3A_368, %parallel_loop3A_369] {strides = array<i32>} : memref<128x128xf32, #tpu.memory_space<vmem>>, vector<1x16xf32>,
          %parallel_loop3A_371 = vector.shape_cast %parallel_loop3A_370 : vector<1x16xf32> to vector<16xf32>
          %parallel_loop3A_372 = vector.broadcast %parallel_loop3A_297 : f32 to vector<16xf32>
          %parallel_loop3A_373 = arith.mulf %parallel_loop3A_371, %parallel_loop3A_372 : vector<16xf32>
          %parallel_loop3A_374 = arith.index_cast %parallel_loop3A_301 : i32 to index
          %parallel_loop3A_375 = arith.constant 96 : index
          %parallel_loop3A_376 = tpu.vector_load %arg10[%parallel_loop3A_374, %parallel_loop3A_375] {strides = array<i32>} : memref<128x128xf32, #tpu.memory_space<vmem>>, vector<1x16xf32>,
          %parallel_loop3A_377 = vector.shape_cast %parallel_loop3A_376 : vector<1x16xf32> to vector<16xf32>
          %parallel_loop3A_378 = vector.shape_cast %parallel_loop3A_373 : vector<16xf32> to vector<1x16xf32>
          tpu.vector_store %arg10[%parallel_loop3A_374, %parallel_loop3A_375], %parallel_loop3A_378 {strides = array<i32>} : memref<128x128xf32, #tpu.memory_space<vmem>>, vector<1x16xf32>,
          %parallel_loop3A_379 = arith.index_cast %parallel_loop3A_301 : i32 to index
          %parallel_loop3A_380 = arith.constant 112 : index
          %parallel_loop3A_381 = tpu.vector_load %arg10[%parallel_loop3A_379, %parallel_loop3A_380] {strides = array<i32>} : memref<128x128xf32, #tpu.memory_space<vmem>>, vector<1x16xf32>,
          %parallel_loop3A_382 = vector.shape_cast %parallel_loop3A_381 : vector<1x16xf32> to vector<16xf32>
          %parallel_loop3A_383 = vector.broadcast %parallel_loop3A_297 : f32 to vector<16xf32>
          %parallel_loop3A_384 = arith.mulf %parallel_loop3A_382, %parallel_loop3A_383 : vector<16xf32>
          %parallel_loop3A_385 = arith.index_cast %parallel_loop3A_301 : i32 to index
          %parallel_loop3A_386 = arith.constant 112 : index
          %parallel_loop3A_387 = tpu.vector_load %arg10[%parallel_loop3A_385, %parallel_loop3A_386] {strides = array<i32>} : memref<128x128xf32, #tpu.memory_space<vmem>>, vector<1x16xf32>,
          %parallel_loop3A_388 = vector.shape_cast %parallel_loop3A_387 : vector<1x16xf32> to vector<16xf32>
          %parallel_loop3A_389 = vector.shape_cast %parallel_loop3A_384 : vector<16xf32> to vector<1x16xf32>
          tpu.vector_store %arg10[%parallel_loop3A_385, %parallel_loop3A_386], %parallel_loop3A_389 {strides = array<i32>} : memref<128x128xf32, #tpu.memory_space<vmem>>, vector<1x16xf32>,
          %parallel_loop3A_390 = vector.extract_strided_slice %parallel_loop3A_201 {offsets = [2], sizes = [1], strides = [1]} : vector<16xf32> to vector<1xf32>
          %parallel_loop3A_391 = vector.extract %parallel_loop3A_390[0] : f32 from vector<1xf32>
          %parallel_loop3A_392 = arith.constant 16 : i32
          %parallel_loop3A_393 = arith.muli %parallel_loop3A_195, %parallel_loop3A_392 : i32
          %parallel_loop3A_394 = arith.constant 2 : i32
          %parallel_loop3A_395 = arith.addi %parallel_loop3A_393, %parallel_loop3A_394 : i32
          %parallel_loop3A_396 = arith.index_cast %parallel_loop3A_395 : i32 to index
          %parallel_loop3A_397 = arith.constant 0 : index
          %parallel_loop3A_398 = tpu.vector_load %arg10[%parallel_loop3A_396, %parallel_loop3A_397] {strides = array<i32>} : memref<128x128xf32, #tpu.memory_space<vmem>>, vector<1x16xf32>,
          %parallel_loop3A_399 = vector.shape_cast %parallel_loop3A_398 : vector<1x16xf32> to vector<16xf32>
          %parallel_loop3A_400 = vector.broadcast %parallel_loop3A_391 : f32 to vector<16xf32>
          %parallel_loop3A_401 = arith.mulf %parallel_loop3A_399, %parallel_loop3A_400 : vector<16xf32>
          %parallel_loop3A_402 = arith.index_cast %parallel_loop3A_395 : i32 to index
          %parallel_loop3A_403 = arith.constant 0 : index
          %parallel_loop3A_404 = tpu.vector_load %arg10[%parallel_loop3A_402, %parallel_loop3A_403] {strides = array<i32>} : memref<128x128xf32, #tpu.memory_space<vmem>>, vector<1x16xf32>,
          %parallel_loop3A_405 = vector.shape_cast %parallel_loop3A_404 : vector<1x16xf32> to vector<16xf32>
          %parallel_loop3A_406 = vector.shape_cast %parallel_loop3A_401 : vector<16xf32> to vector<1x16xf32>
          tpu.vector_store %arg10[%parallel_loop3A_402, %parallel_loop3A_403], %parallel_loop3A_406 {strides = array<i32>} : memref<128x128xf32, #tpu.memory_space<vmem>>, vector<1x16xf32>,
          %parallel_loop3A_407 = arith.index_cast %parallel_loop3A_395 : i32 to index
          %parallel_loop3A_408 = arith.constant 16 : index
          %parallel_loop3A_409 = tpu.vector_load %arg10[%parallel_loop3A_407, %parallel_loop3A_408] {strides = array<i32>} : memref<128x128xf32, #tpu.memory_space<vmem>>, vector<1x16xf32>,
          %parallel_loop3A_410 = vector.shape_cast %parallel_loop3A_409 : vector<1x16xf32> to vector<16xf32>
          %parallel_loop3A_411 = vector.broadcast %parallel_loop3A_391 : f32 to vector<16xf32>
          %parallel_loop3A_412 = arith.mulf %parallel_loop3A_410, %parallel_loop3A_411 : vector<16xf32>
          %parallel_loop3A_413 = arith.index_cast %parallel_loop3A_395 : i32 to index
          %parallel_loop3A_414 = arith.constant 16 : index
          %parallel_loop3A_415 = tpu.vector_load %arg10[%parallel_loop3A_413, %parallel_loop3A_414] {strides = array<i32>} : memref<128x128xf32, #tpu.memory_space<vmem>>, vector<1x16xf32>,
          %parallel_loop3A_416 = vector.shape_cast %parallel_loop3A_415 : vector<1x16xf32> to vector<16xf32>
          %parallel_loop3A_417 = vector.shape_cast %parallel_loop3A_412 : vector<16xf32> to vector<1x16xf32>
          tpu.vector_store %arg10[%parallel_loop3A_413, %parallel_loop3A_414], %parallel_loop3A_417 {strides = array<i32>} : memref<128x128xf32, #tpu.memory_space<vmem>>, vector<1x16xf32>,
          %parallel_loop3A_418 = arith.index_cast %parallel_loop3A_395 : i32 to index
          %parallel_loop3A_419 = arith.constant 32 : index
          %parallel_loop3A_420 = tpu.vector_load %arg10[%parallel_loop3A_418, %parallel_loop3A_419] {strides = array<i32>} : memref<128x128xf32, #tpu.memory_space<vmem>>, vector<1x16xf32>,
          %parallel_loop3A_421 = vector.shape_cast %parallel_loop3A_420 : vector<1x16xf32> to vector<16xf32>
          %parallel_loop3A_422 = vector.broadcast %parallel_loop3A_391 : f32 to vector<16xf32>
          %parallel_loop3A_423 = arith.mulf %parallel_loop3A_421, %parallel_loop3A_422 : vector<16xf32>
          %parallel_loop3A_424 = arith.index_cast %parallel_loop3A_395 : i32 to index
          %parallel_loop3A_425 = arith.constant 32 : index
          %parallel_loop3A_426 = tpu.vector_load %arg10[%parallel_loop3A_424, %parallel_loop3A_425] {strides = array<i32>} : memref<128x128xf32, #tpu.memory_space<vmem>>, vector<1x16xf32>,
          %parallel_loop3A_427 = vector.shape_cast %parallel_loop3A_426 : vector<1x16xf32> to vector<16xf32>
          %parallel_loop3A_428 = vector.shape_cast %parallel_loop3A_423 : vector<16xf32> to vector<1x16xf32>
          tpu.vector_store %arg10[%parallel_loop3A_424, %parallel_loop3A_425], %parallel_loop3A_428 {strides = array<i32>} : memref<128x128xf32, #tpu.memory_space<vmem>>, vector<1x16xf32>,
          %parallel_loop3A_429 = arith.index_cast %parallel_loop3A_395 : i32 to index
          %parallel_loop3A_430 = arith.constant 48 : index
          %parallel_loop3A_431 = tpu.vector_load %arg10[%parallel_loop3A_429, %parallel_loop3A_430] {strides = array<i32>} : memref<128x128xf32, #tpu.memory_space<vmem>>, vector<1x16xf32>,
          %parallel_loop3A_432 = vector.shape_cast %parallel_loop3A_431 : vector<1x16xf32> to vector<16xf32>
          %parallel_loop3A_433 = vector.broadcast %parallel_loop3A_391 : f32 to vector<16xf32>
          %parallel_loop3A_434 = arith.mulf %parallel_loop3A_432, %parallel_loop3A_433 : vector<16xf32>
          %parallel_loop3A_435 = arith.index_cast %parallel_loop3A_395 : i32 to index
          %parallel_loop3A_436 = arith.constant 48 : index
          %parallel_loop3A_437 = tpu.vector_load %arg10[%parallel_loop3A_435, %parallel_loop3A_436] {strides = array<i32>} : memref<128x128xf32, #tpu.memory_space<vmem>>, vector<1x16xf32>,
          %parallel_loop3A_438 = vector.shape_cast %parallel_loop3A_437 : vector<1x16xf32> to vector<16xf32>
          %parallel_loop3A_439 = vector.shape_cast %parallel_loop3A_434 : vector<16xf32> to vector<1x16xf32>
          tpu.vector_store %arg10[%parallel_loop3A_435, %parallel_loop3A_436], %parallel_loop3A_439 {strides = array<i32>} : memref<128x128xf32, #tpu.memory_space<vmem>>, vector<1x16xf32>,
          %parallel_loop3A_440 = arith.index_cast %parallel_loop3A_395 : i32 to index
          %parallel_loop3A_441 = arith.constant 64 : index
          %parallel_loop3A_442 = tpu.vector_load %arg10[%parallel_loop3A_440, %parallel_loop3A_441] {strides = array<i32>} : memref<128x128xf32, #tpu.memory_space<vmem>>, vector<1x16xf32>,
          %parallel_loop3A_443 = vector.shape_cast %parallel_loop3A_442 : vector<1x16xf32> to vector<16xf32>
          %parallel_loop3A_444 = vector.broadcast %parallel_loop3A_391 : f32 to vector<16xf32>
          %parallel_loop3A_445 = arith.mulf %parallel_loop3A_443, %parallel_loop3A_444 : vector<16xf32>
          %parallel_loop3A_446 = arith.index_cast %parallel_loop3A_395 : i32 to index
          %parallel_loop3A_447 = arith.constant 64 : index
          %parallel_loop3A_448 = tpu.vector_load %arg10[%parallel_loop3A_446, %parallel_loop3A_447] {strides = array<i32>} : memref<128x128xf32, #tpu.memory_space<vmem>>, vector<1x16xf32>,
          %parallel_loop3A_449 = vector.shape_cast %parallel_loop3A_448 : vector<1x16xf32> to vector<16xf32>
          %parallel_loop3A_450 = vector.shape_cast %parallel_loop3A_445 : vector<16xf32> to vector<1x16xf32>
          tpu.vector_store %arg10[%parallel_loop3A_446, %parallel_loop3A_447], %parallel_loop3A_450 {strides = array<i32>} : memref<128x128xf32, #tpu.memory_space<vmem>>, vector<1x16xf32>,
          %parallel_loop3A_451 = arith.index_cast %parallel_loop3A_395 : i32 to index
          %parallel_loop3A_452 = arith.constant 80 : index
          %parallel_loop3A_453 = tpu.vector_load %arg10[%parallel_loop3A_451, %parallel_loop3A_452] {strides = array<i32>} : memref<128x128xf32, #tpu.memory_space<vmem>>, vector<1x16xf32>,
          %parallel_loop3A_454 = vector.shape_cast %parallel_loop3A_453 : vector<1x16xf32> to vector<16xf32>
          %parallel_loop3A_455 = vector.broadcast %parallel_loop3A_391 : f32 to vector<16xf32>
          %parallel_loop3A_456 = arith.mulf %parallel_loop3A_454, %parallel_loop3A_455 : vector<16xf32>
          %parallel_loop3A_457 = arith.index_cast %parallel_loop3A_395 : i32 to index
          %parallel_loop3A_458 = arith.constant 80 : index
          %parallel_loop3A_459 = tpu.vector_load %arg10[%parallel_loop3A_457, %parallel_loop3A_458] {strides = array<i32>} : memref<128x128xf32, #tpu.memory_space<vmem>>, vector<1x16xf32>,
          %parallel_loop3A_460 = vector.shape_cast %parallel_loop3A_459 : vector<1x16xf32> to vector<16xf32>
          %parallel_loop3A_461 = vector.shape_cast %parallel_loop3A_456 : vector<16xf32> to vector<1x16xf32>
          tpu.vector_store %arg10[%parallel_loop3A_457, %parallel_loop3A_458], %parallel_loop3A_461 {strides = array<i32>} : memref<128x128xf32, #tpu.memory_space<vmem>>, vector<1x16xf32>,
          %parallel_loop3A_462 = arith.index_cast %parallel_loop3A_395 : i32 to index
          %parallel_loop3A_463 = arith.constant 96 : index
          %parallel_loop3A_464 = tpu.vector_load %arg10[%parallel_loop3A_462, %parallel_loop3A_463] {strides = array<i32>} : memref<128x128xf32, #tpu.memory_space<vmem>>, vector<1x16xf32>,
          %parallel_loop3A_465 = vector.shape_cast %parallel_loop3A_464 : vector<1x16xf32> to vector<16xf32>
          %parallel_loop3A_466 = vector.broadcast %parallel_loop3A_391 : f32 to vector<16xf32>
          %parallel_loop3A_467 = arith.mulf %parallel_loop3A_465, %parallel_loop3A_466 : vector<16xf32>
          %parallel_loop3A_468 = arith.index_cast %parallel_loop3A_395 : i32 to index
          %parallel_loop3A_469 = arith.constant 96 : index
          %parallel_loop3A_470 = tpu.vector_load %arg10[%parallel_loop3A_468, %parallel_loop3A_469] {strides = array<i32>} : memref<128x128xf32, #tpu.memory_space<vmem>>, vector<1x16xf32>,
          %parallel_loop3A_471 = vector.shape_cast %parallel_loop3A_470 : vector<1x16xf32> to vector<16xf32>
          %parallel_loop3A_472 = vector.shape_cast %parallel_loop3A_467 : vector<16xf32> to vector<1x16xf32>
          tpu.vector_store %arg10[%parallel_loop3A_468, %parallel_loop3A_469], %parallel_loop3A_472 {strides = array<i32>} : memref<128x128xf32, #tpu.memory_space<vmem>>, vector<1x16xf32>,
          %parallel_loop3A_473 = arith.index_cast %parallel_loop3A_395 : i32 to index
          %parallel_loop3A_474 = arith.constant 112 : index
          %parallel_loop3A_475 = tpu.vector_load %arg10[%parallel_loop3A_473, %parallel_loop3A_474] {strides = array<i32>} : memref<128x128xf32, #tpu.memory_space<vmem>>, vector<1x16xf32>,
          %parallel_loop3A_476 = vector.shape_cast %parallel_loop3A_475 : vector<1x16xf32> to vector<16xf32>
          %parallel_loop3A_477 = vector.broadcast %parallel_loop3A_391 : f32 to vector<16xf32>
          %parallel_loop3A_478 = arith.mulf %parallel_loop3A_476, %parallel_loop3A_477 : vector<16xf32>
          %parallel_loop3A_479 = arith.index_cast %parallel_loop3A_395 : i32 to index
          %parallel_loop3A_480 = arith.constant 112 : index
          %parallel_loop3A_481 = tpu.vector_load %arg10[%parallel_loop3A_479, %parallel_loop3A_480] {strides = array<i32>} : memref<128x128xf32, #tpu.memory_space<vmem>>, vector<1x16xf32>,
          %parallel_loop3A_482 = vector.shape_cast %parallel_loop3A_481 : vector<1x16xf32> to vector<16xf32>
          %parallel_loop3A_483 = vector.shape_cast %parallel_loop3A_478 : vector<16xf32> to vector<1x16xf32>
          tpu.vector_store %arg10[%parallel_loop3A_479, %parallel_loop3A_480], %parallel_loop3A_483 {strides = array<i32>} : memref<128x128xf32, #tpu.memory_space<vmem>>, vector<1x16xf32>,
          %parallel_loop3A_484 = vector.extract_strided_slice %parallel_loop3A_201 {offsets = [3], sizes = [1], strides = [1]} : vector<16xf32> to vector<1xf32>
          %parallel_loop3A_485 = vector.extract %parallel_loop3A_484[0] : f32 from vector<1xf32>
          %parallel_loop3A_486 = arith.constant 16 : i32
          %parallel_loop3A_487 = arith.muli %parallel_loop3A_195, %parallel_loop3A_486 : i32
          %parallel_loop3A_488 = arith.constant 3 : i32
          %parallel_loop3A_489 = arith.addi %parallel_loop3A_487, %parallel_loop3A_488 : i32
          %parallel_loop3A_490 = arith.index_cast %parallel_loop3A_489 : i32 to index
          %parallel_loop3A_491 = arith.constant 0 : index
          %parallel_loop3A_492 = tpu.vector_load %arg10[%parallel_loop3A_490, %parallel_loop3A_491] {strides = array<i32>} : memref<128x128xf32, #tpu.memory_space<vmem>>, vector<1x16xf32>,
          %parallel_loop3A_493 = vector.shape_cast %parallel_loop3A_492 : vector<1x16xf32> to vector<16xf32>
          %parallel_loop3A_494 = vector.broadcast %parallel_loop3A_485 : f32 to vector<16xf32>
          %parallel_loop3A_495 = arith.mulf %parallel_loop3A_493, %parallel_loop3A_494 : vector<16xf32>
          %parallel_loop3A_496 = arith.index_cast %parallel_loop3A_489 : i32 to index
          %parallel_loop3A_497 = arith.constant 0 : index
          %parallel_loop3A_498 = tpu.vector_load %arg10[%parallel_loop3A_496, %parallel_loop3A_497] {strides = array<i32>} : memref<128x128xf32, #tpu.memory_space<vmem>>, vector<1x16xf32>,
          %parallel_loop3A_499 = vector.shape_cast %parallel_loop3A_498 : vector<1x16xf32> to vector<16xf32>
          %parallel_loop3A_500 = vector.shape_cast %parallel_loop3A_495 : vector<16xf32> to vector<1x16xf32>
          tpu.vector_store %arg10[%parallel_loop3A_496, %parallel_loop3A_497], %parallel_loop3A_500 {strides = array<i32>} : memref<128x128xf32, #tpu.memory_space<vmem>>, vector<1x16xf32>,
          %parallel_loop3A_501 = arith.index_cast %parallel_loop3A_489 : i32 to index
          %parallel_loop3A_502 = arith.constant 16 : index
          %parallel_loop3A_503 = tpu.vector_load %arg10[%parallel_loop3A_501, %parallel_loop3A_502] {strides = array<i32>} : memref<128x128xf32, #tpu.memory_space<vmem>>, vector<1x16xf32>,
          %parallel_loop3A_504 = vector.shape_cast %parallel_loop3A_503 : vector<1x16xf32> to vector<16xf32>
          %parallel_loop3A_505 = vector.broadcast %parallel_loop3A_485 : f32 to vector<16xf32>
          %parallel_loop3A_506 = arith.mulf %parallel_loop3A_504, %parallel_loop3A_505 : vector<16xf32>
          %parallel_loop3A_507 = arith.index_cast %parallel_loop3A_489 : i32 to index
          %parallel_loop3A_508 = arith.constant 16 : index
          %parallel_loop3A_509 = tpu.vector_load %arg10[%parallel_loop3A_507, %parallel_loop3A_508] {strides = array<i32>} : memref<128x128xf32, #tpu.memory_space<vmem>>, vector<1x16xf32>,
          %parallel_loop3A_510 = vector.shape_cast %parallel_loop3A_509 : vector<1x16xf32> to vector<16xf32>
          %parallel_loop3A_511 = vector.shape_cast %parallel_loop3A_506 : vector<16xf32> to vector<1x16xf32>
          tpu.vector_store %arg10[%parallel_loop3A_507, %parallel_loop3A_508], %parallel_loop3A_511 {strides = array<i32>} : memref<128x128xf32, #tpu.memory_space<vmem>>, vector<1x16xf32>,
          %parallel_loop3A_512 = arith.index_cast %parallel_loop3A_489 : i32 to index
          %parallel_loop3A_513 = arith.constant 32 : index
          %parallel_loop3A_514 = tpu.vector_load %arg10[%parallel_loop3A_512, %parallel_loop3A_513] {strides = array<i32>} : memref<128x128xf32, #tpu.memory_space<vmem>>, vector<1x16xf32>,
          %parallel_loop3A_515 = vector.shape_cast %parallel_loop3A_514 : vector<1x16xf32> to vector<16xf32>
          %parallel_loop3A_516 = vector.broadcast %parallel_loop3A_485 : f32 to vector<16xf32>
          %parallel_loop3A_517 = arith.mulf %parallel_loop3A_515, %parallel_loop3A_516 : vector<16xf32>
          %parallel_loop3A_518 = arith.index_cast %parallel_loop3A_489 : i32 to index
          %parallel_loop3A_519 = arith.constant 32 : index
          %parallel_loop3A_520 = tpu.vector_load %arg10[%parallel_loop3A_518, %parallel_loop3A_519] {strides = array<i32>} : memref<128x128xf32, #tpu.memory_space<vmem>>, vector<1x16xf32>,
          %parallel_loop3A_521 = vector.shape_cast %parallel_loop3A_520 : vector<1x16xf32> to vector<16xf32>
          %parallel_loop3A_522 = vector.shape_cast %parallel_loop3A_517 : vector<16xf32> to vector<1x16xf32>
          tpu.vector_store %arg10[%parallel_loop3A_518, %parallel_loop3A_519], %parallel_loop3A_522 {strides = array<i32>} : memref<128x128xf32, #tpu.memory_space<vmem>>, vector<1x16xf32>,
          %parallel_loop3A_523 = arith.index_cast %parallel_loop3A_489 : i32 to index
          %parallel_loop3A_524 = arith.constant 48 : index
          %parallel_loop3A_525 = tpu.vector_load %arg10[%parallel_loop3A_523, %parallel_loop3A_524] {strides = array<i32>} : memref<128x128xf32, #tpu.memory_space<vmem>>, vector<1x16xf32>,
          %parallel_loop3A_526 = vector.shape_cast %parallel_loop3A_525 : vector<1x16xf32> to vector<16xf32>
          %parallel_loop3A_527 = vector.broadcast %parallel_loop3A_485 : f32 to vector<16xf32>
          %parallel_loop3A_528 = arith.mulf %parallel_loop3A_526, %parallel_loop3A_527 : vector<16xf32>
          %parallel_loop3A_529 = arith.index_cast %parallel_loop3A_489 : i32 to index
          %parallel_loop3A_530 = arith.constant 48 : index
          %parallel_loop3A_531 = tpu.vector_load %arg10[%parallel_loop3A_529, %parallel_loop3A_530] {strides = array<i32>} : memref<128x128xf32, #tpu.memory_space<vmem>>, vector<1x16xf32>,
          %parallel_loop3A_532 = vector.shape_cast %parallel_loop3A_531 : vector<1x16xf32> to vector<16xf32>
          %parallel_loop3A_533 = vector.shape_cast %parallel_loop3A_528 : vector<16xf32> to vector<1x16xf32>
          tpu.vector_store %arg10[%parallel_loop3A_529, %parallel_loop3A_530], %parallel_loop3A_533 {strides = array<i32>} : memref<128x128xf32, #tpu.memory_space<vmem>>, vector<1x16xf32>,
          %parallel_loop3A_534 = arith.index_cast %parallel_loop3A_489 : i32 to index
          %parallel_loop3A_535 = arith.constant 64 : index
          %parallel_loop3A_536 = tpu.vector_load %arg10[%parallel_loop3A_534, %parallel_loop3A_535] {strides = array<i32>} : memref<128x128xf32, #tpu.memory_space<vmem>>, vector<1x16xf32>,
          %parallel_loop3A_537 = vector.shape_cast %parallel_loop3A_536 : vector<1x16xf32> to vector<16xf32>
          %parallel_loop3A_538 = vector.broadcast %parallel_loop3A_485 : f32 to vector<16xf32>
          %parallel_loop3A_539 = arith.mulf %parallel_loop3A_537, %parallel_loop3A_538 : vector<16xf32>
          %parallel_loop3A_540 = arith.index_cast %parallel_loop3A_489 : i32 to index
          %parallel_loop3A_541 = arith.constant 64 : index
          %parallel_loop3A_542 = tpu.vector_load %arg10[%parallel_loop3A_540, %parallel_loop3A_541] {strides = array<i32>} : memref<128x128xf32, #tpu.memory_space<vmem>>, vector<1x16xf32>,
          %parallel_loop3A_543 = vector.shape_cast %parallel_loop3A_542 : vector<1x16xf32> to vector<16xf32>
          %parallel_loop3A_544 = vector.shape_cast %parallel_loop3A_539 : vector<16xf32> to vector<1x16xf32>
          tpu.vector_store %arg10[%parallel_loop3A_540, %parallel_loop3A_541], %parallel_loop3A_544 {strides = array<i32>} : memref<128x128xf32, #tpu.memory_space<vmem>>, vector<1x16xf32>,
          %parallel_loop3A_545 = arith.index_cast %parallel_loop3A_489 : i32 to index
          %parallel_loop3A_546 = arith.constant 80 : index
          %parallel_loop3A_547 = tpu.vector_load %arg10[%parallel_loop3A_545, %parallel_loop3A_546] {strides = array<i32>} : memref<128x128xf32, #tpu.memory_space<vmem>>, vector<1x16xf32>,
          %parallel_loop3A_548 = vector.shape_cast %parallel_loop3A_547 : vector<1x16xf32> to vector<16xf32>
          %parallel_loop3A_549 = vector.broadcast %parallel_loop3A_485 : f32 to vector<16xf32>
          %parallel_loop3A_550 = arith.mulf %parallel_loop3A_548, %parallel_loop3A_549 : vector<16xf32>
          %parallel_loop3A_551 = arith.index_cast %parallel_loop3A_489 : i32 to index
          %parallel_loop3A_552 = arith.constant 80 : index
          %parallel_loop3A_553 = tpu.vector_load %arg10[%parallel_loop3A_551, %parallel_loop3A_552] {strides = array<i32>} : memref<128x128xf32, #tpu.memory_space<vmem>>, vector<1x16xf32>,
          %parallel_loop3A_554 = vector.shape_cast %parallel_loop3A_553 : vector<1x16xf32> to vector<16xf32>
          %parallel_loop3A_555 = vector.shape_cast %parallel_loop3A_550 : vector<16xf32> to vector<1x16xf32>
          tpu.vector_store %arg10[%parallel_loop3A_551, %parallel_loop3A_552], %parallel_loop3A_555 {strides = array<i32>} : memref<128x128xf32, #tpu.memory_space<vmem>>, vector<1x16xf32>,
          %parallel_loop3A_556 = arith.index_cast %parallel_loop3A_489 : i32 to index
          %parallel_loop3A_557 = arith.constant 96 : index
          %parallel_loop3A_558 = tpu.vector_load %arg10[%parallel_loop3A_556, %parallel_loop3A_557] {strides = array<i32>} : memref<128x128xf32, #tpu.memory_space<vmem>>, vector<1x16xf32>,
          %parallel_loop3A_559 = vector.shape_cast %parallel_loop3A_558 : vector<1x16xf32> to vector<16xf32>
          %parallel_loop3A_560 = vector.broadcast %parallel_loop3A_485 : f32 to vector<16xf32>
          %parallel_loop3A_561 = arith.mulf %parallel_loop3A_559, %parallel_loop3A_560 : vector<16xf32>
          %parallel_loop3A_562 = arith.index_cast %parallel_loop3A_489 : i32 to index
          %parallel_loop3A_563 = arith.constant 96 : index
          %parallel_loop3A_564 = tpu.vector_load %arg10[%parallel_loop3A_562, %parallel_loop3A_563] {strides = array<i32>} : memref<128x128xf32, #tpu.memory_space<vmem>>, vector<1x16xf32>,
          %parallel_loop3A_565 = vector.shape_cast %parallel_loop3A_564 : vector<1x16xf32> to vector<16xf32>
          %parallel_loop3A_566 = vector.shape_cast %parallel_loop3A_561 : vector<16xf32> to vector<1x16xf32>
          tpu.vector_store %arg10[%parallel_loop3A_562, %parallel_loop3A_563], %parallel_loop3A_566 {strides = array<i32>} : memref<128x128xf32, #tpu.memory_space<vmem>>, vector<1x16xf32>,
          %parallel_loop3A_567 = arith.index_cast %parallel_loop3A_489 : i32 to index
          %parallel_loop3A_568 = arith.constant 112 : index
          %parallel_loop3A_569 = tpu.vector_load %arg10[%parallel_loop3A_567, %parallel_loop3A_568] {strides = array<i32>} : memref<128x128xf32, #tpu.memory_space<vmem>>, vector<1x16xf32>,
          %parallel_loop3A_570 = vector.shape_cast %parallel_loop3A_569 : vector<1x16xf32> to vector<16xf32>
          %parallel_loop3A_571 = vector.broadcast %parallel_loop3A_485 : f32 to vector<16xf32>
          %parallel_loop3A_572 = arith.mulf %parallel_loop3A_570, %parallel_loop3A_571 : vector<16xf32>
          %parallel_loop3A_573 = arith.index_cast %parallel_loop3A_489 : i32 to index
          %parallel_loop3A_574 = arith.constant 112 : index
          %parallel_loop3A_575 = tpu.vector_load %arg10[%parallel_loop3A_573, %parallel_loop3A_574] {strides = array<i32>} : memref<128x128xf32, #tpu.memory_space<vmem>>, vector<1x16xf32>,
          %parallel_loop3A_576 = vector.shape_cast %parallel_loop3A_575 : vector<1x16xf32> to vector<16xf32>
          %parallel_loop3A_577 = vector.shape_cast %parallel_loop3A_572 : vector<16xf32> to vector<1x16xf32>
          tpu.vector_store %arg10[%parallel_loop3A_573, %parallel_loop3A_574], %parallel_loop3A_577 {strides = array<i32>} : memref<128x128xf32, #tpu.memory_space<vmem>>, vector<1x16xf32>,
          %parallel_loop3A_578 = vector.extract_strided_slice %parallel_loop3A_201 {offsets = [4], sizes = [1], strides = [1]} : vector<16xf32> to vector<1xf32>
          %parallel_loop3A_579 = vector.extract %parallel_loop3A_578[0] : f32 from vector<1xf32>
          %parallel_loop3A_580 = arith.constant 16 : i32
          %parallel_loop3A_581 = arith.muli %parallel_loop3A_195, %parallel_loop3A_580 : i32
          %parallel_loop3A_582 = arith.constant 4 : i32
          %parallel_loop3A_583 = arith.addi %parallel_loop3A_581, %parallel_loop3A_582 : i32
          %parallel_loop3A_584 = arith.index_cast %parallel_loop3A_583 : i32 to index
          %parallel_loop3A_585 = arith.constant 0 : index
          %parallel_loop3A_586 = tpu.vector_load %arg10[%parallel_loop3A_584, %parallel_loop3A_585] {strides = array<i32>} : memref<128x128xf32, #tpu.memory_space<vmem>>, vector<1x16xf32>,
          %parallel_loop3A_587 = vector.shape_cast %parallel_loop3A_586 : vector<1x16xf32> to vector<16xf32>
          %parallel_loop3A_588 = vector.broadcast %parallel_loop3A_579 : f32 to vector<16xf32>
          %parallel_loop3A_589 = arith.mulf %parallel_loop3A_587, %parallel_loop3A_588 : vector<16xf32>
          %parallel_loop3A_590 = arith.index_cast %parallel_loop3A_583 : i32 to index
          %parallel_loop3A_591 = arith.constant 0 : index
          %parallel_loop3A_592 = tpu.vector_load %arg10[%parallel_loop3A_590, %parallel_loop3A_591] {strides = array<i32>} : memref<128x128xf32, #tpu.memory_space<vmem>>, vector<1x16xf32>,
          %parallel_loop3A_593 = vector.shape_cast %parallel_loop3A_592 : vector<1x16xf32> to vector<16xf32>
          %parallel_loop3A_594 = vector.shape_cast %parallel_loop3A_589 : vector<16xf32> to vector<1x16xf32>
          tpu.vector_store %arg10[%parallel_loop3A_590, %parallel_loop3A_591], %parallel_loop3A_594 {strides = array<i32>} : memref<128x128xf32, #tpu.memory_space<vmem>>, vector<1x16xf32>,
          %parallel_loop3A_595 = arith.index_cast %parallel_loop3A_583 : i32 to index
          %parallel_loop3A_596 = arith.constant 16 : index
          %parallel_loop3A_597 = tpu.vector_load %arg10[%parallel_loop3A_595, %parallel_loop3A_596] {strides = array<i32>} : memref<128x128xf32, #tpu.memory_space<vmem>>, vector<1x16xf32>,
          %parallel_loop3A_598 = vector.shape_cast %parallel_loop3A_597 : vector<1x16xf32> to vector<16xf32>
          %parallel_loop3A_599 = vector.broadcast %parallel_loop3A_579 : f32 to vector<16xf32>
          %parallel_loop3A_600 = arith.mulf %parallel_loop3A_598, %parallel_loop3A_599 : vector<16xf32>
          %parallel_loop3A_601 = arith.index_cast %parallel_loop3A_583 : i32 to index
          %parallel_loop3A_602 = arith.constant 16 : index
          %parallel_loop3A_603 = tpu.vector_load %arg10[%parallel_loop3A_601, %parallel_loop3A_602] {strides = array<i32>} : memref<128x128xf32, #tpu.memory_space<vmem>>, vector<1x16xf32>,
          %parallel_loop3A_604 = vector.shape_cast %parallel_loop3A_603 : vector<1x16xf32> to vector<16xf32>
          %parallel_loop3A_605 = vector.shape_cast %parallel_loop3A_600 : vector<16xf32> to vector<1x16xf32>
          tpu.vector_store %arg10[%parallel_loop3A_601, %parallel_loop3A_602], %parallel_loop3A_605 {strides = array<i32>} : memref<128x128xf32, #tpu.memory_space<vmem>>, vector<1x16xf32>,
          %parallel_loop3A_606 = arith.index_cast %parallel_loop3A_583 : i32 to index
          %parallel_loop3A_607 = arith.constant 32 : index
          %parallel_loop3A_608 = tpu.vector_load %arg10[%parallel_loop3A_606, %parallel_loop3A_607] {strides = array<i32>} : memref<128x128xf32, #tpu.memory_space<vmem>>, vector<1x16xf32>,
          %parallel_loop3A_609 = vector.shape_cast %parallel_loop3A_608 : vector<1x16xf32> to vector<16xf32>
          %parallel_loop3A_610 = vector.broadcast %parallel_loop3A_579 : f32 to vector<16xf32>
          %parallel_loop3A_611 = arith.mulf %parallel_loop3A_609, %parallel_loop3A_610 : vector<16xf32>
          %parallel_loop3A_612 = arith.index_cast %parallel_loop3A_583 : i32 to index
          %parallel_loop3A_613 = arith.constant 32 : index
          %parallel_loop3A_614 = tpu.vector_load %arg10[%parallel_loop3A_612, %parallel_loop3A_613] {strides = array<i32>} : memref<128x128xf32, #tpu.memory_space<vmem>>, vector<1x16xf32>,
          %parallel_loop3A_615 = vector.shape_cast %parallel_loop3A_614 : vector<1x16xf32> to vector<16xf32>
          %parallel_loop3A_616 = vector.shape_cast %parallel_loop3A_611 : vector<16xf32> to vector<1x16xf32>
          tpu.vector_store %arg10[%parallel_loop3A_612, %parallel_loop3A_613], %parallel_loop3A_616 {strides = array<i32>} : memref<128x128xf32, #tpu.memory_space<vmem>>, vector<1x16xf32>,
          %parallel_loop3A_617 = arith.index_cast %parallel_loop3A_583 : i32 to index
          %parallel_loop3A_618 = arith.constant 48 : index
          %parallel_loop3A_619 = tpu.vector_load %arg10[%parallel_loop3A_617, %parallel_loop3A_618] {strides = array<i32>} : memref<128x128xf32, #tpu.memory_space<vmem>>, vector<1x16xf32>,
          %parallel_loop3A_620 = vector.shape_cast %parallel_loop3A_619 : vector<1x16xf32> to vector<16xf32>
          %parallel_loop3A_621 = vector.broadcast %parallel_loop3A_579 : f32 to vector<16xf32>
          %parallel_loop3A_622 = arith.mulf %parallel_loop3A_620, %parallel_loop3A_621 : vector<16xf32>
          %parallel_loop3A_623 = arith.index_cast %parallel_loop3A_583 : i32 to index
          %parallel_loop3A_624 = arith.constant 48 : index
          %parallel_loop3A_625 = tpu.vector_load %arg10[%parallel_loop3A_623, %parallel_loop3A_624] {strides = array<i32>} : memref<128x128xf32, #tpu.memory_space<vmem>>, vector<1x16xf32>,
          %parallel_loop3A_626 = vector.shape_cast %parallel_loop3A_625 : vector<1x16xf32> to vector<16xf32>
          %parallel_loop3A_627 = vector.shape_cast %parallel_loop3A_622 : vector<16xf32> to vector<1x16xf32>
          tpu.vector_store %arg10[%parallel_loop3A_623, %parallel_loop3A_624], %parallel_loop3A_627 {strides = array<i32>} : memref<128x128xf32, #tpu.memory_space<vmem>>, vector<1x16xf32>,
          %parallel_loop3A_628 = arith.index_cast %parallel_loop3A_583 : i32 to index
          %parallel_loop3A_629 = arith.constant 64 : index
          %parallel_loop3A_630 = tpu.vector_load %arg10[%parallel_loop3A_628, %parallel_loop3A_629] {strides = array<i32>} : memref<128x128xf32, #tpu.memory_space<vmem>>, vector<1x16xf32>,
          %parallel_loop3A_631 = vector.shape_cast %parallel_loop3A_630 : vector<1x16xf32> to vector<16xf32>
          %parallel_loop3A_632 = vector.broadcast %parallel_loop3A_579 : f32 to vector<16xf32>
          %parallel_loop3A_633 = arith.mulf %parallel_loop3A_631, %parallel_loop3A_632 : vector<16xf32>
          %parallel_loop3A_634 = arith.index_cast %parallel_loop3A_583 : i32 to index
          %parallel_loop3A_635 = arith.constant 64 : index
          %parallel_loop3A_636 = tpu.vector_load %arg10[%parallel_loop3A_634, %parallel_loop3A_635] {strides = array<i32>} : memref<128x128xf32, #tpu.memory_space<vmem>>, vector<1x16xf32>,
          %parallel_loop3A_637 = vector.shape_cast %parallel_loop3A_636 : vector<1x16xf32> to vector<16xf32>
          %parallel_loop3A_638 = vector.shape_cast %parallel_loop3A_633 : vector<16xf32> to vector<1x16xf32>
          tpu.vector_store %arg10[%parallel_loop3A_634, %parallel_loop3A_635], %parallel_loop3A_638 {strides = array<i32>} : memref<128x128xf32, #tpu.memory_space<vmem>>, vector<1x16xf32>,
          %parallel_loop3A_639 = arith.index_cast %parallel_loop3A_583 : i32 to index
          %parallel_loop3A_640 = arith.constant 80 : index
          %parallel_loop3A_641 = tpu.vector_load %arg10[%parallel_loop3A_639, %parallel_loop3A_640] {strides = array<i32>} : memref<128x128xf32, #tpu.memory_space<vmem>>, vector<1x16xf32>,
          %parallel_loop3A_642 = vector.shape_cast %parallel_loop3A_641 : vector<1x16xf32> to vector<16xf32>
          %parallel_loop3A_643 = vector.broadcast %parallel_loop3A_579 : f32 to vector<16xf32>
          %parallel_loop3A_644 = arith.mulf %parallel_loop3A_642, %parallel_loop3A_643 : vector<16xf32>
          %parallel_loop3A_645 = arith.index_cast %parallel_loop3A_583 : i32 to index
          %parallel_loop3A_646 = arith.constant 80 : index
          %parallel_loop3A_647 = tpu.vector_load %arg10[%parallel_loop3A_645, %parallel_loop3A_646] {strides = array<i32>} : memref<128x128xf32, #tpu.memory_space<vmem>>, vector<1x16xf32>,
          %parallel_loop3A_648 = vector.shape_cast %parallel_loop3A_647 : vector<1x16xf32> to vector<16xf32>
          %parallel_loop3A_649 = vector.shape_cast %parallel_loop3A_644 : vector<16xf32> to vector<1x16xf32>
          tpu.vector_store %arg10[%parallel_loop3A_645, %parallel_loop3A_646], %parallel_loop3A_649 {strides = array<i32>} : memref<128x128xf32, #tpu.memory_space<vmem>>, vector<1x16xf32>,
          %parallel_loop3A_650 = arith.index_cast %parallel_loop3A_583 : i32 to index
          %parallel_loop3A_651 = arith.constant 96 : index
          %parallel_loop3A_652 = tpu.vector_load %arg10[%parallel_loop3A_650, %parallel_loop3A_651] {strides = array<i32>} : memref<128x128xf32, #tpu.memory_space<vmem>>, vector<1x16xf32>,
          %parallel_loop3A_653 = vector.shape_cast %parallel_loop3A_652 : vector<1x16xf32> to vector<16xf32>
          %parallel_loop3A_654 = vector.broadcast %parallel_loop3A_579 : f32 to vector<16xf32>
          %parallel_loop3A_655 = arith.mulf %parallel_loop3A_653, %parallel_loop3A_654 : vector<16xf32>
          %parallel_loop3A_656 = arith.index_cast %parallel_loop3A_583 : i32 to index
          %parallel_loop3A_657 = arith.constant 96 : index
          %parallel_loop3A_658 = tpu.vector_load %arg10[%parallel_loop3A_656, %parallel_loop3A_657] {strides = array<i32>} : memref<128x128xf32, #tpu.memory_space<vmem>>, vector<1x16xf32>,
          %parallel_loop3A_659 = vector.shape_cast %parallel_loop3A_658 : vector<1x16xf32> to vector<16xf32>
          %parallel_loop3A_660 = vector.shape_cast %parallel_loop3A_655 : vector<16xf32> to vector<1x16xf32>
          tpu.vector_store %arg10[%parallel_loop3A_656, %parallel_loop3A_657], %parallel_loop3A_660 {strides = array<i32>} : memref<128x128xf32, #tpu.memory_space<vmem>>, vector<1x16xf32>,
          %parallel_loop3A_661 = arith.index_cast %parallel_loop3A_583 : i32 to index
          %parallel_loop3A_662 = arith.constant 112 : index
          %parallel_loop3A_663 = tpu.vector_load %arg10[%parallel_loop3A_661, %parallel_loop3A_662] {strides = array<i32>} : memref<128x128xf32, #tpu.memory_space<vmem>>, vector<1x16xf32>,
          %parallel_loop3A_664 = vector.shape_cast %parallel_loop3A_663 : vector<1x16xf32> to vector<16xf32>
          %parallel_loop3A_665 = vector.broadcast %parallel_loop3A_579 : f32 to vector<16xf32>
          %parallel_loop3A_666 = arith.mulf %parallel_loop3A_664, %parallel_loop3A_665 : vector<16xf32>
          %parallel_loop3A_667 = arith.index_cast %parallel_loop3A_583 : i32 to index
          %parallel_loop3A_668 = arith.constant 112 : index
          %parallel_loop3A_669 = tpu.vector_load %arg10[%parallel_loop3A_667, %parallel_loop3A_668] {strides = array<i32>} : memref<128x128xf32, #tpu.memory_space<vmem>>, vector<1x16xf32>,
          %parallel_loop3A_670 = vector.shape_cast %parallel_loop3A_669 : vector<1x16xf32> to vector<16xf32>
          %parallel_loop3A_671 = vector.shape_cast %parallel_loop3A_666 : vector<16xf32> to vector<1x16xf32>
          tpu.vector_store %arg10[%parallel_loop3A_667, %parallel_loop3A_668], %parallel_loop3A_671 {strides = array<i32>} : memref<128x128xf32, #tpu.memory_space<vmem>>, vector<1x16xf32>,
          %parallel_loop3A_672 = vector.extract_strided_slice %parallel_loop3A_201 {offsets = [5], sizes = [1], strides = [1]} : vector<16xf32> to vector<1xf32>
          %parallel_loop3A_673 = vector.extract %parallel_loop3A_672[0] : f32 from vector<1xf32>
          %parallel_loop3A_674 = arith.constant 16 : i32
          %parallel_loop3A_675 = arith.muli %parallel_loop3A_195, %parallel_loop3A_674 : i32
          %parallel_loop3A_676 = arith.constant 5 : i32
          %parallel_loop3A_677 = arith.addi %parallel_loop3A_675, %parallel_loop3A_676 : i32
          %parallel_loop3A_678 = arith.index_cast %parallel_loop3A_677 : i32 to index
          %parallel_loop3A_679 = arith.constant 0 : index
          %parallel_loop3A_680 = tpu.vector_load %arg10[%parallel_loop3A_678, %parallel_loop3A_679] {strides = array<i32>} : memref<128x128xf32, #tpu.memory_space<vmem>>, vector<1x16xf32>,
          %parallel_loop3A_681 = vector.shape_cast %parallel_loop3A_680 : vector<1x16xf32> to vector<16xf32>
          %parallel_loop3A_682 = vector.broadcast %parallel_loop3A_673 : f32 to vector<16xf32>
          %parallel_loop3A_683 = arith.mulf %parallel_loop3A_681, %parallel_loop3A_682 : vector<16xf32>
          %parallel_loop3A_684 = arith.index_cast %parallel_loop3A_677 : i32 to index
          %parallel_loop3A_685 = arith.constant 0 : index
          %parallel_loop3A_686 = tpu.vector_load %arg10[%parallel_loop3A_684, %parallel_loop3A_685] {strides = array<i32>} : memref<128x128xf32, #tpu.memory_space<vmem>>, vector<1x16xf32>,
          %parallel_loop3A_687 = vector.shape_cast %parallel_loop3A_686 : vector<1x16xf32> to vector<16xf32>
          %parallel_loop3A_688 = vector.shape_cast %parallel_loop3A_683 : vector<16xf32> to vector<1x16xf32>
          tpu.vector_store %arg10[%parallel_loop3A_684, %parallel_loop3A_685], %parallel_loop3A_688 {strides = array<i32>} : memref<128x128xf32, #tpu.memory_space<vmem>>, vector<1x16xf32>,
          %parallel_loop3A_689 = arith.index_cast %parallel_loop3A_677 : i32 to index
          %parallel_loop3A_690 = arith.constant 16 : index
          %parallel_loop3A_691 = tpu.vector_load %arg10[%parallel_loop3A_689, %parallel_loop3A_690] {strides = array<i32>} : memref<128x128xf32, #tpu.memory_space<vmem>>, vector<1x16xf32>,
          %parallel_loop3A_692 = vector.shape_cast %parallel_loop3A_691 : vector<1x16xf32> to vector<16xf32>
          %parallel_loop3A_693 = vector.broadcast %parallel_loop3A_673 : f32 to vector<16xf32>
          %parallel_loop3A_694 = arith.mulf %parallel_loop3A_692, %parallel_loop3A_693 : vector<16xf32>
          %parallel_loop3A_695 = arith.index_cast %parallel_loop3A_677 : i32 to index
          %parallel_loop3A_696 = arith.constant 16 : index
          %parallel_loop3A_697 = tpu.vector_load %arg10[%parallel_loop3A_695, %parallel_loop3A_696] {strides = array<i32>} : memref<128x128xf32, #tpu.memory_space<vmem>>, vector<1x16xf32>,
          %parallel_loop3A_698 = vector.shape_cast %parallel_loop3A_697 : vector<1x16xf32> to vector<16xf32>
          %parallel_loop3A_699 = vector.shape_cast %parallel_loop3A_694 : vector<16xf32> to vector<1x16xf32>
          tpu.vector_store %arg10[%parallel_loop3A_695, %parallel_loop3A_696], %parallel_loop3A_699 {strides = array<i32>} : memref<128x128xf32, #tpu.memory_space<vmem>>, vector<1x16xf32>,
          %parallel_loop3A_700 = arith.index_cast %parallel_loop3A_677 : i32 to index
          %parallel_loop3A_701 = arith.constant 32 : index
          %parallel_loop3A_702 = tpu.vector_load %arg10[%parallel_loop3A_700, %parallel_loop3A_701] {strides = array<i32>} : memref<128x128xf32, #tpu.memory_space<vmem>>, vector<1x16xf32>,
          %parallel_loop3A_703 = vector.shape_cast %parallel_loop3A_702 : vector<1x16xf32> to vector<16xf32>
          %parallel_loop3A_704 = vector.broadcast %parallel_loop3A_673 : f32 to vector<16xf32>
          %parallel_loop3A_705 = arith.mulf %parallel_loop3A_703, %parallel_loop3A_704 : vector<16xf32>
          %parallel_loop3A_706 = arith.index_cast %parallel_loop3A_677 : i32 to index
          %parallel_loop3A_707 = arith.constant 32 : index
          %parallel_loop3A_708 = tpu.vector_load %arg10[%parallel_loop3A_706, %parallel_loop3A_707] {strides = array<i32>} : memref<128x128xf32, #tpu.memory_space<vmem>>, vector<1x16xf32>,
          %parallel_loop3A_709 = vector.shape_cast %parallel_loop3A_708 : vector<1x16xf32> to vector<16xf32>
          %parallel_loop3A_710 = vector.shape_cast %parallel_loop3A_705 : vector<16xf32> to vector<1x16xf32>
          tpu.vector_store %arg10[%parallel_loop3A_706, %parallel_loop3A_707], %parallel_loop3A_710 {strides = array<i32>} : memref<128x128xf32, #tpu.memory_space<vmem>>, vector<1x16xf32>,
          %parallel_loop3A_711 = arith.index_cast %parallel_loop3A_677 : i32 to index
          %parallel_loop3A_712 = arith.constant 48 : index
          %parallel_loop3A_713 = tpu.vector_load %arg10[%parallel_loop3A_711, %parallel_loop3A_712] {strides = array<i32>} : memref<128x128xf32, #tpu.memory_space<vmem>>, vector<1x16xf32>,
          %parallel_loop3A_714 = vector.shape_cast %parallel_loop3A_713 : vector<1x16xf32> to vector<16xf32>
          %parallel_loop3A_715 = vector.broadcast %parallel_loop3A_673 : f32 to vector<16xf32>
          %parallel_loop3A_716 = arith.mulf %parallel_loop3A_714, %parallel_loop3A_715 : vector<16xf32>
          %parallel_loop3A_717 = arith.index_cast %parallel_loop3A_677 : i32 to index
          %parallel_loop3A_718 = arith.constant 48 : index
          %parallel_loop3A_719 = tpu.vector_load %arg10[%parallel_loop3A_717, %parallel_loop3A_718] {strides = array<i32>} : memref<128x128xf32, #tpu.memory_space<vmem>>, vector<1x16xf32>,
          %parallel_loop3A_720 = vector.shape_cast %parallel_loop3A_719 : vector<1x16xf32> to vector<16xf32>
          %parallel_loop3A_721 = vector.shape_cast %parallel_loop3A_716 : vector<16xf32> to vector<1x16xf32>
          tpu.vector_store %arg10[%parallel_loop3A_717, %parallel_loop3A_718], %parallel_loop3A_721 {strides = array<i32>} : memref<128x128xf32, #tpu.memory_space<vmem>>, vector<1x16xf32>,
          %parallel_loop3A_722 = arith.index_cast %parallel_loop3A_677 : i32 to index
          %parallel_loop3A_723 = arith.constant 64 : index
          %parallel_loop3A_724 = tpu.vector_load %arg10[%parallel_loop3A_722, %parallel_loop3A_723] {strides = array<i32>} : memref<128x128xf32, #tpu.memory_space<vmem>>, vector<1x16xf32>,
          %parallel_loop3A_725 = vector.shape_cast %parallel_loop3A_724 : vector<1x16xf32> to vector<16xf32>
          %parallel_loop3A_726 = vector.broadcast %parallel_loop3A_673 : f32 to vector<16xf32>
          %parallel_loop3A_727 = arith.mulf %parallel_loop3A_725, %parallel_loop3A_726 : vector<16xf32>
          %parallel_loop3A_728 = arith.index_cast %parallel_loop3A_677 : i32 to index
          %parallel_loop3A_729 = arith.constant 64 : index
          %parallel_loop3A_730 = tpu.vector_load %arg10[%parallel_loop3A_728, %parallel_loop3A_729] {strides = array<i32>} : memref<128x128xf32, #tpu.memory_space<vmem>>, vector<1x16xf32>,
          %parallel_loop3A_731 = vector.shape_cast %parallel_loop3A_730 : vector<1x16xf32> to vector<16xf32>
          %parallel_loop3A_732 = vector.shape_cast %parallel_loop3A_727 : vector<16xf32> to vector<1x16xf32>
          tpu.vector_store %arg10[%parallel_loop3A_728, %parallel_loop3A_729], %parallel_loop3A_732 {strides = array<i32>} : memref<128x128xf32, #tpu.memory_space<vmem>>, vector<1x16xf32>,
          %parallel_loop3A_733 = arith.index_cast %parallel_loop3A_677 : i32 to index
          %parallel_loop3A_734 = arith.constant 80 : index
          %parallel_loop3A_735 = tpu.vector_load %arg10[%parallel_loop3A_733, %parallel_loop3A_734] {strides = array<i32>} : memref<128x128xf32, #tpu.memory_space<vmem>>, vector<1x16xf32>,
          %parallel_loop3A_736 = vector.shape_cast %parallel_loop3A_735 : vector<1x16xf32> to vector<16xf32>
          %parallel_loop3A_737 = vector.broadcast %parallel_loop3A_673 : f32 to vector<16xf32>
          %parallel_loop3A_738 = arith.mulf %parallel_loop3A_736, %parallel_loop3A_737 : vector<16xf32>
          %parallel_loop3A_739 = arith.index_cast %parallel_loop3A_677 : i32 to index
          %parallel_loop3A_740 = arith.constant 80 : index
          %parallel_loop3A_741 = tpu.vector_load %arg10[%parallel_loop3A_739, %parallel_loop3A_740] {strides = array<i32>} : memref<128x128xf32, #tpu.memory_space<vmem>>, vector<1x16xf32>,
          %parallel_loop3A_742 = vector.shape_cast %parallel_loop3A_741 : vector<1x16xf32> to vector<16xf32>
          %parallel_loop3A_743 = vector.shape_cast %parallel_loop3A_738 : vector<16xf32> to vector<1x16xf32>
          tpu.vector_store %arg10[%parallel_loop3A_739, %parallel_loop3A_740], %parallel_loop3A_743 {strides = array<i32>} : memref<128x128xf32, #tpu.memory_space<vmem>>, vector<1x16xf32>,
          %parallel_loop3A_744 = arith.index_cast %parallel_loop3A_677 : i32 to index
          %parallel_loop3A_745 = arith.constant 96 : index
          %parallel_loop3A_746 = tpu.vector_load %arg10[%parallel_loop3A_744, %parallel_loop3A_745] {strides = array<i32>} : memref<128x128xf32, #tpu.memory_space<vmem>>, vector<1x16xf32>,
          %parallel_loop3A_747 = vector.shape_cast %parallel_loop3A_746 : vector<1x16xf32> to vector<16xf32>
          %parallel_loop3A_748 = vector.broadcast %parallel_loop3A_673 : f32 to vector<16xf32>
          %parallel_loop3A_749 = arith.mulf %parallel_loop3A_747, %parallel_loop3A_748 : vector<16xf32>
          %parallel_loop3A_750 = arith.index_cast %parallel_loop3A_677 : i32 to index
          %parallel_loop3A_751 = arith.constant 96 : index
          %parallel_loop3A_752 = tpu.vector_load %arg10[%parallel_loop3A_750, %parallel_loop3A_751] {strides = array<i32>} : memref<128x128xf32, #tpu.memory_space<vmem>>, vector<1x16xf32>,
          %parallel_loop3A_753 = vector.shape_cast %parallel_loop3A_752 : vector<1x16xf32> to vector<16xf32>
          %parallel_loop3A_754 = vector.shape_cast %parallel_loop3A_749 : vector<16xf32> to vector<1x16xf32>
          tpu.vector_store %arg10[%parallel_loop3A_750, %parallel_loop3A_751], %parallel_loop3A_754 {strides = array<i32>} : memref<128x128xf32, #tpu.memory_space<vmem>>, vector<1x16xf32>,
          %parallel_loop3A_755 = arith.index_cast %parallel_loop3A_677 : i32 to index
          %parallel_loop3A_756 = arith.constant 112 : index
          %parallel_loop3A_757 = tpu.vector_load %arg10[%parallel_loop3A_755, %parallel_loop3A_756] {strides = array<i32>} : memref<128x128xf32, #tpu.memory_space<vmem>>, vector<1x16xf32>,
          %parallel_loop3A_758 = vector.shape_cast %parallel_loop3A_757 : vector<1x16xf32> to vector<16xf32>
          %parallel_loop3A_759 = vector.broadcast %parallel_loop3A_673 : f32 to vector<16xf32>
          %parallel_loop3A_760 = arith.mulf %parallel_loop3A_758, %parallel_loop3A_759 : vector<16xf32>
          %parallel_loop3A_761 = arith.index_cast %parallel_loop3A_677 : i32 to index
          %parallel_loop3A_762 = arith.constant 112 : index
          %parallel_loop3A_763 = tpu.vector_load %arg10[%parallel_loop3A_761, %parallel_loop3A_762] {strides = array<i32>} : memref<128x128xf32, #tpu.memory_space<vmem>>, vector<1x16xf32>,
          %parallel_loop3A_764 = vector.shape_cast %parallel_loop3A_763 : vector<1x16xf32> to vector<16xf32>
          %parallel_loop3A_765 = vector.shape_cast %parallel_loop3A_760 : vector<16xf32> to vector<1x16xf32>
          tpu.vector_store %arg10[%parallel_loop3A_761, %parallel_loop3A_762], %parallel_loop3A_765 {strides = array<i32>} : memref<128x128xf32, #tpu.memory_space<vmem>>, vector<1x16xf32>,
          %parallel_loop3A_766 = vector.extract_strided_slice %parallel_loop3A_201 {offsets = [6], sizes = [1], strides = [1]} : vector<16xf32> to vector<1xf32>
          %parallel_loop3A_767 = vector.extract %parallel_loop3A_766[0] : f32 from vector<1xf32>
          %parallel_loop3A_768 = arith.constant 16 : i32
          %parallel_loop3A_769 = arith.muli %parallel_loop3A_195, %parallel_loop3A_768 : i32
          %parallel_loop3A_770 = arith.constant 6 : i32
          %parallel_loop3A_771 = arith.addi %parallel_loop3A_769, %parallel_loop3A_770 : i32
          %parallel_loop3A_772 = arith.index_cast %parallel_loop3A_771 : i32 to index
          %parallel_loop3A_773 = arith.constant 0 : index
          %parallel_loop3A_774 = tpu.vector_load %arg10[%parallel_loop3A_772, %parallel_loop3A_773] {strides = array<i32>} : memref<128x128xf32, #tpu.memory_space<vmem>>, vector<1x16xf32>,
          %parallel_loop3A_775 = vector.shape_cast %parallel_loop3A_774 : vector<1x16xf32> to vector<16xf32>
          %parallel_loop3A_776 = vector.broadcast %parallel_loop3A_767 : f32 to vector<16xf32>
          %parallel_loop3A_777 = arith.mulf %parallel_loop3A_775, %parallel_loop3A_776 : vector<16xf32>
          %parallel_loop3A_778 = arith.index_cast %parallel_loop3A_771 : i32 to index
          %parallel_loop3A_779 = arith.constant 0 : index
          %parallel_loop3A_780 = tpu.vector_load %arg10[%parallel_loop3A_778, %parallel_loop3A_779] {strides = array<i32>} : memref<128x128xf32, #tpu.memory_space<vmem>>, vector<1x16xf32>,
          %parallel_loop3A_781 = vector.shape_cast %parallel_loop3A_780 : vector<1x16xf32> to vector<16xf32>
          %parallel_loop3A_782 = vector.shape_cast %parallel_loop3A_777 : vector<16xf32> to vector<1x16xf32>
          tpu.vector_store %arg10[%parallel_loop3A_778, %parallel_loop3A_779], %parallel_loop3A_782 {strides = array<i32>} : memref<128x128xf32, #tpu.memory_space<vmem>>, vector<1x16xf32>,
          %parallel_loop3A_783 = arith.index_cast %parallel_loop3A_771 : i32 to index
          %parallel_loop3A_784 = arith.constant 16 : index
          %parallel_loop3A_785 = tpu.vector_load %arg10[%parallel_loop3A_783, %parallel_loop3A_784] {strides = array<i32>} : memref<128x128xf32, #tpu.memory_space<vmem>>, vector<1x16xf32>,
          %parallel_loop3A_786 = vector.shape_cast %parallel_loop3A_785 : vector<1x16xf32> to vector<16xf32>
          %parallel_loop3A_787 = vector.broadcast %parallel_loop3A_767 : f32 to vector<16xf32>
          %parallel_loop3A_788 = arith.mulf %parallel_loop3A_786, %parallel_loop3A_787 : vector<16xf32>
          %parallel_loop3A_789 = arith.index_cast %parallel_loop3A_771 : i32 to index
          %parallel_loop3A_790 = arith.constant 16 : index
          %parallel_loop3A_791 = tpu.vector_load %arg10[%parallel_loop3A_789, %parallel_loop3A_790] {strides = array<i32>} : memref<128x128xf32, #tpu.memory_space<vmem>>, vector<1x16xf32>,
          %parallel_loop3A_792 = vector.shape_cast %parallel_loop3A_791 : vector<1x16xf32> to vector<16xf32>
          %parallel_loop3A_793 = vector.shape_cast %parallel_loop3A_788 : vector<16xf32> to vector<1x16xf32>
          tpu.vector_store %arg10[%parallel_loop3A_789, %parallel_loop3A_790], %parallel_loop3A_793 {strides = array<i32>} : memref<128x128xf32, #tpu.memory_space<vmem>>, vector<1x16xf32>,
          %parallel_loop3A_794 = arith.index_cast %parallel_loop3A_771 : i32 to index
          %parallel_loop3A_795 = arith.constant 32 : index
          %parallel_loop3A_796 = tpu.vector_load %arg10[%parallel_loop3A_794, %parallel_loop3A_795] {strides = array<i32>} : memref<128x128xf32, #tpu.memory_space<vmem>>, vector<1x16xf32>,
          %parallel_loop3A_797 = vector.shape_cast %parallel_loop3A_796 : vector<1x16xf32> to vector<16xf32>
          %parallel_loop3A_798 = vector.broadcast %parallel_loop3A_767 : f32 to vector<16xf32>
          %parallel_loop3A_799 = arith.mulf %parallel_loop3A_797, %parallel_loop3A_798 : vector<16xf32>
          %parallel_loop3A_800 = arith.index_cast %parallel_loop3A_771 : i32 to index
          %parallel_loop3A_801 = arith.constant 32 : index
          %parallel_loop3A_802 = tpu.vector_load %arg10[%parallel_loop3A_800, %parallel_loop3A_801] {strides = array<i32>} : memref<128x128xf32, #tpu.memory_space<vmem>>, vector<1x16xf32>,
          %parallel_loop3A_803 = vector.shape_cast %parallel_loop3A_802 : vector<1x16xf32> to vector<16xf32>
          %parallel_loop3A_804 = vector.shape_cast %parallel_loop3A_799 : vector<16xf32> to vector<1x16xf32>
          tpu.vector_store %arg10[%parallel_loop3A_800, %parallel_loop3A_801], %parallel_loop3A_804 {strides = array<i32>} : memref<128x128xf32, #tpu.memory_space<vmem>>, vector<1x16xf32>,
          %parallel_loop3A_805 = arith.index_cast %parallel_loop3A_771 : i32 to index
          %parallel_loop3A_806 = arith.constant 48 : index
          %parallel_loop3A_807 = tpu.vector_load %arg10[%parallel_loop3A_805, %parallel_loop3A_806] {strides = array<i32>} : memref<128x128xf32, #tpu.memory_space<vmem>>, vector<1x16xf32>,
          %parallel_loop3A_808 = vector.shape_cast %parallel_loop3A_807 : vector<1x16xf32> to vector<16xf32>
          %parallel_loop3A_809 = vector.broadcast %parallel_loop3A_767 : f32 to vector<16xf32>
          %parallel_loop3A_810 = arith.mulf %parallel_loop3A_808, %parallel_loop3A_809 : vector<16xf32>
          %parallel_loop3A_811 = arith.index_cast %parallel_loop3A_771 : i32 to index
          %parallel_loop3A_812 = arith.constant 48 : index
          %parallel_loop3A_813 = tpu.vector_load %arg10[%parallel_loop3A_811, %parallel_loop3A_812] {strides = array<i32>} : memref<128x128xf32, #tpu.memory_space<vmem>>, vector<1x16xf32>,
          %parallel_loop3A_814 = vector.shape_cast %parallel_loop3A_813 : vector<1x16xf32> to vector<16xf32>
          %parallel_loop3A_815 = vector.shape_cast %parallel_loop3A_810 : vector<16xf32> to vector<1x16xf32>
          tpu.vector_store %arg10[%parallel_loop3A_811, %parallel_loop3A_812], %parallel_loop3A_815 {strides = array<i32>} : memref<128x128xf32, #tpu.memory_space<vmem>>, vector<1x16xf32>,
          %parallel_loop3A_816 = arith.index_cast %parallel_loop3A_771 : i32 to index
          %parallel_loop3A_817 = arith.constant 64 : index
          %parallel_loop3A_818 = tpu.vector_load %arg10[%parallel_loop3A_816, %parallel_loop3A_817] {strides = array<i32>} : memref<128x128xf32, #tpu.memory_space<vmem>>, vector<1x16xf32>,
          %parallel_loop3A_819 = vector.shape_cast %parallel_loop3A_818 : vector<1x16xf32> to vector<16xf32>
          %parallel_loop3A_820 = vector.broadcast %parallel_loop3A_767 : f32 to vector<16xf32>
          %parallel_loop3A_821 = arith.mulf %parallel_loop3A_819, %parallel_loop3A_820 : vector<16xf32>
          %parallel_loop3A_822 = arith.index_cast %parallel_loop3A_771 : i32 to index
          %parallel_loop3A_823 = arith.constant 64 : index
          %parallel_loop3A_824 = tpu.vector_load %arg10[%parallel_loop3A_822, %parallel_loop3A_823] {strides = array<i32>} : memref<128x128xf32, #tpu.memory_space<vmem>>, vector<1x16xf32>,
          %parallel_loop3A_825 = vector.shape_cast %parallel_loop3A_824 : vector<1x16xf32> to vector<16xf32>
          %parallel_loop3A_826 = vector.shape_cast %parallel_loop3A_821 : vector<16xf32> to vector<1x16xf32>
          tpu.vector_store %arg10[%parallel_loop3A_822, %parallel_loop3A_823], %parallel_loop3A_826 {strides = array<i32>} : memref<128x128xf32, #tpu.memory_space<vmem>>, vector<1x16xf32>,
          %parallel_loop3A_827 = arith.index_cast %parallel_loop3A_771 : i32 to index
          %parallel_loop3A_828 = arith.constant 80 : index
          %parallel_loop3A_829 = tpu.vector_load %arg10[%parallel_loop3A_827, %parallel_loop3A_828] {strides = array<i32>} : memref<128x128xf32, #tpu.memory_space<vmem>>, vector<1x16xf32>,
          %parallel_loop3A_830 = vector.shape_cast %parallel_loop3A_829 : vector<1x16xf32> to vector<16xf32>
          %parallel_loop3A_831 = vector.broadcast %parallel_loop3A_767 : f32 to vector<16xf32>
          %parallel_loop3A_832 = arith.mulf %parallel_loop3A_830, %parallel_loop3A_831 : vector<16xf32>
          %parallel_loop3A_833 = arith.index_cast %parallel_loop3A_771 : i32 to index
          %parallel_loop3A_834 = arith.constant 80 : index
          %parallel_loop3A_835 = tpu.vector_load %arg10[%parallel_loop3A_833, %parallel_loop3A_834] {strides = array<i32>} : memref<128x128xf32, #tpu.memory_space<vmem>>, vector<1x16xf32>,
          %parallel_loop3A_836 = vector.shape_cast %parallel_loop3A_835 : vector<1x16xf32> to vector<16xf32>
          %parallel_loop3A_837 = vector.shape_cast %parallel_loop3A_832 : vector<16xf32> to vector<1x16xf32>
          tpu.vector_store %arg10[%parallel_loop3A_833, %parallel_loop3A_834], %parallel_loop3A_837 {strides = array<i32>} : memref<128x128xf32, #tpu.memory_space<vmem>>, vector<1x16xf32>,
          %parallel_loop3A_838 = arith.index_cast %parallel_loop3A_771 : i32 to index
          %parallel_loop3A_839 = arith.constant 96 : index
          %parallel_loop3A_840 = tpu.vector_load %arg10[%parallel_loop3A_838, %parallel_loop3A_839] {strides = array<i32>} : memref<128x128xf32, #tpu.memory_space<vmem>>, vector<1x16xf32>,
          %parallel_loop3A_841 = vector.shape_cast %parallel_loop3A_840 : vector<1x16xf32> to vector<16xf32>
          %parallel_loop3A_842 = vector.broadcast %parallel_loop3A_767 : f32 to vector<16xf32>
          %parallel_loop3A_843 = arith.mulf %parallel_loop3A_841, %parallel_loop3A_842 : vector<16xf32>
          %parallel_loop3A_844 = arith.index_cast %parallel_loop3A_771 : i32 to index
          %parallel_loop3A_845 = arith.constant 96 : index
          %parallel_loop3A_846 = tpu.vector_load %arg10[%parallel_loop3A_844, %parallel_loop3A_845] {strides = array<i32>} : memref<128x128xf32, #tpu.memory_space<vmem>>, vector<1x16xf32>,
          %parallel_loop3A_847 = vector.shape_cast %parallel_loop3A_846 : vector<1x16xf32> to vector<16xf32>
          %parallel_loop3A_848 = vector.shape_cast %parallel_loop3A_843 : vector<16xf32> to vector<1x16xf32>
          tpu.vector_store %arg10[%parallel_loop3A_844, %parallel_loop3A_845], %parallel_loop3A_848 {strides = array<i32>} : memref<128x128xf32, #tpu.memory_space<vmem>>, vector<1x16xf32>,
          %parallel_loop3A_849 = arith.index_cast %parallel_loop3A_771 : i32 to index
          %parallel_loop3A_850 = arith.constant 112 : index
          %parallel_loop3A_851 = tpu.vector_load %arg10[%parallel_loop3A_849, %parallel_loop3A_850] {strides = array<i32>} : memref<128x128xf32, #tpu.memory_space<vmem>>, vector<1x16xf32>,
          %parallel_loop3A_852 = vector.shape_cast %parallel_loop3A_851 : vector<1x16xf32> to vector<16xf32>
          %parallel_loop3A_853 = vector.broadcast %parallel_loop3A_767 : f32 to vector<16xf32>
          %parallel_loop3A_854 = arith.mulf %parallel_loop3A_852, %parallel_loop3A_853 : vector<16xf32>
          %parallel_loop3A_855 = arith.index_cast %parallel_loop3A_771 : i32 to index
          %parallel_loop3A_856 = arith.constant 112 : index
          %parallel_loop3A_857 = tpu.vector_load %arg10[%parallel_loop3A_855, %parallel_loop3A_856] {strides = array<i32>} : memref<128x128xf32, #tpu.memory_space<vmem>>, vector<1x16xf32>,
          %parallel_loop3A_858 = vector.shape_cast %parallel_loop3A_857 : vector<1x16xf32> to vector<16xf32>
          %parallel_loop3A_859 = vector.shape_cast %parallel_loop3A_854 : vector<16xf32> to vector<1x16xf32>
          tpu.vector_store %arg10[%parallel_loop3A_855, %parallel_loop3A_856], %parallel_loop3A_859 {strides = array<i32>} : memref<128x128xf32, #tpu.memory_space<vmem>>, vector<1x16xf32>,
          %parallel_loop3A_860 = vector.extract_strided_slice %parallel_loop3A_201 {offsets = [7], sizes = [1], strides = [1]} : vector<16xf32> to vector<1xf32>
          %parallel_loop3A_861 = vector.extract %parallel_loop3A_860[0] : f32 from vector<1xf32>
          %parallel_loop3A_862 = arith.constant 16 : i32
          %parallel_loop3A_863 = arith.muli %parallel_loop3A_195, %parallel_loop3A_862 : i32
          %parallel_loop3A_864 = arith.constant 7 : i32
          %parallel_loop3A_865 = arith.addi %parallel_loop3A_863, %parallel_loop3A_864 : i32
          %parallel_loop3A_866 = arith.index_cast %parallel_loop3A_865 : i32 to index
          %parallel_loop3A_867 = arith.constant 0 : index
          %parallel_loop3A_868 = tpu.vector_load %arg10[%parallel_loop3A_866, %parallel_loop3A_867] {strides = array<i32>} : memref<128x128xf32, #tpu.memory_space<vmem>>, vector<1x16xf32>,
          %parallel_loop3A_869 = vector.shape_cast %parallel_loop3A_868 : vector<1x16xf32> to vector<16xf32>
          %parallel_loop3A_870 = vector.broadcast %parallel_loop3A_861 : f32 to vector<16xf32>
          %parallel_loop3A_871 = arith.mulf %parallel_loop3A_869, %parallel_loop3A_870 : vector<16xf32>
          %parallel_loop3A_872 = arith.index_cast %parallel_loop3A_865 : i32 to index
          %parallel_loop3A_873 = arith.constant 0 : index
          %parallel_loop3A_874 = tpu.vector_load %arg10[%parallel_loop3A_872, %parallel_loop3A_873] {strides = array<i32>} : memref<128x128xf32, #tpu.memory_space<vmem>>, vector<1x16xf32>,
          %parallel_loop3A_875 = vector.shape_cast %parallel_loop3A_874 : vector<1x16xf32> to vector<16xf32>
          %parallel_loop3A_876 = vector.shape_cast %parallel_loop3A_871 : vector<16xf32> to vector<1x16xf32>
          tpu.vector_store %arg10[%parallel_loop3A_872, %parallel_loop3A_873], %parallel_loop3A_876 {strides = array<i32>} : memref<128x128xf32, #tpu.memory_space<vmem>>, vector<1x16xf32>,
          %parallel_loop3A_877 = arith.index_cast %parallel_loop3A_865 : i32 to index
          %parallel_loop3A_878 = arith.constant 16 : index
          %parallel_loop3A_879 = tpu.vector_load %arg10[%parallel_loop3A_877, %parallel_loop3A_878] {strides = array<i32>} : memref<128x128xf32, #tpu.memory_space<vmem>>, vector<1x16xf32>,
          %parallel_loop3A_880 = vector.shape_cast %parallel_loop3A_879 : vector<1x16xf32> to vector<16xf32>
          %parallel_loop3A_881 = vector.broadcast %parallel_loop3A_861 : f32 to vector<16xf32>
          %parallel_loop3A_882 = arith.mulf %parallel_loop3A_880, %parallel_loop3A_881 : vector<16xf32>
          %parallel_loop3A_883 = arith.index_cast %parallel_loop3A_865 : i32 to index
          %parallel_loop3A_884 = arith.constant 16 : index
          %parallel_loop3A_885 = tpu.vector_load %arg10[%parallel_loop3A_883, %parallel_loop3A_884] {strides = array<i32>} : memref<128x128xf32, #tpu.memory_space<vmem>>, vector<1x16xf32>,
          %parallel_loop3A_886 = vector.shape_cast %parallel_loop3A_885 : vector<1x16xf32> to vector<16xf32>
          %parallel_loop3A_887 = vector.shape_cast %parallel_loop3A_882 : vector<16xf32> to vector<1x16xf32>
          tpu.vector_store %arg10[%parallel_loop3A_883, %parallel_loop3A_884], %parallel_loop3A_887 {strides = array<i32>} : memref<128x128xf32, #tpu.memory_space<vmem>>, vector<1x16xf32>,
          %parallel_loop3A_888 = arith.index_cast %parallel_loop3A_865 : i32 to index
          %parallel_loop3A_889 = arith.constant 32 : index
          %parallel_loop3A_890 = tpu.vector_load %arg10[%parallel_loop3A_888, %parallel_loop3A_889] {strides = array<i32>} : memref<128x128xf32, #tpu.memory_space<vmem>>, vector<1x16xf32>,
          %parallel_loop3A_891 = vector.shape_cast %parallel_loop3A_890 : vector<1x16xf32> to vector<16xf32>
          %parallel_loop3A_892 = vector.broadcast %parallel_loop3A_861 : f32 to vector<16xf32>
          %parallel_loop3A_893 = arith.mulf %parallel_loop3A_891, %parallel_loop3A_892 : vector<16xf32>
          %parallel_loop3A_894 = arith.index_cast %parallel_loop3A_865 : i32 to index
          %parallel_loop3A_895 = arith.constant 32 : index
          %parallel_loop3A_896 = tpu.vector_load %arg10[%parallel_loop3A_894, %parallel_loop3A_895] {strides = array<i32>} : memref<128x128xf32, #tpu.memory_space<vmem>>, vector<1x16xf32>,
          %parallel_loop3A_897 = vector.shape_cast %parallel_loop3A_896 : vector<1x16xf32> to vector<16xf32>
          %parallel_loop3A_898 = vector.shape_cast %parallel_loop3A_893 : vector<16xf32> to vector<1x16xf32>
          tpu.vector_store %arg10[%parallel_loop3A_894, %parallel_loop3A_895], %parallel_loop3A_898 {strides = array<i32>} : memref<128x128xf32, #tpu.memory_space<vmem>>, vector<1x16xf32>,
          %parallel_loop3A_899 = arith.index_cast %parallel_loop3A_865 : i32 to index
          %parallel_loop3A_900 = arith.constant 48 : index
          %parallel_loop3A_901 = tpu.vector_load %arg10[%parallel_loop3A_899, %parallel_loop3A_900] {strides = array<i32>} : memref<128x128xf32, #tpu.memory_space<vmem>>, vector<1x16xf32>,
          %parallel_loop3A_902 = vector.shape_cast %parallel_loop3A_901 : vector<1x16xf32> to vector<16xf32>
          %parallel_loop3A_903 = vector.broadcast %parallel_loop3A_861 : f32 to vector<16xf32>
          %parallel_loop3A_904 = arith.mulf %parallel_loop3A_902, %parallel_loop3A_903 : vector<16xf32>
          %parallel_loop3A_905 = arith.index_cast %parallel_loop3A_865 : i32 to index
          %parallel_loop3A_906 = arith.constant 48 : index
          %parallel_loop3A_907 = tpu.vector_load %arg10[%parallel_loop3A_905, %parallel_loop3A_906] {strides = array<i32>} : memref<128x128xf32, #tpu.memory_space<vmem>>, vector<1x16xf32>,
          %parallel_loop3A_908 = vector.shape_cast %parallel_loop3A_907 : vector<1x16xf32> to vector<16xf32>
          %parallel_loop3A_909 = vector.shape_cast %parallel_loop3A_904 : vector<16xf32> to vector<1x16xf32>
          tpu.vector_store %arg10[%parallel_loop3A_905, %parallel_loop3A_906], %parallel_loop3A_909 {strides = array<i32>} : memref<128x128xf32, #tpu.memory_space<vmem>>, vector<1x16xf32>,
          %parallel_loop3A_910 = arith.index_cast %parallel_loop3A_865 : i32 to index
          %parallel_loop3A_911 = arith.constant 64 : index
          %parallel_loop3A_912 = tpu.vector_load %arg10[%parallel_loop3A_910, %parallel_loop3A_911] {strides = array<i32>} : memref<128x128xf32, #tpu.memory_space<vmem>>, vector<1x16xf32>,
          %parallel_loop3A_913 = vector.shape_cast %parallel_loop3A_912 : vector<1x16xf32> to vector<16xf32>
          %parallel_loop3A_914 = vector.broadcast %parallel_loop3A_861 : f32 to vector<16xf32>
          %parallel_loop3A_915 = arith.mulf %parallel_loop3A_913, %parallel_loop3A_914 : vector<16xf32>
          %parallel_loop3A_916 = arith.index_cast %parallel_loop3A_865 : i32 to index
          %parallel_loop3A_917 = arith.constant 64 : index
          %parallel_loop3A_918 = tpu.vector_load %arg10[%parallel_loop3A_916, %parallel_loop3A_917] {strides = array<i32>} : memref<128x128xf32, #tpu.memory_space<vmem>>, vector<1x16xf32>,
          %parallel_loop3A_919 = vector.shape_cast %parallel_loop3A_918 : vector<1x16xf32> to vector<16xf32>
          %parallel_loop3A_920 = vector.shape_cast %parallel_loop3A_915 : vector<16xf32> to vector<1x16xf32>
          tpu.vector_store %arg10[%parallel_loop3A_916, %parallel_loop3A_917], %parallel_loop3A_920 {strides = array<i32>} : memref<128x128xf32, #tpu.memory_space<vmem>>, vector<1x16xf32>,
          %parallel_loop3A_921 = arith.index_cast %parallel_loop3A_865 : i32 to index
          %parallel_loop3A_922 = arith.constant 80 : index
          %parallel_loop3A_923 = tpu.vector_load %arg10[%parallel_loop3A_921, %parallel_loop3A_922] {strides = array<i32>} : memref<128x128xf32, #tpu.memory_space<vmem>>, vector<1x16xf32>,
          %parallel_loop3A_924 = vector.shape_cast %parallel_loop3A_923 : vector<1x16xf32> to vector<16xf32>
          %parallel_loop3A_925 = vector.broadcast %parallel_loop3A_861 : f32 to vector<16xf32>
          %parallel_loop3A_926 = arith.mulf %parallel_loop3A_924, %parallel_loop3A_925 : vector<16xf32>
          %parallel_loop3A_927 = arith.index_cast %parallel_loop3A_865 : i32 to index
          %parallel_loop3A_928 = arith.constant 80 : index
          %parallel_loop3A_929 = tpu.vector_load %arg10[%parallel_loop3A_927, %parallel_loop3A_928] {strides = array<i32>} : memref<128x128xf32, #tpu.memory_space<vmem>>, vector<1x16xf32>,
          %parallel_loop3A_930 = vector.shape_cast %parallel_loop3A_929 : vector<1x16xf32> to vector<16xf32>
          %parallel_loop3A_931 = vector.shape_cast %parallel_loop3A_926 : vector<16xf32> to vector<1x16xf32>
          tpu.vector_store %arg10[%parallel_loop3A_927, %parallel_loop3A_928], %parallel_loop3A_931 {strides = array<i32>} : memref<128x128xf32, #tpu.memory_space<vmem>>, vector<1x16xf32>,
          %parallel_loop3A_932 = arith.index_cast %parallel_loop3A_865 : i32 to index
          %parallel_loop3A_933 = arith.constant 96 : index
          %parallel_loop3A_934 = tpu.vector_load %arg10[%parallel_loop3A_932, %parallel_loop3A_933] {strides = array<i32>} : memref<128x128xf32, #tpu.memory_space<vmem>>, vector<1x16xf32>,
          %parallel_loop3A_935 = vector.shape_cast %parallel_loop3A_934 : vector<1x16xf32> to vector<16xf32>
          %parallel_loop3A_936 = vector.broadcast %parallel_loop3A_861 : f32 to vector<16xf32>
          %parallel_loop3A_937 = arith.mulf %parallel_loop3A_935, %parallel_loop3A_936 : vector<16xf32>
          %parallel_loop3A_938 = arith.index_cast %parallel_loop3A_865 : i32 to index
          %parallel_loop3A_939 = arith.constant 96 : index
          %parallel_loop3A_940 = tpu.vector_load %arg10[%parallel_loop3A_938, %parallel_loop3A_939] {strides = array<i32>} : memref<128x128xf32, #tpu.memory_space<vmem>>, vector<1x16xf32>,
          %parallel_loop3A_941 = vector.shape_cast %parallel_loop3A_940 : vector<1x16xf32> to vector<16xf32>
          %parallel_loop3A_942 = vector.shape_cast %parallel_loop3A_937 : vector<16xf32> to vector<1x16xf32>
          tpu.vector_store %arg10[%parallel_loop3A_938, %parallel_loop3A_939], %parallel_loop3A_942 {strides = array<i32>} : memref<128x128xf32, #tpu.memory_space<vmem>>, vector<1x16xf32>,
          %parallel_loop3A_943 = arith.index_cast %parallel_loop3A_865 : i32 to index
          %parallel_loop3A_944 = arith.constant 112 : index
          %parallel_loop3A_945 = tpu.vector_load %arg10[%parallel_loop3A_943, %parallel_loop3A_944] {strides = array<i32>} : memref<128x128xf32, #tpu.memory_space<vmem>>, vector<1x16xf32>,
          %parallel_loop3A_946 = vector.shape_cast %parallel_loop3A_945 : vector<1x16xf32> to vector<16xf32>
          %parallel_loop3A_947 = vector.broadcast %parallel_loop3A_861 : f32 to vector<16xf32>
          %parallel_loop3A_948 = arith.mulf %parallel_loop3A_946, %parallel_loop3A_947 : vector<16xf32>
          %parallel_loop3A_949 = arith.index_cast %parallel_loop3A_865 : i32 to index
          %parallel_loop3A_950 = arith.constant 112 : index
          %parallel_loop3A_951 = tpu.vector_load %arg10[%parallel_loop3A_949, %parallel_loop3A_950] {strides = array<i32>} : memref<128x128xf32, #tpu.memory_space<vmem>>, vector<1x16xf32>,
          %parallel_loop3A_952 = vector.shape_cast %parallel_loop3A_951 : vector<1x16xf32> to vector<16xf32>
          %parallel_loop3A_953 = vector.shape_cast %parallel_loop3A_948 : vector<16xf32> to vector<1x16xf32>
          tpu.vector_store %arg10[%parallel_loop3A_949, %parallel_loop3A_950], %parallel_loop3A_953 {strides = array<i32>} : memref<128x128xf32, #tpu.memory_space<vmem>>, vector<1x16xf32>,
          %parallel_loop3A_954 = vector.extract_strided_slice %parallel_loop3A_201 {offsets = [8], sizes = [1], strides = [1]} : vector<16xf32> to vector<1xf32>
          %parallel_loop3A_955 = vector.extract %parallel_loop3A_954[0] : f32 from vector<1xf32>
          %parallel_loop3A_956 = arith.constant 16 : i32
          %parallel_loop3A_957 = arith.muli %parallel_loop3A_195, %parallel_loop3A_956 : i32
          %parallel_loop3A_958 = arith.constant 8 : i32
          %parallel_loop3A_959 = arith.addi %parallel_loop3A_957, %parallel_loop3A_958 : i32
          %parallel_loop3A_960 = arith.index_cast %parallel_loop3A_959 : i32 to index
          %parallel_loop3A_961 = arith.constant 0 : index
          %parallel_loop3A_962 = tpu.vector_load %arg10[%parallel_loop3A_960, %parallel_loop3A_961] {strides = array<i32>} : memref<128x128xf32, #tpu.memory_space<vmem>>, vector<1x16xf32>,
          %parallel_loop3A_963 = vector.shape_cast %parallel_loop3A_962 : vector<1x16xf32> to vector<16xf32>
          %parallel_loop3A_964 = vector.broadcast %parallel_loop3A_955 : f32 to vector<16xf32>
          %parallel_loop3A_965 = arith.mulf %parallel_loop3A_963, %parallel_loop3A_964 : vector<16xf32>
          %parallel_loop3A_966 = arith.index_cast %parallel_loop3A_959 : i32 to index
          %parallel_loop3A_967 = arith.constant 0 : index
          %parallel_loop3A_968 = tpu.vector_load %arg10[%parallel_loop3A_966, %parallel_loop3A_967] {strides = array<i32>} : memref<128x128xf32, #tpu.memory_space<vmem>>, vector<1x16xf32>,
          %parallel_loop3A_969 = vector.shape_cast %parallel_loop3A_968 : vector<1x16xf32> to vector<16xf32>
          %parallel_loop3A_970 = vector.shape_cast %parallel_loop3A_965 : vector<16xf32> to vector<1x16xf32>
          tpu.vector_store %arg10[%parallel_loop3A_966, %parallel_loop3A_967], %parallel_loop3A_970 {strides = array<i32>} : memref<128x128xf32, #tpu.memory_space<vmem>>, vector<1x16xf32>,
          %parallel_loop3A_971 = arith.index_cast %parallel_loop3A_959 : i32 to index
          %parallel_loop3A_972 = arith.constant 16 : index
          %parallel_loop3A_973 = tpu.vector_load %arg10[%parallel_loop3A_971, %parallel_loop3A_972] {strides = array<i32>} : memref<128x128xf32, #tpu.memory_space<vmem>>, vector<1x16xf32>,
          %parallel_loop3A_974 = vector.shape_cast %parallel_loop3A_973 : vector<1x16xf32> to vector<16xf32>
          %parallel_loop3A_975 = vector.broadcast %parallel_loop3A_955 : f32 to vector<16xf32>
          %parallel_loop3A_976 = arith.mulf %parallel_loop3A_974, %parallel_loop3A_975 : vector<16xf32>
          %parallel_loop3A_977 = arith.index_cast %parallel_loop3A_959 : i32 to index
          %parallel_loop3A_978 = arith.constant 16 : index
          %parallel_loop3A_979 = tpu.vector_load %arg10[%parallel_loop3A_977, %parallel_loop3A_978] {strides = array<i32>} : memref<128x128xf32, #tpu.memory_space<vmem>>, vector<1x16xf32>,
          %parallel_loop3A_980 = vector.shape_cast %parallel_loop3A_979 : vector<1x16xf32> to vector<16xf32>
          %parallel_loop3A_981 = vector.shape_cast %parallel_loop3A_976 : vector<16xf32> to vector<1x16xf32>
          tpu.vector_store %arg10[%parallel_loop3A_977, %parallel_loop3A_978], %parallel_loop3A_981 {strides = array<i32>} : memref<128x128xf32, #tpu.memory_space<vmem>>, vector<1x16xf32>,
          %parallel_loop3A_982 = arith.index_cast %parallel_loop3A_959 : i32 to index
          %parallel_loop3A_983 = arith.constant 32 : index
          %parallel_loop3A_984 = tpu.vector_load %arg10[%parallel_loop3A_982, %parallel_loop3A_983] {strides = array<i32>} : memref<128x128xf32, #tpu.memory_space<vmem>>, vector<1x16xf32>,
          %parallel_loop3A_985 = vector.shape_cast %parallel_loop3A_984 : vector<1x16xf32> to vector<16xf32>
          %parallel_loop3A_986 = vector.broadcast %parallel_loop3A_955 : f32 to vector<16xf32>
          %parallel_loop3A_987 = arith.mulf %parallel_loop3A_985, %parallel_loop3A_986 : vector<16xf32>
          %parallel_loop3A_988 = arith.index_cast %parallel_loop3A_959 : i32 to index
          %parallel_loop3A_989 = arith.constant 32 : index
          %parallel_loop3A_990 = tpu.vector_load %arg10[%parallel_loop3A_988, %parallel_loop3A_989] {strides = array<i32>} : memref<128x128xf32, #tpu.memory_space<vmem>>, vector<1x16xf32>,
          %parallel_loop3A_991 = vector.shape_cast %parallel_loop3A_990 : vector<1x16xf32> to vector<16xf32>
          %parallel_loop3A_992 = vector.shape_cast %parallel_loop3A_987 : vector<16xf32> to vector<1x16xf32>
          tpu.vector_store %arg10[%parallel_loop3A_988, %parallel_loop3A_989], %parallel_loop3A_992 {strides = array<i32>} : memref<128x128xf32, #tpu.memory_space<vmem>>, vector<1x16xf32>,
          %parallel_loop3A_993 = arith.index_cast %parallel_loop3A_959 : i32 to index
          %parallel_loop3A_994 = arith.constant 48 : index
          %parallel_loop3A_995 = tpu.vector_load %arg10[%parallel_loop3A_993, %parallel_loop3A_994] {strides = array<i32>} : memref<128x128xf32, #tpu.memory_space<vmem>>, vector<1x16xf32>,
          %parallel_loop3A_996 = vector.shape_cast %parallel_loop3A_995 : vector<1x16xf32> to vector<16xf32>
          %parallel_loop3A_997 = vector.broadcast %parallel_loop3A_955 : f32 to vector<16xf32>
          %parallel_loop3A_998 = arith.mulf %parallel_loop3A_996, %parallel_loop3A_997 : vector<16xf32>
          %parallel_loop3A_999 = arith.index_cast %parallel_loop3A_959 : i32 to index
          %parallel_loop3A_1000 = arith.constant 48 : index
          %parallel_loop3A_1001 = tpu.vector_load %arg10[%parallel_loop3A_999, %parallel_loop3A_1000] {strides = array<i32>} : memref<128x128xf32, #tpu.memory_space<vmem>>, vector<1x16xf32>,
          %parallel_loop3A_1002 = vector.shape_cast %parallel_loop3A_1001 : vector<1x16xf32> to vector<16xf32>
          %parallel_loop3A_1003 = vector.shape_cast %parallel_loop3A_998 : vector<16xf32> to vector<1x16xf32>
          tpu.vector_store %arg10[%parallel_loop3A_999, %parallel_loop3A_1000], %parallel_loop3A_1003 {strides = array<i32>} : memref<128x128xf32, #tpu.memory_space<vmem>>, vector<1x16xf32>,
          %parallel_loop3A_1004 = arith.index_cast %parallel_loop3A_959 : i32 to index
          %parallel_loop3A_1005 = arith.constant 64 : index
          %parallel_loop3A_1006 = tpu.vector_load %arg10[%parallel_loop3A_1004, %parallel_loop3A_1005] {strides = array<i32>} : memref<128x128xf32, #tpu.memory_space<vmem>>, vector<1x16xf32>,
          %parallel_loop3A_1007 = vector.shape_cast %parallel_loop3A_1006 : vector<1x16xf32> to vector<16xf32>
          %parallel_loop3A_1008 = vector.broadcast %parallel_loop3A_955 : f32 to vector<16xf32>
          %parallel_loop3A_1009 = arith.mulf %parallel_loop3A_1007, %parallel_loop3A_1008 : vector<16xf32>
          %parallel_loop3A_1010 = arith.index_cast %parallel_loop3A_959 : i32 to index
          %parallel_loop3A_1011 = arith.constant 64 : index
          %parallel_loop3A_1012 = tpu.vector_load %arg10[%parallel_loop3A_1010, %parallel_loop3A_1011] {strides = array<i32>} : memref<128x128xf32, #tpu.memory_space<vmem>>, vector<1x16xf32>,
          %parallel_loop3A_1013 = vector.shape_cast %parallel_loop3A_1012 : vector<1x16xf32> to vector<16xf32>
          %parallel_loop3A_1014 = vector.shape_cast %parallel_loop3A_1009 : vector<16xf32> to vector<1x16xf32>
          tpu.vector_store %arg10[%parallel_loop3A_1010, %parallel_loop3A_1011], %parallel_loop3A_1014 {strides = array<i32>} : memref<128x128xf32, #tpu.memory_space<vmem>>, vector<1x16xf32>,
          %parallel_loop3A_1015 = arith.index_cast %parallel_loop3A_959 : i32 to index
          %parallel_loop3A_1016 = arith.constant 80 : index
          %parallel_loop3A_1017 = tpu.vector_load %arg10[%parallel_loop3A_1015, %parallel_loop3A_1016] {strides = array<i32>} : memref<128x128xf32, #tpu.memory_space<vmem>>, vector<1x16xf32>,
          %parallel_loop3A_1018 = vector.shape_cast %parallel_loop3A_1017 : vector<1x16xf32> to vector<16xf32>
          %parallel_loop3A_1019 = vector.broadcast %parallel_loop3A_955 : f32 to vector<16xf32>
          %parallel_loop3A_1020 = arith.mulf %parallel_loop3A_1018, %parallel_loop3A_1019 : vector<16xf32>
          %parallel_loop3A_1021 = arith.index_cast %parallel_loop3A_959 : i32 to index
          %parallel_loop3A_1022 = arith.constant 80 : index
          %parallel_loop3A_1023 = tpu.vector_load %arg10[%parallel_loop3A_1021, %parallel_loop3A_1022] {strides = array<i32>} : memref<128x128xf32, #tpu.memory_space<vmem>>, vector<1x16xf32>,
          %parallel_loop3A_1024 = vector.shape_cast %parallel_loop3A_1023 : vector<1x16xf32> to vector<16xf32>
          %parallel_loop3A_1025 = vector.shape_cast %parallel_loop3A_1020 : vector<16xf32> to vector<1x16xf32>
          tpu.vector_store %arg10[%parallel_loop3A_1021, %parallel_loop3A_1022], %parallel_loop3A_1025 {strides = array<i32>} : memref<128x128xf32, #tpu.memory_space<vmem>>, vector<1x16xf32>,
          %parallel_loop3A_1026 = arith.index_cast %parallel_loop3A_959 : i32 to index
          %parallel_loop3A_1027 = arith.constant 96 : index
          %parallel_loop3A_1028 = tpu.vector_load %arg10[%parallel_loop3A_1026, %parallel_loop3A_1027] {strides = array<i32>} : memref<128x128xf32, #tpu.memory_space<vmem>>, vector<1x16xf32>,
          %parallel_loop3A_1029 = vector.shape_cast %parallel_loop3A_1028 : vector<1x16xf32> to vector<16xf32>
          %parallel_loop3A_1030 = vector.broadcast %parallel_loop3A_955 : f32 to vector<16xf32>
          %parallel_loop3A_1031 = arith.mulf %parallel_loop3A_1029, %parallel_loop3A_1030 : vector<16xf32>
          %parallel_loop3A_1032 = arith.index_cast %parallel_loop3A_959 : i32 to index
          %parallel_loop3A_1033 = arith.constant 96 : index
          %parallel_loop3A_1034 = tpu.vector_load %arg10[%parallel_loop3A_1032, %parallel_loop3A_1033] {strides = array<i32>} : memref<128x128xf32, #tpu.memory_space<vmem>>, vector<1x16xf32>,
          %parallel_loop3A_1035 = vector.shape_cast %parallel_loop3A_1034 : vector<1x16xf32> to vector<16xf32>
          %parallel_loop3A_1036 = vector.shape_cast %parallel_loop3A_1031 : vector<16xf32> to vector<1x16xf32>
          tpu.vector_store %arg10[%parallel_loop3A_1032, %parallel_loop3A_1033], %parallel_loop3A_1036 {strides = array<i32>} : memref<128x128xf32, #tpu.memory_space<vmem>>, vector<1x16xf32>,
          %parallel_loop3A_1037 = arith.index_cast %parallel_loop3A_959 : i32 to index
          %parallel_loop3A_1038 = arith.constant 112 : index
          %parallel_loop3A_1039 = tpu.vector_load %arg10[%parallel_loop3A_1037, %parallel_loop3A_1038] {strides = array<i32>} : memref<128x128xf32, #tpu.memory_space<vmem>>, vector<1x16xf32>,
          %parallel_loop3A_1040 = vector.shape_cast %parallel_loop3A_1039 : vector<1x16xf32> to vector<16xf32>
          %parallel_loop3A_1041 = vector.broadcast %parallel_loop3A_955 : f32 to vector<16xf32>
          %parallel_loop3A_1042 = arith.mulf %parallel_loop3A_1040, %parallel_loop3A_1041 : vector<16xf32>
          %parallel_loop3A_1043 = arith.index_cast %parallel_loop3A_959 : i32 to index
          %parallel_loop3A_1044 = arith.constant 112 : index
          %parallel_loop3A_1045 = tpu.vector_load %arg10[%parallel_loop3A_1043, %parallel_loop3A_1044] {strides = array<i32>} : memref<128x128xf32, #tpu.memory_space<vmem>>, vector<1x16xf32>,
          %parallel_loop3A_1046 = vector.shape_cast %parallel_loop3A_1045 : vector<1x16xf32> to vector<16xf32>
          %parallel_loop3A_1047 = vector.shape_cast %parallel_loop3A_1042 : vector<16xf32> to vector<1x16xf32>
          tpu.vector_store %arg10[%parallel_loop3A_1043, %parallel_loop3A_1044], %parallel_loop3A_1047 {strides = array<i32>} : memref<128x128xf32, #tpu.memory_space<vmem>>, vector<1x16xf32>,
          %parallel_loop3A_1048 = vector.extract_strided_slice %parallel_loop3A_201 {offsets = [9], sizes = [1], strides = [1]} : vector<16xf32> to vector<1xf32>
          %parallel_loop3A_1049 = vector.extract %parallel_loop3A_1048[0] : f32 from vector<1xf32>
          %parallel_loop3A_1050 = arith.constant 16 : i32
          %parallel_loop3A_1051 = arith.muli %parallel_loop3A_195, %parallel_loop3A_1050 : i32
          %parallel_loop3A_1052 = arith.constant 9 : i32
          %parallel_loop3A_1053 = arith.addi %parallel_loop3A_1051, %parallel_loop3A_1052 : i32
          %parallel_loop3A_1054 = arith.index_cast %parallel_loop3A_1053 : i32 to index
          %parallel_loop3A_1055 = arith.constant 0 : index
          %parallel_loop3A_1056 = tpu.vector_load %arg10[%parallel_loop3A_1054, %parallel_loop3A_1055] {strides = array<i32>} : memref<128x128xf32, #tpu.memory_space<vmem>>, vector<1x16xf32>,
          %parallel_loop3A_1057 = vector.shape_cast %parallel_loop3A_1056 : vector<1x16xf32> to vector<16xf32>
          %parallel_loop3A_1058 = vector.broadcast %parallel_loop3A_1049 : f32 to vector<16xf32>
          %parallel_loop3A_1059 = arith.mulf %parallel_loop3A_1057, %parallel_loop3A_1058 : vector<16xf32>
          %parallel_loop3A_1060 = arith.index_cast %parallel_loop3A_1053 : i32 to index
          %parallel_loop3A_1061 = arith.constant 0 : index
          %parallel_loop3A_1062 = tpu.vector_load %arg10[%parallel_loop3A_1060, %parallel_loop3A_1061] {strides = array<i32>} : memref<128x128xf32, #tpu.memory_space<vmem>>, vector<1x16xf32>,
          %parallel_loop3A_1063 = vector.shape_cast %parallel_loop3A_1062 : vector<1x16xf32> to vector<16xf32>
          %parallel_loop3A_1064 = vector.shape_cast %parallel_loop3A_1059 : vector<16xf32> to vector<1x16xf32>
          tpu.vector_store %arg10[%parallel_loop3A_1060, %parallel_loop3A_1061], %parallel_loop3A_1064 {strides = array<i32>} : memref<128x128xf32, #tpu.memory_space<vmem>>, vector<1x16xf32>,
          %parallel_loop3A_1065 = arith.index_cast %parallel_loop3A_1053 : i32 to index
          %parallel_loop3A_1066 = arith.constant 16 : index
          %parallel_loop3A_1067 = tpu.vector_load %arg10[%parallel_loop3A_1065, %parallel_loop3A_1066] {strides = array<i32>} : memref<128x128xf32, #tpu.memory_space<vmem>>, vector<1x16xf32>,
          %parallel_loop3A_1068 = vector.shape_cast %parallel_loop3A_1067 : vector<1x16xf32> to vector<16xf32>
          %parallel_loop3A_1069 = vector.broadcast %parallel_loop3A_1049 : f32 to vector<16xf32>
          %parallel_loop3A_1070 = arith.mulf %parallel_loop3A_1068, %parallel_loop3A_1069 : vector<16xf32>
          %parallel_loop3A_1071 = arith.index_cast %parallel_loop3A_1053 : i32 to index
          %parallel_loop3A_1072 = arith.constant 16 : index
          %parallel_loop3A_1073 = tpu.vector_load %arg10[%parallel_loop3A_1071, %parallel_loop3A_1072] {strides = array<i32>} : memref<128x128xf32, #tpu.memory_space<vmem>>, vector<1x16xf32>,
          %parallel_loop3A_1074 = vector.shape_cast %parallel_loop3A_1073 : vector<1x16xf32> to vector<16xf32>
          %parallel_loop3A_1075 = vector.shape_cast %parallel_loop3A_1070 : vector<16xf32> to vector<1x16xf32>
          tpu.vector_store %arg10[%parallel_loop3A_1071, %parallel_loop3A_1072], %parallel_loop3A_1075 {strides = array<i32>} : memref<128x128xf32, #tpu.memory_space<vmem>>, vector<1x16xf32>,
          %parallel_loop3A_1076 = arith.index_cast %parallel_loop3A_1053 : i32 to index
          %parallel_loop3A_1077 = arith.constant 32 : index
          %parallel_loop3A_1078 = tpu.vector_load %arg10[%parallel_loop3A_1076, %parallel_loop3A_1077] {strides = array<i32>} : memref<128x128xf32, #tpu.memory_space<vmem>>, vector<1x16xf32>,
          %parallel_loop3A_1079 = vector.shape_cast %parallel_loop3A_1078 : vector<1x16xf32> to vector<16xf32>
          %parallel_loop3A_1080 = vector.broadcast %parallel_loop3A_1049 : f32 to vector<16xf32>
          %parallel_loop3A_1081 = arith.mulf %parallel_loop3A_1079, %parallel_loop3A_1080 : vector<16xf32>
          %parallel_loop3A_1082 = arith.index_cast %parallel_loop3A_1053 : i32 to index
          %parallel_loop3A_1083 = arith.constant 32 : index
          %parallel_loop3A_1084 = tpu.vector_load %arg10[%parallel_loop3A_1082, %parallel_loop3A_1083] {strides = array<i32>} : memref<128x128xf32, #tpu.memory_space<vmem>>, vector<1x16xf32>,
          %parallel_loop3A_1085 = vector.shape_cast %parallel_loop3A_1084 : vector<1x16xf32> to vector<16xf32>
          %parallel_loop3A_1086 = vector.shape_cast %parallel_loop3A_1081 : vector<16xf32> to vector<1x16xf32>
          tpu.vector_store %arg10[%parallel_loop3A_1082, %parallel_loop3A_1083], %parallel_loop3A_1086 {strides = array<i32>} : memref<128x128xf32, #tpu.memory_space<vmem>>, vector<1x16xf32>,
          %parallel_loop3A_1087 = arith.index_cast %parallel_loop3A_1053 : i32 to index
          %parallel_loop3A_1088 = arith.constant 48 : index
          %parallel_loop3A_1089 = tpu.vector_load %arg10[%parallel_loop3A_1087, %parallel_loop3A_1088] {strides = array<i32>} : memref<128x128xf32, #tpu.memory_space<vmem>>, vector<1x16xf32>,
          %parallel_loop3A_1090 = vector.shape_cast %parallel_loop3A_1089 : vector<1x16xf32> to vector<16xf32>
          %parallel_loop3A_1091 = vector.broadcast %parallel_loop3A_1049 : f32 to vector<16xf32>
          %parallel_loop3A_1092 = arith.mulf %parallel_loop3A_1090, %parallel_loop3A_1091 : vector<16xf32>
          %parallel_loop3A_1093 = arith.index_cast %parallel_loop3A_1053 : i32 to index
          %parallel_loop3A_1094 = arith.constant 48 : index
          %parallel_loop3A_1095 = tpu.vector_load %arg10[%parallel_loop3A_1093, %parallel_loop3A_1094] {strides = array<i32>} : memref<128x128xf32, #tpu.memory_space<vmem>>, vector<1x16xf32>,
          %parallel_loop3A_1096 = vector.shape_cast %parallel_loop3A_1095 : vector<1x16xf32> to vector<16xf32>
          %parallel_loop3A_1097 = vector.shape_cast %parallel_loop3A_1092 : vector<16xf32> to vector<1x16xf32>
          tpu.vector_store %arg10[%parallel_loop3A_1093, %parallel_loop3A_1094], %parallel_loop3A_1097 {strides = array<i32>} : memref<128x128xf32, #tpu.memory_space<vmem>>, vector<1x16xf32>,
          %parallel_loop3A_1098 = arith.index_cast %parallel_loop3A_1053 : i32 to index
          %parallel_loop3A_1099 = arith.constant 64 : index
          %parallel_loop3A_1100 = tpu.vector_load %arg10[%parallel_loop3A_1098, %parallel_loop3A_1099] {strides = array<i32>} : memref<128x128xf32, #tpu.memory_space<vmem>>, vector<1x16xf32>,
          %parallel_loop3A_1101 = vector.shape_cast %parallel_loop3A_1100 : vector<1x16xf32> to vector<16xf32>
          %parallel_loop3A_1102 = vector.broadcast %parallel_loop3A_1049 : f32 to vector<16xf32>
          %parallel_loop3A_1103 = arith.mulf %parallel_loop3A_1101, %parallel_loop3A_1102 : vector<16xf32>
          %parallel_loop3A_1104 = arith.index_cast %parallel_loop3A_1053 : i32 to index
          %parallel_loop3A_1105 = arith.constant 64 : index
          %parallel_loop3A_1106 = tpu.vector_load %arg10[%parallel_loop3A_1104, %parallel_loop3A_1105] {strides = array<i32>} : memref<128x128xf32, #tpu.memory_space<vmem>>, vector<1x16xf32>,
          %parallel_loop3A_1107 = vector.shape_cast %parallel_loop3A_1106 : vector<1x16xf32> to vector<16xf32>
          %parallel_loop3A_1108 = vector.shape_cast %parallel_loop3A_1103 : vector<16xf32> to vector<1x16xf32>
          tpu.vector_store %arg10[%parallel_loop3A_1104, %parallel_loop3A_1105], %parallel_loop3A_1108 {strides = array<i32>} : memref<128x128xf32, #tpu.memory_space<vmem>>, vector<1x16xf32>,
          %parallel_loop3A_1109 = arith.index_cast %parallel_loop3A_1053 : i32 to index
          %parallel_loop3A_1110 = arith.constant 80 : index
          %parallel_loop3A_1111 = tpu.vector_load %arg10[%parallel_loop3A_1109, %parallel_loop3A_1110] {strides = array<i32>} : memref<128x128xf32, #tpu.memory_space<vmem>>, vector<1x16xf32>,
          %parallel_loop3A_1112 = vector.shape_cast %parallel_loop3A_1111 : vector<1x16xf32> to vector<16xf32>
          %parallel_loop3A_1113 = vector.broadcast %parallel_loop3A_1049 : f32 to vector<16xf32>
          %parallel_loop3A_1114 = arith.mulf %parallel_loop3A_1112, %parallel_loop3A_1113 : vector<16xf32>
          %parallel_loop3A_1115 = arith.index_cast %parallel_loop3A_1053 : i32 to index
          %parallel_loop3A_1116 = arith.constant 80 : index
          %parallel_loop3A_1117 = tpu.vector_load %arg10[%parallel_loop3A_1115, %parallel_loop3A_1116] {strides = array<i32>} : memref<128x128xf32, #tpu.memory_space<vmem>>, vector<1x16xf32>,
          %parallel_loop3A_1118 = vector.shape_cast %parallel_loop3A_1117 : vector<1x16xf32> to vector<16xf32>
          %parallel_loop3A_1119 = vector.shape_cast %parallel_loop3A_1114 : vector<16xf32> to vector<1x16xf32>
          tpu.vector_store %arg10[%parallel_loop3A_1115, %parallel_loop3A_1116], %parallel_loop3A_1119 {strides = array<i32>} : memref<128x128xf32, #tpu.memory_space<vmem>>, vector<1x16xf32>,
          %parallel_loop3A_1120 = arith.index_cast %parallel_loop3A_1053 : i32 to index
          %parallel_loop3A_1121 = arith.constant 96 : index
          %parallel_loop3A_1122 = tpu.vector_load %arg10[%parallel_loop3A_1120, %parallel_loop3A_1121] {strides = array<i32>} : memref<128x128xf32, #tpu.memory_space<vmem>>, vector<1x16xf32>,
          %parallel_loop3A_1123 = vector.shape_cast %parallel_loop3A_1122 : vector<1x16xf32> to vector<16xf32>
          %parallel_loop3A_1124 = vector.broadcast %parallel_loop3A_1049 : f32 to vector<16xf32>
          %parallel_loop3A_1125 = arith.mulf %parallel_loop3A_1123, %parallel_loop3A_1124 : vector<16xf32>
          %parallel_loop3A_1126 = arith.index_cast %parallel_loop3A_1053 : i32 to index
          %parallel_loop3A_1127 = arith.constant 96 : index
          %parallel_loop3A_1128 = tpu.vector_load %arg10[%parallel_loop3A_1126, %parallel_loop3A_1127] {strides = array<i32>} : memref<128x128xf32, #tpu.memory_space<vmem>>, vector<1x16xf32>,
          %parallel_loop3A_1129 = vector.shape_cast %parallel_loop3A_1128 : vector<1x16xf32> to vector<16xf32>
          %parallel_loop3A_1130 = vector.shape_cast %parallel_loop3A_1125 : vector<16xf32> to vector<1x16xf32>
          tpu.vector_store %arg10[%parallel_loop3A_1126, %parallel_loop3A_1127], %parallel_loop3A_1130 {strides = array<i32>} : memref<128x128xf32, #tpu.memory_space<vmem>>, vector<1x16xf32>,
          %parallel_loop3A_1131 = arith.index_cast %parallel_loop3A_1053 : i32 to index
          %parallel_loop3A_1132 = arith.constant 112 : index
          %parallel_loop3A_1133 = tpu.vector_load %arg10[%parallel_loop3A_1131, %parallel_loop3A_1132] {strides = array<i32>} : memref<128x128xf32, #tpu.memory_space<vmem>>, vector<1x16xf32>,
          %parallel_loop3A_1134 = vector.shape_cast %parallel_loop3A_1133 : vector<1x16xf32> to vector<16xf32>
          %parallel_loop3A_1135 = vector.broadcast %parallel_loop3A_1049 : f32 to vector<16xf32>
          %parallel_loop3A_1136 = arith.mulf %parallel_loop3A_1134, %parallel_loop3A_1135 : vector<16xf32>
          %parallel_loop3A_1137 = arith.index_cast %parallel_loop3A_1053 : i32 to index
          %parallel_loop3A_1138 = arith.constant 112 : index
          %parallel_loop3A_1139 = tpu.vector_load %arg10[%parallel_loop3A_1137, %parallel_loop3A_1138] {strides = array<i32>} : memref<128x128xf32, #tpu.memory_space<vmem>>, vector<1x16xf32>,
          %parallel_loop3A_1140 = vector.shape_cast %parallel_loop3A_1139 : vector<1x16xf32> to vector<16xf32>
          %parallel_loop3A_1141 = vector.shape_cast %parallel_loop3A_1136 : vector<16xf32> to vector<1x16xf32>
          tpu.vector_store %arg10[%parallel_loop3A_1137, %parallel_loop3A_1138], %parallel_loop3A_1141 {strides = array<i32>} : memref<128x128xf32, #tpu.memory_space<vmem>>, vector<1x16xf32>,
          %parallel_loop3A_1142 = vector.extract_strided_slice %parallel_loop3A_201 {offsets = [10], sizes = [1], strides = [1]} : vector<16xf32> to vector<1xf32>
          %parallel_loop3A_1143 = vector.extract %parallel_loop3A_1142[0] : f32 from vector<1xf32>
          %parallel_loop3A_1144 = arith.constant 16 : i32
          %parallel_loop3A_1145 = arith.muli %parallel_loop3A_195, %parallel_loop3A_1144 : i32
          %parallel_loop3A_1146 = arith.constant 10 : i32
          %parallel_loop3A_1147 = arith.addi %parallel_loop3A_1145, %parallel_loop3A_1146 : i32
          %parallel_loop3A_1148 = arith.index_cast %parallel_loop3A_1147 : i32 to index
          %parallel_loop3A_1149 = arith.constant 0 : index
          %parallel_loop3A_1150 = tpu.vector_load %arg10[%parallel_loop3A_1148, %parallel_loop3A_1149] {strides = array<i32>} : memref<128x128xf32, #tpu.memory_space<vmem>>, vector<1x16xf32>,
          %parallel_loop3A_1151 = vector.shape_cast %parallel_loop3A_1150 : vector<1x16xf32> to vector<16xf32>
          %parallel_loop3A_1152 = vector.broadcast %parallel_loop3A_1143 : f32 to vector<16xf32>
          %parallel_loop3A_1153 = arith.mulf %parallel_loop3A_1151, %parallel_loop3A_1152 : vector<16xf32>
          %parallel_loop3A_1154 = arith.index_cast %parallel_loop3A_1147 : i32 to index
          %parallel_loop3A_1155 = arith.constant 0 : index
          %parallel_loop3A_1156 = tpu.vector_load %arg10[%parallel_loop3A_1154, %parallel_loop3A_1155] {strides = array<i32>} : memref<128x128xf32, #tpu.memory_space<vmem>>, vector<1x16xf32>,
          %parallel_loop3A_1157 = vector.shape_cast %parallel_loop3A_1156 : vector<1x16xf32> to vector<16xf32>
          %parallel_loop3A_1158 = vector.shape_cast %parallel_loop3A_1153 : vector<16xf32> to vector<1x16xf32>
          tpu.vector_store %arg10[%parallel_loop3A_1154, %parallel_loop3A_1155], %parallel_loop3A_1158 {strides = array<i32>} : memref<128x128xf32, #tpu.memory_space<vmem>>, vector<1x16xf32>,
          %parallel_loop3A_1159 = arith.index_cast %parallel_loop3A_1147 : i32 to index
          %parallel_loop3A_1160 = arith.constant 16 : index
          %parallel_loop3A_1161 = tpu.vector_load %arg10[%parallel_loop3A_1159, %parallel_loop3A_1160] {strides = array<i32>} : memref<128x128xf32, #tpu.memory_space<vmem>>, vector<1x16xf32>,
          %parallel_loop3A_1162 = vector.shape_cast %parallel_loop3A_1161 : vector<1x16xf32> to vector<16xf32>
          %parallel_loop3A_1163 = vector.broadcast %parallel_loop3A_1143 : f32 to vector<16xf32>
          %parallel_loop3A_1164 = arith.mulf %parallel_loop3A_1162, %parallel_loop3A_1163 : vector<16xf32>
          %parallel_loop3A_1165 = arith.index_cast %parallel_loop3A_1147 : i32 to index
          %parallel_loop3A_1166 = arith.constant 16 : index
          %parallel_loop3A_1167 = tpu.vector_load %arg10[%parallel_loop3A_1165, %parallel_loop3A_1166] {strides = array<i32>} : memref<128x128xf32, #tpu.memory_space<vmem>>, vector<1x16xf32>,
          %parallel_loop3A_1168 = vector.shape_cast %parallel_loop3A_1167 : vector<1x16xf32> to vector<16xf32>
          %parallel_loop3A_1169 = vector.shape_cast %parallel_loop3A_1164 : vector<16xf32> to vector<1x16xf32>
          tpu.vector_store %arg10[%parallel_loop3A_1165, %parallel_loop3A_1166], %parallel_loop3A_1169 {strides = array<i32>} : memref<128x128xf32, #tpu.memory_space<vmem>>, vector<1x16xf32>,
          %parallel_loop3A_1170 = arith.index_cast %parallel_loop3A_1147 : i32 to index
          %parallel_loop3A_1171 = arith.constant 32 : index
          %parallel_loop3A_1172 = tpu.vector_load %arg10[%parallel_loop3A_1170, %parallel_loop3A_1171] {strides = array<i32>} : memref<128x128xf32, #tpu.memory_space<vmem>>, vector<1x16xf32>,
          %parallel_loop3A_1173 = vector.shape_cast %parallel_loop3A_1172 : vector<1x16xf32> to vector<16xf32>
          %parallel_loop3A_1174 = vector.broadcast %parallel_loop3A_1143 : f32 to vector<16xf32>
          %parallel_loop3A_1175 = arith.mulf %parallel_loop3A_1173, %parallel_loop3A_1174 : vector<16xf32>
          %parallel_loop3A_1176 = arith.index_cast %parallel_loop3A_1147 : i32 to index
          %parallel_loop3A_1177 = arith.constant 32 : index
          %parallel_loop3A_1178 = tpu.vector_load %arg10[%parallel_loop3A_1176, %parallel_loop3A_1177] {strides = array<i32>} : memref<128x128xf32, #tpu.memory_space<vmem>>, vector<1x16xf32>,
          %parallel_loop3A_1179 = vector.shape_cast %parallel_loop3A_1178 : vector<1x16xf32> to vector<16xf32>
          %parallel_loop3A_1180 = vector.shape_cast %parallel_loop3A_1175 : vector<16xf32> to vector<1x16xf32>
          tpu.vector_store %arg10[%parallel_loop3A_1176, %parallel_loop3A_1177], %parallel_loop3A_1180 {strides = array<i32>} : memref<128x128xf32, #tpu.memory_space<vmem>>, vector<1x16xf32>,
          %parallel_loop3A_1181 = arith.index_cast %parallel_loop3A_1147 : i32 to index
          %parallel_loop3A_1182 = arith.constant 48 : index
          %parallel_loop3A_1183 = tpu.vector_load %arg10[%parallel_loop3A_1181, %parallel_loop3A_1182] {strides = array<i32>} : memref<128x128xf32, #tpu.memory_space<vmem>>, vector<1x16xf32>,
          %parallel_loop3A_1184 = vector.shape_cast %parallel_loop3A_1183 : vector<1x16xf32> to vector<16xf32>
          %parallel_loop3A_1185 = vector.broadcast %parallel_loop3A_1143 : f32 to vector<16xf32>
          %parallel_loop3A_1186 = arith.mulf %parallel_loop3A_1184, %parallel_loop3A_1185 : vector<16xf32>
          %parallel_loop3A_1187 = arith.index_cast %parallel_loop3A_1147 : i32 to index
          %parallel_loop3A_1188 = arith.constant 48 : index
          %parallel_loop3A_1189 = tpu.vector_load %arg10[%parallel_loop3A_1187, %parallel_loop3A_1188] {strides = array<i32>} : memref<128x128xf32, #tpu.memory_space<vmem>>, vector<1x16xf32>,
          %parallel_loop3A_1190 = vector.shape_cast %parallel_loop3A_1189 : vector<1x16xf32> to vector<16xf32>
          %parallel_loop3A_1191 = vector.shape_cast %parallel_loop3A_1186 : vector<16xf32> to vector<1x16xf32>
          tpu.vector_store %arg10[%parallel_loop3A_1187, %parallel_loop3A_1188], %parallel_loop3A_1191 {strides = array<i32>} : memref<128x128xf32, #tpu.memory_space<vmem>>, vector<1x16xf32>,
          %parallel_loop3A_1192 = arith.index_cast %parallel_loop3A_1147 : i32 to index
          %parallel_loop3A_1193 = arith.constant 64 : index
          %parallel_loop3A_1194 = tpu.vector_load %arg10[%parallel_loop3A_1192, %parallel_loop3A_1193] {strides = array<i32>} : memref<128x128xf32, #tpu.memory_space<vmem>>, vector<1x16xf32>,
          %parallel_loop3A_1195 = vector.shape_cast %parallel_loop3A_1194 : vector<1x16xf32> to vector<16xf32>
          %parallel_loop3A_1196 = vector.broadcast %parallel_loop3A_1143 : f32 to vector<16xf32>
          %parallel_loop3A_1197 = arith.mulf %parallel_loop3A_1195, %parallel_loop3A_1196 : vector<16xf32>
          %parallel_loop3A_1198 = arith.index_cast %parallel_loop3A_1147 : i32 to index
          %parallel_loop3A_1199 = arith.constant 64 : index
          %parallel_loop3A_1200 = tpu.vector_load %arg10[%parallel_loop3A_1198, %parallel_loop3A_1199] {strides = array<i32>} : memref<128x128xf32, #tpu.memory_space<vmem>>, vector<1x16xf32>,
          %parallel_loop3A_1201 = vector.shape_cast %parallel_loop3A_1200 : vector<1x16xf32> to vector<16xf32>
          %parallel_loop3A_1202 = vector.shape_cast %parallel_loop3A_1197 : vector<16xf32> to vector<1x16xf32>
          tpu.vector_store %arg10[%parallel_loop3A_1198, %parallel_loop3A_1199], %parallel_loop3A_1202 {strides = array<i32>} : memref<128x128xf32, #tpu.memory_space<vmem>>, vector<1x16xf32>,
          %parallel_loop3A_1203 = arith.index_cast %parallel_loop3A_1147 : i32 to index
          %parallel_loop3A_1204 = arith.constant 80 : index
          %parallel_loop3A_1205 = tpu.vector_load %arg10[%parallel_loop3A_1203, %parallel_loop3A_1204] {strides = array<i32>} : memref<128x128xf32, #tpu.memory_space<vmem>>, vector<1x16xf32>,
          %parallel_loop3A_1206 = vector.shape_cast %parallel_loop3A_1205 : vector<1x16xf32> to vector<16xf32>
          %parallel_loop3A_1207 = vector.broadcast %parallel_loop3A_1143 : f32 to vector<16xf32>
          %parallel_loop3A_1208 = arith.mulf %parallel_loop3A_1206, %parallel_loop3A_1207 : vector<16xf32>
          %parallel_loop3A_1209 = arith.index_cast %parallel_loop3A_1147 : i32 to index
          %parallel_loop3A_1210 = arith.constant 80 : index
          %parallel_loop3A_1211 = tpu.vector_load %arg10[%parallel_loop3A_1209, %parallel_loop3A_1210] {strides = array<i32>} : memref<128x128xf32, #tpu.memory_space<vmem>>, vector<1x16xf32>,
          %parallel_loop3A_1212 = vector.shape_cast %parallel_loop3A_1211 : vector<1x16xf32> to vector<16xf32>
          %parallel_loop3A_1213 = vector.shape_cast %parallel_loop3A_1208 : vector<16xf32> to vector<1x16xf32>
          tpu.vector_store %arg10[%parallel_loop3A_1209, %parallel_loop3A_1210], %parallel_loop3A_1213 {strides = array<i32>} : memref<128x128xf32, #tpu.memory_space<vmem>>, vector<1x16xf32>,
          %parallel_loop3A_1214 = arith.index_cast %parallel_loop3A_1147 : i32 to index
          %parallel_loop3A_1215 = arith.constant 96 : index
          %parallel_loop3A_1216 = tpu.vector_load %arg10[%parallel_loop3A_1214, %parallel_loop3A_1215] {strides = array<i32>} : memref<128x128xf32, #tpu.memory_space<vmem>>, vector<1x16xf32>,
          %parallel_loop3A_1217 = vector.shape_cast %parallel_loop3A_1216 : vector<1x16xf32> to vector<16xf32>
          %parallel_loop3A_1218 = vector.broadcast %parallel_loop3A_1143 : f32 to vector<16xf32>
          %parallel_loop3A_1219 = arith.mulf %parallel_loop3A_1217, %parallel_loop3A_1218 : vector<16xf32>
          %parallel_loop3A_1220 = arith.index_cast %parallel_loop3A_1147 : i32 to index
          %parallel_loop3A_1221 = arith.constant 96 : index
          %parallel_loop3A_1222 = tpu.vector_load %arg10[%parallel_loop3A_1220, %parallel_loop3A_1221] {strides = array<i32>} : memref<128x128xf32, #tpu.memory_space<vmem>>, vector<1x16xf32>,
          %parallel_loop3A_1223 = vector.shape_cast %parallel_loop3A_1222 : vector<1x16xf32> to vector<16xf32>
          %parallel_loop3A_1224 = vector.shape_cast %parallel_loop3A_1219 : vector<16xf32> to vector<1x16xf32>
          tpu.vector_store %arg10[%parallel_loop3A_1220, %parallel_loop3A_1221], %parallel_loop3A_1224 {strides = array<i32>} : memref<128x128xf32, #tpu.memory_space<vmem>>, vector<1x16xf32>,
          %parallel_loop3A_1225 = arith.index_cast %parallel_loop3A_1147 : i32 to index
          %parallel_loop3A_1226 = arith.constant 112 : index
          %parallel_loop3A_1227 = tpu.vector_load %arg10[%parallel_loop3A_1225, %parallel_loop3A_1226] {strides = array<i32>} : memref<128x128xf32, #tpu.memory_space<vmem>>, vector<1x16xf32>,
          %parallel_loop3A_1228 = vector.shape_cast %parallel_loop3A_1227 : vector<1x16xf32> to vector<16xf32>
          %parallel_loop3A_1229 = vector.broadcast %parallel_loop3A_1143 : f32 to vector<16xf32>
          %parallel_loop3A_1230 = arith.mulf %parallel_loop3A_1228, %parallel_loop3A_1229 : vector<16xf32>
          %parallel_loop3A_1231 = arith.index_cast %parallel_loop3A_1147 : i32 to index
          %parallel_loop3A_1232 = arith.constant 112 : index
          %parallel_loop3A_1233 = tpu.vector_load %arg10[%parallel_loop3A_1231, %parallel_loop3A_1232] {strides = array<i32>} : memref<128x128xf32, #tpu.memory_space<vmem>>, vector<1x16xf32>,
          %parallel_loop3A_1234 = vector.shape_cast %parallel_loop3A_1233 : vector<1x16xf32> to vector<16xf32>
          %parallel_loop3A_1235 = vector.shape_cast %parallel_loop3A_1230 : vector<16xf32> to vector<1x16xf32>
          tpu.vector_store %arg10[%parallel_loop3A_1231, %parallel_loop3A_1232], %parallel_loop3A_1235 {strides = array<i32>} : memref<128x128xf32, #tpu.memory_space<vmem>>, vector<1x16xf32>,
          %parallel_loop3A_1236 = vector.extract_strided_slice %parallel_loop3A_201 {offsets = [11], sizes = [1], strides = [1]} : vector<16xf32> to vector<1xf32>
          %parallel_loop3A_1237 = vector.extract %parallel_loop3A_1236[0] : f32 from vector<1xf32>
          %parallel_loop3A_1238 = arith.constant 16 : i32
          %parallel_loop3A_1239 = arith.muli %parallel_loop3A_195, %parallel_loop3A_1238 : i32
          %parallel_loop3A_1240 = arith.constant 11 : i32
          %parallel_loop3A_1241 = arith.addi %parallel_loop3A_1239, %parallel_loop3A_1240 : i32
          %parallel_loop3A_1242 = arith.index_cast %parallel_loop3A_1241 : i32 to index
          %parallel_loop3A_1243 = arith.constant 0 : index
          %parallel_loop3A_1244 = tpu.vector_load %arg10[%parallel_loop3A_1242, %parallel_loop3A_1243] {strides = array<i32>} : memref<128x128xf32, #tpu.memory_space<vmem>>, vector<1x16xf32>,
          %parallel_loop3A_1245 = vector.shape_cast %parallel_loop3A_1244 : vector<1x16xf32> to vector<16xf32>
          %parallel_loop3A_1246 = vector.broadcast %parallel_loop3A_1237 : f32 to vector<16xf32>
          %parallel_loop3A_1247 = arith.mulf %parallel_loop3A_1245, %parallel_loop3A_1246 : vector<16xf32>
          %parallel_loop3A_1248 = arith.index_cast %parallel_loop3A_1241 : i32 to index
          %parallel_loop3A_1249 = arith.constant 0 : index
          %parallel_loop3A_1250 = tpu.vector_load %arg10[%parallel_loop3A_1248, %parallel_loop3A_1249] {strides = array<i32>} : memref<128x128xf32, #tpu.memory_space<vmem>>, vector<1x16xf32>,
          %parallel_loop3A_1251 = vector.shape_cast %parallel_loop3A_1250 : vector<1x16xf32> to vector<16xf32>
          %parallel_loop3A_1252 = vector.shape_cast %parallel_loop3A_1247 : vector<16xf32> to vector<1x16xf32>
          tpu.vector_store %arg10[%parallel_loop3A_1248, %parallel_loop3A_1249], %parallel_loop3A_1252 {strides = array<i32>} : memref<128x128xf32, #tpu.memory_space<vmem>>, vector<1x16xf32>,
          %parallel_loop3A_1253 = arith.index_cast %parallel_loop3A_1241 : i32 to index
          %parallel_loop3A_1254 = arith.constant 16 : index
          %parallel_loop3A_1255 = tpu.vector_load %arg10[%parallel_loop3A_1253, %parallel_loop3A_1254] {strides = array<i32>} : memref<128x128xf32, #tpu.memory_space<vmem>>, vector<1x16xf32>,
          %parallel_loop3A_1256 = vector.shape_cast %parallel_loop3A_1255 : vector<1x16xf32> to vector<16xf32>
          %parallel_loop3A_1257 = vector.broadcast %parallel_loop3A_1237 : f32 to vector<16xf32>
          %parallel_loop3A_1258 = arith.mulf %parallel_loop3A_1256, %parallel_loop3A_1257 : vector<16xf32>
          %parallel_loop3A_1259 = arith.index_cast %parallel_loop3A_1241 : i32 to index
          %parallel_loop3A_1260 = arith.constant 16 : index
          %parallel_loop3A_1261 = tpu.vector_load %arg10[%parallel_loop3A_1259, %parallel_loop3A_1260] {strides = array<i32>} : memref<128x128xf32, #tpu.memory_space<vmem>>, vector<1x16xf32>,
          %parallel_loop3A_1262 = vector.shape_cast %parallel_loop3A_1261 : vector<1x16xf32> to vector<16xf32>
          %parallel_loop3A_1263 = vector.shape_cast %parallel_loop3A_1258 : vector<16xf32> to vector<1x16xf32>
          tpu.vector_store %arg10[%parallel_loop3A_1259, %parallel_loop3A_1260], %parallel_loop3A_1263 {strides = array<i32>} : memref<128x128xf32, #tpu.memory_space<vmem>>, vector<1x16xf32>,
          %parallel_loop3A_1264 = arith.index_cast %parallel_loop3A_1241 : i32 to index
          %parallel_loop3A_1265 = arith.constant 32 : index
          %parallel_loop3A_1266 = tpu.vector_load %arg10[%parallel_loop3A_1264, %parallel_loop3A_1265] {strides = array<i32>} : memref<128x128xf32, #tpu.memory_space<vmem>>, vector<1x16xf32>,
          %parallel_loop3A_1267 = vector.shape_cast %parallel_loop3A_1266 : vector<1x16xf32> to vector<16xf32>
          %parallel_loop3A_1268 = vector.broadcast %parallel_loop3A_1237 : f32 to vector<16xf32>
          %parallel_loop3A_1269 = arith.mulf %parallel_loop3A_1267, %parallel_loop3A_1268 : vector<16xf32>
          %parallel_loop3A_1270 = arith.index_cast %parallel_loop3A_1241 : i32 to index
          %parallel_loop3A_1271 = arith.constant 32 : index
          %parallel_loop3A_1272 = tpu.vector_load %arg10[%parallel_loop3A_1270, %parallel_loop3A_1271] {strides = array<i32>} : memref<128x128xf32, #tpu.memory_space<vmem>>, vector<1x16xf32>,
          %parallel_loop3A_1273 = vector.shape_cast %parallel_loop3A_1272 : vector<1x16xf32> to vector<16xf32>
          %parallel_loop3A_1274 = vector.shape_cast %parallel_loop3A_1269 : vector<16xf32> to vector<1x16xf32>
          tpu.vector_store %arg10[%parallel_loop3A_1270, %parallel_loop3A_1271], %parallel_loop3A_1274 {strides = array<i32>} : memref<128x128xf32, #tpu.memory_space<vmem>>, vector<1x16xf32>,
          %parallel_loop3A_1275 = arith.index_cast %parallel_loop3A_1241 : i32 to index
          %parallel_loop3A_1276 = arith.constant 48 : index
          %parallel_loop3A_1277 = tpu.vector_load %arg10[%parallel_loop3A_1275, %parallel_loop3A_1276] {strides = array<i32>} : memref<128x128xf32, #tpu.memory_space<vmem>>, vector<1x16xf32>,
          %parallel_loop3A_1278 = vector.shape_cast %parallel_loop3A_1277 : vector<1x16xf32> to vector<16xf32>
          %parallel_loop3A_1279 = vector.broadcast %parallel_loop3A_1237 : f32 to vector<16xf32>
          %parallel_loop3A_1280 = arith.mulf %parallel_loop3A_1278, %parallel_loop3A_1279 : vector<16xf32>
          %parallel_loop3A_1281 = arith.index_cast %parallel_loop3A_1241 : i32 to index
          %parallel_loop3A_1282 = arith.constant 48 : index
          %parallel_loop3A_1283 = tpu.vector_load %arg10[%parallel_loop3A_1281, %parallel_loop3A_1282] {strides = array<i32>} : memref<128x128xf32, #tpu.memory_space<vmem>>, vector<1x16xf32>,
          %parallel_loop3A_1284 = vector.shape_cast %parallel_loop3A_1283 : vector<1x16xf32> to vector<16xf32>
          %parallel_loop3A_1285 = vector.shape_cast %parallel_loop3A_1280 : vector<16xf32> to vector<1x16xf32>
          tpu.vector_store %arg10[%parallel_loop3A_1281, %parallel_loop3A_1282], %parallel_loop3A_1285 {strides = array<i32>} : memref<128x128xf32, #tpu.memory_space<vmem>>, vector<1x16xf32>,
          %parallel_loop3A_1286 = arith.index_cast %parallel_loop3A_1241 : i32 to index
          %parallel_loop3A_1287 = arith.constant 64 : index
          %parallel_loop3A_1288 = tpu.vector_load %arg10[%parallel_loop3A_1286, %parallel_loop3A_1287] {strides = array<i32>} : memref<128x128xf32, #tpu.memory_space<vmem>>, vector<1x16xf32>,
          %parallel_loop3A_1289 = vector.shape_cast %parallel_loop3A_1288 : vector<1x16xf32> to vector<16xf32>
          %parallel_loop3A_1290 = vector.broadcast %parallel_loop3A_1237 : f32 to vector<16xf32>
          %parallel_loop3A_1291 = arith.mulf %parallel_loop3A_1289, %parallel_loop3A_1290 : vector<16xf32>
          %parallel_loop3A_1292 = arith.index_cast %parallel_loop3A_1241 : i32 to index
          %parallel_loop3A_1293 = arith.constant 64 : index
          %parallel_loop3A_1294 = tpu.vector_load %arg10[%parallel_loop3A_1292, %parallel_loop3A_1293] {strides = array<i32>} : memref<128x128xf32, #tpu.memory_space<vmem>>, vector<1x16xf32>,
          %parallel_loop3A_1295 = vector.shape_cast %parallel_loop3A_1294 : vector<1x16xf32> to vector<16xf32>
          %parallel_loop3A_1296 = vector.shape_cast %parallel_loop3A_1291 : vector<16xf32> to vector<1x16xf32>
          tpu.vector_store %arg10[%parallel_loop3A_1292, %parallel_loop3A_1293], %parallel_loop3A_1296 {strides = array<i32>} : memref<128x128xf32, #tpu.memory_space<vmem>>, vector<1x16xf32>,
          %parallel_loop3A_1297 = arith.index_cast %parallel_loop3A_1241 : i32 to index
          %parallel_loop3A_1298 = arith.constant 80 : index
          %parallel_loop3A_1299 = tpu.vector_load %arg10[%parallel_loop3A_1297, %parallel_loop3A_1298] {strides = array<i32>} : memref<128x128xf32, #tpu.memory_space<vmem>>, vector<1x16xf32>,
          %parallel_loop3A_1300 = vector.shape_cast %parallel_loop3A_1299 : vector<1x16xf32> to vector<16xf32>
          %parallel_loop3A_1301 = vector.broadcast %parallel_loop3A_1237 : f32 to vector<16xf32>
          %parallel_loop3A_1302 = arith.mulf %parallel_loop3A_1300, %parallel_loop3A_1301 : vector<16xf32>
          %parallel_loop3A_1303 = arith.index_cast %parallel_loop3A_1241 : i32 to index
          %parallel_loop3A_1304 = arith.constant 80 : index
          %parallel_loop3A_1305 = tpu.vector_load %arg10[%parallel_loop3A_1303, %parallel_loop3A_1304] {strides = array<i32>} : memref<128x128xf32, #tpu.memory_space<vmem>>, vector<1x16xf32>,
          %parallel_loop3A_1306 = vector.shape_cast %parallel_loop3A_1305 : vector<1x16xf32> to vector<16xf32>
          %parallel_loop3A_1307 = vector.shape_cast %parallel_loop3A_1302 : vector<16xf32> to vector<1x16xf32>
          tpu.vector_store %arg10[%parallel_loop3A_1303, %parallel_loop3A_1304], %parallel_loop3A_1307 {strides = array<i32>} : memref<128x128xf32, #tpu.memory_space<vmem>>, vector<1x16xf32>,
          %parallel_loop3A_1308 = arith.index_cast %parallel_loop3A_1241 : i32 to index
          %parallel_loop3A_1309 = arith.constant 96 : index
          %parallel_loop3A_1310 = tpu.vector_load %arg10[%parallel_loop3A_1308, %parallel_loop3A_1309] {strides = array<i32>} : memref<128x128xf32, #tpu.memory_space<vmem>>, vector<1x16xf32>,
          %parallel_loop3A_1311 = vector.shape_cast %parallel_loop3A_1310 : vector<1x16xf32> to vector<16xf32>
          %parallel_loop3A_1312 = vector.broadcast %parallel_loop3A_1237 : f32 to vector<16xf32>
          %parallel_loop3A_1313 = arith.mulf %parallel_loop3A_1311, %parallel_loop3A_1312 : vector<16xf32>
          %parallel_loop3A_1314 = arith.index_cast %parallel_loop3A_1241 : i32 to index
          %parallel_loop3A_1315 = arith.constant 96 : index
          %parallel_loop3A_1316 = tpu.vector_load %arg10[%parallel_loop3A_1314, %parallel_loop3A_1315] {strides = array<i32>} : memref<128x128xf32, #tpu.memory_space<vmem>>, vector<1x16xf32>,
          %parallel_loop3A_1317 = vector.shape_cast %parallel_loop3A_1316 : vector<1x16xf32> to vector<16xf32>
          %parallel_loop3A_1318 = vector.shape_cast %parallel_loop3A_1313 : vector<16xf32> to vector<1x16xf32>
          tpu.vector_store %arg10[%parallel_loop3A_1314, %parallel_loop3A_1315], %parallel_loop3A_1318 {strides = array<i32>} : memref<128x128xf32, #tpu.memory_space<vmem>>, vector<1x16xf32>,
          %parallel_loop3A_1319 = arith.index_cast %parallel_loop3A_1241 : i32 to index
          %parallel_loop3A_1320 = arith.constant 112 : index
          %parallel_loop3A_1321 = tpu.vector_load %arg10[%parallel_loop3A_1319, %parallel_loop3A_1320] {strides = array<i32>} : memref<128x128xf32, #tpu.memory_space<vmem>>, vector<1x16xf32>,
          %parallel_loop3A_1322 = vector.shape_cast %parallel_loop3A_1321 : vector<1x16xf32> to vector<16xf32>
          %parallel_loop3A_1323 = vector.broadcast %parallel_loop3A_1237 : f32 to vector<16xf32>
          %parallel_loop3A_1324 = arith.mulf %parallel_loop3A_1322, %parallel_loop3A_1323 : vector<16xf32>
          %parallel_loop3A_1325 = arith.index_cast %parallel_loop3A_1241 : i32 to index
          %parallel_loop3A_1326 = arith.constant 112 : index
          %parallel_loop3A_1327 = tpu.vector_load %arg10[%parallel_loop3A_1325, %parallel_loop3A_1326] {strides = array<i32>} : memref<128x128xf32, #tpu.memory_space<vmem>>, vector<1x16xf32>,
          %parallel_loop3A_1328 = vector.shape_cast %parallel_loop3A_1327 : vector<1x16xf32> to vector<16xf32>
          %parallel_loop3A_1329 = vector.shape_cast %parallel_loop3A_1324 : vector<16xf32> to vector<1x16xf32>
          tpu.vector_store %arg10[%parallel_loop3A_1325, %parallel_loop3A_1326], %parallel_loop3A_1329 {strides = array<i32>} : memref<128x128xf32, #tpu.memory_space<vmem>>, vector<1x16xf32>,
          %parallel_loop3A_1330 = vector.extract_strided_slice %parallel_loop3A_201 {offsets = [12], sizes = [1], strides = [1]} : vector<16xf32> to vector<1xf32>
          %parallel_loop3A_1331 = vector.extract %parallel_loop3A_1330[0] : f32 from vector<1xf32>
          %parallel_loop3A_1332 = arith.constant 16 : i32
          %parallel_loop3A_1333 = arith.muli %parallel_loop3A_195, %parallel_loop3A_1332 : i32
          %parallel_loop3A_1334 = arith.constant 12 : i32
          %parallel_loop3A_1335 = arith.addi %parallel_loop3A_1333, %parallel_loop3A_1334 : i32
          %parallel_loop3A_1336 = arith.index_cast %parallel_loop3A_1335 : i32 to index
          %parallel_loop3A_1337 = arith.constant 0 : index
          %parallel_loop3A_1338 = tpu.vector_load %arg10[%parallel_loop3A_1336, %parallel_loop3A_1337] {strides = array<i32>} : memref<128x128xf32, #tpu.memory_space<vmem>>, vector<1x16xf32>,
          %parallel_loop3A_1339 = vector.shape_cast %parallel_loop3A_1338 : vector<1x16xf32> to vector<16xf32>
          %parallel_loop3A_1340 = vector.broadcast %parallel_loop3A_1331 : f32 to vector<16xf32>
          %parallel_loop3A_1341 = arith.mulf %parallel_loop3A_1339, %parallel_loop3A_1340 : vector<16xf32>
          %parallel_loop3A_1342 = arith.index_cast %parallel_loop3A_1335 : i32 to index
          %parallel_loop3A_1343 = arith.constant 0 : index
          %parallel_loop3A_1344 = tpu.vector_load %arg10[%parallel_loop3A_1342, %parallel_loop3A_1343] {strides = array<i32>} : memref<128x128xf32, #tpu.memory_space<vmem>>, vector<1x16xf32>,
          %parallel_loop3A_1345 = vector.shape_cast %parallel_loop3A_1344 : vector<1x16xf32> to vector<16xf32>
          %parallel_loop3A_1346 = vector.shape_cast %parallel_loop3A_1341 : vector<16xf32> to vector<1x16xf32>
          tpu.vector_store %arg10[%parallel_loop3A_1342, %parallel_loop3A_1343], %parallel_loop3A_1346 {strides = array<i32>} : memref<128x128xf32, #tpu.memory_space<vmem>>, vector<1x16xf32>,
          %parallel_loop3A_1347 = arith.index_cast %parallel_loop3A_1335 : i32 to index
          %parallel_loop3A_1348 = arith.constant 16 : index
          %parallel_loop3A_1349 = tpu.vector_load %arg10[%parallel_loop3A_1347, %parallel_loop3A_1348] {strides = array<i32>} : memref<128x128xf32, #tpu.memory_space<vmem>>, vector<1x16xf32>,
          %parallel_loop3A_1350 = vector.shape_cast %parallel_loop3A_1349 : vector<1x16xf32> to vector<16xf32>
          %parallel_loop3A_1351 = vector.broadcast %parallel_loop3A_1331 : f32 to vector<16xf32>
          %parallel_loop3A_1352 = arith.mulf %parallel_loop3A_1350, %parallel_loop3A_1351 : vector<16xf32>
          %parallel_loop3A_1353 = arith.index_cast %parallel_loop3A_1335 : i32 to index
          %parallel_loop3A_1354 = arith.constant 16 : index
          %parallel_loop3A_1355 = tpu.vector_load %arg10[%parallel_loop3A_1353, %parallel_loop3A_1354] {strides = array<i32>} : memref<128x128xf32, #tpu.memory_space<vmem>>, vector<1x16xf32>,
          %parallel_loop3A_1356 = vector.shape_cast %parallel_loop3A_1355 : vector<1x16xf32> to vector<16xf32>
          %parallel_loop3A_1357 = vector.shape_cast %parallel_loop3A_1352 : vector<16xf32> to vector<1x16xf32>
          tpu.vector_store %arg10[%parallel_loop3A_1353, %parallel_loop3A_1354], %parallel_loop3A_1357 {strides = array<i32>} : memref<128x128xf32, #tpu.memory_space<vmem>>, vector<1x16xf32>,
          %parallel_loop3A_1358 = arith.index_cast %parallel_loop3A_1335 : i32 to index
          %parallel_loop3A_1359 = arith.constant 32 : index
          %parallel_loop3A_1360 = tpu.vector_load %arg10[%parallel_loop3A_1358, %parallel_loop3A_1359] {strides = array<i32>} : memref<128x128xf32, #tpu.memory_space<vmem>>, vector<1x16xf32>,
          %parallel_loop3A_1361 = vector.shape_cast %parallel_loop3A_1360 : vector<1x16xf32> to vector<16xf32>
          %parallel_loop3A_1362 = vector.broadcast %parallel_loop3A_1331 : f32 to vector<16xf32>
          %parallel_loop3A_1363 = arith.mulf %parallel_loop3A_1361, %parallel_loop3A_1362 : vector<16xf32>
          %parallel_loop3A_1364 = arith.index_cast %parallel_loop3A_1335 : i32 to index
          %parallel_loop3A_1365 = arith.constant 32 : index
          %parallel_loop3A_1366 = tpu.vector_load %arg10[%parallel_loop3A_1364, %parallel_loop3A_1365] {strides = array<i32>} : memref<128x128xf32, #tpu.memory_space<vmem>>, vector<1x16xf32>,
          %parallel_loop3A_1367 = vector.shape_cast %parallel_loop3A_1366 : vector<1x16xf32> to vector<16xf32>
          %parallel_loop3A_1368 = vector.shape_cast %parallel_loop3A_1363 : vector<16xf32> to vector<1x16xf32>
          tpu.vector_store %arg10[%parallel_loop3A_1364, %parallel_loop3A_1365], %parallel_loop3A_1368 {strides = array<i32>} : memref<128x128xf32, #tpu.memory_space<vmem>>, vector<1x16xf32>,
          %parallel_loop3A_1369 = arith.index_cast %parallel_loop3A_1335 : i32 to index
          %parallel_loop3A_1370 = arith.constant 48 : index
          %parallel_loop3A_1371 = tpu.vector_load %arg10[%parallel_loop3A_1369, %parallel_loop3A_1370] {strides = array<i32>} : memref<128x128xf32, #tpu.memory_space<vmem>>, vector<1x16xf32>,
          %parallel_loop3A_1372 = vector.shape_cast %parallel_loop3A_1371 : vector<1x16xf32> to vector<16xf32>
          %parallel_loop3A_1373 = vector.broadcast %parallel_loop3A_1331 : f32 to vector<16xf32>
          %parallel_loop3A_1374 = arith.mulf %parallel_loop3A_1372, %parallel_loop3A_1373 : vector<16xf32>
          %parallel_loop3A_1375 = arith.index_cast %parallel_loop3A_1335 : i32 to index
          %parallel_loop3A_1376 = arith.constant 48 : index
          %parallel_loop3A_1377 = tpu.vector_load %arg10[%parallel_loop3A_1375, %parallel_loop3A_1376] {strides = array<i32>} : memref<128x128xf32, #tpu.memory_space<vmem>>, vector<1x16xf32>,
          %parallel_loop3A_1378 = vector.shape_cast %parallel_loop3A_1377 : vector<1x16xf32> to vector<16xf32>
          %parallel_loop3A_1379 = vector.shape_cast %parallel_loop3A_1374 : vector<16xf32> to vector<1x16xf32>
          tpu.vector_store %arg10[%parallel_loop3A_1375, %parallel_loop3A_1376], %parallel_loop3A_1379 {strides = array<i32>} : memref<128x128xf32, #tpu.memory_space<vmem>>, vector<1x16xf32>,
          %parallel_loop3A_1380 = arith.index_cast %parallel_loop3A_1335 : i32 to index
          %parallel_loop3A_1381 = arith.constant 64 : index
          %parallel_loop3A_1382 = tpu.vector_load %arg10[%parallel_loop3A_1380, %parallel_loop3A_1381] {strides = array<i32>} : memref<128x128xf32, #tpu.memory_space<vmem>>, vector<1x16xf32>,
          %parallel_loop3A_1383 = vector.shape_cast %parallel_loop3A_1382 : vector<1x16xf32> to vector<16xf32>
          %parallel_loop3A_1384 = vector.broadcast %parallel_loop3A_1331 : f32 to vector<16xf32>
          %parallel_loop3A_1385 = arith.mulf %parallel_loop3A_1383, %parallel_loop3A_1384 : vector<16xf32>
          %parallel_loop3A_1386 = arith.index_cast %parallel_loop3A_1335 : i32 to index
          %parallel_loop3A_1387 = arith.constant 64 : index
          %parallel_loop3A_1388 = tpu.vector_load %arg10[%parallel_loop3A_1386, %parallel_loop3A_1387] {strides = array<i32>} : memref<128x128xf32, #tpu.memory_space<vmem>>, vector<1x16xf32>,
          %parallel_loop3A_1389 = vector.shape_cast %parallel_loop3A_1388 : vector<1x16xf32> to vector<16xf32>
          %parallel_loop3A_1390 = vector.shape_cast %parallel_loop3A_1385 : vector<16xf32> to vector<1x16xf32>
          tpu.vector_store %arg10[%parallel_loop3A_1386, %parallel_loop3A_1387], %parallel_loop3A_1390 {strides = array<i32>} : memref<128x128xf32, #tpu.memory_space<vmem>>, vector<1x16xf32>,
          %parallel_loop3A_1391 = arith.index_cast %parallel_loop3A_1335 : i32 to index
          %parallel_loop3A_1392 = arith.constant 80 : index
          %parallel_loop3A_1393 = tpu.vector_load %arg10[%parallel_loop3A_1391, %parallel_loop3A_1392] {strides = array<i32>} : memref<128x128xf32, #tpu.memory_space<vmem>>, vector<1x16xf32>,
          %parallel_loop3A_1394 = vector.shape_cast %parallel_loop3A_1393 : vector<1x16xf32> to vector<16xf32>
          %parallel_loop3A_1395 = vector.broadcast %parallel_loop3A_1331 : f32 to vector<16xf32>
          %parallel_loop3A_1396 = arith.mulf %parallel_loop3A_1394, %parallel_loop3A_1395 : vector<16xf32>
          %parallel_loop3A_1397 = arith.index_cast %parallel_loop3A_1335 : i32 to index
          %parallel_loop3A_1398 = arith.constant 80 : index
          %parallel_loop3A_1399 = tpu.vector_load %arg10[%parallel_loop3A_1397, %parallel_loop3A_1398] {strides = array<i32>} : memref<128x128xf32, #tpu.memory_space<vmem>>, vector<1x16xf32>,
          %parallel_loop3A_1400 = vector.shape_cast %parallel_loop3A_1399 : vector<1x16xf32> to vector<16xf32>
          %parallel_loop3A_1401 = vector.shape_cast %parallel_loop3A_1396 : vector<16xf32> to vector<1x16xf32>
          tpu.vector_store %arg10[%parallel_loop3A_1397, %parallel_loop3A_1398], %parallel_loop3A_1401 {strides = array<i32>} : memref<128x128xf32, #tpu.memory_space<vmem>>, vector<1x16xf32>,
          %parallel_loop3A_1402 = arith.index_cast %parallel_loop3A_1335 : i32 to index
          %parallel_loop3A_1403 = arith.constant 96 : index
          %parallel_loop3A_1404 = tpu.vector_load %arg10[%parallel_loop3A_1402, %parallel_loop3A_1403] {strides = array<i32>} : memref<128x128xf32, #tpu.memory_space<vmem>>, vector<1x16xf32>,
          %parallel_loop3A_1405 = vector.shape_cast %parallel_loop3A_1404 : vector<1x16xf32> to vector<16xf32>
          %parallel_loop3A_1406 = vector.broadcast %parallel_loop3A_1331 : f32 to vector<16xf32>
          %parallel_loop3A_1407 = arith.mulf %parallel_loop3A_1405, %parallel_loop3A_1406 : vector<16xf32>
          %parallel_loop3A_1408 = arith.index_cast %parallel_loop3A_1335 : i32 to index
          %parallel_loop3A_1409 = arith.constant 96 : index
          %parallel_loop3A_1410 = tpu.vector_load %arg10[%parallel_loop3A_1408, %parallel_loop3A_1409] {strides = array<i32>} : memref<128x128xf32, #tpu.memory_space<vmem>>, vector<1x16xf32>,
          %parallel_loop3A_1411 = vector.shape_cast %parallel_loop3A_1410 : vector<1x16xf32> to vector<16xf32>
          %parallel_loop3A_1412 = vector.shape_cast %parallel_loop3A_1407 : vector<16xf32> to vector<1x16xf32>
          tpu.vector_store %arg10[%parallel_loop3A_1408, %parallel_loop3A_1409], %parallel_loop3A_1412 {strides = array<i32>} : memref<128x128xf32, #tpu.memory_space<vmem>>, vector<1x16xf32>,
          %parallel_loop3A_1413 = arith.index_cast %parallel_loop3A_1335 : i32 to index
          %parallel_loop3A_1414 = arith.constant 112 : index
          %parallel_loop3A_1415 = tpu.vector_load %arg10[%parallel_loop3A_1413, %parallel_loop3A_1414] {strides = array<i32>} : memref<128x128xf32, #tpu.memory_space<vmem>>, vector<1x16xf32>,
          %parallel_loop3A_1416 = vector.shape_cast %parallel_loop3A_1415 : vector<1x16xf32> to vector<16xf32>
          %parallel_loop3A_1417 = vector.broadcast %parallel_loop3A_1331 : f32 to vector<16xf32>
          %parallel_loop3A_1418 = arith.mulf %parallel_loop3A_1416, %parallel_loop3A_1417 : vector<16xf32>
          %parallel_loop3A_1419 = arith.index_cast %parallel_loop3A_1335 : i32 to index
          %parallel_loop3A_1420 = arith.constant 112 : index
          %parallel_loop3A_1421 = tpu.vector_load %arg10[%parallel_loop3A_1419, %parallel_loop3A_1420] {strides = array<i32>} : memref<128x128xf32, #tpu.memory_space<vmem>>, vector<1x16xf32>,
          %parallel_loop3A_1422 = vector.shape_cast %parallel_loop3A_1421 : vector<1x16xf32> to vector<16xf32>
          %parallel_loop3A_1423 = vector.shape_cast %parallel_loop3A_1418 : vector<16xf32> to vector<1x16xf32>
          tpu.vector_store %arg10[%parallel_loop3A_1419, %parallel_loop3A_1420], %parallel_loop3A_1423 {strides = array<i32>} : memref<128x128xf32, #tpu.memory_space<vmem>>, vector<1x16xf32>,
          %parallel_loop3A_1424 = vector.extract_strided_slice %parallel_loop3A_201 {offsets = [13], sizes = [1], strides = [1]} : vector<16xf32> to vector<1xf32>
          %parallel_loop3A_1425 = vector.extract %parallel_loop3A_1424[0] : f32 from vector<1xf32>
          %parallel_loop3A_1426 = arith.constant 16 : i32
          %parallel_loop3A_1427 = arith.muli %parallel_loop3A_195, %parallel_loop3A_1426 : i32
          %parallel_loop3A_1428 = arith.constant 13 : i32
          %parallel_loop3A_1429 = arith.addi %parallel_loop3A_1427, %parallel_loop3A_1428 : i32
          %parallel_loop3A_1430 = arith.index_cast %parallel_loop3A_1429 : i32 to index
          %parallel_loop3A_1431 = arith.constant 0 : index
          %parallel_loop3A_1432 = tpu.vector_load %arg10[%parallel_loop3A_1430, %parallel_loop3A_1431] {strides = array<i32>} : memref<128x128xf32, #tpu.memory_space<vmem>>, vector<1x16xf32>,
          %parallel_loop3A_1433 = vector.shape_cast %parallel_loop3A_1432 : vector<1x16xf32> to vector<16xf32>
          %parallel_loop3A_1434 = vector.broadcast %parallel_loop3A_1425 : f32 to vector<16xf32>
          %parallel_loop3A_1435 = arith.mulf %parallel_loop3A_1433, %parallel_loop3A_1434 : vector<16xf32>
          %parallel_loop3A_1436 = arith.index_cast %parallel_loop3A_1429 : i32 to index
          %parallel_loop3A_1437 = arith.constant 0 : index
          %parallel_loop3A_1438 = tpu.vector_load %arg10[%parallel_loop3A_1436, %parallel_loop3A_1437] {strides = array<i32>} : memref<128x128xf32, #tpu.memory_space<vmem>>, vector<1x16xf32>,
          %parallel_loop3A_1439 = vector.shape_cast %parallel_loop3A_1438 : vector<1x16xf32> to vector<16xf32>
          %parallel_loop3A_1440 = vector.shape_cast %parallel_loop3A_1435 : vector<16xf32> to vector<1x16xf32>
          tpu.vector_store %arg10[%parallel_loop3A_1436, %parallel_loop3A_1437], %parallel_loop3A_1440 {strides = array<i32>} : memref<128x128xf32, #tpu.memory_space<vmem>>, vector<1x16xf32>,
          %parallel_loop3A_1441 = arith.index_cast %parallel_loop3A_1429 : i32 to index
          %parallel_loop3A_1442 = arith.constant 16 : index
          %parallel_loop3A_1443 = tpu.vector_load %arg10[%parallel_loop3A_1441, %parallel_loop3A_1442] {strides = array<i32>} : memref<128x128xf32, #tpu.memory_space<vmem>>, vector<1x16xf32>,
          %parallel_loop3A_1444 = vector.shape_cast %parallel_loop3A_1443 : vector<1x16xf32> to vector<16xf32>
          %parallel_loop3A_1445 = vector.broadcast %parallel_loop3A_1425 : f32 to vector<16xf32>
          %parallel_loop3A_1446 = arith.mulf %parallel_loop3A_1444, %parallel_loop3A_1445 : vector<16xf32>
          %parallel_loop3A_1447 = arith.index_cast %parallel_loop3A_1429 : i32 to index
          %parallel_loop3A_1448 = arith.constant 16 : index
          %parallel_loop3A_1449 = tpu.vector_load %arg10[%parallel_loop3A_1447, %parallel_loop3A_1448] {strides = array<i32>} : memref<128x128xf32, #tpu.memory_space<vmem>>, vector<1x16xf32>,
          %parallel_loop3A_1450 = vector.shape_cast %parallel_loop3A_1449 : vector<1x16xf32> to vector<16xf32>
          %parallel_loop3A_1451 = vector.shape_cast %parallel_loop3A_1446 : vector<16xf32> to vector<1x16xf32>
          tpu.vector_store %arg10[%parallel_loop3A_1447, %parallel_loop3A_1448], %parallel_loop3A_1451 {strides = array<i32>} : memref<128x128xf32, #tpu.memory_space<vmem>>, vector<1x16xf32>,
          %parallel_loop3A_1452 = arith.index_cast %parallel_loop3A_1429 : i32 to index
          %parallel_loop3A_1453 = arith.constant 32 : index
          %parallel_loop3A_1454 = tpu.vector_load %arg10[%parallel_loop3A_1452, %parallel_loop3A_1453] {strides = array<i32>} : memref<128x128xf32, #tpu.memory_space<vmem>>, vector<1x16xf32>,
          %parallel_loop3A_1455 = vector.shape_cast %parallel_loop3A_1454 : vector<1x16xf32> to vector<16xf32>
          %parallel_loop3A_1456 = vector.broadcast %parallel_loop3A_1425 : f32 to vector<16xf32>
          %parallel_loop3A_1457 = arith.mulf %parallel_loop3A_1455, %parallel_loop3A_1456 : vector<16xf32>
          %parallel_loop3A_1458 = arith.index_cast %parallel_loop3A_1429 : i32 to index
          %parallel_loop3A_1459 = arith.constant 32 : index
          %parallel_loop3A_1460 = tpu.vector_load %arg10[%parallel_loop3A_1458, %parallel_loop3A_1459] {strides = array<i32>} : memref<128x128xf32, #tpu.memory_space<vmem>>, vector<1x16xf32>,
          %parallel_loop3A_1461 = vector.shape_cast %parallel_loop3A_1460 : vector<1x16xf32> to vector<16xf32>
          %parallel_loop3A_1462 = vector.shape_cast %parallel_loop3A_1457 : vector<16xf32> to vector<1x16xf32>
          tpu.vector_store %arg10[%parallel_loop3A_1458, %parallel_loop3A_1459], %parallel_loop3A_1462 {strides = array<i32>} : memref<128x128xf32, #tpu.memory_space<vmem>>, vector<1x16xf32>,
          %parallel_loop3A_1463 = arith.index_cast %parallel_loop3A_1429 : i32 to index
          %parallel_loop3A_1464 = arith.constant 48 : index
          %parallel_loop3A_1465 = tpu.vector_load %arg10[%parallel_loop3A_1463, %parallel_loop3A_1464] {strides = array<i32>} : memref<128x128xf32, #tpu.memory_space<vmem>>, vector<1x16xf32>,
          %parallel_loop3A_1466 = vector.shape_cast %parallel_loop3A_1465 : vector<1x16xf32> to vector<16xf32>
          %parallel_loop3A_1467 = vector.broadcast %parallel_loop3A_1425 : f32 to vector<16xf32>
          %parallel_loop3A_1468 = arith.mulf %parallel_loop3A_1466, %parallel_loop3A_1467 : vector<16xf32>
          %parallel_loop3A_1469 = arith.index_cast %parallel_loop3A_1429 : i32 to index
          %parallel_loop3A_1470 = arith.constant 48 : index
          %parallel_loop3A_1471 = tpu.vector_load %arg10[%parallel_loop3A_1469, %parallel_loop3A_1470] {strides = array<i32>} : memref<128x128xf32, #tpu.memory_space<vmem>>, vector<1x16xf32>,
          %parallel_loop3A_1472 = vector.shape_cast %parallel_loop3A_1471 : vector<1x16xf32> to vector<16xf32>
          %parallel_loop3A_1473 = vector.shape_cast %parallel_loop3A_1468 : vector<16xf32> to vector<1x16xf32>
          tpu.vector_store %arg10[%parallel_loop3A_1469, %parallel_loop3A_1470], %parallel_loop3A_1473 {strides = array<i32>} : memref<128x128xf32, #tpu.memory_space<vmem>>, vector<1x16xf32>,
          %parallel_loop3A_1474 = arith.index_cast %parallel_loop3A_1429 : i32 to index
          %parallel_loop3A_1475 = arith.constant 64 : index
          %parallel_loop3A_1476 = tpu.vector_load %arg10[%parallel_loop3A_1474, %parallel_loop3A_1475] {strides = array<i32>} : memref<128x128xf32, #tpu.memory_space<vmem>>, vector<1x16xf32>,
          %parallel_loop3A_1477 = vector.shape_cast %parallel_loop3A_1476 : vector<1x16xf32> to vector<16xf32>
          %parallel_loop3A_1478 = vector.broadcast %parallel_loop3A_1425 : f32 to vector<16xf32>
          %parallel_loop3A_1479 = arith.mulf %parallel_loop3A_1477, %parallel_loop3A_1478 : vector<16xf32>
          %parallel_loop3A_1480 = arith.index_cast %parallel_loop3A_1429 : i32 to index
          %parallel_loop3A_1481 = arith.constant 64 : index
          %parallel_loop3A_1482 = tpu.vector_load %arg10[%parallel_loop3A_1480, %parallel_loop3A_1481] {strides = array<i32>} : memref<128x128xf32, #tpu.memory_space<vmem>>, vector<1x16xf32>,
          %parallel_loop3A_1483 = vector.shape_cast %parallel_loop3A_1482 : vector<1x16xf32> to vector<16xf32>
          %parallel_loop3A_1484 = vector.shape_cast %parallel_loop3A_1479 : vector<16xf32> to vector<1x16xf32>
          tpu.vector_store %arg10[%parallel_loop3A_1480, %parallel_loop3A_1481], %parallel_loop3A_1484 {strides = array<i32>} : memref<128x128xf32, #tpu.memory_space<vmem>>, vector<1x16xf32>,
          %parallel_loop3A_1485 = arith.index_cast %parallel_loop3A_1429 : i32 to index
          %parallel_loop3A_1486 = arith.constant 80 : index
          %parallel_loop3A_1487 = tpu.vector_load %arg10[%parallel_loop3A_1485, %parallel_loop3A_1486] {strides = array<i32>} : memref<128x128xf32, #tpu.memory_space<vmem>>, vector<1x16xf32>,
          %parallel_loop3A_1488 = vector.shape_cast %parallel_loop3A_1487 : vector<1x16xf32> to vector<16xf32>
          %parallel_loop3A_1489 = vector.broadcast %parallel_loop3A_1425 : f32 to vector<16xf32>
          %parallel_loop3A_1490 = arith.mulf %parallel_loop3A_1488, %parallel_loop3A_1489 : vector<16xf32>
          %parallel_loop3A_1491 = arith.index_cast %parallel_loop3A_1429 : i32 to index
          %parallel_loop3A_1492 = arith.constant 80 : index
          %parallel_loop3A_1493 = tpu.vector_load %arg10[%parallel_loop3A_1491, %parallel_loop3A_1492] {strides = array<i32>} : memref<128x128xf32, #tpu.memory_space<vmem>>, vector<1x16xf32>,
          %parallel_loop3A_1494 = vector.shape_cast %parallel_loop3A_1493 : vector<1x16xf32> to vector<16xf32>
          %parallel_loop3A_1495 = vector.shape_cast %parallel_loop3A_1490 : vector<16xf32> to vector<1x16xf32>
          tpu.vector_store %arg10[%parallel_loop3A_1491, %parallel_loop3A_1492], %parallel_loop3A_1495 {strides = array<i32>} : memref<128x128xf32, #tpu.memory_space<vmem>>, vector<1x16xf32>,
          %parallel_loop3A_1496 = arith.index_cast %parallel_loop3A_1429 : i32 to index
          %parallel_loop3A_1497 = arith.constant 96 : index
          %parallel_loop3A_1498 = tpu.vector_load %arg10[%parallel_loop3A_1496, %parallel_loop3A_1497] {strides = array<i32>} : memref<128x128xf32, #tpu.memory_space<vmem>>, vector<1x16xf32>,
          %parallel_loop3A_1499 = vector.shape_cast %parallel_loop3A_1498 : vector<1x16xf32> to vector<16xf32>
          %parallel_loop3A_1500 = vector.broadcast %parallel_loop3A_1425 : f32 to vector<16xf32>
          %parallel_loop3A_1501 = arith.mulf %parallel_loop3A_1499, %parallel_loop3A_1500 : vector<16xf32>
          %parallel_loop3A_1502 = arith.index_cast %parallel_loop3A_1429 : i32 to index
          %parallel_loop3A_1503 = arith.constant 96 : index
          %parallel_loop3A_1504 = tpu.vector_load %arg10[%parallel_loop3A_1502, %parallel_loop3A_1503] {strides = array<i32>} : memref<128x128xf32, #tpu.memory_space<vmem>>, vector<1x16xf32>,
          %parallel_loop3A_1505 = vector.shape_cast %parallel_loop3A_1504 : vector<1x16xf32> to vector<16xf32>
          %parallel_loop3A_1506 = vector.shape_cast %parallel_loop3A_1501 : vector<16xf32> to vector<1x16xf32>
          tpu.vector_store %arg10[%parallel_loop3A_1502, %parallel_loop3A_1503], %parallel_loop3A_1506 {strides = array<i32>} : memref<128x128xf32, #tpu.memory_space<vmem>>, vector<1x16xf32>,
          %parallel_loop3A_1507 = arith.index_cast %parallel_loop3A_1429 : i32 to index
          %parallel_loop3A_1508 = arith.constant 112 : index
          %parallel_loop3A_1509 = tpu.vector_load %arg10[%parallel_loop3A_1507, %parallel_loop3A_1508] {strides = array<i32>} : memref<128x128xf32, #tpu.memory_space<vmem>>, vector<1x16xf32>,
          %parallel_loop3A_1510 = vector.shape_cast %parallel_loop3A_1509 : vector<1x16xf32> to vector<16xf32>
          %parallel_loop3A_1511 = vector.broadcast %parallel_loop3A_1425 : f32 to vector<16xf32>
          %parallel_loop3A_1512 = arith.mulf %parallel_loop3A_1510, %parallel_loop3A_1511 : vector<16xf32>
          %parallel_loop3A_1513 = arith.index_cast %parallel_loop3A_1429 : i32 to index
          %parallel_loop3A_1514 = arith.constant 112 : index
          %parallel_loop3A_1515 = tpu.vector_load %arg10[%parallel_loop3A_1513, %parallel_loop3A_1514] {strides = array<i32>} : memref<128x128xf32, #tpu.memory_space<vmem>>, vector<1x16xf32>,
          %parallel_loop3A_1516 = vector.shape_cast %parallel_loop3A_1515 : vector<1x16xf32> to vector<16xf32>
          %parallel_loop3A_1517 = vector.shape_cast %parallel_loop3A_1512 : vector<16xf32> to vector<1x16xf32>
          tpu.vector_store %arg10[%parallel_loop3A_1513, %parallel_loop3A_1514], %parallel_loop3A_1517 {strides = array<i32>} : memref<128x128xf32, #tpu.memory_space<vmem>>, vector<1x16xf32>,
          %parallel_loop3A_1518 = vector.extract_strided_slice %parallel_loop3A_201 {offsets = [14], sizes = [1], strides = [1]} : vector<16xf32> to vector<1xf32>
          %parallel_loop3A_1519 = vector.extract %parallel_loop3A_1518[0] : f32 from vector<1xf32>
          %parallel_loop3A_1520 = arith.constant 16 : i32
          %parallel_loop3A_1521 = arith.muli %parallel_loop3A_195, %parallel_loop3A_1520 : i32
          %parallel_loop3A_1522 = arith.constant 14 : i32
          %parallel_loop3A_1523 = arith.addi %parallel_loop3A_1521, %parallel_loop3A_1522 : i32
          %parallel_loop3A_1524 = arith.index_cast %parallel_loop3A_1523 : i32 to index
          %parallel_loop3A_1525 = arith.constant 0 : index
          %parallel_loop3A_1526 = tpu.vector_load %arg10[%parallel_loop3A_1524, %parallel_loop3A_1525] {strides = array<i32>} : memref<128x128xf32, #tpu.memory_space<vmem>>, vector<1x16xf32>,
          %parallel_loop3A_1527 = vector.shape_cast %parallel_loop3A_1526 : vector<1x16xf32> to vector<16xf32>
          %parallel_loop3A_1528 = vector.broadcast %parallel_loop3A_1519 : f32 to vector<16xf32>
          %parallel_loop3A_1529 = arith.mulf %parallel_loop3A_1527, %parallel_loop3A_1528 : vector<16xf32>
          %parallel_loop3A_1530 = arith.index_cast %parallel_loop3A_1523 : i32 to index
          %parallel_loop3A_1531 = arith.constant 0 : index
          %parallel_loop3A_1532 = tpu.vector_load %arg10[%parallel_loop3A_1530, %parallel_loop3A_1531] {strides = array<i32>} : memref<128x128xf32, #tpu.memory_space<vmem>>, vector<1x16xf32>,
          %parallel_loop3A_1533 = vector.shape_cast %parallel_loop3A_1532 : vector<1x16xf32> to vector<16xf32>
          %parallel_loop3A_1534 = vector.shape_cast %parallel_loop3A_1529 : vector<16xf32> to vector<1x16xf32>
          tpu.vector_store %arg10[%parallel_loop3A_1530, %parallel_loop3A_1531], %parallel_loop3A_1534 {strides = array<i32>} : memref<128x128xf32, #tpu.memory_space<vmem>>, vector<1x16xf32>,
          %parallel_loop3A_1535 = arith.index_cast %parallel_loop3A_1523 : i32 to index
          %parallel_loop3A_1536 = arith.constant 16 : index
          %parallel_loop3A_1537 = tpu.vector_load %arg10[%parallel_loop3A_1535, %parallel_loop3A_1536] {strides = array<i32>} : memref<128x128xf32, #tpu.memory_space<vmem>>, vector<1x16xf32>,
          %parallel_loop3A_1538 = vector.shape_cast %parallel_loop3A_1537 : vector<1x16xf32> to vector<16xf32>
          %parallel_loop3A_1539 = vector.broadcast %parallel_loop3A_1519 : f32 to vector<16xf32>
          %parallel_loop3A_1540 = arith.mulf %parallel_loop3A_1538, %parallel_loop3A_1539 : vector<16xf32>
          %parallel_loop3A_1541 = arith.index_cast %parallel_loop3A_1523 : i32 to index
          %parallel_loop3A_1542 = arith.constant 16 : index
          %parallel_loop3A_1543 = tpu.vector_load %arg10[%parallel_loop3A_1541, %parallel_loop3A_1542] {strides = array<i32>} : memref<128x128xf32, #tpu.memory_space<vmem>>, vector<1x16xf32>,
          %parallel_loop3A_1544 = vector.shape_cast %parallel_loop3A_1543 : vector<1x16xf32> to vector<16xf32>
          %parallel_loop3A_1545 = vector.shape_cast %parallel_loop3A_1540 : vector<16xf32> to vector<1x16xf32>
          tpu.vector_store %arg10[%parallel_loop3A_1541, %parallel_loop3A_1542], %parallel_loop3A_1545 {strides = array<i32>} : memref<128x128xf32, #tpu.memory_space<vmem>>, vector<1x16xf32>,
          %parallel_loop3A_1546 = arith.index_cast %parallel_loop3A_1523 : i32 to index
          %parallel_loop3A_1547 = arith.constant 32 : index
          %parallel_loop3A_1548 = tpu.vector_load %arg10[%parallel_loop3A_1546, %parallel_loop3A_1547] {strides = array<i32>} : memref<128x128xf32, #tpu.memory_space<vmem>>, vector<1x16xf32>,
          %parallel_loop3A_1549 = vector.shape_cast %parallel_loop3A_1548 : vector<1x16xf32> to vector<16xf32>
          %parallel_loop3A_1550 = vector.broadcast %parallel_loop3A_1519 : f32 to vector<16xf32>
          %parallel_loop3A_1551 = arith.mulf %parallel_loop3A_1549, %parallel_loop3A_1550 : vector<16xf32>
          %parallel_loop3A_1552 = arith.index_cast %parallel_loop3A_1523 : i32 to index
          %parallel_loop3A_1553 = arith.constant 32 : index
          %parallel_loop3A_1554 = tpu.vector_load %arg10[%parallel_loop3A_1552, %parallel_loop3A_1553] {strides = array<i32>} : memref<128x128xf32, #tpu.memory_space<vmem>>, vector<1x16xf32>,
          %parallel_loop3A_1555 = vector.shape_cast %parallel_loop3A_1554 : vector<1x16xf32> to vector<16xf32>
          %parallel_loop3A_1556 = vector.shape_cast %parallel_loop3A_1551 : vector<16xf32> to vector<1x16xf32>
          tpu.vector_store %arg10[%parallel_loop3A_1552, %parallel_loop3A_1553], %parallel_loop3A_1556 {strides = array<i32>} : memref<128x128xf32, #tpu.memory_space<vmem>>, vector<1x16xf32>,
          %parallel_loop3A_1557 = arith.index_cast %parallel_loop3A_1523 : i32 to index
          %parallel_loop3A_1558 = arith.constant 48 : index
          %parallel_loop3A_1559 = tpu.vector_load %arg10[%parallel_loop3A_1557, %parallel_loop3A_1558] {strides = array<i32>} : memref<128x128xf32, #tpu.memory_space<vmem>>, vector<1x16xf32>,
          %parallel_loop3A_1560 = vector.shape_cast %parallel_loop3A_1559 : vector<1x16xf32> to vector<16xf32>
          %parallel_loop3A_1561 = vector.broadcast %parallel_loop3A_1519 : f32 to vector<16xf32>
          %parallel_loop3A_1562 = arith.mulf %parallel_loop3A_1560, %parallel_loop3A_1561 : vector<16xf32>
          %parallel_loop3A_1563 = arith.index_cast %parallel_loop3A_1523 : i32 to index
          %parallel_loop3A_1564 = arith.constant 48 : index
          %parallel_loop3A_1565 = tpu.vector_load %arg10[%parallel_loop3A_1563, %parallel_loop3A_1564] {strides = array<i32>} : memref<128x128xf32, #tpu.memory_space<vmem>>, vector<1x16xf32>,
          %parallel_loop3A_1566 = vector.shape_cast %parallel_loop3A_1565 : vector<1x16xf32> to vector<16xf32>
          %parallel_loop3A_1567 = vector.shape_cast %parallel_loop3A_1562 : vector<16xf32> to vector<1x16xf32>
          tpu.vector_store %arg10[%parallel_loop3A_1563, %parallel_loop3A_1564], %parallel_loop3A_1567 {strides = array<i32>} : memref<128x128xf32, #tpu.memory_space<vmem>>, vector<1x16xf32>,
          %parallel_loop3A_1568 = arith.index_cast %parallel_loop3A_1523 : i32 to index
          %parallel_loop3A_1569 = arith.constant 64 : index
          %parallel_loop3A_1570 = tpu.vector_load %arg10[%parallel_loop3A_1568, %parallel_loop3A_1569] {strides = array<i32>} : memref<128x128xf32, #tpu.memory_space<vmem>>, vector<1x16xf32>,
          %parallel_loop3A_1571 = vector.shape_cast %parallel_loop3A_1570 : vector<1x16xf32> to vector<16xf32>
          %parallel_loop3A_1572 = vector.broadcast %parallel_loop3A_1519 : f32 to vector<16xf32>
          %parallel_loop3A_1573 = arith.mulf %parallel_loop3A_1571, %parallel_loop3A_1572 : vector<16xf32>
          %parallel_loop3A_1574 = arith.index_cast %parallel_loop3A_1523 : i32 to index
          %parallel_loop3A_1575 = arith.constant 64 : index
          %parallel_loop3A_1576 = tpu.vector_load %arg10[%parallel_loop3A_1574, %parallel_loop3A_1575] {strides = array<i32>} : memref<128x128xf32, #tpu.memory_space<vmem>>, vector<1x16xf32>,
          %parallel_loop3A_1577 = vector.shape_cast %parallel_loop3A_1576 : vector<1x16xf32> to vector<16xf32>
          %parallel_loop3A_1578 = vector.shape_cast %parallel_loop3A_1573 : vector<16xf32> to vector<1x16xf32>
          tpu.vector_store %arg10[%parallel_loop3A_1574, %parallel_loop3A_1575], %parallel_loop3A_1578 {strides = array<i32>} : memref<128x128xf32, #tpu.memory_space<vmem>>, vector<1x16xf32>,
          %parallel_loop3A_1579 = arith.index_cast %parallel_loop3A_1523 : i32 to index
          %parallel_loop3A_1580 = arith.constant 80 : index
          %parallel_loop3A_1581 = tpu.vector_load %arg10[%parallel_loop3A_1579, %parallel_loop3A_1580] {strides = array<i32>} : memref<128x128xf32, #tpu.memory_space<vmem>>, vector<1x16xf32>,
          %parallel_loop3A_1582 = vector.shape_cast %parallel_loop3A_1581 : vector<1x16xf32> to vector<16xf32>
          %parallel_loop3A_1583 = vector.broadcast %parallel_loop3A_1519 : f32 to vector<16xf32>
          %parallel_loop3A_1584 = arith.mulf %parallel_loop3A_1582, %parallel_loop3A_1583 : vector<16xf32>
          %parallel_loop3A_1585 = arith.index_cast %parallel_loop3A_1523 : i32 to index
          %parallel_loop3A_1586 = arith.constant 80 : index
          %parallel_loop3A_1587 = tpu.vector_load %arg10[%parallel_loop3A_1585, %parallel_loop3A_1586] {strides = array<i32>} : memref<128x128xf32, #tpu.memory_space<vmem>>, vector<1x16xf32>,
          %parallel_loop3A_1588 = vector.shape_cast %parallel_loop3A_1587 : vector<1x16xf32> to vector<16xf32>
          %parallel_loop3A_1589 = vector.shape_cast %parallel_loop3A_1584 : vector<16xf32> to vector<1x16xf32>
          tpu.vector_store %arg10[%parallel_loop3A_1585, %parallel_loop3A_1586], %parallel_loop3A_1589 {strides = array<i32>} : memref<128x128xf32, #tpu.memory_space<vmem>>, vector<1x16xf32>,
          %parallel_loop3A_1590 = arith.index_cast %parallel_loop3A_1523 : i32 to index
          %parallel_loop3A_1591 = arith.constant 96 : index
          %parallel_loop3A_1592 = tpu.vector_load %arg10[%parallel_loop3A_1590, %parallel_loop3A_1591] {strides = array<i32>} : memref<128x128xf32, #tpu.memory_space<vmem>>, vector<1x16xf32>,
          %parallel_loop3A_1593 = vector.shape_cast %parallel_loop3A_1592 : vector<1x16xf32> to vector<16xf32>
          %parallel_loop3A_1594 = vector.broadcast %parallel_loop3A_1519 : f32 to vector<16xf32>
          %parallel_loop3A_1595 = arith.mulf %parallel_loop3A_1593, %parallel_loop3A_1594 : vector<16xf32>
          %parallel_loop3A_1596 = arith.index_cast %parallel_loop3A_1523 : i32 to index
          %parallel_loop3A_1597 = arith.constant 96 : index
          %parallel_loop3A_1598 = tpu.vector_load %arg10[%parallel_loop3A_1596, %parallel_loop3A_1597] {strides = array<i32>} : memref<128x128xf32, #tpu.memory_space<vmem>>, vector<1x16xf32>,
          %parallel_loop3A_1599 = vector.shape_cast %parallel_loop3A_1598 : vector<1x16xf32> to vector<16xf32>
          %parallel_loop3A_1600 = vector.shape_cast %parallel_loop3A_1595 : vector<16xf32> to vector<1x16xf32>
          tpu.vector_store %arg10[%parallel_loop3A_1596, %parallel_loop3A_1597], %parallel_loop3A_1600 {strides = array<i32>} : memref<128x128xf32, #tpu.memory_space<vmem>>, vector<1x16xf32>,
          %parallel_loop3A_1601 = arith.index_cast %parallel_loop3A_1523 : i32 to index
          %parallel_loop3A_1602 = arith.constant 112 : index
          %parallel_loop3A_1603 = tpu.vector_load %arg10[%parallel_loop3A_1601, %parallel_loop3A_1602] {strides = array<i32>} : memref<128x128xf32, #tpu.memory_space<vmem>>, vector<1x16xf32>,
          %parallel_loop3A_1604 = vector.shape_cast %parallel_loop3A_1603 : vector<1x16xf32> to vector<16xf32>
          %parallel_loop3A_1605 = vector.broadcast %parallel_loop3A_1519 : f32 to vector<16xf32>
          %parallel_loop3A_1606 = arith.mulf %parallel_loop3A_1604, %parallel_loop3A_1605 : vector<16xf32>
          %parallel_loop3A_1607 = arith.index_cast %parallel_loop3A_1523 : i32 to index
          %parallel_loop3A_1608 = arith.constant 112 : index
          %parallel_loop3A_1609 = tpu.vector_load %arg10[%parallel_loop3A_1607, %parallel_loop3A_1608] {strides = array<i32>} : memref<128x128xf32, #tpu.memory_space<vmem>>, vector<1x16xf32>,
          %parallel_loop3A_1610 = vector.shape_cast %parallel_loop3A_1609 : vector<1x16xf32> to vector<16xf32>
          %parallel_loop3A_1611 = vector.shape_cast %parallel_loop3A_1606 : vector<16xf32> to vector<1x16xf32>
          tpu.vector_store %arg10[%parallel_loop3A_1607, %parallel_loop3A_1608], %parallel_loop3A_1611 {strides = array<i32>} : memref<128x128xf32, #tpu.memory_space<vmem>>, vector<1x16xf32>,
          %parallel_loop3A_1612 = vector.extract_strided_slice %parallel_loop3A_201 {offsets = [15], sizes = [1], strides = [1]} : vector<16xf32> to vector<1xf32>
          %parallel_loop3A_1613 = vector.extract %parallel_loop3A_1612[0] : f32 from vector<1xf32>
          %parallel_loop3A_1614 = arith.constant 16 : i32
          %parallel_loop3A_1615 = arith.muli %parallel_loop3A_195, %parallel_loop3A_1614 : i32
          %parallel_loop3A_1616 = arith.constant 15 : i32
          %parallel_loop3A_1617 = arith.addi %parallel_loop3A_1615, %parallel_loop3A_1616 : i32
          %parallel_loop3A_1618 = arith.index_cast %parallel_loop3A_1617 : i32 to index
          %parallel_loop3A_1619 = arith.constant 0 : index
          %parallel_loop3A_1620 = tpu.vector_load %arg10[%parallel_loop3A_1618, %parallel_loop3A_1619] {strides = array<i32>} : memref<128x128xf32, #tpu.memory_space<vmem>>, vector<1x16xf32>,
          %parallel_loop3A_1621 = vector.shape_cast %parallel_loop3A_1620 : vector<1x16xf32> to vector<16xf32>
          %parallel_loop3A_1622 = vector.broadcast %parallel_loop3A_1613 : f32 to vector<16xf32>
          %parallel_loop3A_1623 = arith.mulf %parallel_loop3A_1621, %parallel_loop3A_1622 : vector<16xf32>
          %parallel_loop3A_1624 = arith.index_cast %parallel_loop3A_1617 : i32 to index
          %parallel_loop3A_1625 = arith.constant 0 : index
          %parallel_loop3A_1626 = tpu.vector_load %arg10[%parallel_loop3A_1624, %parallel_loop3A_1625] {strides = array<i32>} : memref<128x128xf32, #tpu.memory_space<vmem>>, vector<1x16xf32>,
          %parallel_loop3A_1627 = vector.shape_cast %parallel_loop3A_1626 : vector<1x16xf32> to vector<16xf32>
          %parallel_loop3A_1628 = vector.shape_cast %parallel_loop3A_1623 : vector<16xf32> to vector<1x16xf32>
          tpu.vector_store %arg10[%parallel_loop3A_1624, %parallel_loop3A_1625], %parallel_loop3A_1628 {strides = array<i32>} : memref<128x128xf32, #tpu.memory_space<vmem>>, vector<1x16xf32>,
          %parallel_loop3A_1629 = arith.index_cast %parallel_loop3A_1617 : i32 to index
          %parallel_loop3A_1630 = arith.constant 16 : index
          %parallel_loop3A_1631 = tpu.vector_load %arg10[%parallel_loop3A_1629, %parallel_loop3A_1630] {strides = array<i32>} : memref<128x128xf32, #tpu.memory_space<vmem>>, vector<1x16xf32>,
          %parallel_loop3A_1632 = vector.shape_cast %parallel_loop3A_1631 : vector<1x16xf32> to vector<16xf32>
          %parallel_loop3A_1633 = vector.broadcast %parallel_loop3A_1613 : f32 to vector<16xf32>
          %parallel_loop3A_1634 = arith.mulf %parallel_loop3A_1632, %parallel_loop3A_1633 : vector<16xf32>
          %parallel_loop3A_1635 = arith.index_cast %parallel_loop3A_1617 : i32 to index
          %parallel_loop3A_1636 = arith.constant 16 : index
          %parallel_loop3A_1637 = tpu.vector_load %arg10[%parallel_loop3A_1635, %parallel_loop3A_1636] {strides = array<i32>} : memref<128x128xf32, #tpu.memory_space<vmem>>, vector<1x16xf32>,
          %parallel_loop3A_1638 = vector.shape_cast %parallel_loop3A_1637 : vector<1x16xf32> to vector<16xf32>
          %parallel_loop3A_1639 = vector.shape_cast %parallel_loop3A_1634 : vector<16xf32> to vector<1x16xf32>
          tpu.vector_store %arg10[%parallel_loop3A_1635, %parallel_loop3A_1636], %parallel_loop3A_1639 {strides = array<i32>} : memref<128x128xf32, #tpu.memory_space<vmem>>, vector<1x16xf32>,
          %parallel_loop3A_1640 = arith.index_cast %parallel_loop3A_1617 : i32 to index
          %parallel_loop3A_1641 = arith.constant 32 : index
          %parallel_loop3A_1642 = tpu.vector_load %arg10[%parallel_loop3A_1640, %parallel_loop3A_1641] {strides = array<i32>} : memref<128x128xf32, #tpu.memory_space<vmem>>, vector<1x16xf32>,
          %parallel_loop3A_1643 = vector.shape_cast %parallel_loop3A_1642 : vector<1x16xf32> to vector<16xf32>
          %parallel_loop3A_1644 = vector.broadcast %parallel_loop3A_1613 : f32 to vector<16xf32>
          %parallel_loop3A_1645 = arith.mulf %parallel_loop3A_1643, %parallel_loop3A_1644 : vector<16xf32>
          %parallel_loop3A_1646 = arith.index_cast %parallel_loop3A_1617 : i32 to index
          %parallel_loop3A_1647 = arith.constant 32 : index
          %parallel_loop3A_1648 = tpu.vector_load %arg10[%parallel_loop3A_1646, %parallel_loop3A_1647] {strides = array<i32>} : memref<128x128xf32, #tpu.memory_space<vmem>>, vector<1x16xf32>,
          %parallel_loop3A_1649 = vector.shape_cast %parallel_loop3A_1648 : vector<1x16xf32> to vector<16xf32>
          %parallel_loop3A_1650 = vector.shape_cast %parallel_loop3A_1645 : vector<16xf32> to vector<1x16xf32>
          tpu.vector_store %arg10[%parallel_loop3A_1646, %parallel_loop3A_1647], %parallel_loop3A_1650 {strides = array<i32>} : memref<128x128xf32, #tpu.memory_space<vmem>>, vector<1x16xf32>,
          %parallel_loop3A_1651 = arith.index_cast %parallel_loop3A_1617 : i32 to index
          %parallel_loop3A_1652 = arith.constant 48 : index
          %parallel_loop3A_1653 = tpu.vector_load %arg10[%parallel_loop3A_1651, %parallel_loop3A_1652] {strides = array<i32>} : memref<128x128xf32, #tpu.memory_space<vmem>>, vector<1x16xf32>,
          %parallel_loop3A_1654 = vector.shape_cast %parallel_loop3A_1653 : vector<1x16xf32> to vector<16xf32>
          %parallel_loop3A_1655 = vector.broadcast %parallel_loop3A_1613 : f32 to vector<16xf32>
          %parallel_loop3A_1656 = arith.mulf %parallel_loop3A_1654, %parallel_loop3A_1655 : vector<16xf32>
          %parallel_loop3A_1657 = arith.index_cast %parallel_loop3A_1617 : i32 to index
          %parallel_loop3A_1658 = arith.constant 48 : index
          %parallel_loop3A_1659 = tpu.vector_load %arg10[%parallel_loop3A_1657, %parallel_loop3A_1658] {strides = array<i32>} : memref<128x128xf32, #tpu.memory_space<vmem>>, vector<1x16xf32>,
          %parallel_loop3A_1660 = vector.shape_cast %parallel_loop3A_1659 : vector<1x16xf32> to vector<16xf32>
          %parallel_loop3A_1661 = vector.shape_cast %parallel_loop3A_1656 : vector<16xf32> to vector<1x16xf32>
          tpu.vector_store %arg10[%parallel_loop3A_1657, %parallel_loop3A_1658], %parallel_loop3A_1661 {strides = array<i32>} : memref<128x128xf32, #tpu.memory_space<vmem>>, vector<1x16xf32>,
          %parallel_loop3A_1662 = arith.index_cast %parallel_loop3A_1617 : i32 to index
          %parallel_loop3A_1663 = arith.constant 64 : index
          %parallel_loop3A_1664 = tpu.vector_load %arg10[%parallel_loop3A_1662, %parallel_loop3A_1663] {strides = array<i32>} : memref<128x128xf32, #tpu.memory_space<vmem>>, vector<1x16xf32>,
          %parallel_loop3A_1665 = vector.shape_cast %parallel_loop3A_1664 : vector<1x16xf32> to vector<16xf32>
          %parallel_loop3A_1666 = vector.broadcast %parallel_loop3A_1613 : f32 to vector<16xf32>
          %parallel_loop3A_1667 = arith.mulf %parallel_loop3A_1665, %parallel_loop3A_1666 : vector<16xf32>
          %parallel_loop3A_1668 = arith.index_cast %parallel_loop3A_1617 : i32 to index
          %parallel_loop3A_1669 = arith.constant 64 : index
          %parallel_loop3A_1670 = tpu.vector_load %arg10[%parallel_loop3A_1668, %parallel_loop3A_1669] {strides = array<i32>} : memref<128x128xf32, #tpu.memory_space<vmem>>, vector<1x16xf32>,
          %parallel_loop3A_1671 = vector.shape_cast %parallel_loop3A_1670 : vector<1x16xf32> to vector<16xf32>
          %parallel_loop3A_1672 = vector.shape_cast %parallel_loop3A_1667 : vector<16xf32> to vector<1x16xf32>
          tpu.vector_store %arg10[%parallel_loop3A_1668, %parallel_loop3A_1669], %parallel_loop3A_1672 {strides = array<i32>} : memref<128x128xf32, #tpu.memory_space<vmem>>, vector<1x16xf32>,
          %parallel_loop3A_1673 = arith.index_cast %parallel_loop3A_1617 : i32 to index
          %parallel_loop3A_1674 = arith.constant 80 : index
          %parallel_loop3A_1675 = tpu.vector_load %arg10[%parallel_loop3A_1673, %parallel_loop3A_1674] {strides = array<i32>} : memref<128x128xf32, #tpu.memory_space<vmem>>, vector<1x16xf32>,
          %parallel_loop3A_1676 = vector.shape_cast %parallel_loop3A_1675 : vector<1x16xf32> to vector<16xf32>
          %parallel_loop3A_1677 = vector.broadcast %parallel_loop3A_1613 : f32 to vector<16xf32>
          %parallel_loop3A_1678 = arith.mulf %parallel_loop3A_1676, %parallel_loop3A_1677 : vector<16xf32>
          %parallel_loop3A_1679 = arith.index_cast %parallel_loop3A_1617 : i32 to index
          %parallel_loop3A_1680 = arith.constant 80 : index
          %parallel_loop3A_1681 = tpu.vector_load %arg10[%parallel_loop3A_1679, %parallel_loop3A_1680] {strides = array<i32>} : memref<128x128xf32, #tpu.memory_space<vmem>>, vector<1x16xf32>,
          %parallel_loop3A_1682 = vector.shape_cast %parallel_loop3A_1681 : vector<1x16xf32> to vector<16xf32>
          %parallel_loop3A_1683 = vector.shape_cast %parallel_loop3A_1678 : vector<16xf32> to vector<1x16xf32>
          tpu.vector_store %arg10[%parallel_loop3A_1679, %parallel_loop3A_1680], %parallel_loop3A_1683 {strides = array<i32>} : memref<128x128xf32, #tpu.memory_space<vmem>>, vector<1x16xf32>,
          %parallel_loop3A_1684 = arith.index_cast %parallel_loop3A_1617 : i32 to index
          %parallel_loop3A_1685 = arith.constant 96 : index
          %parallel_loop3A_1686 = tpu.vector_load %arg10[%parallel_loop3A_1684, %parallel_loop3A_1685] {strides = array<i32>} : memref<128x128xf32, #tpu.memory_space<vmem>>, vector<1x16xf32>,
          %parallel_loop3A_1687 = vector.shape_cast %parallel_loop3A_1686 : vector<1x16xf32> to vector<16xf32>
          %parallel_loop3A_1688 = vector.broadcast %parallel_loop3A_1613 : f32 to vector<16xf32>
          %parallel_loop3A_1689 = arith.mulf %parallel_loop3A_1687, %parallel_loop3A_1688 : vector<16xf32>
          %parallel_loop3A_1690 = arith.index_cast %parallel_loop3A_1617 : i32 to index
          %parallel_loop3A_1691 = arith.constant 96 : index
          %parallel_loop3A_1692 = tpu.vector_load %arg10[%parallel_loop3A_1690, %parallel_loop3A_1691] {strides = array<i32>} : memref<128x128xf32, #tpu.memory_space<vmem>>, vector<1x16xf32>,
          %parallel_loop3A_1693 = vector.shape_cast %parallel_loop3A_1692 : vector<1x16xf32> to vector<16xf32>
          %parallel_loop3A_1694 = vector.shape_cast %parallel_loop3A_1689 : vector<16xf32> to vector<1x16xf32>
          tpu.vector_store %arg10[%parallel_loop3A_1690, %parallel_loop3A_1691], %parallel_loop3A_1694 {strides = array<i32>} : memref<128x128xf32, #tpu.memory_space<vmem>>, vector<1x16xf32>,
          %parallel_loop3A_1695 = arith.index_cast %parallel_loop3A_1617 : i32 to index
          %parallel_loop3A_1696 = arith.constant 112 : index
          %parallel_loop3A_1697 = tpu.vector_load %arg10[%parallel_loop3A_1695, %parallel_loop3A_1696] {strides = array<i32>} : memref<128x128xf32, #tpu.memory_space<vmem>>, vector<1x16xf32>,
          %parallel_loop3A_1698 = vector.shape_cast %parallel_loop3A_1697 : vector<1x16xf32> to vector<16xf32>
          %parallel_loop3A_1699 = vector.broadcast %parallel_loop3A_1613 : f32 to vector<16xf32>
          %parallel_loop3A_1700 = arith.mulf %parallel_loop3A_1698, %parallel_loop3A_1699 : vector<16xf32>
          %parallel_loop3A_1701 = arith.index_cast %parallel_loop3A_1617 : i32 to index
          %parallel_loop3A_1702 = arith.constant 112 : index
          %parallel_loop3A_1703 = tpu.vector_load %arg10[%parallel_loop3A_1701, %parallel_loop3A_1702] {strides = array<i32>} : memref<128x128xf32, #tpu.memory_space<vmem>>, vector<1x16xf32>,
          %parallel_loop3A_1704 = vector.shape_cast %parallel_loop3A_1703 : vector<1x16xf32> to vector<16xf32>
          %parallel_loop3A_1705 = vector.shape_cast %parallel_loop3A_1700 : vector<16xf32> to vector<1x16xf32>
          tpu.vector_store %arg10[%parallel_loop3A_1701, %parallel_loop3A_1702], %parallel_loop3A_1705 {strides = array<i32>} : memref<128x128xf32, #tpu.memory_space<vmem>>, vector<1x16xf32>,
        } {sc.loop_unroll_factor = 1 : i64, sc.parallel_access}
        "tpu.region"() ({
          %run_scoped3A = tpu.sem_alloc : memref<!tpu.dma_semaphore, #tpu.memory_space<semaphore_mem>>
          %dma_start3A_195 = arith.constant 0 : i32
          %dma_start3A_196 = tpu.memref_slice %arg8[%mul3A_165, %dma_start3A_195] : memref<16x128xi32, #tpu.memory_space<vmem>> -> memref<1x128xi32, #tpu.memory_space<vmem>>
          %dma_start3A_197 = tpu.memref_squeeze %dma_start3A_196 : memref<1x128xi32, #tpu.memory_space<vmem>> -> memref<128xi32, #tpu.memory_space<vmem>>
          %dma_start3A_198 = arith.constant 0 : i32
          %dma_start3A_199 = arith.constant 0 : i32
          %dma_start3A_200 = tpu.memref_slice %arg12[%dma_start3A_198, %dma_start3A_199] : memref<10240x128xf32, #tpu.memory_space<vmem_shared>> -> memref<10240x128xf32, #tpu.memory_space<vmem_shared>>
          tpu.enqueue_indirect_dma source(%arg10 : memref<128x128xf32, #tpu.memory_space<vmem>>) target(%dma_start3A_200 : memref<10240x128xf32, #tpu.memory_space<vmem_shared>>) offsets(%dma_start3A_197 : memref<128xi32, #tpu.memory_space<vmem>>) semaphore(%run_scoped3A : memref<!tpu.dma_semaphore, #tpu.memory_space<semaphore_mem>>) {add = true}
          %dma_wait3A_201 = arith.constant 0 : i32
          %dma_wait3A_202 = tpu.memref_slice %arg8[%mul3A_165, %dma_wait3A_201] : memref<16x128xi32, #tpu.memory_space<vmem>> -> memref<1x128xi32, #tpu.memory_space<vmem>>
          %dma_wait3A_203 = tpu.memref_squeeze %dma_wait3A_202 : memref<1x128xi32, #tpu.memory_space<vmem>> -> memref<128xi32, #tpu.memory_space<vmem>>
          %dma_wait3A_204 = arith.constant 0 : i32
          %dma_wait3A_205 = arith.constant 0 : i32
          %dma_wait3A_206 = tpu.memref_slice %arg12[%dma_wait3A_204, %dma_wait3A_205] : memref<10240x128xf32, #tpu.memory_space<vmem_shared>> -> memref<10240x128xf32, #tpu.memory_space<vmem_shared>>
          tpu.wait_indirect_dma semaphore(%run_scoped3A : memref<!tpu.dma_semaphore, #tpu.memory_space<semaphore_mem>>) src(%arg10 : memref<128x128xf32, #tpu.memory_space<vmem>>) dst(%dma_wait3A_206 : memref<10240x128xf32, #tpu.memory_space<vmem_shared>>)
          tpu.yield
        }) : () -> ()
        %dma_wait3A_186 = arith.constant 0 : i32
        %dma_wait3A_187 = tpu.memref_slice %arg7[%add3A_167, %dma_wait3A_186] : memref<18x128xi32, #tpu.memory_space<vmem>> -> memref<1x128xi32, #tpu.memory_space<vmem>>
        %dma_wait3A_188 = tpu.memref_squeeze %dma_wait3A_187 : memref<1x128xi32, #tpu.memory_space<vmem>> -> memref<128xi32, #tpu.memory_space<vmem>>
        %dma_wait3A_189 = arith.constant 0 : i32
        %dma_wait3A_190 = arith.constant 0 : i32
        %dma_wait3A_191 = tpu.memref_slice %arg5[%dma_wait3A_189, %dma_wait3A_190] : memref<10000x128xf32, #tpu.memory_space<hbm>> -> memref<10000x128xf32, #tpu.memory_space<hbm>>
        tpu.wait_indirect_dma semaphore(%arg14 : memref<!tpu.dma_semaphore, #tpu.memory_space<semaphore_mem>>) src(%dma_wait3A_191 : memref<10000x128xf32, #tpu.memory_space<hbm>>) dst(%arg11 : memref<128x128xf32, #tpu.memory_space<vmem>>)
        %parallel_loop3A_192 = arith.constant 0 : i32
        %parallel_loop3A_193 = arith.constant 8 : i32
        %parallel_loop3A_194 = arith.constant 1 : i32
        scf.for %parallel_loop3A_195 = %parallel_loop3A_192 to %parallel_loop3A_193 step %parallel_loop3A_194  : i32 {
          %parallel_loop3A_196 = arith.constant 16 : i32
          %parallel_loop3A_197 = arith.muli %parallel_loop3A_195, %parallel_loop3A_196 : i32
          %parallel_loop3A_198 = arith.index_cast %add3A_167 : i32 to index
          %parallel_loop3A_199 = arith.index_cast %parallel_loop3A_197 : i32 to index
          %parallel_loop3A_200 = tpu.vector_load %arg9[%parallel_loop3A_198, %parallel_loop3A_199] {strides = array<i32>} : memref<16x128xf32, #tpu.memory_space<vmem>>, vector<1x16xf32>,
          %parallel_loop3A_201 = vector.shape_cast %parallel_loop3A_200 : vector<1x16xf32> to vector<16xf32>
          %parallel_loop3A_202 = vector.extract_strided_slice %parallel_loop3A_201 {offsets = [0], sizes = [1], strides = [1]} : vector<16xf32> to vector<1xf32>
          %parallel_loop3A_203 = vector.extract %parallel_loop3A_202[0] : f32 from vector<1xf32>
          %parallel_loop3A_204 = arith.constant 16 : i32
          %parallel_loop3A_205 = arith.muli %parallel_loop3A_195, %parallel_loop3A_204 : i32
          %parallel_loop3A_206 = arith.constant 0 : i32
          %parallel_loop3A_207 = arith.addi %parallel_loop3A_205, %parallel_loop3A_206 : i32
          %parallel_loop3A_208 = arith.index_cast %parallel_loop3A_207 : i32 to index
          %parallel_loop3A_209 = arith.constant 0 : index
          %parallel_loop3A_210 = tpu.vector_load %arg11[%parallel_loop3A_208, %parallel_loop3A_209] {strides = array<i32>} : memref<128x128xf32, #tpu.memory_space<vmem>>, vector<1x16xf32>,
          %parallel_loop3A_211 = vector.shape_cast %parallel_loop3A_210 : vector<1x16xf32> to vector<16xf32>
          %parallel_loop3A_212 = vector.broadcast %parallel_loop3A_203 : f32 to vector<16xf32>
          %parallel_loop3A_213 = arith.mulf %parallel_loop3A_211, %parallel_loop3A_212 : vector<16xf32>
          %parallel_loop3A_214 = arith.index_cast %parallel_loop3A_207 : i32 to index
          %parallel_loop3A_215 = arith.constant 0 : index
          %parallel_loop3A_216 = tpu.vector_load %arg11[%parallel_loop3A_214, %parallel_loop3A_215] {strides = array<i32>} : memref<128x128xf32, #tpu.memory_space<vmem>>, vector<1x16xf32>,
          %parallel_loop3A_217 = vector.shape_cast %parallel_loop3A_216 : vector<1x16xf32> to vector<16xf32>
          %parallel_loop3A_218 = vector.shape_cast %parallel_loop3A_213 : vector<16xf32> to vector<1x16xf32>
          tpu.vector_store %arg11[%parallel_loop3A_214, %parallel_loop3A_215], %parallel_loop3A_218 {strides = array<i32>} : memref<128x128xf32, #tpu.memory_space<vmem>>, vector<1x16xf32>,
          %parallel_loop3A_219 = arith.index_cast %parallel_loop3A_207 : i32 to index
          %parallel_loop3A_220 = arith.constant 16 : index
          %parallel_loop3A_221 = tpu.vector_load %arg11[%parallel_loop3A_219, %parallel_loop3A_220] {strides = array<i32>} : memref<128x128xf32, #tpu.memory_space<vmem>>, vector<1x16xf32>,
          %parallel_loop3A_222 = vector.shape_cast %parallel_loop3A_221 : vector<1x16xf32> to vector<16xf32>
          %parallel_loop3A_223 = vector.broadcast %parallel_loop3A_203 : f32 to vector<16xf32>
          %parallel_loop3A_224 = arith.mulf %parallel_loop3A_222, %parallel_loop3A_223 : vector<16xf32>
          %parallel_loop3A_225 = arith.index_cast %parallel_loop3A_207 : i32 to index
          %parallel_loop3A_226 = arith.constant 16 : index
          %parallel_loop3A_227 = tpu.vector_load %arg11[%parallel_loop3A_225, %parallel_loop3A_226] {strides = array<i32>} : memref<128x128xf32, #tpu.memory_space<vmem>>, vector<1x16xf32>,
          %parallel_loop3A_228 = vector.shape_cast %parallel_loop3A_227 : vector<1x16xf32> to vector<16xf32>
          %parallel_loop3A_229 = vector.shape_cast %parallel_loop3A_224 : vector<16xf32> to vector<1x16xf32>
          tpu.vector_store %arg11[%parallel_loop3A_225, %parallel_loop3A_226], %parallel_loop3A_229 {strides = array<i32>} : memref<128x128xf32, #tpu.memory_space<vmem>>, vector<1x16xf32>,
          %parallel_loop3A_230 = arith.index_cast %parallel_loop3A_207 : i32 to index
          %parallel_loop3A_231 = arith.constant 32 : index
          %parallel_loop3A_232 = tpu.vector_load %arg11[%parallel_loop3A_230, %parallel_loop3A_231] {strides = array<i32>} : memref<128x128xf32, #tpu.memory_space<vmem>>, vector<1x16xf32>,
          %parallel_loop3A_233 = vector.shape_cast %parallel_loop3A_232 : vector<1x16xf32> to vector<16xf32>
          %parallel_loop3A_234 = vector.broadcast %parallel_loop3A_203 : f32 to vector<16xf32>
          %parallel_loop3A_235 = arith.mulf %parallel_loop3A_233, %parallel_loop3A_234 : vector<16xf32>
          %parallel_loop3A_236 = arith.index_cast %parallel_loop3A_207 : i32 to index
          %parallel_loop3A_237 = arith.constant 32 : index
          %parallel_loop3A_238 = tpu.vector_load %arg11[%parallel_loop3A_236, %parallel_loop3A_237] {strides = array<i32>} : memref<128x128xf32, #tpu.memory_space<vmem>>, vector<1x16xf32>,
          %parallel_loop3A_239 = vector.shape_cast %parallel_loop3A_238 : vector<1x16xf32> to vector<16xf32>
          %parallel_loop3A_240 = vector.shape_cast %parallel_loop3A_235 : vector<16xf32> to vector<1x16xf32>
          tpu.vector_store %arg11[%parallel_loop3A_236, %parallel_loop3A_237], %parallel_loop3A_240 {strides = array<i32>} : memref<128x128xf32, #tpu.memory_space<vmem>>, vector<1x16xf32>,
          %parallel_loop3A_241 = arith.index_cast %parallel_loop3A_207 : i32 to index
          %parallel_loop3A_242 = arith.constant 48 : index
          %parallel_loop3A_243 = tpu.vector_load %arg11[%parallel_loop3A_241, %parallel_loop3A_242] {strides = array<i32>} : memref<128x128xf32, #tpu.memory_space<vmem>>, vector<1x16xf32>,
          %parallel_loop3A_244 = vector.shape_cast %parallel_loop3A_243 : vector<1x16xf32> to vector<16xf32>
          %parallel_loop3A_245 = vector.broadcast %parallel_loop3A_203 : f32 to vector<16xf32>
          %parallel_loop3A_246 = arith.mulf %parallel_loop3A_244, %parallel_loop3A_245 : vector<16xf32>
          %parallel_loop3A_247 = arith.index_cast %parallel_loop3A_207 : i32 to index
          %parallel_loop3A_248 = arith.constant 48 : index
          %parallel_loop3A_249 = tpu.vector_load %arg11[%parallel_loop3A_247, %parallel_loop3A_248] {strides = array<i32>} : memref<128x128xf32, #tpu.memory_space<vmem>>, vector<1x16xf32>,
          %parallel_loop3A_250 = vector.shape_cast %parallel_loop3A_249 : vector<1x16xf32> to vector<16xf32>
          %parallel_loop3A_251 = vector.shape_cast %parallel_loop3A_246 : vector<16xf32> to vector<1x16xf32>
          tpu.vector_store %arg11[%parallel_loop3A_247, %parallel_loop3A_248], %parallel_loop3A_251 {strides = array<i32>} : memref<128x128xf32, #tpu.memory_space<vmem>>, vector<1x16xf32>,
          %parallel_loop3A_252 = arith.index_cast %parallel_loop3A_207 : i32 to index
          %parallel_loop3A_253 = arith.constant 64 : index
          %parallel_loop3A_254 = tpu.vector_load %arg11[%parallel_loop3A_252, %parallel_loop3A_253] {strides = array<i32>} : memref<128x128xf32, #tpu.memory_space<vmem>>, vector<1x16xf32>,
          %parallel_loop3A_255 = vector.shape_cast %parallel_loop3A_254 : vector<1x16xf32> to vector<16xf32>
          %parallel_loop3A_256 = vector.broadcast %parallel_loop3A_203 : f32 to vector<16xf32>
          %parallel_loop3A_257 = arith.mulf %parallel_loop3A_255, %parallel_loop3A_256 : vector<16xf32>
          %parallel_loop3A_258 = arith.index_cast %parallel_loop3A_207 : i32 to index
          %parallel_loop3A_259 = arith.constant 64 : index
          %parallel_loop3A_260 = tpu.vector_load %arg11[%parallel_loop3A_258, %parallel_loop3A_259] {strides = array<i32>} : memref<128x128xf32, #tpu.memory_space<vmem>>, vector<1x16xf32>,
          %parallel_loop3A_261 = vector.shape_cast %parallel_loop3A_260 : vector<1x16xf32> to vector<16xf32>
          %parallel_loop3A_262 = vector.shape_cast %parallel_loop3A_257 : vector<16xf32> to vector<1x16xf32>
          tpu.vector_store %arg11[%parallel_loop3A_258, %parallel_loop3A_259], %parallel_loop3A_262 {strides = array<i32>} : memref<128x128xf32, #tpu.memory_space<vmem>>, vector<1x16xf32>,
          %parallel_loop3A_263 = arith.index_cast %parallel_loop3A_207 : i32 to index
          %parallel_loop3A_264 = arith.constant 80 : index
          %parallel_loop3A_265 = tpu.vector_load %arg11[%parallel_loop3A_263, %parallel_loop3A_264] {strides = array<i32>} : memref<128x128xf32, #tpu.memory_space<vmem>>, vector<1x16xf32>,
          %parallel_loop3A_266 = vector.shape_cast %parallel_loop3A_265 : vector<1x16xf32> to vector<16xf32>
          %parallel_loop3A_267 = vector.broadcast %parallel_loop3A_203 : f32 to vector<16xf32>
          %parallel_loop3A_268 = arith.mulf %parallel_loop3A_266, %parallel_loop3A_267 : vector<16xf32>
          %parallel_loop3A_269 = arith.index_cast %parallel_loop3A_207 : i32 to index
          %parallel_loop3A_270 = arith.constant 80 : index
          %parallel_loop3A_271 = tpu.vector_load %arg11[%parallel_loop3A_269, %parallel_loop3A_270] {strides = array<i32>} : memref<128x128xf32, #tpu.memory_space<vmem>>, vector<1x16xf32>,
          %parallel_loop3A_272 = vector.shape_cast %parallel_loop3A_271 : vector<1x16xf32> to vector<16xf32>
          %parallel_loop3A_273 = vector.shape_cast %parallel_loop3A_268 : vector<16xf32> to vector<1x16xf32>
          tpu.vector_store %arg11[%parallel_loop3A_269, %parallel_loop3A_270], %parallel_loop3A_273 {strides = array<i32>} : memref<128x128xf32, #tpu.memory_space<vmem>>, vector<1x16xf32>,
          %parallel_loop3A_274 = arith.index_cast %parallel_loop3A_207 : i32 to index
          %parallel_loop3A_275 = arith.constant 96 : index
          %parallel_loop3A_276 = tpu.vector_load %arg11[%parallel_loop3A_274, %parallel_loop3A_275] {strides = array<i32>} : memref<128x128xf32, #tpu.memory_space<vmem>>, vector<1x16xf32>,
          %parallel_loop3A_277 = vector.shape_cast %parallel_loop3A_276 : vector<1x16xf32> to vector<16xf32>
          %parallel_loop3A_278 = vector.broadcast %parallel_loop3A_203 : f32 to vector<16xf32>
          %parallel_loop3A_279 = arith.mulf %parallel_loop3A_277, %parallel_loop3A_278 : vector<16xf32>
          %parallel_loop3A_280 = arith.index_cast %parallel_loop3A_207 : i32 to index
          %parallel_loop3A_281 = arith.constant 96 : index
          %parallel_loop3A_282 = tpu.vector_load %arg11[%parallel_loop3A_280, %parallel_loop3A_281] {strides = array<i32>} : memref<128x128xf32, #tpu.memory_space<vmem>>, vector<1x16xf32>,
          %parallel_loop3A_283 = vector.shape_cast %parallel_loop3A_282 : vector<1x16xf32> to vector<16xf32>
          %parallel_loop3A_284 = vector.shape_cast %parallel_loop3A_279 : vector<16xf32> to vector<1x16xf32>
          tpu.vector_store %arg11[%parallel_loop3A_280, %parallel_loop3A_281], %parallel_loop3A_284 {strides = array<i32>} : memref<128x128xf32, #tpu.memory_space<vmem>>, vector<1x16xf32>,
          %parallel_loop3A_285 = arith.index_cast %parallel_loop3A_207 : i32 to index
          %parallel_loop3A_286 = arith.constant 112 : index
          %parallel_loop3A_287 = tpu.vector_load %arg11[%parallel_loop3A_285, %parallel_loop3A_286] {strides = array<i32>} : memref<128x128xf32, #tpu.memory_space<vmem>>, vector<1x16xf32>,
          %parallel_loop3A_288 = vector.shape_cast %parallel_loop3A_287 : vector<1x16xf32> to vector<16xf32>
          %parallel_loop3A_289 = vector.broadcast %parallel_loop3A_203 : f32 to vector<16xf32>
          %parallel_loop3A_290 = arith.mulf %parallel_loop3A_288, %parallel_loop3A_289 : vector<16xf32>
          %parallel_loop3A_291 = arith.index_cast %parallel_loop3A_207 : i32 to index
          %parallel_loop3A_292 = arith.constant 112 : index
          %parallel_loop3A_293 = tpu.vector_load %arg11[%parallel_loop3A_291, %parallel_loop3A_292] {strides = array<i32>} : memref<128x128xf32, #tpu.memory_space<vmem>>, vector<1x16xf32>,
          %parallel_loop3A_294 = vector.shape_cast %parallel_loop3A_293 : vector<1x16xf32> to vector<16xf32>
          %parallel_loop3A_295 = vector.shape_cast %parallel_loop3A_290 : vector<16xf32> to vector<1x16xf32>
          tpu.vector_store %arg11[%parallel_loop3A_291, %parallel_loop3A_292], %parallel_loop3A_295 {strides = array<i32>} : memref<128x128xf32, #tpu.memory_space<vmem>>, vector<1x16xf32>,
          %parallel_loop3A_296 = vector.extract_strided_slice %parallel_loop3A_201 {offsets = [1], sizes = [1], strides = [1]} : vector<16xf32> to vector<1xf32>
          %parallel_loop3A_297 = vector.extract %parallel_loop3A_296[0] : f32 from vector<1xf32>
          %parallel_loop3A_298 = arith.constant 16 : i32
          %parallel_loop3A_299 = arith.muli %parallel_loop3A_195, %parallel_loop3A_298 : i32
          %parallel_loop3A_300 = arith.constant 1 : i32
          %parallel_loop3A_301 = arith.addi %parallel_loop3A_299, %parallel_loop3A_300 : i32
          %parallel_loop3A_302 = arith.index_cast %parallel_loop3A_301 : i32 to index
          %parallel_loop3A_303 = arith.constant 0 : index
          %parallel_loop3A_304 = tpu.vector_load %arg11[%parallel_loop3A_302, %parallel_loop3A_303] {strides = array<i32>} : memref<128x128xf32, #tpu.memory_space<vmem>>, vector<1x16xf32>,
          %parallel_loop3A_305 = vector.shape_cast %parallel_loop3A_304 : vector<1x16xf32> to vector<16xf32>
          %parallel_loop3A_306 = vector.broadcast %parallel_loop3A_297 : f32 to vector<16xf32>
          %parallel_loop3A_307 = arith.mulf %parallel_loop3A_305, %parallel_loop3A_306 : vector<16xf32>
          %parallel_loop3A_308 = arith.index_cast %parallel_loop3A_301 : i32 to index
          %parallel_loop3A_309 = arith.constant 0 : index
          %parallel_loop3A_310 = tpu.vector_load %arg11[%parallel_loop3A_308, %parallel_loop3A_309] {strides = array<i32>} : memref<128x128xf32, #tpu.memory_space<vmem>>, vector<1x16xf32>,
          %parallel_loop3A_311 = vector.shape_cast %parallel_loop3A_310 : vector<1x16xf32> to vector<16xf32>
          %parallel_loop3A_312 = vector.shape_cast %parallel_loop3A_307 : vector<16xf32> to vector<1x16xf32>
          tpu.vector_store %arg11[%parallel_loop3A_308, %parallel_loop3A_309], %parallel_loop3A_312 {strides = array<i32>} : memref<128x128xf32, #tpu.memory_space<vmem>>, vector<1x16xf32>,
          %parallel_loop3A_313 = arith.index_cast %parallel_loop3A_301 : i32 to index
          %parallel_loop3A_314 = arith.constant 16 : index
          %parallel_loop3A_315 = tpu.vector_load %arg11[%parallel_loop3A_313, %parallel_loop3A_314] {strides = array<i32>} : memref<128x128xf32, #tpu.memory_space<vmem>>, vector<1x16xf32>,
          %parallel_loop3A_316 = vector.shape_cast %parallel_loop3A_315 : vector<1x16xf32> to vector<16xf32>
          %parallel_loop3A_317 = vector.broadcast %parallel_loop3A_297 : f32 to vector<16xf32>
          %parallel_loop3A_318 = arith.mulf %parallel_loop3A_316, %parallel_loop3A_317 : vector<16xf32>
          %parallel_loop3A_319 = arith.index_cast %parallel_loop3A_301 : i32 to index
          %parallel_loop3A_320 = arith.constant 16 : index
          %parallel_loop3A_321 = tpu.vector_load %arg11[%parallel_loop3A_319, %parallel_loop3A_320] {strides = array<i32>} : memref<128x128xf32, #tpu.memory_space<vmem>>, vector<1x16xf32>,
          %parallel_loop3A_322 = vector.shape_cast %parallel_loop3A_321 : vector<1x16xf32> to vector<16xf32>
          %parallel_loop3A_323 = vector.shape_cast %parallel_loop3A_318 : vector<16xf32> to vector<1x16xf32>
          tpu.vector_store %arg11[%parallel_loop3A_319, %parallel_loop3A_320], %parallel_loop3A_323 {strides = array<i32>} : memref<128x128xf32, #tpu.memory_space<vmem>>, vector<1x16xf32>,
          %parallel_loop3A_324 = arith.index_cast %parallel_loop3A_301 : i32 to index
          %parallel_loop3A_325 = arith.constant 32 : index
          %parallel_loop3A_326 = tpu.vector_load %arg11[%parallel_loop3A_324, %parallel_loop3A_325] {strides = array<i32>} : memref<128x128xf32, #tpu.memory_space<vmem>>, vector<1x16xf32>,
          %parallel_loop3A_327 = vector.shape_cast %parallel_loop3A_326 : vector<1x16xf32> to vector<16xf32>
          %parallel_loop3A_328 = vector.broadcast %parallel_loop3A_297 : f32 to vector<16xf32>
          %parallel_loop3A_329 = arith.mulf %parallel_loop3A_327, %parallel_loop3A_328 : vector<16xf32>
          %parallel_loop3A_330 = arith.index_cast %parallel_loop3A_301 : i32 to index
          %parallel_loop3A_331 = arith.constant 32 : index
          %parallel_loop3A_332 = tpu.vector_load %arg11[%parallel_loop3A_330, %parallel_loop3A_331] {strides = array<i32>} : memref<128x128xf32, #tpu.memory_space<vmem>>, vector<1x16xf32>,
          %parallel_loop3A_333 = vector.shape_cast %parallel_loop3A_332 : vector<1x16xf32> to vector<16xf32>
          %parallel_loop3A_334 = vector.shape_cast %parallel_loop3A_329 : vector<16xf32> to vector<1x16xf32>
          tpu.vector_store %arg11[%parallel_loop3A_330, %parallel_loop3A_331], %parallel_loop3A_334 {strides = array<i32>} : memref<128x128xf32, #tpu.memory_space<vmem>>, vector<1x16xf32>,
          %parallel_loop3A_335 = arith.index_cast %parallel_loop3A_301 : i32 to index
          %parallel_loop3A_336 = arith.constant 48 : index
          %parallel_loop3A_337 = tpu.vector_load %arg11[%parallel_loop3A_335, %parallel_loop3A_336] {strides = array<i32>} : memref<128x128xf32, #tpu.memory_space<vmem>>, vector<1x16xf32>,
          %parallel_loop3A_338 = vector.shape_cast %parallel_loop3A_337 : vector<1x16xf32> to vector<16xf32>
          %parallel_loop3A_339 = vector.broadcast %parallel_loop3A_297 : f32 to vector<16xf32>
          %parallel_loop3A_340 = arith.mulf %parallel_loop3A_338, %parallel_loop3A_339 : vector<16xf32>
          %parallel_loop3A_341 = arith.index_cast %parallel_loop3A_301 : i32 to index
          %parallel_loop3A_342 = arith.constant 48 : index
          %parallel_loop3A_343 = tpu.vector_load %arg11[%parallel_loop3A_341, %parallel_loop3A_342] {strides = array<i32>} : memref<128x128xf32, #tpu.memory_space<vmem>>, vector<1x16xf32>,
          %parallel_loop3A_344 = vector.shape_cast %parallel_loop3A_343 : vector<1x16xf32> to vector<16xf32>
          %parallel_loop3A_345 = vector.shape_cast %parallel_loop3A_340 : vector<16xf32> to vector<1x16xf32>
          tpu.vector_store %arg11[%parallel_loop3A_341, %parallel_loop3A_342], %parallel_loop3A_345 {strides = array<i32>} : memref<128x128xf32, #tpu.memory_space<vmem>>, vector<1x16xf32>,
          %parallel_loop3A_346 = arith.index_cast %parallel_loop3A_301 : i32 to index
          %parallel_loop3A_347 = arith.constant 64 : index
          %parallel_loop3A_348 = tpu.vector_load %arg11[%parallel_loop3A_346, %parallel_loop3A_347] {strides = array<i32>} : memref<128x128xf32, #tpu.memory_space<vmem>>, vector<1x16xf32>,
          %parallel_loop3A_349 = vector.shape_cast %parallel_loop3A_348 : vector<1x16xf32> to vector<16xf32>
          %parallel_loop3A_350 = vector.broadcast %parallel_loop3A_297 : f32 to vector<16xf32>
          %parallel_loop3A_351 = arith.mulf %parallel_loop3A_349, %parallel_loop3A_350 : vector<16xf32>
          %parallel_loop3A_352 = arith.index_cast %parallel_loop3A_301 : i32 to index
          %parallel_loop3A_353 = arith.constant 64 : index
          %parallel_loop3A_354 = tpu.vector_load %arg11[%parallel_loop3A_352, %parallel_loop3A_353] {strides = array<i32>} : memref<128x128xf32, #tpu.memory_space<vmem>>, vector<1x16xf32>,
          %parallel_loop3A_355 = vector.shape_cast %parallel_loop3A_354 : vector<1x16xf32> to vector<16xf32>
          %parallel_loop3A_356 = vector.shape_cast %parallel_loop3A_351 : vector<16xf32> to vector<1x16xf32>
          tpu.vector_store %arg11[%parallel_loop3A_352, %parallel_loop3A_353], %parallel_loop3A_356 {strides = array<i32>} : memref<128x128xf32, #tpu.memory_space<vmem>>, vector<1x16xf32>,
          %parallel_loop3A_357 = arith.index_cast %parallel_loop3A_301 : i32 to index
          %parallel_loop3A_358 = arith.constant 80 : index
          %parallel_loop3A_359 = tpu.vector_load %arg11[%parallel_loop3A_357, %parallel_loop3A_358] {strides = array<i32>} : memref<128x128xf32, #tpu.memory_space<vmem>>, vector<1x16xf32>,
          %parallel_loop3A_360 = vector.shape_cast %parallel_loop3A_359 : vector<1x16xf32> to vector<16xf32>
          %parallel_loop3A_361 = vector.broadcast %parallel_loop3A_297 : f32 to vector<16xf32>
          %parallel_loop3A_362 = arith.mulf %parallel_loop3A_360, %parallel_loop3A_361 : vector<16xf32>
          %parallel_loop3A_363 = arith.index_cast %parallel_loop3A_301 : i32 to index
          %parallel_loop3A_364 = arith.constant 80 : index
          %parallel_loop3A_365 = tpu.vector_load %arg11[%parallel_loop3A_363, %parallel_loop3A_364] {strides = array<i32>} : memref<128x128xf32, #tpu.memory_space<vmem>>, vector<1x16xf32>,
          %parallel_loop3A_366 = vector.shape_cast %parallel_loop3A_365 : vector<1x16xf32> to vector<16xf32>
          %parallel_loop3A_367 = vector.shape_cast %parallel_loop3A_362 : vector<16xf32> to vector<1x16xf32>
          tpu.vector_store %arg11[%parallel_loop3A_363, %parallel_loop3A_364], %parallel_loop3A_367 {strides = array<i32>} : memref<128x128xf32, #tpu.memory_space<vmem>>, vector<1x16xf32>,
          %parallel_loop3A_368 = arith.index_cast %parallel_loop3A_301 : i32 to index
          %parallel_loop3A_369 = arith.constant 96 : index
          %parallel_loop3A_370 = tpu.vector_load %arg11[%parallel_loop3A_368, %parallel_loop3A_369] {strides = array<i32>} : memref<128x128xf32, #tpu.memory_space<vmem>>, vector<1x16xf32>,
          %parallel_loop3A_371 = vector.shape_cast %parallel_loop3A_370 : vector<1x16xf32> to vector<16xf32>
          %parallel_loop3A_372 = vector.broadcast %parallel_loop3A_297 : f32 to vector<16xf32>
          %parallel_loop3A_373 = arith.mulf %parallel_loop3A_371, %parallel_loop3A_372 : vector<16xf32>
          %parallel_loop3A_374 = arith.index_cast %parallel_loop3A_301 : i32 to index
          %parallel_loop3A_375 = arith.constant 96 : index
          %parallel_loop3A_376 = tpu.vector_load %arg11[%parallel_loop3A_374, %parallel_loop3A_375] {strides = array<i32>} : memref<128x128xf32, #tpu.memory_space<vmem>>, vector<1x16xf32>,
          %parallel_loop3A_377 = vector.shape_cast %parallel_loop3A_376 : vector<1x16xf32> to vector<16xf32>
          %parallel_loop3A_378 = vector.shape_cast %parallel_loop3A_373 : vector<16xf32> to vector<1x16xf32>
          tpu.vector_store %arg11[%parallel_loop3A_374, %parallel_loop3A_375], %parallel_loop3A_378 {strides = array<i32>} : memref<128x128xf32, #tpu.memory_space<vmem>>, vector<1x16xf32>,
          %parallel_loop3A_379 = arith.index_cast %parallel_loop3A_301 : i32 to index
          %parallel_loop3A_380 = arith.constant 112 : index
          %parallel_loop3A_381 = tpu.vector_load %arg11[%parallel_loop3A_379, %parallel_loop3A_380] {strides = array<i32>} : memref<128x128xf32, #tpu.memory_space<vmem>>, vector<1x16xf32>,
          %parallel_loop3A_382 = vector.shape_cast %parallel_loop3A_381 : vector<1x16xf32> to vector<16xf32>
          %parallel_loop3A_383 = vector.broadcast %parallel_loop3A_297 : f32 to vector<16xf32>
          %parallel_loop3A_384 = arith.mulf %parallel_loop3A_382, %parallel_loop3A_383 : vector<16xf32>
          %parallel_loop3A_385 = arith.index_cast %parallel_loop3A_301 : i32 to index
          %parallel_loop3A_386 = arith.constant 112 : index
          %parallel_loop3A_387 = tpu.vector_load %arg11[%parallel_loop3A_385, %parallel_loop3A_386] {strides = array<i32>} : memref<128x128xf32, #tpu.memory_space<vmem>>, vector<1x16xf32>,
          %parallel_loop3A_388 = vector.shape_cast %parallel_loop3A_387 : vector<1x16xf32> to vector<16xf32>
          %parallel_loop3A_389 = vector.shape_cast %parallel_loop3A_384 : vector<16xf32> to vector<1x16xf32>
          tpu.vector_store %arg11[%parallel_loop3A_385, %parallel_loop3A_386], %parallel_loop3A_389 {strides = array<i32>} : memref<128x128xf32, #tpu.memory_space<vmem>>, vector<1x16xf32>,
          %parallel_loop3A_390 = vector.extract_strided_slice %parallel_loop3A_201 {offsets = [2], sizes = [1], strides = [1]} : vector<16xf32> to vector<1xf32>
          %parallel_loop3A_391 = vector.extract %parallel_loop3A_390[0] : f32 from vector<1xf32>
          %parallel_loop3A_392 = arith.constant 16 : i32
          %parallel_loop3A_393 = arith.muli %parallel_loop3A_195, %parallel_loop3A_392 : i32
          %parallel_loop3A_394 = arith.constant 2 : i32
          %parallel_loop3A_395 = arith.addi %parallel_loop3A_393, %parallel_loop3A_394 : i32
          %parallel_loop3A_396 = arith.index_cast %parallel_loop3A_395 : i32 to index
          %parallel_loop3A_397 = arith.constant 0 : index
          %parallel_loop3A_398 = tpu.vector_load %arg11[%parallel_loop3A_396, %parallel_loop3A_397] {strides = array<i32>} : memref<128x128xf32, #tpu.memory_space<vmem>>, vector<1x16xf32>,
          %parallel_loop3A_399 = vector.shape_cast %parallel_loop3A_398 : vector<1x16xf32> to vector<16xf32>
          %parallel_loop3A_400 = vector.broadcast %parallel_loop3A_391 : f32 to vector<16xf32>
          %parallel_loop3A_401 = arith.mulf %parallel_loop3A_399, %parallel_loop3A_400 : vector<16xf32>
          %parallel_loop3A_402 = arith.index_cast %parallel_loop3A_395 : i32 to index
          %parallel_loop3A_403 = arith.constant 0 : index
          %parallel_loop3A_404 = tpu.vector_load %arg11[%parallel_loop3A_402, %parallel_loop3A_403] {strides = array<i32>} : memref<128x128xf32, #tpu.memory_space<vmem>>, vector<1x16xf32>,
          %parallel_loop3A_405 = vector.shape_cast %parallel_loop3A_404 : vector<1x16xf32> to vector<16xf32>
          %parallel_loop3A_406 = vector.shape_cast %parallel_loop3A_401 : vector<16xf32> to vector<1x16xf32>
          tpu.vector_store %arg11[%parallel_loop3A_402, %parallel_loop3A_403], %parallel_loop3A_406 {strides = array<i32>} : memref<128x128xf32, #tpu.memory_space<vmem>>, vector<1x16xf32>,
          %parallel_loop3A_407 = arith.index_cast %parallel_loop3A_395 : i32 to index
          %parallel_loop3A_408 = arith.constant 16 : index
          %parallel_loop3A_409 = tpu.vector_load %arg11[%parallel_loop3A_407, %parallel_loop3A_408] {strides = array<i32>} : memref<128x128xf32, #tpu.memory_space<vmem>>, vector<1x16xf32>,
          %parallel_loop3A_410 = vector.shape_cast %parallel_loop3A_409 : vector<1x16xf32> to vector<16xf32>
          %parallel_loop3A_411 = vector.broadcast %parallel_loop3A_391 : f32 to vector<16xf32>
          %parallel_loop3A_412 = arith.mulf %parallel_loop3A_410, %parallel_loop3A_411 : vector<16xf32>
          %parallel_loop3A_413 = arith.index_cast %parallel_loop3A_395 : i32 to index
          %parallel_loop3A_414 = arith.constant 16 : index
          %parallel_loop3A_415 = tpu.vector_load %arg11[%parallel_loop3A_413, %parallel_loop3A_414] {strides = array<i32>} : memref<128x128xf32, #tpu.memory_space<vmem>>, vector<1x16xf32>,
          %parallel_loop3A_416 = vector.shape_cast %parallel_loop3A_415 : vector<1x16xf32> to vector<16xf32>
          %parallel_loop3A_417 = vector.shape_cast %parallel_loop3A_412 : vector<16xf32> to vector<1x16xf32>
          tpu.vector_store %arg11[%parallel_loop3A_413, %parallel_loop3A_414], %parallel_loop3A_417 {strides = array<i32>} : memref<128x128xf32, #tpu.memory_space<vmem>>, vector<1x16xf32>,
          %parallel_loop3A_418 = arith.index_cast %parallel_loop3A_395 : i32 to index
          %parallel_loop3A_419 = arith.constant 32 : index
          %parallel_loop3A_420 = tpu.vector_load %arg11[%parallel_loop3A_418, %parallel_loop3A_419] {strides = array<i32>} : memref<128x128xf32, #tpu.memory_space<vmem>>, vector<1x16xf32>,
          %parallel_loop3A_421 = vector.shape_cast %parallel_loop3A_420 : vector<1x16xf32> to vector<16xf32>
          %parallel_loop3A_422 = vector.broadcast %parallel_loop3A_391 : f32 to vector<16xf32>
          %parallel_loop3A_423 = arith.mulf %parallel_loop3A_421, %parallel_loop3A_422 : vector<16xf32>
          %parallel_loop3A_424 = arith.index_cast %parallel_loop3A_395 : i32 to index
          %parallel_loop3A_425 = arith.constant 32 : index
          %parallel_loop3A_426 = tpu.vector_load %arg11[%parallel_loop3A_424, %parallel_loop3A_425] {strides = array<i32>} : memref<128x128xf32, #tpu.memory_space<vmem>>, vector<1x16xf32>,
          %parallel_loop3A_427 = vector.shape_cast %parallel_loop3A_426 : vector<1x16xf32> to vector<16xf32>
          %parallel_loop3A_428 = vector.shape_cast %parallel_loop3A_423 : vector<16xf32> to vector<1x16xf32>
          tpu.vector_store %arg11[%parallel_loop3A_424, %parallel_loop3A_425], %parallel_loop3A_428 {strides = array<i32>} : memref<128x128xf32, #tpu.memory_space<vmem>>, vector<1x16xf32>,
          %parallel_loop3A_429 = arith.index_cast %parallel_loop3A_395 : i32 to index
          %parallel_loop3A_430 = arith.constant 48 : index
          %parallel_loop3A_431 = tpu.vector_load %arg11[%parallel_loop3A_429, %parallel_loop3A_430] {strides = array<i32>} : memref<128x128xf32, #tpu.memory_space<vmem>>, vector<1x16xf32>,
          %parallel_loop3A_432 = vector.shape_cast %parallel_loop3A_431 : vector<1x16xf32> to vector<16xf32>
          %parallel_loop3A_433 = vector.broadcast %parallel_loop3A_391 : f32 to vector<16xf32>
          %parallel_loop3A_434 = arith.mulf %parallel_loop3A_432, %parallel_loop3A_433 : vector<16xf32>
          %parallel_loop3A_435 = arith.index_cast %parallel_loop3A_395 : i32 to index
          %parallel_loop3A_436 = arith.constant 48 : index
          %parallel_loop3A_437 = tpu.vector_load %arg11[%parallel_loop3A_435, %parallel_loop3A_436] {strides = array<i32>} : memref<128x128xf32, #tpu.memory_space<vmem>>, vector<1x16xf32>,
          %parallel_loop3A_438 = vector.shape_cast %parallel_loop3A_437 : vector<1x16xf32> to vector<16xf32>
          %parallel_loop3A_439 = vector.shape_cast %parallel_loop3A_434 : vector<16xf32> to vector<1x16xf32>
          tpu.vector_store %arg11[%parallel_loop3A_435, %parallel_loop3A_436], %parallel_loop3A_439 {strides = array<i32>} : memref<128x128xf32, #tpu.memory_space<vmem>>, vector<1x16xf32>,
          %parallel_loop3A_440 = arith.index_cast %parallel_loop3A_395 : i32 to index
          %parallel_loop3A_441 = arith.constant 64 : index
          %parallel_loop3A_442 = tpu.vector_load %arg11[%parallel_loop3A_440, %parallel_loop3A_441] {strides = array<i32>} : memref<128x128xf32, #tpu.memory_space<vmem>>, vector<1x16xf32>,
          %parallel_loop3A_443 = vector.shape_cast %parallel_loop3A_442 : vector<1x16xf32> to vector<16xf32>
          %parallel_loop3A_444 = vector.broadcast %parallel_loop3A_391 : f32 to vector<16xf32>
          %parallel_loop3A_445 = arith.mulf %parallel_loop3A_443, %parallel_loop3A_444 : vector<16xf32>
          %parallel_loop3A_446 = arith.index_cast %parallel_loop3A_395 : i32 to index
          %parallel_loop3A_447 = arith.constant 64 : index
          %parallel_loop3A_448 = tpu.vector_load %arg11[%parallel_loop3A_446, %parallel_loop3A_447] {strides = array<i32>} : memref<128x128xf32, #tpu.memory_space<vmem>>, vector<1x16xf32>,
          %parallel_loop3A_449 = vector.shape_cast %parallel_loop3A_448 : vector<1x16xf32> to vector<16xf32>
          %parallel_loop3A_450 = vector.shape_cast %parallel_loop3A_445 : vector<16xf32> to vector<1x16xf32>
          tpu.vector_store %arg11[%parallel_loop3A_446, %parallel_loop3A_447], %parallel_loop3A_450 {strides = array<i32>} : memref<128x128xf32, #tpu.memory_space<vmem>>, vector<1x16xf32>,
          %parallel_loop3A_451 = arith.index_cast %parallel_loop3A_395 : i32 to index
          %parallel_loop3A_452 = arith.constant 80 : index
          %parallel_loop3A_453 = tpu.vector_load %arg11[%parallel_loop3A_451, %parallel_loop3A_452] {strides = array<i32>} : memref<128x128xf32, #tpu.memory_space<vmem>>, vector<1x16xf32>,
          %parallel_loop3A_454 = vector.shape_cast %parallel_loop3A_453 : vector<1x16xf32> to vector<16xf32>
          %parallel_loop3A_455 = vector.broadcast %parallel_loop3A_391 : f32 to vector<16xf32>
          %parallel_loop3A_456 = arith.mulf %parallel_loop3A_454, %parallel_loop3A_455 : vector<16xf32>
          %parallel_loop3A_457 = arith.index_cast %parallel_loop3A_395 : i32 to index
          %parallel_loop3A_458 = arith.constant 80 : index
          %parallel_loop3A_459 = tpu.vector_load %arg11[%parallel_loop3A_457, %parallel_loop3A_458] {strides = array<i32>} : memref<128x128xf32, #tpu.memory_space<vmem>>, vector<1x16xf32>,
          %parallel_loop3A_460 = vector.shape_cast %parallel_loop3A_459 : vector<1x16xf32> to vector<16xf32>
          %parallel_loop3A_461 = vector.shape_cast %parallel_loop3A_456 : vector<16xf32> to vector<1x16xf32>
          tpu.vector_store %arg11[%parallel_loop3A_457, %parallel_loop3A_458], %parallel_loop3A_461 {strides = array<i32>} : memref<128x128xf32, #tpu.memory_space<vmem>>, vector<1x16xf32>,
          %parallel_loop3A_462 = arith.index_cast %parallel_loop3A_395 : i32 to index
          %parallel_loop3A_463 = arith.constant 96 : index
          %parallel_loop3A_464 = tpu.vector_load %arg11[%parallel_loop3A_462, %parallel_loop3A_463] {strides = array<i32>} : memref<128x128xf32, #tpu.memory_space<vmem>>, vector<1x16xf32>,
          %parallel_loop3A_465 = vector.shape_cast %parallel_loop3A_464 : vector<1x16xf32> to vector<16xf32>
          %parallel_loop3A_466 = vector.broadcast %parallel_loop3A_391 : f32 to vector<16xf32>
          %parallel_loop3A_467 = arith.mulf %parallel_loop3A_465, %parallel_loop3A_466 : vector<16xf32>
          %parallel_loop3A_468 = arith.index_cast %parallel_loop3A_395 : i32 to index
          %parallel_loop3A_469 = arith.constant 96 : index
          %parallel_loop3A_470 = tpu.vector_load %arg11[%parallel_loop3A_468, %parallel_loop3A_469] {strides = array<i32>} : memref<128x128xf32, #tpu.memory_space<vmem>>, vector<1x16xf32>,
          %parallel_loop3A_471 = vector.shape_cast %parallel_loop3A_470 : vector<1x16xf32> to vector<16xf32>
          %parallel_loop3A_472 = vector.shape_cast %parallel_loop3A_467 : vector<16xf32> to vector<1x16xf32>
          tpu.vector_store %arg11[%parallel_loop3A_468, %parallel_loop3A_469], %parallel_loop3A_472 {strides = array<i32>} : memref<128x128xf32, #tpu.memory_space<vmem>>, vector<1x16xf32>,
          %parallel_loop3A_473 = arith.index_cast %parallel_loop3A_395 : i32 to index
          %parallel_loop3A_474 = arith.constant 112 : index
          %parallel_loop3A_475 = tpu.vector_load %arg11[%parallel_loop3A_473, %parallel_loop3A_474] {strides = array<i32>} : memref<128x128xf32, #tpu.memory_space<vmem>>, vector<1x16xf32>,
          %parallel_loop3A_476 = vector.shape_cast %parallel_loop3A_475 : vector<1x16xf32> to vector<16xf32>
          %parallel_loop3A_477 = vector.broadcast %parallel_loop3A_391 : f32 to vector<16xf32>
          %parallel_loop3A_478 = arith.mulf %parallel_loop3A_476, %parallel_loop3A_477 : vector<16xf32>
          %parallel_loop3A_479 = arith.index_cast %parallel_loop3A_395 : i32 to index
          %parallel_loop3A_480 = arith.constant 112 : index
          %parallel_loop3A_481 = tpu.vector_load %arg11[%parallel_loop3A_479, %parallel_loop3A_480] {strides = array<i32>} : memref<128x128xf32, #tpu.memory_space<vmem>>, vector<1x16xf32>,
          %parallel_loop3A_482 = vector.shape_cast %parallel_loop3A_481 : vector<1x16xf32> to vector<16xf32>
          %parallel_loop3A_483 = vector.shape_cast %parallel_loop3A_478 : vector<16xf32> to vector<1x16xf32>
          tpu.vector_store %arg11[%parallel_loop3A_479, %parallel_loop3A_480], %parallel_loop3A_483 {strides = array<i32>} : memref<128x128xf32, #tpu.memory_space<vmem>>, vector<1x16xf32>,
          %parallel_loop3A_484 = vector.extract_strided_slice %parallel_loop3A_201 {offsets = [3], sizes = [1], strides = [1]} : vector<16xf32> to vector<1xf32>
          %parallel_loop3A_485 = vector.extract %parallel_loop3A_484[0] : f32 from vector<1xf32>
          %parallel_loop3A_486 = arith.constant 16 : i32
          %parallel_loop3A_487 = arith.muli %parallel_loop3A_195, %parallel_loop3A_486 : i32
          %parallel_loop3A_488 = arith.constant 3 : i32
          %parallel_loop3A_489 = arith.addi %parallel_loop3A_487, %parallel_loop3A_488 : i32
          %parallel_loop3A_490 = arith.index_cast %parallel_loop3A_489 : i32 to index
          %parallel_loop3A_491 = arith.constant 0 : index
          %parallel_loop3A_492 = tpu.vector_load %arg11[%parallel_loop3A_490, %parallel_loop3A_491] {strides = array<i32>} : memref<128x128xf32, #tpu.memory_space<vmem>>, vector<1x16xf32>,
          %parallel_loop3A_493 = vector.shape_cast %parallel_loop3A_492 : vector<1x16xf32> to vector<16xf32>
          %parallel_loop3A_494 = vector.broadcast %parallel_loop3A_485 : f32 to vector<16xf32>
          %parallel_loop3A_495 = arith.mulf %parallel_loop3A_493, %parallel_loop3A_494 : vector<16xf32>
          %parallel_loop3A_496 = arith.index_cast %parallel_loop3A_489 : i32 to index
          %parallel_loop3A_497 = arith.constant 0 : index
          %parallel_loop3A_498 = tpu.vector_load %arg11[%parallel_loop3A_496, %parallel_loop3A_497] {strides = array<i32>} : memref<128x128xf32, #tpu.memory_space<vmem>>, vector<1x16xf32>,
          %parallel_loop3A_499 = vector.shape_cast %parallel_loop3A_498 : vector<1x16xf32> to vector<16xf32>
          %parallel_loop3A_500 = vector.shape_cast %parallel_loop3A_495 : vector<16xf32> to vector<1x16xf32>
          tpu.vector_store %arg11[%parallel_loop3A_496, %parallel_loop3A_497], %parallel_loop3A_500 {strides = array<i32>} : memref<128x128xf32, #tpu.memory_space<vmem>>, vector<1x16xf32>,
          %parallel_loop3A_501 = arith.index_cast %parallel_loop3A_489 : i32 to index
          %parallel_loop3A_502 = arith.constant 16 : index
          %parallel_loop3A_503 = tpu.vector_load %arg11[%parallel_loop3A_501, %parallel_loop3A_502] {strides = array<i32>} : memref<128x128xf32, #tpu.memory_space<vmem>>, vector<1x16xf32>,
          %parallel_loop3A_504 = vector.shape_cast %parallel_loop3A_503 : vector<1x16xf32> to vector<16xf32>
          %parallel_loop3A_505 = vector.broadcast %parallel_loop3A_485 : f32 to vector<16xf32>
          %parallel_loop3A_506 = arith.mulf %parallel_loop3A_504, %parallel_loop3A_505 : vector<16xf32>
          %parallel_loop3A_507 = arith.index_cast %parallel_loop3A_489 : i32 to index
          %parallel_loop3A_508 = arith.constant 16 : index
          %parallel_loop3A_509 = tpu.vector_load %arg11[%parallel_loop3A_507, %parallel_loop3A_508] {strides = array<i32>} : memref<128x128xf32, #tpu.memory_space<vmem>>, vector<1x16xf32>,
          %parallel_loop3A_510 = vector.shape_cast %parallel_loop3A_509 : vector<1x16xf32> to vector<16xf32>
          %parallel_loop3A_511 = vector.shape_cast %parallel_loop3A_506 : vector<16xf32> to vector<1x16xf32>
          tpu.vector_store %arg11[%parallel_loop3A_507, %parallel_loop3A_508], %parallel_loop3A_511 {strides = array<i32>} : memref<128x128xf32, #tpu.memory_space<vmem>>, vector<1x16xf32>,
          %parallel_loop3A_512 = arith.index_cast %parallel_loop3A_489 : i32 to index
          %parallel_loop3A_513 = arith.constant 32 : index
          %parallel_loop3A_514 = tpu.vector_load %arg11[%parallel_loop3A_512, %parallel_loop3A_513] {strides = array<i32>} : memref<128x128xf32, #tpu.memory_space<vmem>>, vector<1x16xf32>,
          %parallel_loop3A_515 = vector.shape_cast %parallel_loop3A_514 : vector<1x16xf32> to vector<16xf32>
          %parallel_loop3A_516 = vector.broadcast %parallel_loop3A_485 : f32 to vector<16xf32>
          %parallel_loop3A_517 = arith.mulf %parallel_loop3A_515, %parallel_loop3A_516 : vector<16xf32>
          %parallel_loop3A_518 = arith.index_cast %parallel_loop3A_489 : i32 to index
          %parallel_loop3A_519 = arith.constant 32 : index
          %parallel_loop3A_520 = tpu.vector_load %arg11[%parallel_loop3A_518, %parallel_loop3A_519] {strides = array<i32>} : memref<128x128xf32, #tpu.memory_space<vmem>>, vector<1x16xf32>,
          %parallel_loop3A_521 = vector.shape_cast %parallel_loop3A_520 : vector<1x16xf32> to vector<16xf32>
          %parallel_loop3A_522 = vector.shape_cast %parallel_loop3A_517 : vector<16xf32> to vector<1x16xf32>
          tpu.vector_store %arg11[%parallel_loop3A_518, %parallel_loop3A_519], %parallel_loop3A_522 {strides = array<i32>} : memref<128x128xf32, #tpu.memory_space<vmem>>, vector<1x16xf32>,
          %parallel_loop3A_523 = arith.index_cast %parallel_loop3A_489 : i32 to index
          %parallel_loop3A_524 = arith.constant 48 : index
          %parallel_loop3A_525 = tpu.vector_load %arg11[%parallel_loop3A_523, %parallel_loop3A_524] {strides = array<i32>} : memref<128x128xf32, #tpu.memory_space<vmem>>, vector<1x16xf32>,
          %parallel_loop3A_526 = vector.shape_cast %parallel_loop3A_525 : vector<1x16xf32> to vector<16xf32>
          %parallel_loop3A_527 = vector.broadcast %parallel_loop3A_485 : f32 to vector<16xf32>
          %parallel_loop3A_528 = arith.mulf %parallel_loop3A_526, %parallel_loop3A_527 : vector<16xf32>
          %parallel_loop3A_529 = arith.index_cast %parallel_loop3A_489 : i32 to index
          %parallel_loop3A_530 = arith.constant 48 : index
          %parallel_loop3A_531 = tpu.vector_load %arg11[%parallel_loop3A_529, %parallel_loop3A_530] {strides = array<i32>} : memref<128x128xf32, #tpu.memory_space<vmem>>, vector<1x16xf32>,
          %parallel_loop3A_532 = vector.shape_cast %parallel_loop3A_531 : vector<1x16xf32> to vector<16xf32>
          %parallel_loop3A_533 = vector.shape_cast %parallel_loop3A_528 : vector<16xf32> to vector<1x16xf32>
          tpu.vector_store %arg11[%parallel_loop3A_529, %parallel_loop3A_530], %parallel_loop3A_533 {strides = array<i32>} : memref<128x128xf32, #tpu.memory_space<vmem>>, vector<1x16xf32>,
          %parallel_loop3A_534 = arith.index_cast %parallel_loop3A_489 : i32 to index
          %parallel_loop3A_535 = arith.constant 64 : index
          %parallel_loop3A_536 = tpu.vector_load %arg11[%parallel_loop3A_534, %parallel_loop3A_535] {strides = array<i32>} : memref<128x128xf32, #tpu.memory_space<vmem>>, vector<1x16xf32>,
          %parallel_loop3A_537 = vector.shape_cast %parallel_loop3A_536 : vector<1x16xf32> to vector<16xf32>
          %parallel_loop3A_538 = vector.broadcast %parallel_loop3A_485 : f32 to vector<16xf32>
          %parallel_loop3A_539 = arith.mulf %parallel_loop3A_537, %parallel_loop3A_538 : vector<16xf32>
          %parallel_loop3A_540 = arith.index_cast %parallel_loop3A_489 : i32 to index
          %parallel_loop3A_541 = arith.constant 64 : index
          %parallel_loop3A_542 = tpu.vector_load %arg11[%parallel_loop3A_540, %parallel_loop3A_541] {strides = array<i32>} : memref<128x128xf32, #tpu.memory_space<vmem>>, vector<1x16xf32>,
          %parallel_loop3A_543 = vector.shape_cast %parallel_loop3A_542 : vector<1x16xf32> to vector<16xf32>
          %parallel_loop3A_544 = vector.shape_cast %parallel_loop3A_539 : vector<16xf32> to vector<1x16xf32>
          tpu.vector_store %arg11[%parallel_loop3A_540, %parallel_loop3A_541], %parallel_loop3A_544 {strides = array<i32>} : memref<128x128xf32, #tpu.memory_space<vmem>>, vector<1x16xf32>,
          %parallel_loop3A_545 = arith.index_cast %parallel_loop3A_489 : i32 to index
          %parallel_loop3A_546 = arith.constant 80 : index
          %parallel_loop3A_547 = tpu.vector_load %arg11[%parallel_loop3A_545, %parallel_loop3A_546] {strides = array<i32>} : memref<128x128xf32, #tpu.memory_space<vmem>>, vector<1x16xf32>,
          %parallel_loop3A_548 = vector.shape_cast %parallel_loop3A_547 : vector<1x16xf32> to vector<16xf32>
          %parallel_loop3A_549 = vector.broadcast %parallel_loop3A_485 : f32 to vector<16xf32>
          %parallel_loop3A_550 = arith.mulf %parallel_loop3A_548, %parallel_loop3A_549 : vector<16xf32>
          %parallel_loop3A_551 = arith.index_cast %parallel_loop3A_489 : i32 to index
          %parallel_loop3A_552 = arith.constant 80 : index
          %parallel_loop3A_553 = tpu.vector_load %arg11[%parallel_loop3A_551, %parallel_loop3A_552] {strides = array<i32>} : memref<128x128xf32, #tpu.memory_space<vmem>>, vector<1x16xf32>,
          %parallel_loop3A_554 = vector.shape_cast %parallel_loop3A_553 : vector<1x16xf32> to vector<16xf32>
          %parallel_loop3A_555 = vector.shape_cast %parallel_loop3A_550 : vector<16xf32> to vector<1x16xf32>
          tpu.vector_store %arg11[%parallel_loop3A_551, %parallel_loop3A_552], %parallel_loop3A_555 {strides = array<i32>} : memref<128x128xf32, #tpu.memory_space<vmem>>, vector<1x16xf32>,
          %parallel_loop3A_556 = arith.index_cast %parallel_loop3A_489 : i32 to index
          %parallel_loop3A_557 = arith.constant 96 : index
          %parallel_loop3A_558 = tpu.vector_load %arg11[%parallel_loop3A_556, %parallel_loop3A_557] {strides = array<i32>} : memref<128x128xf32, #tpu.memory_space<vmem>>, vector<1x16xf32>,
          %parallel_loop3A_559 = vector.shape_cast %parallel_loop3A_558 : vector<1x16xf32> to vector<16xf32>
          %parallel_loop3A_560 = vector.broadcast %parallel_loop3A_485 : f32 to vector<16xf32>
          %parallel_loop3A_561 = arith.mulf %parallel_loop3A_559, %parallel_loop3A_560 : vector<16xf32>
          %parallel_loop3A_562 = arith.index_cast %parallel_loop3A_489 : i32 to index
          %parallel_loop3A_563 = arith.constant 96 : index
          %parallel_loop3A_564 = tpu.vector_load %arg11[%parallel_loop3A_562, %parallel_loop3A_563] {strides = array<i32>} : memref<128x128xf32, #tpu.memory_space<vmem>>, vector<1x16xf32>,
          %parallel_loop3A_565 = vector.shape_cast %parallel_loop3A_564 : vector<1x16xf32> to vector<16xf32>
          %parallel_loop3A_566 = vector.shape_cast %parallel_loop3A_561 : vector<16xf32> to vector<1x16xf32>
          tpu.vector_store %arg11[%parallel_loop3A_562, %parallel_loop3A_563], %parallel_loop3A_566 {strides = array<i32>} : memref<128x128xf32, #tpu.memory_space<vmem>>, vector<1x16xf32>,
          %parallel_loop3A_567 = arith.index_cast %parallel_loop3A_489 : i32 to index
          %parallel_loop3A_568 = arith.constant 112 : index
          %parallel_loop3A_569 = tpu.vector_load %arg11[%parallel_loop3A_567, %parallel_loop3A_568] {strides = array<i32>} : memref<128x128xf32, #tpu.memory_space<vmem>>, vector<1x16xf32>,
          %parallel_loop3A_570 = vector.shape_cast %parallel_loop3A_569 : vector<1x16xf32> to vector<16xf32>
          %parallel_loop3A_571 = vector.broadcast %parallel_loop3A_485 : f32 to vector<16xf32>
          %parallel_loop3A_572 = arith.mulf %parallel_loop3A_570, %parallel_loop3A_571 : vector<16xf32>
          %parallel_loop3A_573 = arith.index_cast %parallel_loop3A_489 : i32 to index
          %parallel_loop3A_574 = arith.constant 112 : index
          %parallel_loop3A_575 = tpu.vector_load %arg11[%parallel_loop3A_573, %parallel_loop3A_574] {strides = array<i32>} : memref<128x128xf32, #tpu.memory_space<vmem>>, vector<1x16xf32>,
          %parallel_loop3A_576 = vector.shape_cast %parallel_loop3A_575 : vector<1x16xf32> to vector<16xf32>
          %parallel_loop3A_577 = vector.shape_cast %parallel_loop3A_572 : vector<16xf32> to vector<1x16xf32>
          tpu.vector_store %arg11[%parallel_loop3A_573, %parallel_loop3A_574], %parallel_loop3A_577 {strides = array<i32>} : memref<128x128xf32, #tpu.memory_space<vmem>>, vector<1x16xf32>,
          %parallel_loop3A_578 = vector.extract_strided_slice %parallel_loop3A_201 {offsets = [4], sizes = [1], strides = [1]} : vector<16xf32> to vector<1xf32>
          %parallel_loop3A_579 = vector.extract %parallel_loop3A_578[0] : f32 from vector<1xf32>
          %parallel_loop3A_580 = arith.constant 16 : i32
          %parallel_loop3A_581 = arith.muli %parallel_loop3A_195, %parallel_loop3A_580 : i32
          %parallel_loop3A_582 = arith.constant 4 : i32
          %parallel_loop3A_583 = arith.addi %parallel_loop3A_581, %parallel_loop3A_582 : i32
          %parallel_loop3A_584 = arith.index_cast %parallel_loop3A_583 : i32 to index
          %parallel_loop3A_585 = arith.constant 0 : index
          %parallel_loop3A_586 = tpu.vector_load %arg11[%parallel_loop3A_584, %parallel_loop3A_585] {strides = array<i32>} : memref<128x128xf32, #tpu.memory_space<vmem>>, vector<1x16xf32>,
          %parallel_loop3A_587 = vector.shape_cast %parallel_loop3A_586 : vector<1x16xf32> to vector<16xf32>
          %parallel_loop3A_588 = vector.broadcast %parallel_loop3A_579 : f32 to vector<16xf32>
          %parallel_loop3A_589 = arith.mulf %parallel_loop3A_587, %parallel_loop3A_588 : vector<16xf32>
          %parallel_loop3A_590 = arith.index_cast %parallel_loop3A_583 : i32 to index
          %parallel_loop3A_591 = arith.constant 0 : index
          %parallel_loop3A_592 = tpu.vector_load %arg11[%parallel_loop3A_590, %parallel_loop3A_591] {strides = array<i32>} : memref<128x128xf32, #tpu.memory_space<vmem>>, vector<1x16xf32>,
          %parallel_loop3A_593 = vector.shape_cast %parallel_loop3A_592 : vector<1x16xf32> to vector<16xf32>
          %parallel_loop3A_594 = vector.shape_cast %parallel_loop3A_589 : vector<16xf32> to vector<1x16xf32>
          tpu.vector_store %arg11[%parallel_loop3A_590, %parallel_loop3A_591], %parallel_loop3A_594 {strides = array<i32>} : memref<128x128xf32, #tpu.memory_space<vmem>>, vector<1x16xf32>,
          %parallel_loop3A_595 = arith.index_cast %parallel_loop3A_583 : i32 to index
          %parallel_loop3A_596 = arith.constant 16 : index
          %parallel_loop3A_597 = tpu.vector_load %arg11[%parallel_loop3A_595, %parallel_loop3A_596] {strides = array<i32>} : memref<128x128xf32, #tpu.memory_space<vmem>>, vector<1x16xf32>,
          %parallel_loop3A_598 = vector.shape_cast %parallel_loop3A_597 : vector<1x16xf32> to vector<16xf32>
          %parallel_loop3A_599 = vector.broadcast %parallel_loop3A_579 : f32 to vector<16xf32>
          %parallel_loop3A_600 = arith.mulf %parallel_loop3A_598, %parallel_loop3A_599 : vector<16xf32>
          %parallel_loop3A_601 = arith.index_cast %parallel_loop3A_583 : i32 to index
          %parallel_loop3A_602 = arith.constant 16 : index
          %parallel_loop3A_603 = tpu.vector_load %arg11[%parallel_loop3A_601, %parallel_loop3A_602] {strides = array<i32>} : memref<128x128xf32, #tpu.memory_space<vmem>>, vector<1x16xf32>,
          %parallel_loop3A_604 = vector.shape_cast %parallel_loop3A_603 : vector<1x16xf32> to vector<16xf32>
          %parallel_loop3A_605 = vector.shape_cast %parallel_loop3A_600 : vector<16xf32> to vector<1x16xf32>
          tpu.vector_store %arg11[%parallel_loop3A_601, %parallel_loop3A_602], %parallel_loop3A_605 {strides = array<i32>} : memref<128x128xf32, #tpu.memory_space<vmem>>, vector<1x16xf32>,
          %parallel_loop3A_606 = arith.index_cast %parallel_loop3A_583 : i32 to index
          %parallel_loop3A_607 = arith.constant 32 : index
          %parallel_loop3A_608 = tpu.vector_load %arg11[%parallel_loop3A_606, %parallel_loop3A_607] {strides = array<i32>} : memref<128x128xf32, #tpu.memory_space<vmem>>, vector<1x16xf32>,
          %parallel_loop3A_609 = vector.shape_cast %parallel_loop3A_608 : vector<1x16xf32> to vector<16xf32>
          %parallel_loop3A_610 = vector.broadcast %parallel_loop3A_579 : f32 to vector<16xf32>
          %parallel_loop3A_611 = arith.mulf %parallel_loop3A_609, %parallel_loop3A_610 : vector<16xf32>
          %parallel_loop3A_612 = arith.index_cast %parallel_loop3A_583 : i32 to index
          %parallel_loop3A_613 = arith.constant 32 : index
          %parallel_loop3A_614 = tpu.vector_load %arg11[%parallel_loop3A_612, %parallel_loop3A_613] {strides = array<i32>} : memref<128x128xf32, #tpu.memory_space<vmem>>, vector<1x16xf32>,
          %parallel_loop3A_615 = vector.shape_cast %parallel_loop3A_614 : vector<1x16xf32> to vector<16xf32>
          %parallel_loop3A_616 = vector.shape_cast %parallel_loop3A_611 : vector<16xf32> to vector<1x16xf32>
          tpu.vector_store %arg11[%parallel_loop3A_612, %parallel_loop3A_613], %parallel_loop3A_616 {strides = array<i32>} : memref<128x128xf32, #tpu.memory_space<vmem>>, vector<1x16xf32>,
          %parallel_loop3A_617 = arith.index_cast %parallel_loop3A_583 : i32 to index
          %parallel_loop3A_618 = arith.constant 48 : index
          %parallel_loop3A_619 = tpu.vector_load %arg11[%parallel_loop3A_617, %parallel_loop3A_618] {strides = array<i32>} : memref<128x128xf32, #tpu.memory_space<vmem>>, vector<1x16xf32>,
          %parallel_loop3A_620 = vector.shape_cast %parallel_loop3A_619 : vector<1x16xf32> to vector<16xf32>
          %parallel_loop3A_621 = vector.broadcast %parallel_loop3A_579 : f32 to vector<16xf32>
          %parallel_loop3A_622 = arith.mulf %parallel_loop3A_620, %parallel_loop3A_621 : vector<16xf32>
          %parallel_loop3A_623 = arith.index_cast %parallel_loop3A_583 : i32 to index
          %parallel_loop3A_624 = arith.constant 48 : index
          %parallel_loop3A_625 = tpu.vector_load %arg11[%parallel_loop3A_623, %parallel_loop3A_624] {strides = array<i32>} : memref<128x128xf32, #tpu.memory_space<vmem>>, vector<1x16xf32>,
          %parallel_loop3A_626 = vector.shape_cast %parallel_loop3A_625 : vector<1x16xf32> to vector<16xf32>
          %parallel_loop3A_627 = vector.shape_cast %parallel_loop3A_622 : vector<16xf32> to vector<1x16xf32>
          tpu.vector_store %arg11[%parallel_loop3A_623, %parallel_loop3A_624], %parallel_loop3A_627 {strides = array<i32>} : memref<128x128xf32, #tpu.memory_space<vmem>>, vector<1x16xf32>,
          %parallel_loop3A_628 = arith.index_cast %parallel_loop3A_583 : i32 to index
          %parallel_loop3A_629 = arith.constant 64 : index
          %parallel_loop3A_630 = tpu.vector_load %arg11[%parallel_loop3A_628, %parallel_loop3A_629] {strides = array<i32>} : memref<128x128xf32, #tpu.memory_space<vmem>>, vector<1x16xf32>,
          %parallel_loop3A_631 = vector.shape_cast %parallel_loop3A_630 : vector<1x16xf32> to vector<16xf32>
          %parallel_loop3A_632 = vector.broadcast %parallel_loop3A_579 : f32 to vector<16xf32>
          %parallel_loop3A_633 = arith.mulf %parallel_loop3A_631, %parallel_loop3A_632 : vector<16xf32>
          %parallel_loop3A_634 = arith.index_cast %parallel_loop3A_583 : i32 to index
          %parallel_loop3A_635 = arith.constant 64 : index
          %parallel_loop3A_636 = tpu.vector_load %arg11[%parallel_loop3A_634, %parallel_loop3A_635] {strides = array<i32>} : memref<128x128xf32, #tpu.memory_space<vmem>>, vector<1x16xf32>,
          %parallel_loop3A_637 = vector.shape_cast %parallel_loop3A_636 : vector<1x16xf32> to vector<16xf32>
          %parallel_loop3A_638 = vector.shape_cast %parallel_loop3A_633 : vector<16xf32> to vector<1x16xf32>
          tpu.vector_store %arg11[%parallel_loop3A_634, %parallel_loop3A_635], %parallel_loop3A_638 {strides = array<i32>} : memref<128x128xf32, #tpu.memory_space<vmem>>, vector<1x16xf32>,
          %parallel_loop3A_639 = arith.index_cast %parallel_loop3A_583 : i32 to index
          %parallel_loop3A_640 = arith.constant 80 : index
          %parallel_loop3A_641 = tpu.vector_load %arg11[%parallel_loop3A_639, %parallel_loop3A_640] {strides = array<i32>} : memref<128x128xf32, #tpu.memory_space<vmem>>, vector<1x16xf32>,
          %parallel_loop3A_642 = vector.shape_cast %parallel_loop3A_641 : vector<1x16xf32> to vector<16xf32>
          %parallel_loop3A_643 = vector.broadcast %parallel_loop3A_579 : f32 to vector<16xf32>
          %parallel_loop3A_644 = arith.mulf %parallel_loop3A_642, %parallel_loop3A_643 : vector<16xf32>
          %parallel_loop3A_645 = arith.index_cast %parallel_loop3A_583 : i32 to index
          %parallel_loop3A_646 = arith.constant 80 : index
          %parallel_loop3A_647 = tpu.vector_load %arg11[%parallel_loop3A_645, %parallel_loop3A_646] {strides = array<i32>} : memref<128x128xf32, #tpu.memory_space<vmem>>, vector<1x16xf32>,
          %parallel_loop3A_648 = vector.shape_cast %parallel_loop3A_647 : vector<1x16xf32> to vector<16xf32>
          %parallel_loop3A_649 = vector.shape_cast %parallel_loop3A_644 : vector<16xf32> to vector<1x16xf32>
          tpu.vector_store %arg11[%parallel_loop3A_645, %parallel_loop3A_646], %parallel_loop3A_649 {strides = array<i32>} : memref<128x128xf32, #tpu.memory_space<vmem>>, vector<1x16xf32>,
          %parallel_loop3A_650 = arith.index_cast %parallel_loop3A_583 : i32 to index
          %parallel_loop3A_651 = arith.constant 96 : index
          %parallel_loop3A_652 = tpu.vector_load %arg11[%parallel_loop3A_650, %parallel_loop3A_651] {strides = array<i32>} : memref<128x128xf32, #tpu.memory_space<vmem>>, vector<1x16xf32>,
          %parallel_loop3A_653 = vector.shape_cast %parallel_loop3A_652 : vector<1x16xf32> to vector<16xf32>
          %parallel_loop3A_654 = vector.broadcast %parallel_loop3A_579 : f32 to vector<16xf32>
          %parallel_loop3A_655 = arith.mulf %parallel_loop3A_653, %parallel_loop3A_654 : vector<16xf32>
          %parallel_loop3A_656 = arith.index_cast %parallel_loop3A_583 : i32 to index
          %parallel_loop3A_657 = arith.constant 96 : index
          %parallel_loop3A_658 = tpu.vector_load %arg11[%parallel_loop3A_656, %parallel_loop3A_657] {strides = array<i32>} : memref<128x128xf32, #tpu.memory_space<vmem>>, vector<1x16xf32>,
          %parallel_loop3A_659 = vector.shape_cast %parallel_loop3A_658 : vector<1x16xf32> to vector<16xf32>
          %parallel_loop3A_660 = vector.shape_cast %parallel_loop3A_655 : vector<16xf32> to vector<1x16xf32>
          tpu.vector_store %arg11[%parallel_loop3A_656, %parallel_loop3A_657], %parallel_loop3A_660 {strides = array<i32>} : memref<128x128xf32, #tpu.memory_space<vmem>>, vector<1x16xf32>,
          %parallel_loop3A_661 = arith.index_cast %parallel_loop3A_583 : i32 to index
          %parallel_loop3A_662 = arith.constant 112 : index
          %parallel_loop3A_663 = tpu.vector_load %arg11[%parallel_loop3A_661, %parallel_loop3A_662] {strides = array<i32>} : memref<128x128xf32, #tpu.memory_space<vmem>>, vector<1x16xf32>,
          %parallel_loop3A_664 = vector.shape_cast %parallel_loop3A_663 : vector<1x16xf32> to vector<16xf32>
          %parallel_loop3A_665 = vector.broadcast %parallel_loop3A_579 : f32 to vector<16xf32>
          %parallel_loop3A_666 = arith.mulf %parallel_loop3A_664, %parallel_loop3A_665 : vector<16xf32>
          %parallel_loop3A_667 = arith.index_cast %parallel_loop3A_583 : i32 to index
          %parallel_loop3A_668 = arith.constant 112 : index
          %parallel_loop3A_669 = tpu.vector_load %arg11[%parallel_loop3A_667, %parallel_loop3A_668] {strides = array<i32>} : memref<128x128xf32, #tpu.memory_space<vmem>>, vector<1x16xf32>,
          %parallel_loop3A_670 = vector.shape_cast %parallel_loop3A_669 : vector<1x16xf32> to vector<16xf32>
          %parallel_loop3A_671 = vector.shape_cast %parallel_loop3A_666 : vector<16xf32> to vector<1x16xf32>
          tpu.vector_store %arg11[%parallel_loop3A_667, %parallel_loop3A_668], %parallel_loop3A_671 {strides = array<i32>} : memref<128x128xf32, #tpu.memory_space<vmem>>, vector<1x16xf32>,
          %parallel_loop3A_672 = vector.extract_strided_slice %parallel_loop3A_201 {offsets = [5], sizes = [1], strides = [1]} : vector<16xf32> to vector<1xf32>
          %parallel_loop3A_673 = vector.extract %parallel_loop3A_672[0] : f32 from vector<1xf32>
          %parallel_loop3A_674 = arith.constant 16 : i32
          %parallel_loop3A_675 = arith.muli %parallel_loop3A_195, %parallel_loop3A_674 : i32
          %parallel_loop3A_676 = arith.constant 5 : i32
          %parallel_loop3A_677 = arith.addi %parallel_loop3A_675, %parallel_loop3A_676 : i32
          %parallel_loop3A_678 = arith.index_cast %parallel_loop3A_677 : i32 to index
          %parallel_loop3A_679 = arith.constant 0 : index
          %parallel_loop3A_680 = tpu.vector_load %arg11[%parallel_loop3A_678, %parallel_loop3A_679] {strides = array<i32>} : memref<128x128xf32, #tpu.memory_space<vmem>>, vector<1x16xf32>,
          %parallel_loop3A_681 = vector.shape_cast %parallel_loop3A_680 : vector<1x16xf32> to vector<16xf32>
          %parallel_loop3A_682 = vector.broadcast %parallel_loop3A_673 : f32 to vector<16xf32>
          %parallel_loop3A_683 = arith.mulf %parallel_loop3A_681, %parallel_loop3A_682 : vector<16xf32>
          %parallel_loop3A_684 = arith.index_cast %parallel_loop3A_677 : i32 to index
          %parallel_loop3A_685 = arith.constant 0 : index
          %parallel_loop3A_686 = tpu.vector_load %arg11[%parallel_loop3A_684, %parallel_loop3A_685] {strides = array<i32>} : memref<128x128xf32, #tpu.memory_space<vmem>>, vector<1x16xf32>,
          %parallel_loop3A_687 = vector.shape_cast %parallel_loop3A_686 : vector<1x16xf32> to vector<16xf32>
          %parallel_loop3A_688 = vector.shape_cast %parallel_loop3A_683 : vector<16xf32> to vector<1x16xf32>
          tpu.vector_store %arg11[%parallel_loop3A_684, %parallel_loop3A_685], %parallel_loop3A_688 {strides = array<i32>} : memref<128x128xf32, #tpu.memory_space<vmem>>, vector<1x16xf32>,
          %parallel_loop3A_689 = arith.index_cast %parallel_loop3A_677 : i32 to index
          %parallel_loop3A_690 = arith.constant 16 : index
          %parallel_loop3A_691 = tpu.vector_load %arg11[%parallel_loop3A_689, %parallel_loop3A_690] {strides = array<i32>} : memref<128x128xf32, #tpu.memory_space<vmem>>, vector<1x16xf32>,
          %parallel_loop3A_692 = vector.shape_cast %parallel_loop3A_691 : vector<1x16xf32> to vector<16xf32>
          %parallel_loop3A_693 = vector.broadcast %parallel_loop3A_673 : f32 to vector<16xf32>
          %parallel_loop3A_694 = arith.mulf %parallel_loop3A_692, %parallel_loop3A_693 : vector<16xf32>
          %parallel_loop3A_695 = arith.index_cast %parallel_loop3A_677 : i32 to index
          %parallel_loop3A_696 = arith.constant 16 : index
          %parallel_loop3A_697 = tpu.vector_load %arg11[%parallel_loop3A_695, %parallel_loop3A_696] {strides = array<i32>} : memref<128x128xf32, #tpu.memory_space<vmem>>, vector<1x16xf32>,
          %parallel_loop3A_698 = vector.shape_cast %parallel_loop3A_697 : vector<1x16xf32> to vector<16xf32>
          %parallel_loop3A_699 = vector.shape_cast %parallel_loop3A_694 : vector<16xf32> to vector<1x16xf32>
          tpu.vector_store %arg11[%parallel_loop3A_695, %parallel_loop3A_696], %parallel_loop3A_699 {strides = array<i32>} : memref<128x128xf32, #tpu.memory_space<vmem>>, vector<1x16xf32>,
          %parallel_loop3A_700 = arith.index_cast %parallel_loop3A_677 : i32 to index
          %parallel_loop3A_701 = arith.constant 32 : index
          %parallel_loop3A_702 = tpu.vector_load %arg11[%parallel_loop3A_700, %parallel_loop3A_701] {strides = array<i32>} : memref<128x128xf32, #tpu.memory_space<vmem>>, vector<1x16xf32>,
          %parallel_loop3A_703 = vector.shape_cast %parallel_loop3A_702 : vector<1x16xf32> to vector<16xf32>
          %parallel_loop3A_704 = vector.broadcast %parallel_loop3A_673 : f32 to vector<16xf32>
          %parallel_loop3A_705 = arith.mulf %parallel_loop3A_703, %parallel_loop3A_704 : vector<16xf32>
          %parallel_loop3A_706 = arith.index_cast %parallel_loop3A_677 : i32 to index
          %parallel_loop3A_707 = arith.constant 32 : index
          %parallel_loop3A_708 = tpu.vector_load %arg11[%parallel_loop3A_706, %parallel_loop3A_707] {strides = array<i32>} : memref<128x128xf32, #tpu.memory_space<vmem>>, vector<1x16xf32>,
          %parallel_loop3A_709 = vector.shape_cast %parallel_loop3A_708 : vector<1x16xf32> to vector<16xf32>
          %parallel_loop3A_710 = vector.shape_cast %parallel_loop3A_705 : vector<16xf32> to vector<1x16xf32>
          tpu.vector_store %arg11[%parallel_loop3A_706, %parallel_loop3A_707], %parallel_loop3A_710 {strides = array<i32>} : memref<128x128xf32, #tpu.memory_space<vmem>>, vector<1x16xf32>,
          %parallel_loop3A_711 = arith.index_cast %parallel_loop3A_677 : i32 to index
          %parallel_loop3A_712 = arith.constant 48 : index
          %parallel_loop3A_713 = tpu.vector_load %arg11[%parallel_loop3A_711, %parallel_loop3A_712] {strides = array<i32>} : memref<128x128xf32, #tpu.memory_space<vmem>>, vector<1x16xf32>,
          %parallel_loop3A_714 = vector.shape_cast %parallel_loop3A_713 : vector<1x16xf32> to vector<16xf32>
          %parallel_loop3A_715 = vector.broadcast %parallel_loop3A_673 : f32 to vector<16xf32>
          %parallel_loop3A_716 = arith.mulf %parallel_loop3A_714, %parallel_loop3A_715 : vector<16xf32>
          %parallel_loop3A_717 = arith.index_cast %parallel_loop3A_677 : i32 to index
          %parallel_loop3A_718 = arith.constant 48 : index
          %parallel_loop3A_719 = tpu.vector_load %arg11[%parallel_loop3A_717, %parallel_loop3A_718] {strides = array<i32>} : memref<128x128xf32, #tpu.memory_space<vmem>>, vector<1x16xf32>,
          %parallel_loop3A_720 = vector.shape_cast %parallel_loop3A_719 : vector<1x16xf32> to vector<16xf32>
          %parallel_loop3A_721 = vector.shape_cast %parallel_loop3A_716 : vector<16xf32> to vector<1x16xf32>
          tpu.vector_store %arg11[%parallel_loop3A_717, %parallel_loop3A_718], %parallel_loop3A_721 {strides = array<i32>} : memref<128x128xf32, #tpu.memory_space<vmem>>, vector<1x16xf32>,
          %parallel_loop3A_722 = arith.index_cast %parallel_loop3A_677 : i32 to index
          %parallel_loop3A_723 = arith.constant 64 : index
          %parallel_loop3A_724 = tpu.vector_load %arg11[%parallel_loop3A_722, %parallel_loop3A_723] {strides = array<i32>} : memref<128x128xf32, #tpu.memory_space<vmem>>, vector<1x16xf32>,
          %parallel_loop3A_725 = vector.shape_cast %parallel_loop3A_724 : vector<1x16xf32> to vector<16xf32>
          %parallel_loop3A_726 = vector.broadcast %parallel_loop3A_673 : f32 to vector<16xf32>
          %parallel_loop3A_727 = arith.mulf %parallel_loop3A_725, %parallel_loop3A_726 : vector<16xf32>
          %parallel_loop3A_728 = arith.index_cast %parallel_loop3A_677 : i32 to index
          %parallel_loop3A_729 = arith.constant 64 : index
          %parallel_loop3A_730 = tpu.vector_load %arg11[%parallel_loop3A_728, %parallel_loop3A_729] {strides = array<i32>} : memref<128x128xf32, #tpu.memory_space<vmem>>, vector<1x16xf32>,
          %parallel_loop3A_731 = vector.shape_cast %parallel_loop3A_730 : vector<1x16xf32> to vector<16xf32>
          %parallel_loop3A_732 = vector.shape_cast %parallel_loop3A_727 : vector<16xf32> to vector<1x16xf32>
          tpu.vector_store %arg11[%parallel_loop3A_728, %parallel_loop3A_729], %parallel_loop3A_732 {strides = array<i32>} : memref<128x128xf32, #tpu.memory_space<vmem>>, vector<1x16xf32>,
          %parallel_loop3A_733 = arith.index_cast %parallel_loop3A_677 : i32 to index
          %parallel_loop3A_734 = arith.constant 80 : index
          %parallel_loop3A_735 = tpu.vector_load %arg11[%parallel_loop3A_733, %parallel_loop3A_734] {strides = array<i32>} : memref<128x128xf32, #tpu.memory_space<vmem>>, vector<1x16xf32>,
          %parallel_loop3A_736 = vector.shape_cast %parallel_loop3A_735 : vector<1x16xf32> to vector<16xf32>
          %parallel_loop3A_737 = vector.broadcast %parallel_loop3A_673 : f32 to vector<16xf32>
          %parallel_loop3A_738 = arith.mulf %parallel_loop3A_736, %parallel_loop3A_737 : vector<16xf32>
          %parallel_loop3A_739 = arith.index_cast %parallel_loop3A_677 : i32 to index
          %parallel_loop3A_740 = arith.constant 80 : index
          %parallel_loop3A_741 = tpu.vector_load %arg11[%parallel_loop3A_739, %parallel_loop3A_740] {strides = array<i32>} : memref<128x128xf32, #tpu.memory_space<vmem>>, vector<1x16xf32>,
          %parallel_loop3A_742 = vector.shape_cast %parallel_loop3A_741 : vector<1x16xf32> to vector<16xf32>
          %parallel_loop3A_743 = vector.shape_cast %parallel_loop3A_738 : vector<16xf32> to vector<1x16xf32>
          tpu.vector_store %arg11[%parallel_loop3A_739, %parallel_loop3A_740], %parallel_loop3A_743 {strides = array<i32>} : memref<128x128xf32, #tpu.memory_space<vmem>>, vector<1x16xf32>,
          %parallel_loop3A_744 = arith.index_cast %parallel_loop3A_677 : i32 to index
          %parallel_loop3A_745 = arith.constant 96 : index
          %parallel_loop3A_746 = tpu.vector_load %arg11[%parallel_loop3A_744, %parallel_loop3A_745] {strides = array<i32>} : memref<128x128xf32, #tpu.memory_space<vmem>>, vector<1x16xf32>,
          %parallel_loop3A_747 = vector.shape_cast %parallel_loop3A_746 : vector<1x16xf32> to vector<16xf32>
          %parallel_loop3A_748 = vector.broadcast %parallel_loop3A_673 : f32 to vector<16xf32>
          %parallel_loop3A_749 = arith.mulf %parallel_loop3A_747, %parallel_loop3A_748 : vector<16xf32>
          %parallel_loop3A_750 = arith.index_cast %parallel_loop3A_677 : i32 to index
          %parallel_loop3A_751 = arith.constant 96 : index
          %parallel_loop3A_752 = tpu.vector_load %arg11[%parallel_loop3A_750, %parallel_loop3A_751] {strides = array<i32>} : memref<128x128xf32, #tpu.memory_space<vmem>>, vector<1x16xf32>,
          %parallel_loop3A_753 = vector.shape_cast %parallel_loop3A_752 : vector<1x16xf32> to vector<16xf32>
          %parallel_loop3A_754 = vector.shape_cast %parallel_loop3A_749 : vector<16xf32> to vector<1x16xf32>
          tpu.vector_store %arg11[%parallel_loop3A_750, %parallel_loop3A_751], %parallel_loop3A_754 {strides = array<i32>} : memref<128x128xf32, #tpu.memory_space<vmem>>, vector<1x16xf32>,
          %parallel_loop3A_755 = arith.index_cast %parallel_loop3A_677 : i32 to index
          %parallel_loop3A_756 = arith.constant 112 : index
          %parallel_loop3A_757 = tpu.vector_load %arg11[%parallel_loop3A_755, %parallel_loop3A_756] {strides = array<i32>} : memref<128x128xf32, #tpu.memory_space<vmem>>, vector<1x16xf32>,
          %parallel_loop3A_758 = vector.shape_cast %parallel_loop3A_757 : vector<1x16xf32> to vector<16xf32>
          %parallel_loop3A_759 = vector.broadcast %parallel_loop3A_673 : f32 to vector<16xf32>
          %parallel_loop3A_760 = arith.mulf %parallel_loop3A_758, %parallel_loop3A_759 : vector<16xf32>
          %parallel_loop3A_761 = arith.index_cast %parallel_loop3A_677 : i32 to index
          %parallel_loop3A_762 = arith.constant 112 : index
          %parallel_loop3A_763 = tpu.vector_load %arg11[%parallel_loop3A_761, %parallel_loop3A_762] {strides = array<i32>} : memref<128x128xf32, #tpu.memory_space<vmem>>, vector<1x16xf32>,
          %parallel_loop3A_764 = vector.shape_cast %parallel_loop3A_763 : vector<1x16xf32> to vector<16xf32>
          %parallel_loop3A_765 = vector.shape_cast %parallel_loop3A_760 : vector<16xf32> to vector<1x16xf32>
          tpu.vector_store %arg11[%parallel_loop3A_761, %parallel_loop3A_762], %parallel_loop3A_765 {strides = array<i32>} : memref<128x128xf32, #tpu.memory_space<vmem>>, vector<1x16xf32>,
          %parallel_loop3A_766 = vector.extract_strided_slice %parallel_loop3A_201 {offsets = [6], sizes = [1], strides = [1]} : vector<16xf32> to vector<1xf32>
          %parallel_loop3A_767 = vector.extract %parallel_loop3A_766[0] : f32 from vector<1xf32>
          %parallel_loop3A_768 = arith.constant 16 : i32
          %parallel_loop3A_769 = arith.muli %parallel_loop3A_195, %parallel_loop3A_768 : i32
          %parallel_loop3A_770 = arith.constant 6 : i32
          %parallel_loop3A_771 = arith.addi %parallel_loop3A_769, %parallel_loop3A_770 : i32
          %parallel_loop3A_772 = arith.index_cast %parallel_loop3A_771 : i32 to index
          %parallel_loop3A_773 = arith.constant 0 : index
          %parallel_loop3A_774 = tpu.vector_load %arg11[%parallel_loop3A_772, %parallel_loop3A_773] {strides = array<i32>} : memref<128x128xf32, #tpu.memory_space<vmem>>, vector<1x16xf32>,
          %parallel_loop3A_775 = vector.shape_cast %parallel_loop3A_774 : vector<1x16xf32> to vector<16xf32>
          %parallel_loop3A_776 = vector.broadcast %parallel_loop3A_767 : f32 to vector<16xf32>
          %parallel_loop3A_777 = arith.mulf %parallel_loop3A_775, %parallel_loop3A_776 : vector<16xf32>
          %parallel_loop3A_778 = arith.index_cast %parallel_loop3A_771 : i32 to index
          %parallel_loop3A_779 = arith.constant 0 : index
          %parallel_loop3A_780 = tpu.vector_load %arg11[%parallel_loop3A_778, %parallel_loop3A_779] {strides = array<i32>} : memref<128x128xf32, #tpu.memory_space<vmem>>, vector<1x16xf32>,
          %parallel_loop3A_781 = vector.shape_cast %parallel_loop3A_780 : vector<1x16xf32> to vector<16xf32>
          %parallel_loop3A_782 = vector.shape_cast %parallel_loop3A_777 : vector<16xf32> to vector<1x16xf32>
          tpu.vector_store %arg11[%parallel_loop3A_778, %parallel_loop3A_779], %parallel_loop3A_782 {strides = array<i32>} : memref<128x128xf32, #tpu.memory_space<vmem>>, vector<1x16xf32>,
          %parallel_loop3A_783 = arith.index_cast %parallel_loop3A_771 : i32 to index
          %parallel_loop3A_784 = arith.constant 16 : index
          %parallel_loop3A_785 = tpu.vector_load %arg11[%parallel_loop3A_783, %parallel_loop3A_784] {strides = array<i32>} : memref<128x128xf32, #tpu.memory_space<vmem>>, vector<1x16xf32>,
          %parallel_loop3A_786 = vector.shape_cast %parallel_loop3A_785 : vector<1x16xf32> to vector<16xf32>
          %parallel_loop3A_787 = vector.broadcast %parallel_loop3A_767 : f32 to vector<16xf32>
          %parallel_loop3A_788 = arith.mulf %parallel_loop3A_786, %parallel_loop3A_787 : vector<16xf32>
          %parallel_loop3A_789 = arith.index_cast %parallel_loop3A_771 : i32 to index
          %parallel_loop3A_790 = arith.constant 16 : index
          %parallel_loop3A_791 = tpu.vector_load %arg11[%parallel_loop3A_789, %parallel_loop3A_790] {strides = array<i32>} : memref<128x128xf32, #tpu.memory_space<vmem>>, vector<1x16xf32>,
          %parallel_loop3A_792 = vector.shape_cast %parallel_loop3A_791 : vector<1x16xf32> to vector<16xf32>
          %parallel_loop3A_793 = vector.shape_cast %parallel_loop3A_788 : vector<16xf32> to vector<1x16xf32>
          tpu.vector_store %arg11[%parallel_loop3A_789, %parallel_loop3A_790], %parallel_loop3A_793 {strides = array<i32>} : memref<128x128xf32, #tpu.memory_space<vmem>>, vector<1x16xf32>,
          %parallel_loop3A_794 = arith.index_cast %parallel_loop3A_771 : i32 to index
          %parallel_loop3A_795 = arith.constant 32 : index
          %parallel_loop3A_796 = tpu.vector_load %arg11[%parallel_loop3A_794, %parallel_loop3A_795] {strides = array<i32>} : memref<128x128xf32, #tpu.memory_space<vmem>>, vector<1x16xf32>,
          %parallel_loop3A_797 = vector.shape_cast %parallel_loop3A_796 : vector<1x16xf32> to vector<16xf32>
          %parallel_loop3A_798 = vector.broadcast %parallel_loop3A_767 : f32 to vector<16xf32>
          %parallel_loop3A_799 = arith.mulf %parallel_loop3A_797, %parallel_loop3A_798 : vector<16xf32>
          %parallel_loop3A_800 = arith.index_cast %parallel_loop3A_771 : i32 to index
          %parallel_loop3A_801 = arith.constant 32 : index
          %parallel_loop3A_802 = tpu.vector_load %arg11[%parallel_loop3A_800, %parallel_loop3A_801] {strides = array<i32>} : memref<128x128xf32, #tpu.memory_space<vmem>>, vector<1x16xf32>,
          %parallel_loop3A_803 = vector.shape_cast %parallel_loop3A_802 : vector<1x16xf32> to vector<16xf32>
          %parallel_loop3A_804 = vector.shape_cast %parallel_loop3A_799 : vector<16xf32> to vector<1x16xf32>
          tpu.vector_store %arg11[%parallel_loop3A_800, %parallel_loop3A_801], %parallel_loop3A_804 {strides = array<i32>} : memref<128x128xf32, #tpu.memory_space<vmem>>, vector<1x16xf32>,
          %parallel_loop3A_805 = arith.index_cast %parallel_loop3A_771 : i32 to index
          %parallel_loop3A_806 = arith.constant 48 : index
          %parallel_loop3A_807 = tpu.vector_load %arg11[%parallel_loop3A_805, %parallel_loop3A_806] {strides = array<i32>} : memref<128x128xf32, #tpu.memory_space<vmem>>, vector<1x16xf32>,
          %parallel_loop3A_808 = vector.shape_cast %parallel_loop3A_807 : vector<1x16xf32> to vector<16xf32>
          %parallel_loop3A_809 = vector.broadcast %parallel_loop3A_767 : f32 to vector<16xf32>
          %parallel_loop3A_810 = arith.mulf %parallel_loop3A_808, %parallel_loop3A_809 : vector<16xf32>
          %parallel_loop3A_811 = arith.index_cast %parallel_loop3A_771 : i32 to index
          %parallel_loop3A_812 = arith.constant 48 : index
          %parallel_loop3A_813 = tpu.vector_load %arg11[%parallel_loop3A_811, %parallel_loop3A_812] {strides = array<i32>} : memref<128x128xf32, #tpu.memory_space<vmem>>, vector<1x16xf32>,
          %parallel_loop3A_814 = vector.shape_cast %parallel_loop3A_813 : vector<1x16xf32> to vector<16xf32>
          %parallel_loop3A_815 = vector.shape_cast %parallel_loop3A_810 : vector<16xf32> to vector<1x16xf32>
          tpu.vector_store %arg11[%parallel_loop3A_811, %parallel_loop3A_812], %parallel_loop3A_815 {strides = array<i32>} : memref<128x128xf32, #tpu.memory_space<vmem>>, vector<1x16xf32>,
          %parallel_loop3A_816 = arith.index_cast %parallel_loop3A_771 : i32 to index
          %parallel_loop3A_817 = arith.constant 64 : index
          %parallel_loop3A_818 = tpu.vector_load %arg11[%parallel_loop3A_816, %parallel_loop3A_817] {strides = array<i32>} : memref<128x128xf32, #tpu.memory_space<vmem>>, vector<1x16xf32>,
          %parallel_loop3A_819 = vector.shape_cast %parallel_loop3A_818 : vector<1x16xf32> to vector<16xf32>
          %parallel_loop3A_820 = vector.broadcast %parallel_loop3A_767 : f32 to vector<16xf32>
          %parallel_loop3A_821 = arith.mulf %parallel_loop3A_819, %parallel_loop3A_820 : vector<16xf32>
          %parallel_loop3A_822 = arith.index_cast %parallel_loop3A_771 : i32 to index
          %parallel_loop3A_823 = arith.constant 64 : index
          %parallel_loop3A_824 = tpu.vector_load %arg11[%parallel_loop3A_822, %parallel_loop3A_823] {strides = array<i32>} : memref<128x128xf32, #tpu.memory_space<vmem>>, vector<1x16xf32>,
          %parallel_loop3A_825 = vector.shape_cast %parallel_loop3A_824 : vector<1x16xf32> to vector<16xf32>
          %parallel_loop3A_826 = vector.shape_cast %parallel_loop3A_821 : vector<16xf32> to vector<1x16xf32>
          tpu.vector_store %arg11[%parallel_loop3A_822, %parallel_loop3A_823], %parallel_loop3A_826 {strides = array<i32>} : memref<128x128xf32, #tpu.memory_space<vmem>>, vector<1x16xf32>,
          %parallel_loop3A_827 = arith.index_cast %parallel_loop3A_771 : i32 to index
          %parallel_loop3A_828 = arith.constant 80 : index
          %parallel_loop3A_829 = tpu.vector_load %arg11[%parallel_loop3A_827, %parallel_loop3A_828] {strides = array<i32>} : memref<128x128xf32, #tpu.memory_space<vmem>>, vector<1x16xf32>,
          %parallel_loop3A_830 = vector.shape_cast %parallel_loop3A_829 : vector<1x16xf32> to vector<16xf32>
          %parallel_loop3A_831 = vector.broadcast %parallel_loop3A_767 : f32 to vector<16xf32>
          %parallel_loop3A_832 = arith.mulf %parallel_loop3A_830, %parallel_loop3A_831 : vector<16xf32>
          %parallel_loop3A_833 = arith.index_cast %parallel_loop3A_771 : i32 to index
          %parallel_loop3A_834 = arith.constant 80 : index
          %parallel_loop3A_835 = tpu.vector_load %arg11[%parallel_loop3A_833, %parallel_loop3A_834] {strides = array<i32>} : memref<128x128xf32, #tpu.memory_space<vmem>>, vector<1x16xf32>,
          %parallel_loop3A_836 = vector.shape_cast %parallel_loop3A_835 : vector<1x16xf32> to vector<16xf32>
          %parallel_loop3A_837 = vector.shape_cast %parallel_loop3A_832 : vector<16xf32> to vector<1x16xf32>
          tpu.vector_store %arg11[%parallel_loop3A_833, %parallel_loop3A_834], %parallel_loop3A_837 {strides = array<i32>} : memref<128x128xf32, #tpu.memory_space<vmem>>, vector<1x16xf32>,
          %parallel_loop3A_838 = arith.index_cast %parallel_loop3A_771 : i32 to index
          %parallel_loop3A_839 = arith.constant 96 : index
          %parallel_loop3A_840 = tpu.vector_load %arg11[%parallel_loop3A_838, %parallel_loop3A_839] {strides = array<i32>} : memref<128x128xf32, #tpu.memory_space<vmem>>, vector<1x16xf32>,
          %parallel_loop3A_841 = vector.shape_cast %parallel_loop3A_840 : vector<1x16xf32> to vector<16xf32>
          %parallel_loop3A_842 = vector.broadcast %parallel_loop3A_767 : f32 to vector<16xf32>
          %parallel_loop3A_843 = arith.mulf %parallel_loop3A_841, %parallel_loop3A_842 : vector<16xf32>
          %parallel_loop3A_844 = arith.index_cast %parallel_loop3A_771 : i32 to index
          %parallel_loop3A_845 = arith.constant 96 : index
          %parallel_loop3A_846 = tpu.vector_load %arg11[%parallel_loop3A_844, %parallel_loop3A_845] {strides = array<i32>} : memref<128x128xf32, #tpu.memory_space<vmem>>, vector<1x16xf32>,
          %parallel_loop3A_847 = vector.shape_cast %parallel_loop3A_846 : vector<1x16xf32> to vector<16xf32>
          %parallel_loop3A_848 = vector.shape_cast %parallel_loop3A_843 : vector<16xf32> to vector<1x16xf32>
          tpu.vector_store %arg11[%parallel_loop3A_844, %parallel_loop3A_845], %parallel_loop3A_848 {strides = array<i32>} : memref<128x128xf32, #tpu.memory_space<vmem>>, vector<1x16xf32>,
          %parallel_loop3A_849 = arith.index_cast %parallel_loop3A_771 : i32 to index
          %parallel_loop3A_850 = arith.constant 112 : index
          %parallel_loop3A_851 = tpu.vector_load %arg11[%parallel_loop3A_849, %parallel_loop3A_850] {strides = array<i32>} : memref<128x128xf32, #tpu.memory_space<vmem>>, vector<1x16xf32>,
          %parallel_loop3A_852 = vector.shape_cast %parallel_loop3A_851 : vector<1x16xf32> to vector<16xf32>
          %parallel_loop3A_853 = vector.broadcast %parallel_loop3A_767 : f32 to vector<16xf32>
          %parallel_loop3A_854 = arith.mulf %parallel_loop3A_852, %parallel_loop3A_853 : vector<16xf32>
          %parallel_loop3A_855 = arith.index_cast %parallel_loop3A_771 : i32 to index
          %parallel_loop3A_856 = arith.constant 112 : index
          %parallel_loop3A_857 = tpu.vector_load %arg11[%parallel_loop3A_855, %parallel_loop3A_856] {strides = array<i32>} : memref<128x128xf32, #tpu.memory_space<vmem>>, vector<1x16xf32>,
          %parallel_loop3A_858 = vector.shape_cast %parallel_loop3A_857 : vector<1x16xf32> to vector<16xf32>
          %parallel_loop3A_859 = vector.shape_cast %parallel_loop3A_854 : vector<16xf32> to vector<1x16xf32>
          tpu.vector_store %arg11[%parallel_loop3A_855, %parallel_loop3A_856], %parallel_loop3A_859 {strides = array<i32>} : memref<128x128xf32, #tpu.memory_space<vmem>>, vector<1x16xf32>,
          %parallel_loop3A_860 = vector.extract_strided_slice %parallel_loop3A_201 {offsets = [7], sizes = [1], strides = [1]} : vector<16xf32> to vector<1xf32>
          %parallel_loop3A_861 = vector.extract %parallel_loop3A_860[0] : f32 from vector<1xf32>
          %parallel_loop3A_862 = arith.constant 16 : i32
          %parallel_loop3A_863 = arith.muli %parallel_loop3A_195, %parallel_loop3A_862 : i32
          %parallel_loop3A_864 = arith.constant 7 : i32
          %parallel_loop3A_865 = arith.addi %parallel_loop3A_863, %parallel_loop3A_864 : i32
          %parallel_loop3A_866 = arith.index_cast %parallel_loop3A_865 : i32 to index
          %parallel_loop3A_867 = arith.constant 0 : index
          %parallel_loop3A_868 = tpu.vector_load %arg11[%parallel_loop3A_866, %parallel_loop3A_867] {strides = array<i32>} : memref<128x128xf32, #tpu.memory_space<vmem>>, vector<1x16xf32>,
          %parallel_loop3A_869 = vector.shape_cast %parallel_loop3A_868 : vector<1x16xf32> to vector<16xf32>
          %parallel_loop3A_870 = vector.broadcast %parallel_loop3A_861 : f32 to vector<16xf32>
          %parallel_loop3A_871 = arith.mulf %parallel_loop3A_869, %parallel_loop3A_870 : vector<16xf32>
          %parallel_loop3A_872 = arith.index_cast %parallel_loop3A_865 : i32 to index
          %parallel_loop3A_873 = arith.constant 0 : index
          %parallel_loop3A_874 = tpu.vector_load %arg11[%parallel_loop3A_872, %parallel_loop3A_873] {strides = array<i32>} : memref<128x128xf32, #tpu.memory_space<vmem>>, vector<1x16xf32>,
          %parallel_loop3A_875 = vector.shape_cast %parallel_loop3A_874 : vector<1x16xf32> to vector<16xf32>
          %parallel_loop3A_876 = vector.shape_cast %parallel_loop3A_871 : vector<16xf32> to vector<1x16xf32>
          tpu.vector_store %arg11[%parallel_loop3A_872, %parallel_loop3A_873], %parallel_loop3A_876 {strides = array<i32>} : memref<128x128xf32, #tpu.memory_space<vmem>>, vector<1x16xf32>,
          %parallel_loop3A_877 = arith.index_cast %parallel_loop3A_865 : i32 to index
          %parallel_loop3A_878 = arith.constant 16 : index
          %parallel_loop3A_879 = tpu.vector_load %arg11[%parallel_loop3A_877, %parallel_loop3A_878] {strides = array<i32>} : memref<128x128xf32, #tpu.memory_space<vmem>>, vector<1x16xf32>,
          %parallel_loop3A_880 = vector.shape_cast %parallel_loop3A_879 : vector<1x16xf32> to vector<16xf32>
          %parallel_loop3A_881 = vector.broadcast %parallel_loop3A_861 : f32 to vector<16xf32>
          %parallel_loop3A_882 = arith.mulf %parallel_loop3A_880, %parallel_loop3A_881 : vector<16xf32>
          %parallel_loop3A_883 = arith.index_cast %parallel_loop3A_865 : i32 to index
          %parallel_loop3A_884 = arith.constant 16 : index
          %parallel_loop3A_885 = tpu.vector_load %arg11[%parallel_loop3A_883, %parallel_loop3A_884] {strides = array<i32>} : memref<128x128xf32, #tpu.memory_space<vmem>>, vector<1x16xf32>,
          %parallel_loop3A_886 = vector.shape_cast %parallel_loop3A_885 : vector<1x16xf32> to vector<16xf32>
          %parallel_loop3A_887 = vector.shape_cast %parallel_loop3A_882 : vector<16xf32> to vector<1x16xf32>
          tpu.vector_store %arg11[%parallel_loop3A_883, %parallel_loop3A_884], %parallel_loop3A_887 {strides = array<i32>} : memref<128x128xf32, #tpu.memory_space<vmem>>, vector<1x16xf32>,
          %parallel_loop3A_888 = arith.index_cast %parallel_loop3A_865 : i32 to index
          %parallel_loop3A_889 = arith.constant 32 : index
          %parallel_loop3A_890 = tpu.vector_load %arg11[%parallel_loop3A_888, %parallel_loop3A_889] {strides = array<i32>} : memref<128x128xf32, #tpu.memory_space<vmem>>, vector<1x16xf32>,
          %parallel_loop3A_891 = vector.shape_cast %parallel_loop3A_890 : vector<1x16xf32> to vector<16xf32>
          %parallel_loop3A_892 = vector.broadcast %parallel_loop3A_861 : f32 to vector<16xf32>
          %parallel_loop3A_893 = arith.mulf %parallel_loop3A_891, %parallel_loop3A_892 : vector<16xf32>
          %parallel_loop3A_894 = arith.index_cast %parallel_loop3A_865 : i32 to index
          %parallel_loop3A_895 = arith.constant 32 : index
          %parallel_loop3A_896 = tpu.vector_load %arg11[%parallel_loop3A_894, %parallel_loop3A_895] {strides = array<i32>} : memref<128x128xf32, #tpu.memory_space<vmem>>, vector<1x16xf32>,
          %parallel_loop3A_897 = vector.shape_cast %parallel_loop3A_896 : vector<1x16xf32> to vector<16xf32>
          %parallel_loop3A_898 = vector.shape_cast %parallel_loop3A_893 : vector<16xf32> to vector<1x16xf32>
          tpu.vector_store %arg11[%parallel_loop3A_894, %parallel_loop3A_895], %parallel_loop3A_898 {strides = array<i32>} : memref<128x128xf32, #tpu.memory_space<vmem>>, vector<1x16xf32>,
          %parallel_loop3A_899 = arith.index_cast %parallel_loop3A_865 : i32 to index
          %parallel_loop3A_900 = arith.constant 48 : index
          %parallel_loop3A_901 = tpu.vector_load %arg11[%parallel_loop3A_899, %parallel_loop3A_900] {strides = array<i32>} : memref<128x128xf32, #tpu.memory_space<vmem>>, vector<1x16xf32>,
          %parallel_loop3A_902 = vector.shape_cast %parallel_loop3A_901 : vector<1x16xf32> to vector<16xf32>
          %parallel_loop3A_903 = vector.broadcast %parallel_loop3A_861 : f32 to vector<16xf32>
          %parallel_loop3A_904 = arith.mulf %parallel_loop3A_902, %parallel_loop3A_903 : vector<16xf32>
          %parallel_loop3A_905 = arith.index_cast %parallel_loop3A_865 : i32 to index
          %parallel_loop3A_906 = arith.constant 48 : index
          %parallel_loop3A_907 = tpu.vector_load %arg11[%parallel_loop3A_905, %parallel_loop3A_906] {strides = array<i32>} : memref<128x128xf32, #tpu.memory_space<vmem>>, vector<1x16xf32>,
          %parallel_loop3A_908 = vector.shape_cast %parallel_loop3A_907 : vector<1x16xf32> to vector<16xf32>
          %parallel_loop3A_909 = vector.shape_cast %parallel_loop3A_904 : vector<16xf32> to vector<1x16xf32>
          tpu.vector_store %arg11[%parallel_loop3A_905, %parallel_loop3A_906], %parallel_loop3A_909 {strides = array<i32>} : memref<128x128xf32, #tpu.memory_space<vmem>>, vector<1x16xf32>,
          %parallel_loop3A_910 = arith.index_cast %parallel_loop3A_865 : i32 to index
          %parallel_loop3A_911 = arith.constant 64 : index
          %parallel_loop3A_912 = tpu.vector_load %arg11[%parallel_loop3A_910, %parallel_loop3A_911] {strides = array<i32>} : memref<128x128xf32, #tpu.memory_space<vmem>>, vector<1x16xf32>,
          %parallel_loop3A_913 = vector.shape_cast %parallel_loop3A_912 : vector<1x16xf32> to vector<16xf32>
          %parallel_loop3A_914 = vector.broadcast %parallel_loop3A_861 : f32 to vector<16xf32>
          %parallel_loop3A_915 = arith.mulf %parallel_loop3A_913, %parallel_loop3A_914 : vector<16xf32>
          %parallel_loop3A_916 = arith.index_cast %parallel_loop3A_865 : i32 to index
          %parallel_loop3A_917 = arith.constant 64 : index
          %parallel_loop3A_918 = tpu.vector_load %arg11[%parallel_loop3A_916, %parallel_loop3A_917] {strides = array<i32>} : memref<128x128xf32, #tpu.memory_space<vmem>>, vector<1x16xf32>,
          %parallel_loop3A_919 = vector.shape_cast %parallel_loop3A_918 : vector<1x16xf32> to vector<16xf32>
          %parallel_loop3A_920 = vector.shape_cast %parallel_loop3A_915 : vector<16xf32> to vector<1x16xf32>
          tpu.vector_store %arg11[%parallel_loop3A_916, %parallel_loop3A_917], %parallel_loop3A_920 {strides = array<i32>} : memref<128x128xf32, #tpu.memory_space<vmem>>, vector<1x16xf32>,
          %parallel_loop3A_921 = arith.index_cast %parallel_loop3A_865 : i32 to index
          %parallel_loop3A_922 = arith.constant 80 : index
          %parallel_loop3A_923 = tpu.vector_load %arg11[%parallel_loop3A_921, %parallel_loop3A_922] {strides = array<i32>} : memref<128x128xf32, #tpu.memory_space<vmem>>, vector<1x16xf32>,
          %parallel_loop3A_924 = vector.shape_cast %parallel_loop3A_923 : vector<1x16xf32> to vector<16xf32>
          %parallel_loop3A_925 = vector.broadcast %parallel_loop3A_861 : f32 to vector<16xf32>
          %parallel_loop3A_926 = arith.mulf %parallel_loop3A_924, %parallel_loop3A_925 : vector<16xf32>
          %parallel_loop3A_927 = arith.index_cast %parallel_loop3A_865 : i32 to index
          %parallel_loop3A_928 = arith.constant 80 : index
          %parallel_loop3A_929 = tpu.vector_load %arg11[%parallel_loop3A_927, %parallel_loop3A_928] {strides = array<i32>} : memref<128x128xf32, #tpu.memory_space<vmem>>, vector<1x16xf32>,
          %parallel_loop3A_930 = vector.shape_cast %parallel_loop3A_929 : vector<1x16xf32> to vector<16xf32>
          %parallel_loop3A_931 = vector.shape_cast %parallel_loop3A_926 : vector<16xf32> to vector<1x16xf32>
          tpu.vector_store %arg11[%parallel_loop3A_927, %parallel_loop3A_928], %parallel_loop3A_931 {strides = array<i32>} : memref<128x128xf32, #tpu.memory_space<vmem>>, vector<1x16xf32>,
          %parallel_loop3A_932 = arith.index_cast %parallel_loop3A_865 : i32 to index
          %parallel_loop3A_933 = arith.constant 96 : index
          %parallel_loop3A_934 = tpu.vector_load %arg11[%parallel_loop3A_932, %parallel_loop3A_933] {strides = array<i32>} : memref<128x128xf32, #tpu.memory_space<vmem>>, vector<1x16xf32>,
          %parallel_loop3A_935 = vector.shape_cast %parallel_loop3A_934 : vector<1x16xf32> to vector<16xf32>
          %parallel_loop3A_936 = vector.broadcast %parallel_loop3A_861 : f32 to vector<16xf32>
          %parallel_loop3A_937 = arith.mulf %parallel_loop3A_935, %parallel_loop3A_936 : vector<16xf32>
          %parallel_loop3A_938 = arith.index_cast %parallel_loop3A_865 : i32 to index
          %parallel_loop3A_939 = arith.constant 96 : index
          %parallel_loop3A_940 = tpu.vector_load %arg11[%parallel_loop3A_938, %parallel_loop3A_939] {strides = array<i32>} : memref<128x128xf32, #tpu.memory_space<vmem>>, vector<1x16xf32>,
          %parallel_loop3A_941 = vector.shape_cast %parallel_loop3A_940 : vector<1x16xf32> to vector<16xf32>
          %parallel_loop3A_942 = vector.shape_cast %parallel_loop3A_937 : vector<16xf32> to vector<1x16xf32>
          tpu.vector_store %arg11[%parallel_loop3A_938, %parallel_loop3A_939], %parallel_loop3A_942 {strides = array<i32>} : memref<128x128xf32, #tpu.memory_space<vmem>>, vector<1x16xf32>,
          %parallel_loop3A_943 = arith.index_cast %parallel_loop3A_865 : i32 to index
          %parallel_loop3A_944 = arith.constant 112 : index
          %parallel_loop3A_945 = tpu.vector_load %arg11[%parallel_loop3A_943, %parallel_loop3A_944] {strides = array<i32>} : memref<128x128xf32, #tpu.memory_space<vmem>>, vector<1x16xf32>,
          %parallel_loop3A_946 = vector.shape_cast %parallel_loop3A_945 : vector<1x16xf32> to vector<16xf32>
          %parallel_loop3A_947 = vector.broadcast %parallel_loop3A_861 : f32 to vector<16xf32>
          %parallel_loop3A_948 = arith.mulf %parallel_loop3A_946, %parallel_loop3A_947 : vector<16xf32>
          %parallel_loop3A_949 = arith.index_cast %parallel_loop3A_865 : i32 to index
          %parallel_loop3A_950 = arith.constant 112 : index
          %parallel_loop3A_951 = tpu.vector_load %arg11[%parallel_loop3A_949, %parallel_loop3A_950] {strides = array<i32>} : memref<128x128xf32, #tpu.memory_space<vmem>>, vector<1x16xf32>,
          %parallel_loop3A_952 = vector.shape_cast %parallel_loop3A_951 : vector<1x16xf32> to vector<16xf32>
          %parallel_loop3A_953 = vector.shape_cast %parallel_loop3A_948 : vector<16xf32> to vector<1x16xf32>
          tpu.vector_store %arg11[%parallel_loop3A_949, %parallel_loop3A_950], %parallel_loop3A_953 {strides = array<i32>} : memref<128x128xf32, #tpu.memory_space<vmem>>, vector<1x16xf32>,
          %parallel_loop3A_954 = vector.extract_strided_slice %parallel_loop3A_201 {offsets = [8], sizes = [1], strides = [1]} : vector<16xf32> to vector<1xf32>
          %parallel_loop3A_955 = vector.extract %parallel_loop3A_954[0] : f32 from vector<1xf32>
          %parallel_loop3A_956 = arith.constant 16 : i32
          %parallel_loop3A_957 = arith.muli %parallel_loop3A_195, %parallel_loop3A_956 : i32
          %parallel_loop3A_958 = arith.constant 8 : i32
          %parallel_loop3A_959 = arith.addi %parallel_loop3A_957, %parallel_loop3A_958 : i32
          %parallel_loop3A_960 = arith.index_cast %parallel_loop3A_959 : i32 to index
          %parallel_loop3A_961 = arith.constant 0 : index
          %parallel_loop3A_962 = tpu.vector_load %arg11[%parallel_loop3A_960, %parallel_loop3A_961] {strides = array<i32>} : memref<128x128xf32, #tpu.memory_space<vmem>>, vector<1x16xf32>,
          %parallel_loop3A_963 = vector.shape_cast %parallel_loop3A_962 : vector<1x16xf32> to vector<16xf32>
          %parallel_loop3A_964 = vector.broadcast %parallel_loop3A_955 : f32 to vector<16xf32>
          %parallel_loop3A_965 = arith.mulf %parallel_loop3A_963, %parallel_loop3A_964 : vector<16xf32>
          %parallel_loop3A_966 = arith.index_cast %parallel_loop3A_959 : i32 to index
          %parallel_loop3A_967 = arith.constant 0 : index
          %parallel_loop3A_968 = tpu.vector_load %arg11[%parallel_loop3A_966, %parallel_loop3A_967] {strides = array<i32>} : memref<128x128xf32, #tpu.memory_space<vmem>>, vector<1x16xf32>,
          %parallel_loop3A_969 = vector.shape_cast %parallel_loop3A_968 : vector<1x16xf32> to vector<16xf32>
          %parallel_loop3A_970 = vector.shape_cast %parallel_loop3A_965 : vector<16xf32> to vector<1x16xf32>
          tpu.vector_store %arg11[%parallel_loop3A_966, %parallel_loop3A_967], %parallel_loop3A_970 {strides = array<i32>} : memref<128x128xf32, #tpu.memory_space<vmem>>, vector<1x16xf32>,
          %parallel_loop3A_971 = arith.index_cast %parallel_loop3A_959 : i32 to index
          %parallel_loop3A_972 = arith.constant 16 : index
          %parallel_loop3A_973 = tpu.vector_load %arg11[%parallel_loop3A_971, %parallel_loop3A_972] {strides = array<i32>} : memref<128x128xf32, #tpu.memory_space<vmem>>, vector<1x16xf32>,
          %parallel_loop3A_974 = vector.shape_cast %parallel_loop3A_973 : vector<1x16xf32> to vector<16xf32>
          %parallel_loop3A_975 = vector.broadcast %parallel_loop3A_955 : f32 to vector<16xf32>
          %parallel_loop3A_976 = arith.mulf %parallel_loop3A_974, %parallel_loop3A_975 : vector<16xf32>
          %parallel_loop3A_977 = arith.index_cast %parallel_loop3A_959 : i32 to index
          %parallel_loop3A_978 = arith.constant 16 : index
          %parallel_loop3A_979 = tpu.vector_load %arg11[%parallel_loop3A_977, %parallel_loop3A_978] {strides = array<i32>} : memref<128x128xf32, #tpu.memory_space<vmem>>, vector<1x16xf32>,
          %parallel_loop3A_980 = vector.shape_cast %parallel_loop3A_979 : vector<1x16xf32> to vector<16xf32>
          %parallel_loop3A_981 = vector.shape_cast %parallel_loop3A_976 : vector<16xf32> to vector<1x16xf32>
          tpu.vector_store %arg11[%parallel_loop3A_977, %parallel_loop3A_978], %parallel_loop3A_981 {strides = array<i32>} : memref<128x128xf32, #tpu.memory_space<vmem>>, vector<1x16xf32>,
          %parallel_loop3A_982 = arith.index_cast %parallel_loop3A_959 : i32 to index
          %parallel_loop3A_983 = arith.constant 32 : index
          %parallel_loop3A_984 = tpu.vector_load %arg11[%parallel_loop3A_982, %parallel_loop3A_983] {strides = array<i32>} : memref<128x128xf32, #tpu.memory_space<vmem>>, vector<1x16xf32>,
          %parallel_loop3A_985 = vector.shape_cast %parallel_loop3A_984 : vector<1x16xf32> to vector<16xf32>
          %parallel_loop3A_986 = vector.broadcast %parallel_loop3A_955 : f32 to vector<16xf32>
          %parallel_loop3A_987 = arith.mulf %parallel_loop3A_985, %parallel_loop3A_986 : vector<16xf32>
          %parallel_loop3A_988 = arith.index_cast %parallel_loop3A_959 : i32 to index
          %parallel_loop3A_989 = arith.constant 32 : index
          %parallel_loop3A_990 = tpu.vector_load %arg11[%parallel_loop3A_988, %parallel_loop3A_989] {strides = array<i32>} : memref<128x128xf32, #tpu.memory_space<vmem>>, vector<1x16xf32>,
          %parallel_loop3A_991 = vector.shape_cast %parallel_loop3A_990 : vector<1x16xf32> to vector<16xf32>
          %parallel_loop3A_992 = vector.shape_cast %parallel_loop3A_987 : vector<16xf32> to vector<1x16xf32>
          tpu.vector_store %arg11[%parallel_loop3A_988, %parallel_loop3A_989], %parallel_loop3A_992 {strides = array<i32>} : memref<128x128xf32, #tpu.memory_space<vmem>>, vector<1x16xf32>,
          %parallel_loop3A_993 = arith.index_cast %parallel_loop3A_959 : i32 to index
          %parallel_loop3A_994 = arith.constant 48 : index
          %parallel_loop3A_995 = tpu.vector_load %arg11[%parallel_loop3A_993, %parallel_loop3A_994] {strides = array<i32>} : memref<128x128xf32, #tpu.memory_space<vmem>>, vector<1x16xf32>,
          %parallel_loop3A_996 = vector.shape_cast %parallel_loop3A_995 : vector<1x16xf32> to vector<16xf32>
          %parallel_loop3A_997 = vector.broadcast %parallel_loop3A_955 : f32 to vector<16xf32>
          %parallel_loop3A_998 = arith.mulf %parallel_loop3A_996, %parallel_loop3A_997 : vector<16xf32>
          %parallel_loop3A_999 = arith.index_cast %parallel_loop3A_959 : i32 to index
          %parallel_loop3A_1000 = arith.constant 48 : index
          %parallel_loop3A_1001 = tpu.vector_load %arg11[%parallel_loop3A_999, %parallel_loop3A_1000] {strides = array<i32>} : memref<128x128xf32, #tpu.memory_space<vmem>>, vector<1x16xf32>,
          %parallel_loop3A_1002 = vector.shape_cast %parallel_loop3A_1001 : vector<1x16xf32> to vector<16xf32>
          %parallel_loop3A_1003 = vector.shape_cast %parallel_loop3A_998 : vector<16xf32> to vector<1x16xf32>
          tpu.vector_store %arg11[%parallel_loop3A_999, %parallel_loop3A_1000], %parallel_loop3A_1003 {strides = array<i32>} : memref<128x128xf32, #tpu.memory_space<vmem>>, vector<1x16xf32>,
          %parallel_loop3A_1004 = arith.index_cast %parallel_loop3A_959 : i32 to index
          %parallel_loop3A_1005 = arith.constant 64 : index
          %parallel_loop3A_1006 = tpu.vector_load %arg11[%parallel_loop3A_1004, %parallel_loop3A_1005] {strides = array<i32>} : memref<128x128xf32, #tpu.memory_space<vmem>>, vector<1x16xf32>,
          %parallel_loop3A_1007 = vector.shape_cast %parallel_loop3A_1006 : vector<1x16xf32> to vector<16xf32>
          %parallel_loop3A_1008 = vector.broadcast %parallel_loop3A_955 : f32 to vector<16xf32>
          %parallel_loop3A_1009 = arith.mulf %parallel_loop3A_1007, %parallel_loop3A_1008 : vector<16xf32>
          %parallel_loop3A_1010 = arith.index_cast %parallel_loop3A_959 : i32 to index
          %parallel_loop3A_1011 = arith.constant 64 : index
          %parallel_loop3A_1012 = tpu.vector_load %arg11[%parallel_loop3A_1010, %parallel_loop3A_1011] {strides = array<i32>} : memref<128x128xf32, #tpu.memory_space<vmem>>, vector<1x16xf32>,
          %parallel_loop3A_1013 = vector.shape_cast %parallel_loop3A_1012 : vector<1x16xf32> to vector<16xf32>
          %parallel_loop3A_1014 = vector.shape_cast %parallel_loop3A_1009 : vector<16xf32> to vector<1x16xf32>
          tpu.vector_store %arg11[%parallel_loop3A_1010, %parallel_loop3A_1011], %parallel_loop3A_1014 {strides = array<i32>} : memref<128x128xf32, #tpu.memory_space<vmem>>, vector<1x16xf32>,
          %parallel_loop3A_1015 = arith.index_cast %parallel_loop3A_959 : i32 to index
          %parallel_loop3A_1016 = arith.constant 80 : index
          %parallel_loop3A_1017 = tpu.vector_load %arg11[%parallel_loop3A_1015, %parallel_loop3A_1016] {strides = array<i32>} : memref<128x128xf32, #tpu.memory_space<vmem>>, vector<1x16xf32>,
          %parallel_loop3A_1018 = vector.shape_cast %parallel_loop3A_1017 : vector<1x16xf32> to vector<16xf32>
          %parallel_loop3A_1019 = vector.broadcast %parallel_loop3A_955 : f32 to vector<16xf32>
          %parallel_loop3A_1020 = arith.mulf %parallel_loop3A_1018, %parallel_loop3A_1019 : vector<16xf32>
          %parallel_loop3A_1021 = arith.index_cast %parallel_loop3A_959 : i32 to index
          %parallel_loop3A_1022 = arith.constant 80 : index
          %parallel_loop3A_1023 = tpu.vector_load %arg11[%parallel_loop3A_1021, %parallel_loop3A_1022] {strides = array<i32>} : memref<128x128xf32, #tpu.memory_space<vmem>>, vector<1x16xf32>,
          %parallel_loop3A_1024 = vector.shape_cast %parallel_loop3A_1023 : vector<1x16xf32> to vector<16xf32>
          %parallel_loop3A_1025 = vector.shape_cast %parallel_loop3A_1020 : vector<16xf32> to vector<1x16xf32>
          tpu.vector_store %arg11[%parallel_loop3A_1021, %parallel_loop3A_1022], %parallel_loop3A_1025 {strides = array<i32>} : memref<128x128xf32, #tpu.memory_space<vmem>>, vector<1x16xf32>,
          %parallel_loop3A_1026 = arith.index_cast %parallel_loop3A_959 : i32 to index
          %parallel_loop3A_1027 = arith.constant 96 : index
          %parallel_loop3A_1028 = tpu.vector_load %arg11[%parallel_loop3A_1026, %parallel_loop3A_1027] {strides = array<i32>} : memref<128x128xf32, #tpu.memory_space<vmem>>, vector<1x16xf32>,
          %parallel_loop3A_1029 = vector.shape_cast %parallel_loop3A_1028 : vector<1x16xf32> to vector<16xf32>
          %parallel_loop3A_1030 = vector.broadcast %parallel_loop3A_955 : f32 to vector<16xf32>
          %parallel_loop3A_1031 = arith.mulf %parallel_loop3A_1029, %parallel_loop3A_1030 : vector<16xf32>
          %parallel_loop3A_1032 = arith.index_cast %parallel_loop3A_959 : i32 to index
          %parallel_loop3A_1033 = arith.constant 96 : index
          %parallel_loop3A_1034 = tpu.vector_load %arg11[%parallel_loop3A_1032, %parallel_loop3A_1033] {strides = array<i32>} : memref<128x128xf32, #tpu.memory_space<vmem>>, vector<1x16xf32>,
          %parallel_loop3A_1035 = vector.shape_cast %parallel_loop3A_1034 : vector<1x16xf32> to vector<16xf32>
          %parallel_loop3A_1036 = vector.shape_cast %parallel_loop3A_1031 : vector<16xf32> to vector<1x16xf32>
          tpu.vector_store %arg11[%parallel_loop3A_1032, %parallel_loop3A_1033], %parallel_loop3A_1036 {strides = array<i32>} : memref<128x128xf32, #tpu.memory_space<vmem>>, vector<1x16xf32>,
          %parallel_loop3A_1037 = arith.index_cast %parallel_loop3A_959 : i32 to index
          %parallel_loop3A_1038 = arith.constant 112 : index
          %parallel_loop3A_1039 = tpu.vector_load %arg11[%parallel_loop3A_1037, %parallel_loop3A_1038] {strides = array<i32>} : memref<128x128xf32, #tpu.memory_space<vmem>>, vector<1x16xf32>,
          %parallel_loop3A_1040 = vector.shape_cast %parallel_loop3A_1039 : vector<1x16xf32> to vector<16xf32>
          %parallel_loop3A_1041 = vector.broadcast %parallel_loop3A_955 : f32 to vector<16xf32>
          %parallel_loop3A_1042 = arith.mulf %parallel_loop3A_1040, %parallel_loop3A_1041 : vector<16xf32>
          %parallel_loop3A_1043 = arith.index_cast %parallel_loop3A_959 : i32 to index
          %parallel_loop3A_1044 = arith.constant 112 : index
          %parallel_loop3A_1045 = tpu.vector_load %arg11[%parallel_loop3A_1043, %parallel_loop3A_1044] {strides = array<i32>} : memref<128x128xf32, #tpu.memory_space<vmem>>, vector<1x16xf32>,
          %parallel_loop3A_1046 = vector.shape_cast %parallel_loop3A_1045 : vector<1x16xf32> to vector<16xf32>
          %parallel_loop3A_1047 = vector.shape_cast %parallel_loop3A_1042 : vector<16xf32> to vector<1x16xf32>
          tpu.vector_store %arg11[%parallel_loop3A_1043, %parallel_loop3A_1044], %parallel_loop3A_1047 {strides = array<i32>} : memref<128x128xf32, #tpu.memory_space<vmem>>, vector<1x16xf32>,
          %parallel_loop3A_1048 = vector.extract_strided_slice %parallel_loop3A_201 {offsets = [9], sizes = [1], strides = [1]} : vector<16xf32> to vector<1xf32>
          %parallel_loop3A_1049 = vector.extract %parallel_loop3A_1048[0] : f32 from vector<1xf32>
          %parallel_loop3A_1050 = arith.constant 16 : i32
          %parallel_loop3A_1051 = arith.muli %parallel_loop3A_195, %parallel_loop3A_1050 : i32
          %parallel_loop3A_1052 = arith.constant 9 : i32
          %parallel_loop3A_1053 = arith.addi %parallel_loop3A_1051, %parallel_loop3A_1052 : i32
          %parallel_loop3A_1054 = arith.index_cast %parallel_loop3A_1053 : i32 to index
          %parallel_loop3A_1055 = arith.constant 0 : index
          %parallel_loop3A_1056 = tpu.vector_load %arg11[%parallel_loop3A_1054, %parallel_loop3A_1055] {strides = array<i32>} : memref<128x128xf32, #tpu.memory_space<vmem>>, vector<1x16xf32>,
          %parallel_loop3A_1057 = vector.shape_cast %parallel_loop3A_1056 : vector<1x16xf32> to vector<16xf32>
          %parallel_loop3A_1058 = vector.broadcast %parallel_loop3A_1049 : f32 to vector<16xf32>
          %parallel_loop3A_1059 = arith.mulf %parallel_loop3A_1057, %parallel_loop3A_1058 : vector<16xf32>
          %parallel_loop3A_1060 = arith.index_cast %parallel_loop3A_1053 : i32 to index
          %parallel_loop3A_1061 = arith.constant 0 : index
          %parallel_loop3A_1062 = tpu.vector_load %arg11[%parallel_loop3A_1060, %parallel_loop3A_1061] {strides = array<i32>} : memref<128x128xf32, #tpu.memory_space<vmem>>, vector<1x16xf32>,
          %parallel_loop3A_1063 = vector.shape_cast %parallel_loop3A_1062 : vector<1x16xf32> to vector<16xf32>
          %parallel_loop3A_1064 = vector.shape_cast %parallel_loop3A_1059 : vector<16xf32> to vector<1x16xf32>
          tpu.vector_store %arg11[%parallel_loop3A_1060, %parallel_loop3A_1061], %parallel_loop3A_1064 {strides = array<i32>} : memref<128x128xf32, #tpu.memory_space<vmem>>, vector<1x16xf32>,
          %parallel_loop3A_1065 = arith.index_cast %parallel_loop3A_1053 : i32 to index
          %parallel_loop3A_1066 = arith.constant 16 : index
          %parallel_loop3A_1067 = tpu.vector_load %arg11[%parallel_loop3A_1065, %parallel_loop3A_1066] {strides = array<i32>} : memref<128x128xf32, #tpu.memory_space<vmem>>, vector<1x16xf32>,
          %parallel_loop3A_1068 = vector.shape_cast %parallel_loop3A_1067 : vector<1x16xf32> to vector<16xf32>
          %parallel_loop3A_1069 = vector.broadcast %parallel_loop3A_1049 : f32 to vector<16xf32>
          %parallel_loop3A_1070 = arith.mulf %parallel_loop3A_1068, %parallel_loop3A_1069 : vector<16xf32>
          %parallel_loop3A_1071 = arith.index_cast %parallel_loop3A_1053 : i32 to index
          %parallel_loop3A_1072 = arith.constant 16 : index
          %parallel_loop3A_1073 = tpu.vector_load %arg11[%parallel_loop3A_1071, %parallel_loop3A_1072] {strides = array<i32>} : memref<128x128xf32, #tpu.memory_space<vmem>>, vector<1x16xf32>,
          %parallel_loop3A_1074 = vector.shape_cast %parallel_loop3A_1073 : vector<1x16xf32> to vector<16xf32>
          %parallel_loop3A_1075 = vector.shape_cast %parallel_loop3A_1070 : vector<16xf32> to vector<1x16xf32>
          tpu.vector_store %arg11[%parallel_loop3A_1071, %parallel_loop3A_1072], %parallel_loop3A_1075 {strides = array<i32>} : memref<128x128xf32, #tpu.memory_space<vmem>>, vector<1x16xf32>,
          %parallel_loop3A_1076 = arith.index_cast %parallel_loop3A_1053 : i32 to index
          %parallel_loop3A_1077 = arith.constant 32 : index
          %parallel_loop3A_1078 = tpu.vector_load %arg11[%parallel_loop3A_1076, %parallel_loop3A_1077] {strides = array<i32>} : memref<128x128xf32, #tpu.memory_space<vmem>>, vector<1x16xf32>,
          %parallel_loop3A_1079 = vector.shape_cast %parallel_loop3A_1078 : vector<1x16xf32> to vector<16xf32>
          %parallel_loop3A_1080 = vector.broadcast %parallel_loop3A_1049 : f32 to vector<16xf32>
          %parallel_loop3A_1081 = arith.mulf %parallel_loop3A_1079, %parallel_loop3A_1080 : vector<16xf32>
          %parallel_loop3A_1082 = arith.index_cast %parallel_loop3A_1053 : i32 to index
          %parallel_loop3A_1083 = arith.constant 32 : index
          %parallel_loop3A_1084 = tpu.vector_load %arg11[%parallel_loop3A_1082, %parallel_loop3A_1083] {strides = array<i32>} : memref<128x128xf32, #tpu.memory_space<vmem>>, vector<1x16xf32>,
          %parallel_loop3A_1085 = vector.shape_cast %parallel_loop3A_1084 : vector<1x16xf32> to vector<16xf32>
          %parallel_loop3A_1086 = vector.shape_cast %parallel_loop3A_1081 : vector<16xf32> to vector<1x16xf32>
          tpu.vector_store %arg11[%parallel_loop3A_1082, %parallel_loop3A_1083], %parallel_loop3A_1086 {strides = array<i32>} : memref<128x128xf32, #tpu.memory_space<vmem>>, vector<1x16xf32>,
          %parallel_loop3A_1087 = arith.index_cast %parallel_loop3A_1053 : i32 to index
          %parallel_loop3A_1088 = arith.constant 48 : index
          %parallel_loop3A_1089 = tpu.vector_load %arg11[%parallel_loop3A_1087, %parallel_loop3A_1088] {strides = array<i32>} : memref<128x128xf32, #tpu.memory_space<vmem>>, vector<1x16xf32>,
          %parallel_loop3A_1090 = vector.shape_cast %parallel_loop3A_1089 : vector<1x16xf32> to vector<16xf32>
          %parallel_loop3A_1091 = vector.broadcast %parallel_loop3A_1049 : f32 to vector<16xf32>
          %parallel_loop3A_1092 = arith.mulf %parallel_loop3A_1090, %parallel_loop3A_1091 : vector<16xf32>
          %parallel_loop3A_1093 = arith.index_cast %parallel_loop3A_1053 : i32 to index
          %parallel_loop3A_1094 = arith.constant 48 : index
          %parallel_loop3A_1095 = tpu.vector_load %arg11[%parallel_loop3A_1093, %parallel_loop3A_1094] {strides = array<i32>} : memref<128x128xf32, #tpu.memory_space<vmem>>, vector<1x16xf32>,
          %parallel_loop3A_1096 = vector.shape_cast %parallel_loop3A_1095 : vector<1x16xf32> to vector<16xf32>
          %parallel_loop3A_1097 = vector.shape_cast %parallel_loop3A_1092 : vector<16xf32> to vector<1x16xf32>
          tpu.vector_store %arg11[%parallel_loop3A_1093, %parallel_loop3A_1094], %parallel_loop3A_1097 {strides = array<i32>} : memref<128x128xf32, #tpu.memory_space<vmem>>, vector<1x16xf32>,
          %parallel_loop3A_1098 = arith.index_cast %parallel_loop3A_1053 : i32 to index
          %parallel_loop3A_1099 = arith.constant 64 : index
          %parallel_loop3A_1100 = tpu.vector_load %arg11[%parallel_loop3A_1098, %parallel_loop3A_1099] {strides = array<i32>} : memref<128x128xf32, #tpu.memory_space<vmem>>, vector<1x16xf32>,
          %parallel_loop3A_1101 = vector.shape_cast %parallel_loop3A_1100 : vector<1x16xf32> to vector<16xf32>
          %parallel_loop3A_1102 = vector.broadcast %parallel_loop3A_1049 : f32 to vector<16xf32>
          %parallel_loop3A_1103 = arith.mulf %parallel_loop3A_1101, %parallel_loop3A_1102 : vector<16xf32>
          %parallel_loop3A_1104 = arith.index_cast %parallel_loop3A_1053 : i32 to index
          %parallel_loop3A_1105 = arith.constant 64 : index
          %parallel_loop3A_1106 = tpu.vector_load %arg11[%parallel_loop3A_1104, %parallel_loop3A_1105] {strides = array<i32>} : memref<128x128xf32, #tpu.memory_space<vmem>>, vector<1x16xf32>,
          %parallel_loop3A_1107 = vector.shape_cast %parallel_loop3A_1106 : vector<1x16xf32> to vector<16xf32>
          %parallel_loop3A_1108 = vector.shape_cast %parallel_loop3A_1103 : vector<16xf32> to vector<1x16xf32>
          tpu.vector_store %arg11[%parallel_loop3A_1104, %parallel_loop3A_1105], %parallel_loop3A_1108 {strides = array<i32>} : memref<128x128xf32, #tpu.memory_space<vmem>>, vector<1x16xf32>,
          %parallel_loop3A_1109 = arith.index_cast %parallel_loop3A_1053 : i32 to index
          %parallel_loop3A_1110 = arith.constant 80 : index
          %parallel_loop3A_1111 = tpu.vector_load %arg11[%parallel_loop3A_1109, %parallel_loop3A_1110] {strides = array<i32>} : memref<128x128xf32, #tpu.memory_space<vmem>>, vector<1x16xf32>,
          %parallel_loop3A_1112 = vector.shape_cast %parallel_loop3A_1111 : vector<1x16xf32> to vector<16xf32>
          %parallel_loop3A_1113 = vector.broadcast %parallel_loop3A_1049 : f32 to vector<16xf32>
          %parallel_loop3A_1114 = arith.mulf %parallel_loop3A_1112, %parallel_loop3A_1113 : vector<16xf32>
          %parallel_loop3A_1115 = arith.index_cast %parallel_loop3A_1053 : i32 to index
          %parallel_loop3A_1116 = arith.constant 80 : index
          %parallel_loop3A_1117 = tpu.vector_load %arg11[%parallel_loop3A_1115, %parallel_loop3A_1116] {strides = array<i32>} : memref<128x128xf32, #tpu.memory_space<vmem>>, vector<1x16xf32>,
          %parallel_loop3A_1118 = vector.shape_cast %parallel_loop3A_1117 : vector<1x16xf32> to vector<16xf32>
          %parallel_loop3A_1119 = vector.shape_cast %parallel_loop3A_1114 : vector<16xf32> to vector<1x16xf32>
          tpu.vector_store %arg11[%parallel_loop3A_1115, %parallel_loop3A_1116], %parallel_loop3A_1119 {strides = array<i32>} : memref<128x128xf32, #tpu.memory_space<vmem>>, vector<1x16xf32>,
          %parallel_loop3A_1120 = arith.index_cast %parallel_loop3A_1053 : i32 to index
          %parallel_loop3A_1121 = arith.constant 96 : index
          %parallel_loop3A_1122 = tpu.vector_load %arg11[%parallel_loop3A_1120, %parallel_loop3A_1121] {strides = array<i32>} : memref<128x128xf32, #tpu.memory_space<vmem>>, vector<1x16xf32>,
          %parallel_loop3A_1123 = vector.shape_cast %parallel_loop3A_1122 : vector<1x16xf32> to vector<16xf32>
          %parallel_loop3A_1124 = vector.broadcast %parallel_loop3A_1049 : f32 to vector<16xf32>
          %parallel_loop3A_1125 = arith.mulf %parallel_loop3A_1123, %parallel_loop3A_1124 : vector<16xf32>
          %parallel_loop3A_1126 = arith.index_cast %parallel_loop3A_1053 : i32 to index
          %parallel_loop3A_1127 = arith.constant 96 : index
          %parallel_loop3A_1128 = tpu.vector_load %arg11[%parallel_loop3A_1126, %parallel_loop3A_1127] {strides = array<i32>} : memref<128x128xf32, #tpu.memory_space<vmem>>, vector<1x16xf32>,
          %parallel_loop3A_1129 = vector.shape_cast %parallel_loop3A_1128 : vector<1x16xf32> to vector<16xf32>
          %parallel_loop3A_1130 = vector.shape_cast %parallel_loop3A_1125 : vector<16xf32> to vector<1x16xf32>
          tpu.vector_store %arg11[%parallel_loop3A_1126, %parallel_loop3A_1127], %parallel_loop3A_1130 {strides = array<i32>} : memref<128x128xf32, #tpu.memory_space<vmem>>, vector<1x16xf32>,
          %parallel_loop3A_1131 = arith.index_cast %parallel_loop3A_1053 : i32 to index
          %parallel_loop3A_1132 = arith.constant 112 : index
          %parallel_loop3A_1133 = tpu.vector_load %arg11[%parallel_loop3A_1131, %parallel_loop3A_1132] {strides = array<i32>} : memref<128x128xf32, #tpu.memory_space<vmem>>, vector<1x16xf32>,
          %parallel_loop3A_1134 = vector.shape_cast %parallel_loop3A_1133 : vector<1x16xf32> to vector<16xf32>
          %parallel_loop3A_1135 = vector.broadcast %parallel_loop3A_1049 : f32 to vector<16xf32>
          %parallel_loop3A_1136 = arith.mulf %parallel_loop3A_1134, %parallel_loop3A_1135 : vector<16xf32>
          %parallel_loop3A_1137 = arith.index_cast %parallel_loop3A_1053 : i32 to index
          %parallel_loop3A_1138 = arith.constant 112 : index
          %parallel_loop3A_1139 = tpu.vector_load %arg11[%parallel_loop3A_1137, %parallel_loop3A_1138] {strides = array<i32>} : memref<128x128xf32, #tpu.memory_space<vmem>>, vector<1x16xf32>,
          %parallel_loop3A_1140 = vector.shape_cast %parallel_loop3A_1139 : vector<1x16xf32> to vector<16xf32>
          %parallel_loop3A_1141 = vector.shape_cast %parallel_loop3A_1136 : vector<16xf32> to vector<1x16xf32>
          tpu.vector_store %arg11[%parallel_loop3A_1137, %parallel_loop3A_1138], %parallel_loop3A_1141 {strides = array<i32>} : memref<128x128xf32, #tpu.memory_space<vmem>>, vector<1x16xf32>,
          %parallel_loop3A_1142 = vector.extract_strided_slice %parallel_loop3A_201 {offsets = [10], sizes = [1], strides = [1]} : vector<16xf32> to vector<1xf32>
          %parallel_loop3A_1143 = vector.extract %parallel_loop3A_1142[0] : f32 from vector<1xf32>
          %parallel_loop3A_1144 = arith.constant 16 : i32
          %parallel_loop3A_1145 = arith.muli %parallel_loop3A_195, %parallel_loop3A_1144 : i32
          %parallel_loop3A_1146 = arith.constant 10 : i32
          %parallel_loop3A_1147 = arith.addi %parallel_loop3A_1145, %parallel_loop3A_1146 : i32
          %parallel_loop3A_1148 = arith.index_cast %parallel_loop3A_1147 : i32 to index
          %parallel_loop3A_1149 = arith.constant 0 : index
          %parallel_loop3A_1150 = tpu.vector_load %arg11[%parallel_loop3A_1148, %parallel_loop3A_1149] {strides = array<i32>} : memref<128x128xf32, #tpu.memory_space<vmem>>, vector<1x16xf32>,
          %parallel_loop3A_1151 = vector.shape_cast %parallel_loop3A_1150 : vector<1x16xf32> to vector<16xf32>
          %parallel_loop3A_1152 = vector.broadcast %parallel_loop3A_1143 : f32 to vector<16xf32>
          %parallel_loop3A_1153 = arith.mulf %parallel_loop3A_1151, %parallel_loop3A_1152 : vector<16xf32>
          %parallel_loop3A_1154 = arith.index_cast %parallel_loop3A_1147 : i32 to index
          %parallel_loop3A_1155 = arith.constant 0 : index
          %parallel_loop3A_1156 = tpu.vector_load %arg11[%parallel_loop3A_1154, %parallel_loop3A_1155] {strides = array<i32>} : memref<128x128xf32, #tpu.memory_space<vmem>>, vector<1x16xf32>,
          %parallel_loop3A_1157 = vector.shape_cast %parallel_loop3A_1156 : vector<1x16xf32> to vector<16xf32>
          %parallel_loop3A_1158 = vector.shape_cast %parallel_loop3A_1153 : vector<16xf32> to vector<1x16xf32>
          tpu.vector_store %arg11[%parallel_loop3A_1154, %parallel_loop3A_1155], %parallel_loop3A_1158 {strides = array<i32>} : memref<128x128xf32, #tpu.memory_space<vmem>>, vector<1x16xf32>,
          %parallel_loop3A_1159 = arith.index_cast %parallel_loop3A_1147 : i32 to index
          %parallel_loop3A_1160 = arith.constant 16 : index
          %parallel_loop3A_1161 = tpu.vector_load %arg11[%parallel_loop3A_1159, %parallel_loop3A_1160] {strides = array<i32>} : memref<128x128xf32, #tpu.memory_space<vmem>>, vector<1x16xf32>,
          %parallel_loop3A_1162 = vector.shape_cast %parallel_loop3A_1161 : vector<1x16xf32> to vector<16xf32>
          %parallel_loop3A_1163 = vector.broadcast %parallel_loop3A_1143 : f32 to vector<16xf32>
          %parallel_loop3A_1164 = arith.mulf %parallel_loop3A_1162, %parallel_loop3A_1163 : vector<16xf32>
          %parallel_loop3A_1165 = arith.index_cast %parallel_loop3A_1147 : i32 to index
          %parallel_loop3A_1166 = arith.constant 16 : index
          %parallel_loop3A_1167 = tpu.vector_load %arg11[%parallel_loop3A_1165, %parallel_loop3A_1166] {strides = array<i32>} : memref<128x128xf32, #tpu.memory_space<vmem>>, vector<1x16xf32>,
          %parallel_loop3A_1168 = vector.shape_cast %parallel_loop3A_1167 : vector<1x16xf32> to vector<16xf32>
          %parallel_loop3A_1169 = vector.shape_cast %parallel_loop3A_1164 : vector<16xf32> to vector<1x16xf32>
          tpu.vector_store %arg11[%parallel_loop3A_1165, %parallel_loop3A_1166], %parallel_loop3A_1169 {strides = array<i32>} : memref<128x128xf32, #tpu.memory_space<vmem>>, vector<1x16xf32>,
          %parallel_loop3A_1170 = arith.index_cast %parallel_loop3A_1147 : i32 to index
          %parallel_loop3A_1171 = arith.constant 32 : index
          %parallel_loop3A_1172 = tpu.vector_load %arg11[%parallel_loop3A_1170, %parallel_loop3A_1171] {strides = array<i32>} : memref<128x128xf32, #tpu.memory_space<vmem>>, vector<1x16xf32>,
          %parallel_loop3A_1173 = vector.shape_cast %parallel_loop3A_1172 : vector<1x16xf32> to vector<16xf32>
          %parallel_loop3A_1174 = vector.broadcast %parallel_loop3A_1143 : f32 to vector<16xf32>
          %parallel_loop3A_1175 = arith.mulf %parallel_loop3A_1173, %parallel_loop3A_1174 : vector<16xf32>
          %parallel_loop3A_1176 = arith.index_cast %parallel_loop3A_1147 : i32 to index
          %parallel_loop3A_1177 = arith.constant 32 : index
          %parallel_loop3A_1178 = tpu.vector_load %arg11[%parallel_loop3A_1176, %parallel_loop3A_1177] {strides = array<i32>} : memref<128x128xf32, #tpu.memory_space<vmem>>, vector<1x16xf32>,
          %parallel_loop3A_1179 = vector.shape_cast %parallel_loop3A_1178 : vector<1x16xf32> to vector<16xf32>
          %parallel_loop3A_1180 = vector.shape_cast %parallel_loop3A_1175 : vector<16xf32> to vector<1x16xf32>
          tpu.vector_store %arg11[%parallel_loop3A_1176, %parallel_loop3A_1177], %parallel_loop3A_1180 {strides = array<i32>} : memref<128x128xf32, #tpu.memory_space<vmem>>, vector<1x16xf32>,
          %parallel_loop3A_1181 = arith.index_cast %parallel_loop3A_1147 : i32 to index
          %parallel_loop3A_1182 = arith.constant 48 : index
          %parallel_loop3A_1183 = tpu.vector_load %arg11[%parallel_loop3A_1181, %parallel_loop3A_1182] {strides = array<i32>} : memref<128x128xf32, #tpu.memory_space<vmem>>, vector<1x16xf32>,
          %parallel_loop3A_1184 = vector.shape_cast %parallel_loop3A_1183 : vector<1x16xf32> to vector<16xf32>
          %parallel_loop3A_1185 = vector.broadcast %parallel_loop3A_1143 : f32 to vector<16xf32>
          %parallel_loop3A_1186 = arith.mulf %parallel_loop3A_1184, %parallel_loop3A_1185 : vector<16xf32>
          %parallel_loop3A_1187 = arith.index_cast %parallel_loop3A_1147 : i32 to index
          %parallel_loop3A_1188 = arith.constant 48 : index
          %parallel_loop3A_1189 = tpu.vector_load %arg11[%parallel_loop3A_1187, %parallel_loop3A_1188] {strides = array<i32>} : memref<128x128xf32, #tpu.memory_space<vmem>>, vector<1x16xf32>,
          %parallel_loop3A_1190 = vector.shape_cast %parallel_loop3A_1189 : vector<1x16xf32> to vector<16xf32>
          %parallel_loop3A_1191 = vector.shape_cast %parallel_loop3A_1186 : vector<16xf32> to vector<1x16xf32>
          tpu.vector_store %arg11[%parallel_loop3A_1187, %parallel_loop3A_1188], %parallel_loop3A_1191 {strides = array<i32>} : memref<128x128xf32, #tpu.memory_space<vmem>>, vector<1x16xf32>,
          %parallel_loop3A_1192 = arith.index_cast %parallel_loop3A_1147 : i32 to index
          %parallel_loop3A_1193 = arith.constant 64 : index
          %parallel_loop3A_1194 = tpu.vector_load %arg11[%parallel_loop3A_1192, %parallel_loop3A_1193] {strides = array<i32>} : memref<128x128xf32, #tpu.memory_space<vmem>>, vector<1x16xf32>,
          %parallel_loop3A_1195 = vector.shape_cast %parallel_loop3A_1194 : vector<1x16xf32> to vector<16xf32>
          %parallel_loop3A_1196 = vector.broadcast %parallel_loop3A_1143 : f32 to vector<16xf32>
          %parallel_loop3A_1197 = arith.mulf %parallel_loop3A_1195, %parallel_loop3A_1196 : vector<16xf32>
          %parallel_loop3A_1198 = arith.index_cast %parallel_loop3A_1147 : i32 to index
          %parallel_loop3A_1199 = arith.constant 64 : index
          %parallel_loop3A_1200 = tpu.vector_load %arg11[%parallel_loop3A_1198, %parallel_loop3A_1199] {strides = array<i32>} : memref<128x128xf32, #tpu.memory_space<vmem>>, vector<1x16xf32>,
          %parallel_loop3A_1201 = vector.shape_cast %parallel_loop3A_1200 : vector<1x16xf32> to vector<16xf32>
          %parallel_loop3A_1202 = vector.shape_cast %parallel_loop3A_1197 : vector<16xf32> to vector<1x16xf32>
          tpu.vector_store %arg11[%parallel_loop3A_1198, %parallel_loop3A_1199], %parallel_loop3A_1202 {strides = array<i32>} : memref<128x128xf32, #tpu.memory_space<vmem>>, vector<1x16xf32>,
          %parallel_loop3A_1203 = arith.index_cast %parallel_loop3A_1147 : i32 to index
          %parallel_loop3A_1204 = arith.constant 80 : index
          %parallel_loop3A_1205 = tpu.vector_load %arg11[%parallel_loop3A_1203, %parallel_loop3A_1204] {strides = array<i32>} : memref<128x128xf32, #tpu.memory_space<vmem>>, vector<1x16xf32>,
          %parallel_loop3A_1206 = vector.shape_cast %parallel_loop3A_1205 : vector<1x16xf32> to vector<16xf32>
          %parallel_loop3A_1207 = vector.broadcast %parallel_loop3A_1143 : f32 to vector<16xf32>
          %parallel_loop3A_1208 = arith.mulf %parallel_loop3A_1206, %parallel_loop3A_1207 : vector<16xf32>
          %parallel_loop3A_1209 = arith.index_cast %parallel_loop3A_1147 : i32 to index
          %parallel_loop3A_1210 = arith.constant 80 : index
          %parallel_loop3A_1211 = tpu.vector_load %arg11[%parallel_loop3A_1209, %parallel_loop3A_1210] {strides = array<i32>} : memref<128x128xf32, #tpu.memory_space<vmem>>, vector<1x16xf32>,
          %parallel_loop3A_1212 = vector.shape_cast %parallel_loop3A_1211 : vector<1x16xf32> to vector<16xf32>
          %parallel_loop3A_1213 = vector.shape_cast %parallel_loop3A_1208 : vector<16xf32> to vector<1x16xf32>
          tpu.vector_store %arg11[%parallel_loop3A_1209, %parallel_loop3A_1210], %parallel_loop3A_1213 {strides = array<i32>} : memref<128x128xf32, #tpu.memory_space<vmem>>, vector<1x16xf32>,
          %parallel_loop3A_1214 = arith.index_cast %parallel_loop3A_1147 : i32 to index
          %parallel_loop3A_1215 = arith.constant 96 : index
          %parallel_loop3A_1216 = tpu.vector_load %arg11[%parallel_loop3A_1214, %parallel_loop3A_1215] {strides = array<i32>} : memref<128x128xf32, #tpu.memory_space<vmem>>, vector<1x16xf32>,
          %parallel_loop3A_1217 = vector.shape_cast %parallel_loop3A_1216 : vector<1x16xf32> to vector<16xf32>
          %parallel_loop3A_1218 = vector.broadcast %parallel_loop3A_1143 : f32 to vector<16xf32>
          %parallel_loop3A_1219 = arith.mulf %parallel_loop3A_1217, %parallel_loop3A_1218 : vector<16xf32>
          %parallel_loop3A_1220 = arith.index_cast %parallel_loop3A_1147 : i32 to index
          %parallel_loop3A_1221 = arith.constant 96 : index
          %parallel_loop3A_1222 = tpu.vector_load %arg11[%parallel_loop3A_1220, %parallel_loop3A_1221] {strides = array<i32>} : memref<128x128xf32, #tpu.memory_space<vmem>>, vector<1x16xf32>,
          %parallel_loop3A_1223 = vector.shape_cast %parallel_loop3A_1222 : vector<1x16xf32> to vector<16xf32>
          %parallel_loop3A_1224 = vector.shape_cast %parallel_loop3A_1219 : vector<16xf32> to vector<1x16xf32>
          tpu.vector_store %arg11[%parallel_loop3A_1220, %parallel_loop3A_1221], %parallel_loop3A_1224 {strides = array<i32>} : memref<128x128xf32, #tpu.memory_space<vmem>>, vector<1x16xf32>,
          %parallel_loop3A_1225 = arith.index_cast %parallel_loop3A_1147 : i32 to index
          %parallel_loop3A_1226 = arith.constant 112 : index
          %parallel_loop3A_1227 = tpu.vector_load %arg11[%parallel_loop3A_1225, %parallel_loop3A_1226] {strides = array<i32>} : memref<128x128xf32, #tpu.memory_space<vmem>>, vector<1x16xf32>,
          %parallel_loop3A_1228 = vector.shape_cast %parallel_loop3A_1227 : vector<1x16xf32> to vector<16xf32>
          %parallel_loop3A_1229 = vector.broadcast %parallel_loop3A_1143 : f32 to vector<16xf32>
          %parallel_loop3A_1230 = arith.mulf %parallel_loop3A_1228, %parallel_loop3A_1229 : vector<16xf32>
          %parallel_loop3A_1231 = arith.index_cast %parallel_loop3A_1147 : i32 to index
          %parallel_loop3A_1232 = arith.constant 112 : index
          %parallel_loop3A_1233 = tpu.vector_load %arg11[%parallel_loop3A_1231, %parallel_loop3A_1232] {strides = array<i32>} : memref<128x128xf32, #tpu.memory_space<vmem>>, vector<1x16xf32>,
          %parallel_loop3A_1234 = vector.shape_cast %parallel_loop3A_1233 : vector<1x16xf32> to vector<16xf32>
          %parallel_loop3A_1235 = vector.shape_cast %parallel_loop3A_1230 : vector<16xf32> to vector<1x16xf32>
          tpu.vector_store %arg11[%parallel_loop3A_1231, %parallel_loop3A_1232], %parallel_loop3A_1235 {strides = array<i32>} : memref<128x128xf32, #tpu.memory_space<vmem>>, vector<1x16xf32>,
          %parallel_loop3A_1236 = vector.extract_strided_slice %parallel_loop3A_201 {offsets = [11], sizes = [1], strides = [1]} : vector<16xf32> to vector<1xf32>
          %parallel_loop3A_1237 = vector.extract %parallel_loop3A_1236[0] : f32 from vector<1xf32>
          %parallel_loop3A_1238 = arith.constant 16 : i32
          %parallel_loop3A_1239 = arith.muli %parallel_loop3A_195, %parallel_loop3A_1238 : i32
          %parallel_loop3A_1240 = arith.constant 11 : i32
          %parallel_loop3A_1241 = arith.addi %parallel_loop3A_1239, %parallel_loop3A_1240 : i32
          %parallel_loop3A_1242 = arith.index_cast %parallel_loop3A_1241 : i32 to index
          %parallel_loop3A_1243 = arith.constant 0 : index
          %parallel_loop3A_1244 = tpu.vector_load %arg11[%parallel_loop3A_1242, %parallel_loop3A_1243] {strides = array<i32>} : memref<128x128xf32, #tpu.memory_space<vmem>>, vector<1x16xf32>,
          %parallel_loop3A_1245 = vector.shape_cast %parallel_loop3A_1244 : vector<1x16xf32> to vector<16xf32>
          %parallel_loop3A_1246 = vector.broadcast %parallel_loop3A_1237 : f32 to vector<16xf32>
          %parallel_loop3A_1247 = arith.mulf %parallel_loop3A_1245, %parallel_loop3A_1246 : vector<16xf32>
          %parallel_loop3A_1248 = arith.index_cast %parallel_loop3A_1241 : i32 to index
          %parallel_loop3A_1249 = arith.constant 0 : index
          %parallel_loop3A_1250 = tpu.vector_load %arg11[%parallel_loop3A_1248, %parallel_loop3A_1249] {strides = array<i32>} : memref<128x128xf32, #tpu.memory_space<vmem>>, vector<1x16xf32>,
          %parallel_loop3A_1251 = vector.shape_cast %parallel_loop3A_1250 : vector<1x16xf32> to vector<16xf32>
          %parallel_loop3A_1252 = vector.shape_cast %parallel_loop3A_1247 : vector<16xf32> to vector<1x16xf32>
          tpu.vector_store %arg11[%parallel_loop3A_1248, %parallel_loop3A_1249], %parallel_loop3A_1252 {strides = array<i32>} : memref<128x128xf32, #tpu.memory_space<vmem>>, vector<1x16xf32>,
          %parallel_loop3A_1253 = arith.index_cast %parallel_loop3A_1241 : i32 to index
          %parallel_loop3A_1254 = arith.constant 16 : index
          %parallel_loop3A_1255 = tpu.vector_load %arg11[%parallel_loop3A_1253, %parallel_loop3A_1254] {strides = array<i32>} : memref<128x128xf32, #tpu.memory_space<vmem>>, vector<1x16xf32>,
          %parallel_loop3A_1256 = vector.shape_cast %parallel_loop3A_1255 : vector<1x16xf32> to vector<16xf32>
          %parallel_loop3A_1257 = vector.broadcast %parallel_loop3A_1237 : f32 to vector<16xf32>
          %parallel_loop3A_1258 = arith.mulf %parallel_loop3A_1256, %parallel_loop3A_1257 : vector<16xf32>
          %parallel_loop3A_1259 = arith.index_cast %parallel_loop3A_1241 : i32 to index
          %parallel_loop3A_1260 = arith.constant 16 : index
          %parallel_loop3A_1261 = tpu.vector_load %arg11[%parallel_loop3A_1259, %parallel_loop3A_1260] {strides = array<i32>} : memref<128x128xf32, #tpu.memory_space<vmem>>, vector<1x16xf32>,
          %parallel_loop3A_1262 = vector.shape_cast %parallel_loop3A_1261 : vector<1x16xf32> to vector<16xf32>
          %parallel_loop3A_1263 = vector.shape_cast %parallel_loop3A_1258 : vector<16xf32> to vector<1x16xf32>
          tpu.vector_store %arg11[%parallel_loop3A_1259, %parallel_loop3A_1260], %parallel_loop3A_1263 {strides = array<i32>} : memref<128x128xf32, #tpu.memory_space<vmem>>, vector<1x16xf32>,
          %parallel_loop3A_1264 = arith.index_cast %parallel_loop3A_1241 : i32 to index
          %parallel_loop3A_1265 = arith.constant 32 : index
          %parallel_loop3A_1266 = tpu.vector_load %arg11[%parallel_loop3A_1264, %parallel_loop3A_1265] {strides = array<i32>} : memref<128x128xf32, #tpu.memory_space<vmem>>, vector<1x16xf32>,
          %parallel_loop3A_1267 = vector.shape_cast %parallel_loop3A_1266 : vector<1x16xf32> to vector<16xf32>
          %parallel_loop3A_1268 = vector.broadcast %parallel_loop3A_1237 : f32 to vector<16xf32>
          %parallel_loop3A_1269 = arith.mulf %parallel_loop3A_1267, %parallel_loop3A_1268 : vector<16xf32>
          %parallel_loop3A_1270 = arith.index_cast %parallel_loop3A_1241 : i32 to index
          %parallel_loop3A_1271 = arith.constant 32 : index
          %parallel_loop3A_1272 = tpu.vector_load %arg11[%parallel_loop3A_1270, %parallel_loop3A_1271] {strides = array<i32>} : memref<128x128xf32, #tpu.memory_space<vmem>>, vector<1x16xf32>,
          %parallel_loop3A_1273 = vector.shape_cast %parallel_loop3A_1272 : vector<1x16xf32> to vector<16xf32>
          %parallel_loop3A_1274 = vector.shape_cast %parallel_loop3A_1269 : vector<16xf32> to vector<1x16xf32>
          tpu.vector_store %arg11[%parallel_loop3A_1270, %parallel_loop3A_1271], %parallel_loop3A_1274 {strides = array<i32>} : memref<128x128xf32, #tpu.memory_space<vmem>>, vector<1x16xf32>,
          %parallel_loop3A_1275 = arith.index_cast %parallel_loop3A_1241 : i32 to index
          %parallel_loop3A_1276 = arith.constant 48 : index
          %parallel_loop3A_1277 = tpu.vector_load %arg11[%parallel_loop3A_1275, %parallel_loop3A_1276] {strides = array<i32>} : memref<128x128xf32, #tpu.memory_space<vmem>>, vector<1x16xf32>,
          %parallel_loop3A_1278 = vector.shape_cast %parallel_loop3A_1277 : vector<1x16xf32> to vector<16xf32>
          %parallel_loop3A_1279 = vector.broadcast %parallel_loop3A_1237 : f32 to vector<16xf32>
          %parallel_loop3A_1280 = arith.mulf %parallel_loop3A_1278, %parallel_loop3A_1279 : vector<16xf32>
          %parallel_loop3A_1281 = arith.index_cast %parallel_loop3A_1241 : i32 to index
          %parallel_loop3A_1282 = arith.constant 48 : index
          %parallel_loop3A_1283 = tpu.vector_load %arg11[%parallel_loop3A_1281, %parallel_loop3A_1282] {strides = array<i32>} : memref<128x128xf32, #tpu.memory_space<vmem>>, vector<1x16xf32>,
          %parallel_loop3A_1284 = vector.shape_cast %parallel_loop3A_1283 : vector<1x16xf32> to vector<16xf32>
          %parallel_loop3A_1285 = vector.shape_cast %parallel_loop3A_1280 : vector<16xf32> to vector<1x16xf32>
          tpu.vector_store %arg11[%parallel_loop3A_1281, %parallel_loop3A_1282], %parallel_loop3A_1285 {strides = array<i32>} : memref<128x128xf32, #tpu.memory_space<vmem>>, vector<1x16xf32>,
          %parallel_loop3A_1286 = arith.index_cast %parallel_loop3A_1241 : i32 to index
          %parallel_loop3A_1287 = arith.constant 64 : index
          %parallel_loop3A_1288 = tpu.vector_load %arg11[%parallel_loop3A_1286, %parallel_loop3A_1287] {strides = array<i32>} : memref<128x128xf32, #tpu.memory_space<vmem>>, vector<1x16xf32>,
          %parallel_loop3A_1289 = vector.shape_cast %parallel_loop3A_1288 : vector<1x16xf32> to vector<16xf32>
          %parallel_loop3A_1290 = vector.broadcast %parallel_loop3A_1237 : f32 to vector<16xf32>
          %parallel_loop3A_1291 = arith.mulf %parallel_loop3A_1289, %parallel_loop3A_1290 : vector<16xf32>
          %parallel_loop3A_1292 = arith.index_cast %parallel_loop3A_1241 : i32 to index
          %parallel_loop3A_1293 = arith.constant 64 : index
          %parallel_loop3A_1294 = tpu.vector_load %arg11[%parallel_loop3A_1292, %parallel_loop3A_1293] {strides = array<i32>} : memref<128x128xf32, #tpu.memory_space<vmem>>, vector<1x16xf32>,
          %parallel_loop3A_1295 = vector.shape_cast %parallel_loop3A_1294 : vector<1x16xf32> to vector<16xf32>
          %parallel_loop3A_1296 = vector.shape_cast %parallel_loop3A_1291 : vector<16xf32> to vector<1x16xf32>
          tpu.vector_store %arg11[%parallel_loop3A_1292, %parallel_loop3A_1293], %parallel_loop3A_1296 {strides = array<i32>} : memref<128x128xf32, #tpu.memory_space<vmem>>, vector<1x16xf32>,
          %parallel_loop3A_1297 = arith.index_cast %parallel_loop3A_1241 : i32 to index
          %parallel_loop3A_1298 = arith.constant 80 : index
          %parallel_loop3A_1299 = tpu.vector_load %arg11[%parallel_loop3A_1297, %parallel_loop3A_1298] {strides = array<i32>} : memref<128x128xf32, #tpu.memory_space<vmem>>, vector<1x16xf32>,
          %parallel_loop3A_1300 = vector.shape_cast %parallel_loop3A_1299 : vector<1x16xf32> to vector<16xf32>
          %parallel_loop3A_1301 = vector.broadcast %parallel_loop3A_1237 : f32 to vector<16xf32>
          %parallel_loop3A_1302 = arith.mulf %parallel_loop3A_1300, %parallel_loop3A_1301 : vector<16xf32>
          %parallel_loop3A_1303 = arith.index_cast %parallel_loop3A_1241 : i32 to index
          %parallel_loop3A_1304 = arith.constant 80 : index
          %parallel_loop3A_1305 = tpu.vector_load %arg11[%parallel_loop3A_1303, %parallel_loop3A_1304] {strides = array<i32>} : memref<128x128xf32, #tpu.memory_space<vmem>>, vector<1x16xf32>,
          %parallel_loop3A_1306 = vector.shape_cast %parallel_loop3A_1305 : vector<1x16xf32> to vector<16xf32>
          %parallel_loop3A_1307 = vector.shape_cast %parallel_loop3A_1302 : vector<16xf32> to vector<1x16xf32>
          tpu.vector_store %arg11[%parallel_loop3A_1303, %parallel_loop3A_1304], %parallel_loop3A_1307 {strides = array<i32>} : memref<128x128xf32, #tpu.memory_space<vmem>>, vector<1x16xf32>,
          %parallel_loop3A_1308 = arith.index_cast %parallel_loop3A_1241 : i32 to index
          %parallel_loop3A_1309 = arith.constant 96 : index
          %parallel_loop3A_1310 = tpu.vector_load %arg11[%parallel_loop3A_1308, %parallel_loop3A_1309] {strides = array<i32>} : memref<128x128xf32, #tpu.memory_space<vmem>>, vector<1x16xf32>,
          %parallel_loop3A_1311 = vector.shape_cast %parallel_loop3A_1310 : vector<1x16xf32> to vector<16xf32>
          %parallel_loop3A_1312 = vector.broadcast %parallel_loop3A_1237 : f32 to vector<16xf32>
          %parallel_loop3A_1313 = arith.mulf %parallel_loop3A_1311, %parallel_loop3A_1312 : vector<16xf32>
          %parallel_loop3A_1314 = arith.index_cast %parallel_loop3A_1241 : i32 to index
          %parallel_loop3A_1315 = arith.constant 96 : index
          %parallel_loop3A_1316 = tpu.vector_load %arg11[%parallel_loop3A_1314, %parallel_loop3A_1315] {strides = array<i32>} : memref<128x128xf32, #tpu.memory_space<vmem>>, vector<1x16xf32>,
          %parallel_loop3A_1317 = vector.shape_cast %parallel_loop3A_1316 : vector<1x16xf32> to vector<16xf32>
          %parallel_loop3A_1318 = vector.shape_cast %parallel_loop3A_1313 : vector<16xf32> to vector<1x16xf32>
          tpu.vector_store %arg11[%parallel_loop3A_1314, %parallel_loop3A_1315], %parallel_loop3A_1318 {strides = array<i32>} : memref<128x128xf32, #tpu.memory_space<vmem>>, vector<1x16xf32>,
          %parallel_loop3A_1319 = arith.index_cast %parallel_loop3A_1241 : i32 to index
          %parallel_loop3A_1320 = arith.constant 112 : index
          %parallel_loop3A_1321 = tpu.vector_load %arg11[%parallel_loop3A_1319, %parallel_loop3A_1320] {strides = array<i32>} : memref<128x128xf32, #tpu.memory_space<vmem>>, vector<1x16xf32>,
          %parallel_loop3A_1322 = vector.shape_cast %parallel_loop3A_1321 : vector<1x16xf32> to vector<16xf32>
          %parallel_loop3A_1323 = vector.broadcast %parallel_loop3A_1237 : f32 to vector<16xf32>
          %parallel_loop3A_1324 = arith.mulf %parallel_loop3A_1322, %parallel_loop3A_1323 : vector<16xf32>
          %parallel_loop3A_1325 = arith.index_cast %parallel_loop3A_1241 : i32 to index
          %parallel_loop3A_1326 = arith.constant 112 : index
          %parallel_loop3A_1327 = tpu.vector_load %arg11[%parallel_loop3A_1325, %parallel_loop3A_1326] {strides = array<i32>} : memref<128x128xf32, #tpu.memory_space<vmem>>, vector<1x16xf32>,
          %parallel_loop3A_1328 = vector.shape_cast %parallel_loop3A_1327 : vector<1x16xf32> to vector<16xf32>
          %parallel_loop3A_1329 = vector.shape_cast %parallel_loop3A_1324 : vector<16xf32> to vector<1x16xf32>
          tpu.vector_store %arg11[%parallel_loop3A_1325, %parallel_loop3A_1326], %parallel_loop3A_1329 {strides = array<i32>} : memref<128x128xf32, #tpu.memory_space<vmem>>, vector<1x16xf32>,
          %parallel_loop3A_1330 = vector.extract_strided_slice %parallel_loop3A_201 {offsets = [12], sizes = [1], strides = [1]} : vector<16xf32> to vector<1xf32>
          %parallel_loop3A_1331 = vector.extract %parallel_loop3A_1330[0] : f32 from vector<1xf32>
          %parallel_loop3A_1332 = arith.constant 16 : i32
          %parallel_loop3A_1333 = arith.muli %parallel_loop3A_195, %parallel_loop3A_1332 : i32
          %parallel_loop3A_1334 = arith.constant 12 : i32
          %parallel_loop3A_1335 = arith.addi %parallel_loop3A_1333, %parallel_loop3A_1334 : i32
          %parallel_loop3A_1336 = arith.index_cast %parallel_loop3A_1335 : i32 to index
          %parallel_loop3A_1337 = arith.constant 0 : index
          %parallel_loop3A_1338 = tpu.vector_load %arg11[%parallel_loop3A_1336, %parallel_loop3A_1337] {strides = array<i32>} : memref<128x128xf32, #tpu.memory_space<vmem>>, vector<1x16xf32>,
          %parallel_loop3A_1339 = vector.shape_cast %parallel_loop3A_1338 : vector<1x16xf32> to vector<16xf32>
          %parallel_loop3A_1340 = vector.broadcast %parallel_loop3A_1331 : f32 to vector<16xf32>
          %parallel_loop3A_1341 = arith.mulf %parallel_loop3A_1339, %parallel_loop3A_1340 : vector<16xf32>
          %parallel_loop3A_1342 = arith.index_cast %parallel_loop3A_1335 : i32 to index
          %parallel_loop3A_1343 = arith.constant 0 : index
          %parallel_loop3A_1344 = tpu.vector_load %arg11[%parallel_loop3A_1342, %parallel_loop3A_1343] {strides = array<i32>} : memref<128x128xf32, #tpu.memory_space<vmem>>, vector<1x16xf32>,
          %parallel_loop3A_1345 = vector.shape_cast %parallel_loop3A_1344 : vector<1x16xf32> to vector<16xf32>
          %parallel_loop3A_1346 = vector.shape_cast %parallel_loop3A_1341 : vector<16xf32> to vector<1x16xf32>
          tpu.vector_store %arg11[%parallel_loop3A_1342, %parallel_loop3A_1343], %parallel_loop3A_1346 {strides = array<i32>} : memref<128x128xf32, #tpu.memory_space<vmem>>, vector<1x16xf32>,
          %parallel_loop3A_1347 = arith.index_cast %parallel_loop3A_1335 : i32 to index
          %parallel_loop3A_1348 = arith.constant 16 : index
          %parallel_loop3A_1349 = tpu.vector_load %arg11[%parallel_loop3A_1347, %parallel_loop3A_1348] {strides = array<i32>} : memref<128x128xf32, #tpu.memory_space<vmem>>, vector<1x16xf32>,
          %parallel_loop3A_1350 = vector.shape_cast %parallel_loop3A_1349 : vector<1x16xf32> to vector<16xf32>
          %parallel_loop3A_1351 = vector.broadcast %parallel_loop3A_1331 : f32 to vector<16xf32>
          %parallel_loop3A_1352 = arith.mulf %parallel_loop3A_1350, %parallel_loop3A_1351 : vector<16xf32>
          %parallel_loop3A_1353 = arith.index_cast %parallel_loop3A_1335 : i32 to index
          %parallel_loop3A_1354 = arith.constant 16 : index
          %parallel_loop3A_1355 = tpu.vector_load %arg11[%parallel_loop3A_1353, %parallel_loop3A_1354] {strides = array<i32>} : memref<128x128xf32, #tpu.memory_space<vmem>>, vector<1x16xf32>,
          %parallel_loop3A_1356 = vector.shape_cast %parallel_loop3A_1355 : vector<1x16xf32> to vector<16xf32>
          %parallel_loop3A_1357 = vector.shape_cast %parallel_loop3A_1352 : vector<16xf32> to vector<1x16xf32>
          tpu.vector_store %arg11[%parallel_loop3A_1353, %parallel_loop3A_1354], %parallel_loop3A_1357 {strides = array<i32>} : memref<128x128xf32, #tpu.memory_space<vmem>>, vector<1x16xf32>,
          %parallel_loop3A_1358 = arith.index_cast %parallel_loop3A_1335 : i32 to index
          %parallel_loop3A_1359 = arith.constant 32 : index
          %parallel_loop3A_1360 = tpu.vector_load %arg11[%parallel_loop3A_1358, %parallel_loop3A_1359] {strides = array<i32>} : memref<128x128xf32, #tpu.memory_space<vmem>>, vector<1x16xf32>,
          %parallel_loop3A_1361 = vector.shape_cast %parallel_loop3A_1360 : vector<1x16xf32> to vector<16xf32>
          %parallel_loop3A_1362 = vector.broadcast %parallel_loop3A_1331 : f32 to vector<16xf32>
          %parallel_loop3A_1363 = arith.mulf %parallel_loop3A_1361, %parallel_loop3A_1362 : vector<16xf32>
          %parallel_loop3A_1364 = arith.index_cast %parallel_loop3A_1335 : i32 to index
          %parallel_loop3A_1365 = arith.constant 32 : index
          %parallel_loop3A_1366 = tpu.vector_load %arg11[%parallel_loop3A_1364, %parallel_loop3A_1365] {strides = array<i32>} : memref<128x128xf32, #tpu.memory_space<vmem>>, vector<1x16xf32>,
          %parallel_loop3A_1367 = vector.shape_cast %parallel_loop3A_1366 : vector<1x16xf32> to vector<16xf32>
          %parallel_loop3A_1368 = vector.shape_cast %parallel_loop3A_1363 : vector<16xf32> to vector<1x16xf32>
          tpu.vector_store %arg11[%parallel_loop3A_1364, %parallel_loop3A_1365], %parallel_loop3A_1368 {strides = array<i32>} : memref<128x128xf32, #tpu.memory_space<vmem>>, vector<1x16xf32>,
          %parallel_loop3A_1369 = arith.index_cast %parallel_loop3A_1335 : i32 to index
          %parallel_loop3A_1370 = arith.constant 48 : index
          %parallel_loop3A_1371 = tpu.vector_load %arg11[%parallel_loop3A_1369, %parallel_loop3A_1370] {strides = array<i32>} : memref<128x128xf32, #tpu.memory_space<vmem>>, vector<1x16xf32>,
          %parallel_loop3A_1372 = vector.shape_cast %parallel_loop3A_1371 : vector<1x16xf32> to vector<16xf32>
          %parallel_loop3A_1373 = vector.broadcast %parallel_loop3A_1331 : f32 to vector<16xf32>
          %parallel_loop3A_1374 = arith.mulf %parallel_loop3A_1372, %parallel_loop3A_1373 : vector<16xf32>
          %parallel_loop3A_1375 = arith.index_cast %parallel_loop3A_1335 : i32 to index
          %parallel_loop3A_1376 = arith.constant 48 : index
          %parallel_loop3A_1377 = tpu.vector_load %arg11[%parallel_loop3A_1375, %parallel_loop3A_1376] {strides = array<i32>} : memref<128x128xf32, #tpu.memory_space<vmem>>, vector<1x16xf32>,
          %parallel_loop3A_1378 = vector.shape_cast %parallel_loop3A_1377 : vector<1x16xf32> to vector<16xf32>
          %parallel_loop3A_1379 = vector.shape_cast %parallel_loop3A_1374 : vector<16xf32> to vector<1x16xf32>
          tpu.vector_store %arg11[%parallel_loop3A_1375, %parallel_loop3A_1376], %parallel_loop3A_1379 {strides = array<i32>} : memref<128x128xf32, #tpu.memory_space<vmem>>, vector<1x16xf32>,
          %parallel_loop3A_1380 = arith.index_cast %parallel_loop3A_1335 : i32 to index
          %parallel_loop3A_1381 = arith.constant 64 : index
          %parallel_loop3A_1382 = tpu.vector_load %arg11[%parallel_loop3A_1380, %parallel_loop3A_1381] {strides = array<i32>} : memref<128x128xf32, #tpu.memory_space<vmem>>, vector<1x16xf32>,
          %parallel_loop3A_1383 = vector.shape_cast %parallel_loop3A_1382 : vector<1x16xf32> to vector<16xf32>
          %parallel_loop3A_1384 = vector.broadcast %parallel_loop3A_1331 : f32 to vector<16xf32>
          %parallel_loop3A_1385 = arith.mulf %parallel_loop3A_1383, %parallel_loop3A_1384 : vector<16xf32>
          %parallel_loop3A_1386 = arith.index_cast %parallel_loop3A_1335 : i32 to index
          %parallel_loop3A_1387 = arith.constant 64 : index
          %parallel_loop3A_1388 = tpu.vector_load %arg11[%parallel_loop3A_1386, %parallel_loop3A_1387] {strides = array<i32>} : memref<128x128xf32, #tpu.memory_space<vmem>>, vector<1x16xf32>,
          %parallel_loop3A_1389 = vector.shape_cast %parallel_loop3A_1388 : vector<1x16xf32> to vector<16xf32>
          %parallel_loop3A_1390 = vector.shape_cast %parallel_loop3A_1385 : vector<16xf32> to vector<1x16xf32>
          tpu.vector_store %arg11[%parallel_loop3A_1386, %parallel_loop3A_1387], %parallel_loop3A_1390 {strides = array<i32>} : memref<128x128xf32, #tpu.memory_space<vmem>>, vector<1x16xf32>,
          %parallel_loop3A_1391 = arith.index_cast %parallel_loop3A_1335 : i32 to index
          %parallel_loop3A_1392 = arith.constant 80 : index
          %parallel_loop3A_1393 = tpu.vector_load %arg11[%parallel_loop3A_1391, %parallel_loop3A_1392] {strides = array<i32>} : memref<128x128xf32, #tpu.memory_space<vmem>>, vector<1x16xf32>,
          %parallel_loop3A_1394 = vector.shape_cast %parallel_loop3A_1393 : vector<1x16xf32> to vector<16xf32>
          %parallel_loop3A_1395 = vector.broadcast %parallel_loop3A_1331 : f32 to vector<16xf32>
          %parallel_loop3A_1396 = arith.mulf %parallel_loop3A_1394, %parallel_loop3A_1395 : vector<16xf32>
          %parallel_loop3A_1397 = arith.index_cast %parallel_loop3A_1335 : i32 to index
          %parallel_loop3A_1398 = arith.constant 80 : index
          %parallel_loop3A_1399 = tpu.vector_load %arg11[%parallel_loop3A_1397, %parallel_loop3A_1398] {strides = array<i32>} : memref<128x128xf32, #tpu.memory_space<vmem>>, vector<1x16xf32>,
          %parallel_loop3A_1400 = vector.shape_cast %parallel_loop3A_1399 : vector<1x16xf32> to vector<16xf32>
          %parallel_loop3A_1401 = vector.shape_cast %parallel_loop3A_1396 : vector<16xf32> to vector<1x16xf32>
          tpu.vector_store %arg11[%parallel_loop3A_1397, %parallel_loop3A_1398], %parallel_loop3A_1401 {strides = array<i32>} : memref<128x128xf32, #tpu.memory_space<vmem>>, vector<1x16xf32>,
          %parallel_loop3A_1402 = arith.index_cast %parallel_loop3A_1335 : i32 to index
          %parallel_loop3A_1403 = arith.constant 96 : index
          %parallel_loop3A_1404 = tpu.vector_load %arg11[%parallel_loop3A_1402, %parallel_loop3A_1403] {strides = array<i32>} : memref<128x128xf32, #tpu.memory_space<vmem>>, vector<1x16xf32>,
          %parallel_loop3A_1405 = vector.shape_cast %parallel_loop3A_1404 : vector<1x16xf32> to vector<16xf32>
          %parallel_loop3A_1406 = vector.broadcast %parallel_loop3A_1331 : f32 to vector<16xf32>
          %parallel_loop3A_1407 = arith.mulf %parallel_loop3A_1405, %parallel_loop3A_1406 : vector<16xf32>
          %parallel_loop3A_1408 = arith.index_cast %parallel_loop3A_1335 : i32 to index
          %parallel_loop3A_1409 = arith.constant 96 : index
          %parallel_loop3A_1410 = tpu.vector_load %arg11[%parallel_loop3A_1408, %parallel_loop3A_1409] {strides = array<i32>} : memref<128x128xf32, #tpu.memory_space<vmem>>, vector<1x16xf32>,
          %parallel_loop3A_1411 = vector.shape_cast %parallel_loop3A_1410 : vector<1x16xf32> to vector<16xf32>
          %parallel_loop3A_1412 = vector.shape_cast %parallel_loop3A_1407 : vector<16xf32> to vector<1x16xf32>
          tpu.vector_store %arg11[%parallel_loop3A_1408, %parallel_loop3A_1409], %parallel_loop3A_1412 {strides = array<i32>} : memref<128x128xf32, #tpu.memory_space<vmem>>, vector<1x16xf32>,
          %parallel_loop3A_1413 = arith.index_cast %parallel_loop3A_1335 : i32 to index
          %parallel_loop3A_1414 = arith.constant 112 : index
          %parallel_loop3A_1415 = tpu.vector_load %arg11[%parallel_loop3A_1413, %parallel_loop3A_1414] {strides = array<i32>} : memref<128x128xf32, #tpu.memory_space<vmem>>, vector<1x16xf32>,
          %parallel_loop3A_1416 = vector.shape_cast %parallel_loop3A_1415 : vector<1x16xf32> to vector<16xf32>
          %parallel_loop3A_1417 = vector.broadcast %parallel_loop3A_1331 : f32 to vector<16xf32>
          %parallel_loop3A_1418 = arith.mulf %parallel_loop3A_1416, %parallel_loop3A_1417 : vector<16xf32>
          %parallel_loop3A_1419 = arith.index_cast %parallel_loop3A_1335 : i32 to index
          %parallel_loop3A_1420 = arith.constant 112 : index
          %parallel_loop3A_1421 = tpu.vector_load %arg11[%parallel_loop3A_1419, %parallel_loop3A_1420] {strides = array<i32>} : memref<128x128xf32, #tpu.memory_space<vmem>>, vector<1x16xf32>,
          %parallel_loop3A_1422 = vector.shape_cast %parallel_loop3A_1421 : vector<1x16xf32> to vector<16xf32>
          %parallel_loop3A_1423 = vector.shape_cast %parallel_loop3A_1418 : vector<16xf32> to vector<1x16xf32>
          tpu.vector_store %arg11[%parallel_loop3A_1419, %parallel_loop3A_1420], %parallel_loop3A_1423 {strides = array<i32>} : memref<128x128xf32, #tpu.memory_space<vmem>>, vector<1x16xf32>,
          %parallel_loop3A_1424 = vector.extract_strided_slice %parallel_loop3A_201 {offsets = [13], sizes = [1], strides = [1]} : vector<16xf32> to vector<1xf32>
          %parallel_loop3A_1425 = vector.extract %parallel_loop3A_1424[0] : f32 from vector<1xf32>
          %parallel_loop3A_1426 = arith.constant 16 : i32
          %parallel_loop3A_1427 = arith.muli %parallel_loop3A_195, %parallel_loop3A_1426 : i32
          %parallel_loop3A_1428 = arith.constant 13 : i32
          %parallel_loop3A_1429 = arith.addi %parallel_loop3A_1427, %parallel_loop3A_1428 : i32
          %parallel_loop3A_1430 = arith.index_cast %parallel_loop3A_1429 : i32 to index
          %parallel_loop3A_1431 = arith.constant 0 : index
          %parallel_loop3A_1432 = tpu.vector_load %arg11[%parallel_loop3A_1430, %parallel_loop3A_1431] {strides = array<i32>} : memref<128x128xf32, #tpu.memory_space<vmem>>, vector<1x16xf32>,
          %parallel_loop3A_1433 = vector.shape_cast %parallel_loop3A_1432 : vector<1x16xf32> to vector<16xf32>
          %parallel_loop3A_1434 = vector.broadcast %parallel_loop3A_1425 : f32 to vector<16xf32>
          %parallel_loop3A_1435 = arith.mulf %parallel_loop3A_1433, %parallel_loop3A_1434 : vector<16xf32>
          %parallel_loop3A_1436 = arith.index_cast %parallel_loop3A_1429 : i32 to index
          %parallel_loop3A_1437 = arith.constant 0 : index
          %parallel_loop3A_1438 = tpu.vector_load %arg11[%parallel_loop3A_1436, %parallel_loop3A_1437] {strides = array<i32>} : memref<128x128xf32, #tpu.memory_space<vmem>>, vector<1x16xf32>,
          %parallel_loop3A_1439 = vector.shape_cast %parallel_loop3A_1438 : vector<1x16xf32> to vector<16xf32>
          %parallel_loop3A_1440 = vector.shape_cast %parallel_loop3A_1435 : vector<16xf32> to vector<1x16xf32>
          tpu.vector_store %arg11[%parallel_loop3A_1436, %parallel_loop3A_1437], %parallel_loop3A_1440 {strides = array<i32>} : memref<128x128xf32, #tpu.memory_space<vmem>>, vector<1x16xf32>,
          %parallel_loop3A_1441 = arith.index_cast %parallel_loop3A_1429 : i32 to index
          %parallel_loop3A_1442 = arith.constant 16 : index
          %parallel_loop3A_1443 = tpu.vector_load %arg11[%parallel_loop3A_1441, %parallel_loop3A_1442] {strides = array<i32>} : memref<128x128xf32, #tpu.memory_space<vmem>>, vector<1x16xf32>,
          %parallel_loop3A_1444 = vector.shape_cast %parallel_loop3A_1443 : vector<1x16xf32> to vector<16xf32>
          %parallel_loop3A_1445 = vector.broadcast %parallel_loop3A_1425 : f32 to vector<16xf32>
          %parallel_loop3A_1446 = arith.mulf %parallel_loop3A_1444, %parallel_loop3A_1445 : vector<16xf32>
          %parallel_loop3A_1447 = arith.index_cast %parallel_loop3A_1429 : i32 to index
          %parallel_loop3A_1448 = arith.constant 16 : index
          %parallel_loop3A_1449 = tpu.vector_load %arg11[%parallel_loop3A_1447, %parallel_loop3A_1448] {strides = array<i32>} : memref<128x128xf32, #tpu.memory_space<vmem>>, vector<1x16xf32>,
          %parallel_loop3A_1450 = vector.shape_cast %parallel_loop3A_1449 : vector<1x16xf32> to vector<16xf32>
          %parallel_loop3A_1451 = vector.shape_cast %parallel_loop3A_1446 : vector<16xf32> to vector<1x16xf32>
          tpu.vector_store %arg11[%parallel_loop3A_1447, %parallel_loop3A_1448], %parallel_loop3A_1451 {strides = array<i32>} : memref<128x128xf32, #tpu.memory_space<vmem>>, vector<1x16xf32>,
          %parallel_loop3A_1452 = arith.index_cast %parallel_loop3A_1429 : i32 to index
          %parallel_loop3A_1453 = arith.constant 32 : index
          %parallel_loop3A_1454 = tpu.vector_load %arg11[%parallel_loop3A_1452, %parallel_loop3A_1453] {strides = array<i32>} : memref<128x128xf32, #tpu.memory_space<vmem>>, vector<1x16xf32>,
          %parallel_loop3A_1455 = vector.shape_cast %parallel_loop3A_1454 : vector<1x16xf32> to vector<16xf32>
          %parallel_loop3A_1456 = vector.broadcast %parallel_loop3A_1425 : f32 to vector<16xf32>
          %parallel_loop3A_1457 = arith.mulf %parallel_loop3A_1455, %parallel_loop3A_1456 : vector<16xf32>
          %parallel_loop3A_1458 = arith.index_cast %parallel_loop3A_1429 : i32 to index
          %parallel_loop3A_1459 = arith.constant 32 : index
          %parallel_loop3A_1460 = tpu.vector_load %arg11[%parallel_loop3A_1458, %parallel_loop3A_1459] {strides = array<i32>} : memref<128x128xf32, #tpu.memory_space<vmem>>, vector<1x16xf32>,
          %parallel_loop3A_1461 = vector.shape_cast %parallel_loop3A_1460 : vector<1x16xf32> to vector<16xf32>
          %parallel_loop3A_1462 = vector.shape_cast %parallel_loop3A_1457 : vector<16xf32> to vector<1x16xf32>
          tpu.vector_store %arg11[%parallel_loop3A_1458, %parallel_loop3A_1459], %parallel_loop3A_1462 {strides = array<i32>} : memref<128x128xf32, #tpu.memory_space<vmem>>, vector<1x16xf32>,
          %parallel_loop3A_1463 = arith.index_cast %parallel_loop3A_1429 : i32 to index
          %parallel_loop3A_1464 = arith.constant 48 : index
          %parallel_loop3A_1465 = tpu.vector_load %arg11[%parallel_loop3A_1463, %parallel_loop3A_1464] {strides = array<i32>} : memref<128x128xf32, #tpu.memory_space<vmem>>, vector<1x16xf32>,
          %parallel_loop3A_1466 = vector.shape_cast %parallel_loop3A_1465 : vector<1x16xf32> to vector<16xf32>
          %parallel_loop3A_1467 = vector.broadcast %parallel_loop3A_1425 : f32 to vector<16xf32>
          %parallel_loop3A_1468 = arith.mulf %parallel_loop3A_1466, %parallel_loop3A_1467 : vector<16xf32>
          %parallel_loop3A_1469 = arith.index_cast %parallel_loop3A_1429 : i32 to index
          %parallel_loop3A_1470 = arith.constant 48 : index
          %parallel_loop3A_1471 = tpu.vector_load %arg11[%parallel_loop3A_1469, %parallel_loop3A_1470] {strides = array<i32>} : memref<128x128xf32, #tpu.memory_space<vmem>>, vector<1x16xf32>,
          %parallel_loop3A_1472 = vector.shape_cast %parallel_loop3A_1471 : vector<1x16xf32> to vector<16xf32>
          %parallel_loop3A_1473 = vector.shape_cast %parallel_loop3A_1468 : vector<16xf32> to vector<1x16xf32>
          tpu.vector_store %arg11[%parallel_loop3A_1469, %parallel_loop3A_1470], %parallel_loop3A_1473 {strides = array<i32>} : memref<128x128xf32, #tpu.memory_space<vmem>>, vector<1x16xf32>,
          %parallel_loop3A_1474 = arith.index_cast %parallel_loop3A_1429 : i32 to index
          %parallel_loop3A_1475 = arith.constant 64 : index
          %parallel_loop3A_1476 = tpu.vector_load %arg11[%parallel_loop3A_1474, %parallel_loop3A_1475] {strides = array<i32>} : memref<128x128xf32, #tpu.memory_space<vmem>>, vector<1x16xf32>,
          %parallel_loop3A_1477 = vector.shape_cast %parallel_loop3A_1476 : vector<1x16xf32> to vector<16xf32>
          %parallel_loop3A_1478 = vector.broadcast %parallel_loop3A_1425 : f32 to vector<16xf32>
          %parallel_loop3A_1479 = arith.mulf %parallel_loop3A_1477, %parallel_loop3A_1478 : vector<16xf32>
          %parallel_loop3A_1480 = arith.index_cast %parallel_loop3A_1429 : i32 to index
          %parallel_loop3A_1481 = arith.constant 64 : index
          %parallel_loop3A_1482 = tpu.vector_load %arg11[%parallel_loop3A_1480, %parallel_loop3A_1481] {strides = array<i32>} : memref<128x128xf32, #tpu.memory_space<vmem>>, vector<1x16xf32>,
          %parallel_loop3A_1483 = vector.shape_cast %parallel_loop3A_1482 : vector<1x16xf32> to vector<16xf32>
          %parallel_loop3A_1484 = vector.shape_cast %parallel_loop3A_1479 : vector<16xf32> to vector<1x16xf32>
          tpu.vector_store %arg11[%parallel_loop3A_1480, %parallel_loop3A_1481], %parallel_loop3A_1484 {strides = array<i32>} : memref<128x128xf32, #tpu.memory_space<vmem>>, vector<1x16xf32>,
          %parallel_loop3A_1485 = arith.index_cast %parallel_loop3A_1429 : i32 to index
          %parallel_loop3A_1486 = arith.constant 80 : index
          %parallel_loop3A_1487 = tpu.vector_load %arg11[%parallel_loop3A_1485, %parallel_loop3A_1486] {strides = array<i32>} : memref<128x128xf32, #tpu.memory_space<vmem>>, vector<1x16xf32>,
          %parallel_loop3A_1488 = vector.shape_cast %parallel_loop3A_1487 : vector<1x16xf32> to vector<16xf32>
          %parallel_loop3A_1489 = vector.broadcast %parallel_loop3A_1425 : f32 to vector<16xf32>
          %parallel_loop3A_1490 = arith.mulf %parallel_loop3A_1488, %parallel_loop3A_1489 : vector<16xf32>
          %parallel_loop3A_1491 = arith.index_cast %parallel_loop3A_1429 : i32 to index
          %parallel_loop3A_1492 = arith.constant 80 : index
          %parallel_loop3A_1493 = tpu.vector_load %arg11[%parallel_loop3A_1491, %parallel_loop3A_1492] {strides = array<i32>} : memref<128x128xf32, #tpu.memory_space<vmem>>, vector<1x16xf32>,
          %parallel_loop3A_1494 = vector.shape_cast %parallel_loop3A_1493 : vector<1x16xf32> to vector<16xf32>
          %parallel_loop3A_1495 = vector.shape_cast %parallel_loop3A_1490 : vector<16xf32> to vector<1x16xf32>
          tpu.vector_store %arg11[%parallel_loop3A_1491, %parallel_loop3A_1492], %parallel_loop3A_1495 {strides = array<i32>} : memref<128x128xf32, #tpu.memory_space<vmem>>, vector<1x16xf32>,
          %parallel_loop3A_1496 = arith.index_cast %parallel_loop3A_1429 : i32 to index
          %parallel_loop3A_1497 = arith.constant 96 : index
          %parallel_loop3A_1498 = tpu.vector_load %arg11[%parallel_loop3A_1496, %parallel_loop3A_1497] {strides = array<i32>} : memref<128x128xf32, #tpu.memory_space<vmem>>, vector<1x16xf32>,
          %parallel_loop3A_1499 = vector.shape_cast %parallel_loop3A_1498 : vector<1x16xf32> to vector<16xf32>
          %parallel_loop3A_1500 = vector.broadcast %parallel_loop3A_1425 : f32 to vector<16xf32>
          %parallel_loop3A_1501 = arith.mulf %parallel_loop3A_1499, %parallel_loop3A_1500 : vector<16xf32>
          %parallel_loop3A_1502 = arith.index_cast %parallel_loop3A_1429 : i32 to index
          %parallel_loop3A_1503 = arith.constant 96 : index
          %parallel_loop3A_1504 = tpu.vector_load %arg11[%parallel_loop3A_1502, %parallel_loop3A_1503] {strides = array<i32>} : memref<128x128xf32, #tpu.memory_space<vmem>>, vector<1x16xf32>,
          %parallel_loop3A_1505 = vector.shape_cast %parallel_loop3A_1504 : vector<1x16xf32> to vector<16xf32>
          %parallel_loop3A_1506 = vector.shape_cast %parallel_loop3A_1501 : vector<16xf32> to vector<1x16xf32>
          tpu.vector_store %arg11[%parallel_loop3A_1502, %parallel_loop3A_1503], %parallel_loop3A_1506 {strides = array<i32>} : memref<128x128xf32, #tpu.memory_space<vmem>>, vector<1x16xf32>,
          %parallel_loop3A_1507 = arith.index_cast %parallel_loop3A_1429 : i32 to index
          %parallel_loop3A_1508 = arith.constant 112 : index
          %parallel_loop3A_1509 = tpu.vector_load %arg11[%parallel_loop3A_1507, %parallel_loop3A_1508] {strides = array<i32>} : memref<128x128xf32, #tpu.memory_space<vmem>>, vector<1x16xf32>,
          %parallel_loop3A_1510 = vector.shape_cast %parallel_loop3A_1509 : vector<1x16xf32> to vector<16xf32>
          %parallel_loop3A_1511 = vector.broadcast %parallel_loop3A_1425 : f32 to vector<16xf32>
          %parallel_loop3A_1512 = arith.mulf %parallel_loop3A_1510, %parallel_loop3A_1511 : vector<16xf32>
          %parallel_loop3A_1513 = arith.index_cast %parallel_loop3A_1429 : i32 to index
          %parallel_loop3A_1514 = arith.constant 112 : index
          %parallel_loop3A_1515 = tpu.vector_load %arg11[%parallel_loop3A_1513, %parallel_loop3A_1514] {strides = array<i32>} : memref<128x128xf32, #tpu.memory_space<vmem>>, vector<1x16xf32>,
          %parallel_loop3A_1516 = vector.shape_cast %parallel_loop3A_1515 : vector<1x16xf32> to vector<16xf32>
          %parallel_loop3A_1517 = vector.shape_cast %parallel_loop3A_1512 : vector<16xf32> to vector<1x16xf32>
          tpu.vector_store %arg11[%parallel_loop3A_1513, %parallel_loop3A_1514], %parallel_loop3A_1517 {strides = array<i32>} : memref<128x128xf32, #tpu.memory_space<vmem>>, vector<1x16xf32>,
          %parallel_loop3A_1518 = vector.extract_strided_slice %parallel_loop3A_201 {offsets = [14], sizes = [1], strides = [1]} : vector<16xf32> to vector<1xf32>
          %parallel_loop3A_1519 = vector.extract %parallel_loop3A_1518[0] : f32 from vector<1xf32>
          %parallel_loop3A_1520 = arith.constant 16 : i32
          %parallel_loop3A_1521 = arith.muli %parallel_loop3A_195, %parallel_loop3A_1520 : i32
          %parallel_loop3A_1522 = arith.constant 14 : i32
          %parallel_loop3A_1523 = arith.addi %parallel_loop3A_1521, %parallel_loop3A_1522 : i32
          %parallel_loop3A_1524 = arith.index_cast %parallel_loop3A_1523 : i32 to index
          %parallel_loop3A_1525 = arith.constant 0 : index
          %parallel_loop3A_1526 = tpu.vector_load %arg11[%parallel_loop3A_1524, %parallel_loop3A_1525] {strides = array<i32>} : memref<128x128xf32, #tpu.memory_space<vmem>>, vector<1x16xf32>,
          %parallel_loop3A_1527 = vector.shape_cast %parallel_loop3A_1526 : vector<1x16xf32> to vector<16xf32>
          %parallel_loop3A_1528 = vector.broadcast %parallel_loop3A_1519 : f32 to vector<16xf32>
          %parallel_loop3A_1529 = arith.mulf %parallel_loop3A_1527, %parallel_loop3A_1528 : vector<16xf32>
          %parallel_loop3A_1530 = arith.index_cast %parallel_loop3A_1523 : i32 to index
          %parallel_loop3A_1531 = arith.constant 0 : index
          %parallel_loop3A_1532 = tpu.vector_load %arg11[%parallel_loop3A_1530, %parallel_loop3A_1531] {strides = array<i32>} : memref<128x128xf32, #tpu.memory_space<vmem>>, vector<1x16xf32>,
          %parallel_loop3A_1533 = vector.shape_cast %parallel_loop3A_1532 : vector<1x16xf32> to vector<16xf32>
          %parallel_loop3A_1534 = vector.shape_cast %parallel_loop3A_1529 : vector<16xf32> to vector<1x16xf32>
          tpu.vector_store %arg11[%parallel_loop3A_1530, %parallel_loop3A_1531], %parallel_loop3A_1534 {strides = array<i32>} : memref<128x128xf32, #tpu.memory_space<vmem>>, vector<1x16xf32>,
          %parallel_loop3A_1535 = arith.index_cast %parallel_loop3A_1523 : i32 to index
          %parallel_loop3A_1536 = arith.constant 16 : index
          %parallel_loop3A_1537 = tpu.vector_load %arg11[%parallel_loop3A_1535, %parallel_loop3A_1536] {strides = array<i32>} : memref<128x128xf32, #tpu.memory_space<vmem>>, vector<1x16xf32>,
          %parallel_loop3A_1538 = vector.shape_cast %parallel_loop3A_1537 : vector<1x16xf32> to vector<16xf32>
          %parallel_loop3A_1539 = vector.broadcast %parallel_loop3A_1519 : f32 to vector<16xf32>
          %parallel_loop3A_1540 = arith.mulf %parallel_loop3A_1538, %parallel_loop3A_1539 : vector<16xf32>
          %parallel_loop3A_1541 = arith.index_cast %parallel_loop3A_1523 : i32 to index
          %parallel_loop3A_1542 = arith.constant 16 : index
          %parallel_loop3A_1543 = tpu.vector_load %arg11[%parallel_loop3A_1541, %parallel_loop3A_1542] {strides = array<i32>} : memref<128x128xf32, #tpu.memory_space<vmem>>, vector<1x16xf32>,
          %parallel_loop3A_1544 = vector.shape_cast %parallel_loop3A_1543 : vector<1x16xf32> to vector<16xf32>
          %parallel_loop3A_1545 = vector.shape_cast %parallel_loop3A_1540 : vector<16xf32> to vector<1x16xf32>
          tpu.vector_store %arg11[%parallel_loop3A_1541, %parallel_loop3A_1542], %parallel_loop3A_1545 {strides = array<i32>} : memref<128x128xf32, #tpu.memory_space<vmem>>, vector<1x16xf32>,
          %parallel_loop3A_1546 = arith.index_cast %parallel_loop3A_1523 : i32 to index
          %parallel_loop3A_1547 = arith.constant 32 : index
          %parallel_loop3A_1548 = tpu.vector_load %arg11[%parallel_loop3A_1546, %parallel_loop3A_1547] {strides = array<i32>} : memref<128x128xf32, #tpu.memory_space<vmem>>, vector<1x16xf32>,
          %parallel_loop3A_1549 = vector.shape_cast %parallel_loop3A_1548 : vector<1x16xf32> to vector<16xf32>
          %parallel_loop3A_1550 = vector.broadcast %parallel_loop3A_1519 : f32 to vector<16xf32>
          %parallel_loop3A_1551 = arith.mulf %parallel_loop3A_1549, %parallel_loop3A_1550 : vector<16xf32>
          %parallel_loop3A_1552 = arith.index_cast %parallel_loop3A_1523 : i32 to index
          %parallel_loop3A_1553 = arith.constant 32 : index
          %parallel_loop3A_1554 = tpu.vector_load %arg11[%parallel_loop3A_1552, %parallel_loop3A_1553] {strides = array<i32>} : memref<128x128xf32, #tpu.memory_space<vmem>>, vector<1x16xf32>,
          %parallel_loop3A_1555 = vector.shape_cast %parallel_loop3A_1554 : vector<1x16xf32> to vector<16xf32>
          %parallel_loop3A_1556 = vector.shape_cast %parallel_loop3A_1551 : vector<16xf32> to vector<1x16xf32>
          tpu.vector_store %arg11[%parallel_loop3A_1552, %parallel_loop3A_1553], %parallel_loop3A_1556 {strides = array<i32>} : memref<128x128xf32, #tpu.memory_space<vmem>>, vector<1x16xf32>,
          %parallel_loop3A_1557 = arith.index_cast %parallel_loop3A_1523 : i32 to index
          %parallel_loop3A_1558 = arith.constant 48 : index
          %parallel_loop3A_1559 = tpu.vector_load %arg11[%parallel_loop3A_1557, %parallel_loop3A_1558] {strides = array<i32>} : memref<128x128xf32, #tpu.memory_space<vmem>>, vector<1x16xf32>,
          %parallel_loop3A_1560 = vector.shape_cast %parallel_loop3A_1559 : vector<1x16xf32> to vector<16xf32>
          %parallel_loop3A_1561 = vector.broadcast %parallel_loop3A_1519 : f32 to vector<16xf32>
          %parallel_loop3A_1562 = arith.mulf %parallel_loop3A_1560, %parallel_loop3A_1561 : vector<16xf32>
          %parallel_loop3A_1563 = arith.index_cast %parallel_loop3A_1523 : i32 to index
          %parallel_loop3A_1564 = arith.constant 48 : index
          %parallel_loop3A_1565 = tpu.vector_load %arg11[%parallel_loop3A_1563, %parallel_loop3A_1564] {strides = array<i32>} : memref<128x128xf32, #tpu.memory_space<vmem>>, vector<1x16xf32>,
          %parallel_loop3A_1566 = vector.shape_cast %parallel_loop3A_1565 : vector<1x16xf32> to vector<16xf32>
          %parallel_loop3A_1567 = vector.shape_cast %parallel_loop3A_1562 : vector<16xf32> to vector<1x16xf32>
          tpu.vector_store %arg11[%parallel_loop3A_1563, %parallel_loop3A_1564], %parallel_loop3A_1567 {strides = array<i32>} : memref<128x128xf32, #tpu.memory_space<vmem>>, vector<1x16xf32>,
          %parallel_loop3A_1568 = arith.index_cast %parallel_loop3A_1523 : i32 to index
          %parallel_loop3A_1569 = arith.constant 64 : index
          %parallel_loop3A_1570 = tpu.vector_load %arg11[%parallel_loop3A_1568, %parallel_loop3A_1569] {strides = array<i32>} : memref<128x128xf32, #tpu.memory_space<vmem>>, vector<1x16xf32>,
          %parallel_loop3A_1571 = vector.shape_cast %parallel_loop3A_1570 : vector<1x16xf32> to vector<16xf32>
          %parallel_loop3A_1572 = vector.broadcast %parallel_loop3A_1519 : f32 to vector<16xf32>
          %parallel_loop3A_1573 = arith.mulf %parallel_loop3A_1571, %parallel_loop3A_1572 : vector<16xf32>
          %parallel_loop3A_1574 = arith.index_cast %parallel_loop3A_1523 : i32 to index
          %parallel_loop3A_1575 = arith.constant 64 : index
          %parallel_loop3A_1576 = tpu.vector_load %arg11[%parallel_loop3A_1574, %parallel_loop3A_1575] {strides = array<i32>} : memref<128x128xf32, #tpu.memory_space<vmem>>, vector<1x16xf32>,
          %parallel_loop3A_1577 = vector.shape_cast %parallel_loop3A_1576 : vector<1x16xf32> to vector<16xf32>
          %parallel_loop3A_1578 = vector.shape_cast %parallel_loop3A_1573 : vector<16xf32> to vector<1x16xf32>
          tpu.vector_store %arg11[%parallel_loop3A_1574, %parallel_loop3A_1575], %parallel_loop3A_1578 {strides = array<i32>} : memref<128x128xf32, #tpu.memory_space<vmem>>, vector<1x16xf32>,
          %parallel_loop3A_1579 = arith.index_cast %parallel_loop3A_1523 : i32 to index
          %parallel_loop3A_1580 = arith.constant 80 : index
          %parallel_loop3A_1581 = tpu.vector_load %arg11[%parallel_loop3A_1579, %parallel_loop3A_1580] {strides = array<i32>} : memref<128x128xf32, #tpu.memory_space<vmem>>, vector<1x16xf32>,
          %parallel_loop3A_1582 = vector.shape_cast %parallel_loop3A_1581 : vector<1x16xf32> to vector<16xf32>
          %parallel_loop3A_1583 = vector.broadcast %parallel_loop3A_1519 : f32 to vector<16xf32>
          %parallel_loop3A_1584 = arith.mulf %parallel_loop3A_1582, %parallel_loop3A_1583 : vector<16xf32>
          %parallel_loop3A_1585 = arith.index_cast %parallel_loop3A_1523 : i32 to index
          %parallel_loop3A_1586 = arith.constant 80 : index
          %parallel_loop3A_1587 = tpu.vector_load %arg11[%parallel_loop3A_1585, %parallel_loop3A_1586] {strides = array<i32>} : memref<128x128xf32, #tpu.memory_space<vmem>>, vector<1x16xf32>,
          %parallel_loop3A_1588 = vector.shape_cast %parallel_loop3A_1587 : vector<1x16xf32> to vector<16xf32>
          %parallel_loop3A_1589 = vector.shape_cast %parallel_loop3A_1584 : vector<16xf32> to vector<1x16xf32>
          tpu.vector_store %arg11[%parallel_loop3A_1585, %parallel_loop3A_1586], %parallel_loop3A_1589 {strides = array<i32>} : memref<128x128xf32, #tpu.memory_space<vmem>>, vector<1x16xf32>,
          %parallel_loop3A_1590 = arith.index_cast %parallel_loop3A_1523 : i32 to index
          %parallel_loop3A_1591 = arith.constant 96 : index
          %parallel_loop3A_1592 = tpu.vector_load %arg11[%parallel_loop3A_1590, %parallel_loop3A_1591] {strides = array<i32>} : memref<128x128xf32, #tpu.memory_space<vmem>>, vector<1x16xf32>,
          %parallel_loop3A_1593 = vector.shape_cast %parallel_loop3A_1592 : vector<1x16xf32> to vector<16xf32>
          %parallel_loop3A_1594 = vector.broadcast %parallel_loop3A_1519 : f32 to vector<16xf32>
          %parallel_loop3A_1595 = arith.mulf %parallel_loop3A_1593, %parallel_loop3A_1594 : vector<16xf32>
          %parallel_loop3A_1596 = arith.index_cast %parallel_loop3A_1523 : i32 to index
          %parallel_loop3A_1597 = arith.constant 96 : index
          %parallel_loop3A_1598 = tpu.vector_load %arg11[%parallel_loop3A_1596, %parallel_loop3A_1597] {strides = array<i32>} : memref<128x128xf32, #tpu.memory_space<vmem>>, vector<1x16xf32>,
          %parallel_loop3A_1599 = vector.shape_cast %parallel_loop3A_1598 : vector<1x16xf32> to vector<16xf32>
          %parallel_loop3A_1600 = vector.shape_cast %parallel_loop3A_1595 : vector<16xf32> to vector<1x16xf32>
          tpu.vector_store %arg11[%parallel_loop3A_1596, %parallel_loop3A_1597], %parallel_loop3A_1600 {strides = array<i32>} : memref<128x128xf32, #tpu.memory_space<vmem>>, vector<1x16xf32>,
          %parallel_loop3A_1601 = arith.index_cast %parallel_loop3A_1523 : i32 to index
          %parallel_loop3A_1602 = arith.constant 112 : index
          %parallel_loop3A_1603 = tpu.vector_load %arg11[%parallel_loop3A_1601, %parallel_loop3A_1602] {strides = array<i32>} : memref<128x128xf32, #tpu.memory_space<vmem>>, vector<1x16xf32>,
          %parallel_loop3A_1604 = vector.shape_cast %parallel_loop3A_1603 : vector<1x16xf32> to vector<16xf32>
          %parallel_loop3A_1605 = vector.broadcast %parallel_loop3A_1519 : f32 to vector<16xf32>
          %parallel_loop3A_1606 = arith.mulf %parallel_loop3A_1604, %parallel_loop3A_1605 : vector<16xf32>
          %parallel_loop3A_1607 = arith.index_cast %parallel_loop3A_1523 : i32 to index
          %parallel_loop3A_1608 = arith.constant 112 : index
          %parallel_loop3A_1609 = tpu.vector_load %arg11[%parallel_loop3A_1607, %parallel_loop3A_1608] {strides = array<i32>} : memref<128x128xf32, #tpu.memory_space<vmem>>, vector<1x16xf32>,
          %parallel_loop3A_1610 = vector.shape_cast %parallel_loop3A_1609 : vector<1x16xf32> to vector<16xf32>
          %parallel_loop3A_1611 = vector.shape_cast %parallel_loop3A_1606 : vector<16xf32> to vector<1x16xf32>
          tpu.vector_store %arg11[%parallel_loop3A_1607, %parallel_loop3A_1608], %parallel_loop3A_1611 {strides = array<i32>} : memref<128x128xf32, #tpu.memory_space<vmem>>, vector<1x16xf32>,
          %parallel_loop3A_1612 = vector.extract_strided_slice %parallel_loop3A_201 {offsets = [15], sizes = [1], strides = [1]} : vector<16xf32> to vector<1xf32>
          %parallel_loop3A_1613 = vector.extract %parallel_loop3A_1612[0] : f32 from vector<1xf32>
          %parallel_loop3A_1614 = arith.constant 16 : i32
          %parallel_loop3A_1615 = arith.muli %parallel_loop3A_195, %parallel_loop3A_1614 : i32
          %parallel_loop3A_1616 = arith.constant 15 : i32
          %parallel_loop3A_1617 = arith.addi %parallel_loop3A_1615, %parallel_loop3A_1616 : i32
          %parallel_loop3A_1618 = arith.index_cast %parallel_loop3A_1617 : i32 to index
          %parallel_loop3A_1619 = arith.constant 0 : index
          %parallel_loop3A_1620 = tpu.vector_load %arg11[%parallel_loop3A_1618, %parallel_loop3A_1619] {strides = array<i32>} : memref<128x128xf32, #tpu.memory_space<vmem>>, vector<1x16xf32>,
          %parallel_loop3A_1621 = vector.shape_cast %parallel_loop3A_1620 : vector<1x16xf32> to vector<16xf32>
          %parallel_loop3A_1622 = vector.broadcast %parallel_loop3A_1613 : f32 to vector<16xf32>
          %parallel_loop3A_1623 = arith.mulf %parallel_loop3A_1621, %parallel_loop3A_1622 : vector<16xf32>
          %parallel_loop3A_1624 = arith.index_cast %parallel_loop3A_1617 : i32 to index
          %parallel_loop3A_1625 = arith.constant 0 : index
          %parallel_loop3A_1626 = tpu.vector_load %arg11[%parallel_loop3A_1624, %parallel_loop3A_1625] {strides = array<i32>} : memref<128x128xf32, #tpu.memory_space<vmem>>, vector<1x16xf32>,
          %parallel_loop3A_1627 = vector.shape_cast %parallel_loop3A_1626 : vector<1x16xf32> to vector<16xf32>
          %parallel_loop3A_1628 = vector.shape_cast %parallel_loop3A_1623 : vector<16xf32> to vector<1x16xf32>
          tpu.vector_store %arg11[%parallel_loop3A_1624, %parallel_loop3A_1625], %parallel_loop3A_1628 {strides = array<i32>} : memref<128x128xf32, #tpu.memory_space<vmem>>, vector<1x16xf32>,
          %parallel_loop3A_1629 = arith.index_cast %parallel_loop3A_1617 : i32 to index
          %parallel_loop3A_1630 = arith.constant 16 : index
          %parallel_loop3A_1631 = tpu.vector_load %arg11[%parallel_loop3A_1629, %parallel_loop3A_1630] {strides = array<i32>} : memref<128x128xf32, #tpu.memory_space<vmem>>, vector<1x16xf32>,
          %parallel_loop3A_1632 = vector.shape_cast %parallel_loop3A_1631 : vector<1x16xf32> to vector<16xf32>
          %parallel_loop3A_1633 = vector.broadcast %parallel_loop3A_1613 : f32 to vector<16xf32>
          %parallel_loop3A_1634 = arith.mulf %parallel_loop3A_1632, %parallel_loop3A_1633 : vector<16xf32>
          %parallel_loop3A_1635 = arith.index_cast %parallel_loop3A_1617 : i32 to index
          %parallel_loop3A_1636 = arith.constant 16 : index
          %parallel_loop3A_1637 = tpu.vector_load %arg11[%parallel_loop3A_1635, %parallel_loop3A_1636] {strides = array<i32>} : memref<128x128xf32, #tpu.memory_space<vmem>>, vector<1x16xf32>,
          %parallel_loop3A_1638 = vector.shape_cast %parallel_loop3A_1637 : vector<1x16xf32> to vector<16xf32>
          %parallel_loop3A_1639 = vector.shape_cast %parallel_loop3A_1634 : vector<16xf32> to vector<1x16xf32>
          tpu.vector_store %arg11[%parallel_loop3A_1635, %parallel_loop3A_1636], %parallel_loop3A_1639 {strides = array<i32>} : memref<128x128xf32, #tpu.memory_space<vmem>>, vector<1x16xf32>,
          %parallel_loop3A_1640 = arith.index_cast %parallel_loop3A_1617 : i32 to index
          %parallel_loop3A_1641 = arith.constant 32 : index
          %parallel_loop3A_1642 = tpu.vector_load %arg11[%parallel_loop3A_1640, %parallel_loop3A_1641] {strides = array<i32>} : memref<128x128xf32, #tpu.memory_space<vmem>>, vector<1x16xf32>,
          %parallel_loop3A_1643 = vector.shape_cast %parallel_loop3A_1642 : vector<1x16xf32> to vector<16xf32>
          %parallel_loop3A_1644 = vector.broadcast %parallel_loop3A_1613 : f32 to vector<16xf32>
          %parallel_loop3A_1645 = arith.mulf %parallel_loop3A_1643, %parallel_loop3A_1644 : vector<16xf32>
          %parallel_loop3A_1646 = arith.index_cast %parallel_loop3A_1617 : i32 to index
          %parallel_loop3A_1647 = arith.constant 32 : index
          %parallel_loop3A_1648 = tpu.vector_load %arg11[%parallel_loop3A_1646, %parallel_loop3A_1647] {strides = array<i32>} : memref<128x128xf32, #tpu.memory_space<vmem>>, vector<1x16xf32>,
          %parallel_loop3A_1649 = vector.shape_cast %parallel_loop3A_1648 : vector<1x16xf32> to vector<16xf32>
          %parallel_loop3A_1650 = vector.shape_cast %parallel_loop3A_1645 : vector<16xf32> to vector<1x16xf32>
          tpu.vector_store %arg11[%parallel_loop3A_1646, %parallel_loop3A_1647], %parallel_loop3A_1650 {strides = array<i32>} : memref<128x128xf32, #tpu.memory_space<vmem>>, vector<1x16xf32>,
          %parallel_loop3A_1651 = arith.index_cast %parallel_loop3A_1617 : i32 to index
          %parallel_loop3A_1652 = arith.constant 48 : index
          %parallel_loop3A_1653 = tpu.vector_load %arg11[%parallel_loop3A_1651, %parallel_loop3A_1652] {strides = array<i32>} : memref<128x128xf32, #tpu.memory_space<vmem>>, vector<1x16xf32>,
          %parallel_loop3A_1654 = vector.shape_cast %parallel_loop3A_1653 : vector<1x16xf32> to vector<16xf32>
          %parallel_loop3A_1655 = vector.broadcast %parallel_loop3A_1613 : f32 to vector<16xf32>
          %parallel_loop3A_1656 = arith.mulf %parallel_loop3A_1654, %parallel_loop3A_1655 : vector<16xf32>
          %parallel_loop3A_1657 = arith.index_cast %parallel_loop3A_1617 : i32 to index
          %parallel_loop3A_1658 = arith.constant 48 : index
          %parallel_loop3A_1659 = tpu.vector_load %arg11[%parallel_loop3A_1657, %parallel_loop3A_1658] {strides = array<i32>} : memref<128x128xf32, #tpu.memory_space<vmem>>, vector<1x16xf32>,
          %parallel_loop3A_1660 = vector.shape_cast %parallel_loop3A_1659 : vector<1x16xf32> to vector<16xf32>
          %parallel_loop3A_1661 = vector.shape_cast %parallel_loop3A_1656 : vector<16xf32> to vector<1x16xf32>
          tpu.vector_store %arg11[%parallel_loop3A_1657, %parallel_loop3A_1658], %parallel_loop3A_1661 {strides = array<i32>} : memref<128x128xf32, #tpu.memory_space<vmem>>, vector<1x16xf32>,
          %parallel_loop3A_1662 = arith.index_cast %parallel_loop3A_1617 : i32 to index
          %parallel_loop3A_1663 = arith.constant 64 : index
          %parallel_loop3A_1664 = tpu.vector_load %arg11[%parallel_loop3A_1662, %parallel_loop3A_1663] {strides = array<i32>} : memref<128x128xf32, #tpu.memory_space<vmem>>, vector<1x16xf32>,
          %parallel_loop3A_1665 = vector.shape_cast %parallel_loop3A_1664 : vector<1x16xf32> to vector<16xf32>
          %parallel_loop3A_1666 = vector.broadcast %parallel_loop3A_1613 : f32 to vector<16xf32>
          %parallel_loop3A_1667 = arith.mulf %parallel_loop3A_1665, %parallel_loop3A_1666 : vector<16xf32>
          %parallel_loop3A_1668 = arith.index_cast %parallel_loop3A_1617 : i32 to index
          %parallel_loop3A_1669 = arith.constant 64 : index
          %parallel_loop3A_1670 = tpu.vector_load %arg11[%parallel_loop3A_1668, %parallel_loop3A_1669] {strides = array<i32>} : memref<128x128xf32, #tpu.memory_space<vmem>>, vector<1x16xf32>,
          %parallel_loop3A_1671 = vector.shape_cast %parallel_loop3A_1670 : vector<1x16xf32> to vector<16xf32>
          %parallel_loop3A_1672 = vector.shape_cast %parallel_loop3A_1667 : vector<16xf32> to vector<1x16xf32>
          tpu.vector_store %arg11[%parallel_loop3A_1668, %parallel_loop3A_1669], %parallel_loop3A_1672 {strides = array<i32>} : memref<128x128xf32, #tpu.memory_space<vmem>>, vector<1x16xf32>,
          %parallel_loop3A_1673 = arith.index_cast %parallel_loop3A_1617 : i32 to index
          %parallel_loop3A_1674 = arith.constant 80 : index
          %parallel_loop3A_1675 = tpu.vector_load %arg11[%parallel_loop3A_1673, %parallel_loop3A_1674] {strides = array<i32>} : memref<128x128xf32, #tpu.memory_space<vmem>>, vector<1x16xf32>,
          %parallel_loop3A_1676 = vector.shape_cast %parallel_loop3A_1675 : vector<1x16xf32> to vector<16xf32>
          %parallel_loop3A_1677 = vector.broadcast %parallel_loop3A_1613 : f32 to vector<16xf32>
          %parallel_loop3A_1678 = arith.mulf %parallel_loop3A_1676, %parallel_loop3A_1677 : vector<16xf32>
          %parallel_loop3A_1679 = arith.index_cast %parallel_loop3A_1617 : i32 to index
          %parallel_loop3A_1680 = arith.constant 80 : index
          %parallel_loop3A_1681 = tpu.vector_load %arg11[%parallel_loop3A_1679, %parallel_loop3A_1680] {strides = array<i32>} : memref<128x128xf32, #tpu.memory_space<vmem>>, vector<1x16xf32>,
          %parallel_loop3A_1682 = vector.shape_cast %parallel_loop3A_1681 : vector<1x16xf32> to vector<16xf32>
          %parallel_loop3A_1683 = vector.shape_cast %parallel_loop3A_1678 : vector<16xf32> to vector<1x16xf32>
          tpu.vector_store %arg11[%parallel_loop3A_1679, %parallel_loop3A_1680], %parallel_loop3A_1683 {strides = array<i32>} : memref<128x128xf32, #tpu.memory_space<vmem>>, vector<1x16xf32>,
          %parallel_loop3A_1684 = arith.index_cast %parallel_loop3A_1617 : i32 to index
          %parallel_loop3A_1685 = arith.constant 96 : index
          %parallel_loop3A_1686 = tpu.vector_load %arg11[%parallel_loop3A_1684, %parallel_loop3A_1685] {strides = array<i32>} : memref<128x128xf32, #tpu.memory_space<vmem>>, vector<1x16xf32>,
          %parallel_loop3A_1687 = vector.shape_cast %parallel_loop3A_1686 : vector<1x16xf32> to vector<16xf32>
          %parallel_loop3A_1688 = vector.broadcast %parallel_loop3A_1613 : f32 to vector<16xf32>
          %parallel_loop3A_1689 = arith.mulf %parallel_loop3A_1687, %parallel_loop3A_1688 : vector<16xf32>
          %parallel_loop3A_1690 = arith.index_cast %parallel_loop3A_1617 : i32 to index
          %parallel_loop3A_1691 = arith.constant 96 : index
          %parallel_loop3A_1692 = tpu.vector_load %arg11[%parallel_loop3A_1690, %parallel_loop3A_1691] {strides = array<i32>} : memref<128x128xf32, #tpu.memory_space<vmem>>, vector<1x16xf32>,
          %parallel_loop3A_1693 = vector.shape_cast %parallel_loop3A_1692 : vector<1x16xf32> to vector<16xf32>
          %parallel_loop3A_1694 = vector.shape_cast %parallel_loop3A_1689 : vector<16xf32> to vector<1x16xf32>
          tpu.vector_store %arg11[%parallel_loop3A_1690, %parallel_loop3A_1691], %parallel_loop3A_1694 {strides = array<i32>} : memref<128x128xf32, #tpu.memory_space<vmem>>, vector<1x16xf32>,
          %parallel_loop3A_1695 = arith.index_cast %parallel_loop3A_1617 : i32 to index
          %parallel_loop3A_1696 = arith.constant 112 : index
          %parallel_loop3A_1697 = tpu.vector_load %arg11[%parallel_loop3A_1695, %parallel_loop3A_1696] {strides = array<i32>} : memref<128x128xf32, #tpu.memory_space<vmem>>, vector<1x16xf32>,
          %parallel_loop3A_1698 = vector.shape_cast %parallel_loop3A_1697 : vector<1x16xf32> to vector<16xf32>
          %parallel_loop3A_1699 = vector.broadcast %parallel_loop3A_1613 : f32 to vector<16xf32>
          %parallel_loop3A_1700 = arith.mulf %parallel_loop3A_1698, %parallel_loop3A_1699 : vector<16xf32>
          %parallel_loop3A_1701 = arith.index_cast %parallel_loop3A_1617 : i32 to index
          %parallel_loop3A_1702 = arith.constant 112 : index
          %parallel_loop3A_1703 = tpu.vector_load %arg11[%parallel_loop3A_1701, %parallel_loop3A_1702] {strides = array<i32>} : memref<128x128xf32, #tpu.memory_space<vmem>>, vector<1x16xf32>,
          %parallel_loop3A_1704 = vector.shape_cast %parallel_loop3A_1703 : vector<1x16xf32> to vector<16xf32>
          %parallel_loop3A_1705 = vector.shape_cast %parallel_loop3A_1700 : vector<16xf32> to vector<1x16xf32>
          tpu.vector_store %arg11[%parallel_loop3A_1701, %parallel_loop3A_1702], %parallel_loop3A_1705 {strides = array<i32>} : memref<128x128xf32, #tpu.memory_space<vmem>>, vector<1x16xf32>,
        } {sc.loop_unroll_factor = 1 : i64, sc.parallel_access}
        "tpu.region"() ({
          %run_scoped3A = tpu.sem_alloc : memref<!tpu.dma_semaphore, #tpu.memory_space<semaphore_mem>>
          %dma_start3A_195 = arith.constant 0 : i32
          %dma_start3A_196 = tpu.memref_slice %arg8[%add3A_167, %dma_start3A_195] : memref<16x128xi32, #tpu.memory_space<vmem>> -> memref<1x128xi32, #tpu.memory_space<vmem>>
          %dma_start3A_197 = tpu.memref_squeeze %dma_start3A_196 : memref<1x128xi32, #tpu.memory_space<vmem>> -> memref<128xi32, #tpu.memory_space<vmem>>
          %dma_start3A_198 = arith.constant 0 : i32
          %dma_start3A_199 = arith.constant 0 : i32
          %dma_start3A_200 = tpu.memref_slice %arg12[%dma_start3A_198, %dma_start3A_199] : memref<10240x128xf32, #tpu.memory_space<vmem_shared>> -> memref<10240x128xf32, #tpu.memory_space<vmem_shared>>
          tpu.enqueue_indirect_dma source(%arg11 : memref<128x128xf32, #tpu.memory_space<vmem>>) target(%dma_start3A_200 : memref<10240x128xf32, #tpu.memory_space<vmem_shared>>) offsets(%dma_start3A_197 : memref<128xi32, #tpu.memory_space<vmem>>) semaphore(%run_scoped3A : memref<!tpu.dma_semaphore, #tpu.memory_space<semaphore_mem>>) {add = true}
          %dma_wait3A_201 = arith.constant 0 : i32
          %dma_wait3A_202 = tpu.memref_slice %arg8[%add3A_167, %dma_wait3A_201] : memref<16x128xi32, #tpu.memory_space<vmem>> -> memref<1x128xi32, #tpu.memory_space<vmem>>
          %dma_wait3A_203 = tpu.memref_squeeze %dma_wait3A_202 : memref<1x128xi32, #tpu.memory_space<vmem>> -> memref<128xi32, #tpu.memory_space<vmem>>
          %dma_wait3A_204 = arith.constant 0 : i32
          %dma_wait3A_205 = arith.constant 0 : i32
          %dma_wait3A_206 = tpu.memref_slice %arg12[%dma_wait3A_204, %dma_wait3A_205] : memref<10240x128xf32, #tpu.memory_space<vmem_shared>> -> memref<10240x128xf32, #tpu.memory_space<vmem_shared>>
          tpu.wait_indirect_dma semaphore(%run_scoped3A : memref<!tpu.dma_semaphore, #tpu.memory_space<semaphore_mem>>) src(%arg11 : memref<128x128xf32, #tpu.memory_space<vmem>>) dst(%dma_wait3A_206 : memref<10240x128xf32, #tpu.memory_space<vmem_shared>>)
          tpu.yield
        }) : () -> ()
      }
      %scan3A_162 = arith.constant 8 : i32
    }
    %scan3A_151 = arith.constant 5 : i32
    %barrier3A_152 = arith.constant 0 : index
    tpu.barrier barrier_id(%barrier3A_152)
    "tpu.region"() ({
      %run_scoped3A = tpu.sem_alloc : memref<!tpu.dma_semaphore, #tpu.memory_space<semaphore_mem>>
      %dma_start3A = arith.constant 0 : i32
      %dma_start3A_153 = tpu.memref_slice %arg6[%arg0, %mul3A_135, %dma_start3A] : memref<2x10240x128xf32, #tpu.memory_space<hbm>> -> memref<1x640x128xf32, #tpu.memory_space<hbm>>
      %dma_start3A_154 = tpu.memref_squeeze %dma_start3A_153 : memref<1x640x128xf32, #tpu.memory_space<hbm>> -> memref<640x128xf32, #tpu.memory_space<hbm>>
      %dma_start3A_155 = arith.constant 0 : i32
      %dma_start3A_156 = tpu.memref_slice %arg12[%mul3A_135, %dma_start3A_155] : memref<10240x128xf32, #tpu.memory_space<vmem_shared>> -> memref<640x128xf32, #tpu.memory_space<vmem_shared>>
      tpu.enqueue_dma source(%dma_start3A_156 : memref<640x128xf32, #tpu.memory_space<vmem_shared>>) target(%dma_start3A_154 : memref<640x128xf32, #tpu.memory_space<hbm>>) target_semaphore(%run_scoped3A : memref<!tpu.dma_semaphore, #tpu.memory_space<semaphore_mem>>)
      %dma_wait3A = arith.constant 0 : i32
      %dma_wait3A_157 = tpu.memref_slice %arg6[%arg0, %mul3A_135, %dma_wait3A] : memref<2x10240x128xf32, #tpu.memory_space<hbm>> -> memref<1x640x128xf32, #tpu.memory_space<hbm>>
      %dma_wait3A_158 = tpu.memref_squeeze %dma_wait3A_157 : memref<1x640x128xf32, #tpu.memory_space<hbm>> -> memref<640x128xf32, #tpu.memory_space<hbm>>
      %dma_wait3A_159 = arith.constant 0 : i32
      %dma_wait3A_160 = tpu.memref_slice %arg12[%mul3A_135, %dma_wait3A_159] : memref<10240x128xf32, #tpu.memory_space<vmem_shared>> -> memref<640x128xf32, #tpu.memory_space<vmem_shared>>
      tpu.wait_dma2 semaphore(%run_scoped3A : memref<!tpu.dma_semaphore, #tpu.memory_space<semaphore_mem>>) src(%dma_wait3A_160 : memref<640x128xf32, #tpu.memory_space<vmem_shared>>) dst(%dma_wait3A_158 : memref<640x128xf32, #tpu.memory_space<hbm>>)
      tpu.yield
    }) : () -> ()
    return
  }
}

module attributes {stable_mosaic.version = 14 : i64} {
  func.func @body(%arg0: i32, %arg1: memref<2x1024x128xf32, #tpu.memory_space<vmem>>, %arg2: memref<128x128xf32, #tpu.memory_space<vmem>>, %arg3: memref<1x128xf32, #tpu.memory_space<vmem>>, %arg4: memref<1024x128xf32, #tpu.memory_space<vmem>>) attributes {dimension_semantics = [#tpu.dimension_semantics<arbitrary>], iteration_bounds = array<i64: 10>, scalar_prefetch = 0 : i64, scratch_operands = 0 : i64, tpu.core_type = #tpu.core_type<tc>, window_params = [{transform_indices = @transform_0, window_bounds = array<i64: 2, 1024, 128>}, {pipeline_mode = #tpu.pipeline_mode<synchronous>, transform_indices = @transform_1, window_bounds = array<i64: 128, 128>}, {pipeline_mode = #tpu.pipeline_mode<synchronous>, transform_indices = @transform_2, window_bounds = array<i64: 1, 128>}, {transform_indices = @transform_3, window_bounds = array<i64: 1024, 128>}]} {
    %get3A = arith.constant 0 : index
    %get3A_0 = arith.constant 0 : index
    %get3A_1 = arith.constant 0 : index
    %get3A_2 = vector.load %arg1[%get3A, %get3A_0, %get3A_1] : memref<2x1024x128xf32, #tpu.memory_space<vmem>>, vector<1x1024x128xf32>
    %get3A_3 = vector.shape_cast %get3A_2 : vector<1x1024x128xf32> to vector<1024x128xf32>
    %get3A_4 = arith.constant 1 : index
    %get3A_5 = arith.constant 0 : index
    %get3A_6 = arith.constant 0 : index
    %get3A_7 = vector.load %arg1[%get3A_4, %get3A_5, %get3A_6] : memref<2x1024x128xf32, #tpu.memory_space<vmem>>, vector<1x1024x128xf32>
    %get3A_8 = vector.shape_cast %get3A_7 : vector<1x1024x128xf32> to vector<1024x128xf32>
    %add3A = arith.addf %get3A_3, %get3A_8 : vector<1024x128xf32>
    %get3A_9 = arith.constant 0 : index
    %get3A_10 = arith.constant 0 : index
    %get3A_11 = vector.load %arg2[%get3A_9, %get3A_10] : memref<128x128xf32, #tpu.memory_space<vmem>>, vector<128x128xf32>
    %dot_general3A = arith.constant dense<0.000000e+00> : vector<1024x128xf32>
    %dot_general3A_12 = tpu.matmul %add3A, %get3A_11, %dot_general3A {dimension_numbers = #tpu.dot_dimension_numbers<[1], [0], [0], [1], [0, 0, 1, 1], [], []>, transpose_lhs_hint = false} : vector<1024x128xf32>, vector<128x128xf32>, vector<1024x128xf32> -> vector<1024x128xf32>
    %get3A_13 = arith.constant 0 : index
    %get3A_14 = arith.constant 0 : index
    %get3A_15 = vector.load %arg3[%get3A_13, %get3A_14] : memref<1x128xf32, #tpu.memory_space<vmem>>, vector<1x128xf32>
    %add3A_16 = vector.broadcast %get3A_15 : vector<1x128xf32> to vector<1024x128xf32>
    %add3A_17 = arith.addf %dot_general3A_12, %add3A_16 : vector<1024x128xf32>
    %max3A = arith.constant 0.000000e+00 : f32
    %max3A_18 = vector.broadcast %max3A : f32 to vector<1024x128xf32>
    %max3A_19 = arith.maximumf %add3A_17, %max3A_18 : vector<1024x128xf32>
    %swap3A = arith.constant 0 : index
    %swap3A_20 = arith.constant 0 : index
    %swap3A_21 = vector.load %arg4[%swap3A, %swap3A_20] : memref<1024x128xf32, #tpu.memory_space<vmem>>, vector<1024x128xf32>
    tpu.vector_store %arg4[%swap3A, %swap3A_20], %max3A_19 {strides = array<i32>} : memref<1024x128xf32, #tpu.memory_space<vmem>>, vector<1024x128xf32>,
    return
  }
  func.func @transform_0(%arg0: i32) -> (i32, i32, i32) {
    %c0_i32 = arith.constant 0 : i32
    %c0_i32_0 = arith.constant 0 : i32
    %c0_i32_1 = arith.constant 0 : i32
    return %c0_i32, %arg0, %c0_i32_0 : i32, i32, i32
  }
  func.func @transform_1(%arg0: i32) -> (i32, i32) {
    %c0_i32 = arith.constant 0 : i32
    %c0_i32_0 = arith.constant 0 : i32
    %c0_i32_1 = arith.constant 0 : i32
    return %c0_i32, %c0_i32_0 : i32, i32
  }
  func.func @transform_2(%arg0: i32) -> (i32, i32) {
    %c0_i32 = arith.constant 0 : i32
    %c0_i32_0 = arith.constant 0 : i32
    %c0_i32_1 = arith.constant 0 : i32
    return %c0_i32, %c0_i32_0 : i32, i32
  }
  func.func @transform_3(%arg0: i32) -> (i32, i32) {
    %c0_i32 = arith.constant 0 : i32
    %c0_i32_0 = arith.constant 0 : i32
    return %arg0, %c0_i32 : i32, i32
  }
}

</mosaic_0001>

<sc_bundles>
// kernel: kernel.4.cloned.1.call-start
scs
__scs_entry_jumppad:
0x0: {  	(pc) =	sbr.rel $0x88, $3  }
0x1: {  	(tag) =	ssettag $0x0;
	lr =	simm.s32 $0x1  }
0x2: {  	[smem:$0x3F9C] =	sst lr;
	_ =	strace $0xD0000000  }
0x3: {  	_ = 	snop  }
0x4: {  	_ = 	snop  }
0x5: {  	_ = 	snop  }
0x6: {  	_ = 	snop  }
0x7: {  	_ = 	snop  }
__scs_overlays_trampoline_lowered:
0x8: {  	[smem:$0x3FAB] =	sst s0  }
0x9: {  	[smem:$0x3FAC] =	sst s1  }
0xa: {  	[smem:$0x3FAD] =	sst s2  }
0xb: {  	[smem:$0x3FAE] =	sst s3  }
0xc: {  	[smem:$0x3FAF] =	sst s4  }
0xd: {  	[smem:$0x3FB0] =	sst s5  }
0xe: {  	[smem:$0x3FB1] =	sst s6  }
0xf: {  	[smem:$0x3FB2] =	sst s7  }
0x10: {  	[smem:$0x3FB3] =	sst s8  }
0x11: {  	[smem:$0x3FB4] =	sst s9;
	s0 =	simm.s32 @!p0 $0x0  }
0x12: {  	s1 =	sld [smem:$0x3F9A];
	s0 =	simm.s32 @p0 $0x1  }
0x13: {  	[smem:$0x3FB5] =	sst s0;
	s0 =	simm.s32 @!p1 $0x0  }
0x14: {  	s2 =	sld [smem:$0x3F99];
	s0 =	simm.s32 @p1 $0x1  }
0x15: {  	[smem:$0x3FB6] =	sst s0;
	s0 =	simm.s32 @!p2 $0x0  }
0x16: {  	s3 =	sld [smem:$0x3FDB];
	s0 =	simm.s32 @p2 $0x1  }
0x17: {  	s4 =	simm.s32 $0x1BF5;
	[smem:$0x3FB8] =	sst s0  }
0x18: {  	s0 =	sld [smem:$0x3F9B];
	_ =	swait.ge [sflag:s4], $0x0  }
0x19: {  	s7 =	sld [smem:$0x3F9C]  }
0x1a: {  	s8 =	sadd.s32 $0xFFFFE003, lr  }
0x1b: {  	s9 =	sadd.s32 $0xFFFFFEF7, lr;
	s5 =	simm.s32 $0xFFFFFFFF;
	p2 =	slt.u32 s8, $0xFFFFF086  }
0x1c: {  	p1 =	slt.u32 s9, $0xF7A;
	s5 =	simm.s32 @!p2 $0x0  }
0x1d: {  	s5 =	simm.s32 @p1 $0x1;
	p0 =	seq.s32 s7, s2  }
0x1e: {  	s7 =	smul.u32 @!p0 $0xF7A, s2;
	p2 =	seq.s32 @!p0 s5, $0x0  }
0x1f: {  	s9 =	smul.u32 $0xF7A, s1;
	s8 =	simm.s32 @!p0 $0x1BF5;
	p2 =	por !p2, p0  }
0x20: {  	[sflag:s8] =	ssyncset.s32 @!p0 $0xFFFFF086;
	s6 =	sadd.s32 @!p0 s3, s7;
	s7 =	simm.s32 @!p0 $0x108  }
0x21: {  	s3 =	sadd.s32 s3, s9;
	s6 =	sadd.s32 @!p0 $0x88, s6;
	s7 =	simm.s32 @p2 $0x1082  }
0x22: {  	[simem:s7], [sflag:s8] =	dma.local @!p0 [hbm:s6], $0xF7A  }
0x23: {  	s9 =	sor.u32 $0xD0000000, s2;
	s6 =	simm.s32 $0x108;
	_ =	swait.ge @!p0 [sflag:s8], $0x0  }
0x24: {  	s3 =	sadd.s32 $0x88, s3;
	s6 =	simm.s32 @!p1 $0x1082;
	[sflag:s4] =	ssyncset.s32 $0xFFFFF086  }
0x25: {  	[simem:s6], [sflag:s4] =	dma.local [hbm:s3], $0xF7A  }
0x26: {  	[smem:$0x3F9C] =	sst s1;
	(tag) =	ssettag s2;
	_ =	strace s9  }
0x27: {  	s1 =	sld [smem:$0x3FAC]  }
0x28: {  	s2 =	sld [smem:$0x3FAD]  }
0x29: {  	s4 =	sld [smem:$0x3FAF]  }
0x2a: {  	p0 =	seq.s32 s5, $0x0;
	s5 =	sld [smem:$0x3FB0]  }
0x2b: {  	s6 =	sld [smem:$0x3FB1]  }
0x2c: {  	s7 =	sld [smem:$0x3FB2]  }
0x2d: {  	s3 =	simm.s32 $0x108;
	s8 =	sld [smem:$0x3FB3]  }
0x2e: {  	s3 =	simm.s32 @!p0 $0x1082;
	s9 =	sld [smem:$0x3FB4]  }
0x2f: {  	lr =	sadd.s32 s0, s3;
	s0 =	sld [smem:$0x3FAB]  }
0x30: {  	s3 =	sld [smem:$0x3FAE]  }
0x31: {  	[smem:$0x3FB7] =	sst s10  }
0x32: {  	s10 =	sld [smem:$0x3FB5];
	_ =	sdelay $0x3  }
0x33: {  	p0 =	seq.s32 s10, $0x1;
	s10 =	sld [smem:$0x3FB7];
	_ =	sdelay $0x3  }
0x34: {  	[smem:$0x3FB7] =	sst s10  }
0x35: {  	s10 =	sld [smem:$0x3FB6];
	_ =	sdelay $0x3  }
0x36: {  	p1 =	seq.s32 s10, $0x1;
	s10 =	sld [smem:$0x3FB7];
	_ =	sdelay $0x3  }
0x37: {  	[smem:$0x3FB7] =	sst s10  }
0x38: {  	s10 =	sld [smem:$0x3FB8]  }
0x39: {  	_ = 	snop;
	(pc) =	sbr.ind lr, $3  }
0x3a: {  	_ = 	snop  }
0x3b: {  	_ = 	snop  }
0x3c: {  	p2 =	seq.s32 s10, $0x1;
	s10 =	sld [smem:$0x3FB7]  }
0x3d: {  	_ =	shalt  }
0x3e: {  	_ =	shalt  }
0x3f: {  	_ =	shalt  }
0x40: {  	_ =	shalt  }
0x41: {  	_ =	shalt  }
0x42: {  	_ =	shalt  }
0x43: {  	_ =	shalt  }
0x44: {  	_ =	shalt  }
0x45: {  	_ =	shalt  }
0x46: {  	_ =	shalt  }
0x47: {  	_ =	shalt  }
0x48: {  	_ =	shalt  }
0x49: {  	_ =	shalt  }
0x4a: {  	_ =	shalt  }
0x4b: {  	_ =	shalt  }
0x4c: {  	_ =	shalt  }
0x4d: {  	_ =	shalt  }
0x4e: {  	_ =	shalt  }
0x4f: {  	_ =	shalt  }
0x50: {  	_ =	shalt  }
0x51: {  	_ =	shalt  }
0x52: {  	_ =	shalt  }
0x53: {  	_ =	shalt  }
0x54: {  	_ =	shalt  }
0x55: {  	_ =	shalt  }
0x56: {  	_ =	shalt  }
0x57: {  	_ =	shalt  }
0x58: {  	_ =	shalt  }
0x59: {  	_ =	shalt  }
0x5a: {  	_ =	shalt  }
0x5b: {  	_ =	shalt  }
0x5c: {  	_ =	shalt  }
0x5d: {  	_ =	shalt  }
0x5e: {  	_ =	shalt  }
0x5f: {  	_ =	shalt  }
0x60: {  	_ =	shalt  }
0x61: {  	_ =	shalt  }
0x62: {  	_ =	shalt  }
0x63: {  	_ =	shalt  }
0x64: {  	_ =	shalt  }
0x65: {  	_ =	shalt  }
0x66: {  	_ =	shalt  }
0x67: {  	_ =	shalt  }
0x68: {  	_ =	shalt  }
0x69: {  	_ =	shalt  }
0x6a: {  	_ =	shalt  }
0x6b: {  	_ =	shalt  }
0x6c: {  	_ =	shalt  }
0x6d: {  	_ =	shalt  }
0x6e: {  	_ =	shalt  }
0x6f: {  	_ =	shalt  }
0x70: {  	_ =	shalt  }
0x71: {  	_ =	shalt  }
0x72: {  	_ =	shalt  }
0x73: {  	_ =	shalt  }
0x74: {  	_ =	shalt  }
0x75: {  	_ =	shalt  }
0x76: {  	_ =	shalt  }
0x77: {  	_ =	shalt  }
0x78: {  	_ =	shalt  }
0x79: {  	_ =	shalt  }
0x7a: {  	_ =	shalt  }
0x7b: {  	_ =	shalt  }
0x7c: {  	_ =	shalt  }
0x7d: {  	_ =	shalt  }
0x7e: {  	_ =	shalt  }
0x7f: {  	_ =	shalt  }
0x80: {  	_ =	shalt  }
0x81: {  	_ =	shalt  }
0x82: {  	_ =	shalt  }
0x83: {  	_ =	shalt  }
0x84: {  	_ =	shalt  }
0x85: {  	_ =	shalt  }
0x86: {  	_ =	shalt  }
0x87: {  	_ =	shalt  }
.Lfunc_end0:
.L_simem_size_0:
called_computation_lowered:
.L_overlay_start_0:
0x88: {  	s2 =	sld [smem:$0x3FD9]  }
0x89: {  	s3 =	sld [smem:$0x3FFE];
	_ =	sdelay $0x1  }
0x8a: {  	s1 =	srdreg.scid  }
0x8b: {  	s0 =	sand.u32 $0x1, s1  }
0x8c: {  	s17 =	sshll.u32 s0, $0xA;
	s2 =	sadd.s32 s3, s2  }
0x8d: {  	s2 =	sadd.s32 s2, s17  }
0x8e: {  	[smem:$0x3FC3] =	sst s2  }
0x8f: {  	_ = 	snop  }
0x90: {  	s2 =	sld [smem:$0x3FC9]  }
0x91: {  	s18 =	sld [smem:$0x3FD0];
	(tm) =	ssettm $0x1  }
0x92: {  	s4 =	sld [smem:$0x3FFB];
	_ =	sdelay $0x3  }
0x93: {  	_ =	strace s4  }
0x94: {  	s4 =	sld [smem:$0x3FFC];
	_ =	sdelay $0x3  }
0x95: {  	_ =	strace s4  }
0x96: {  	s4 =	sld [smem:$0x3FFD];
	_ =	sdelay $0x3  }
0x97: {  	_ =	strace s4  }
0x98: {  	_ =	strace $0x8FFFFFFF  }
0x99: {  	s19 =	sld [smem:$0x3FDB];
	_ =	sdelay $0x1  }
0x9a: {  	s5 =	simm.s32 $_scs_section_size  }
0x9b: {  	s6 =	simm.s32 $_size__tile_overlayer_lowered;
	s7 =	simm.s32 $_tile_overlayer_lowered  }
0x9c: {  	s22 =	simm.s32 $0x1BFF;
	s21 =	sshll.u32 s7, $0x1;
	s4 =	sadd.s32 s5, s19  }
0x9d: {  	s8 =	simm.s32 $0x0;
	s20 =	sshll.u32 s6, $0x1;
	s6 =	sadd.s32 s21, s4  }
0x9e: {  	[timem:s8], [sflag:s22] =	dma.local [hbm:s6], s20  }
0x9f: {  	_ =	swait.ge [sflag:s22], s20  }
0xa0: {  	s5 =	ssub.s32 $0x0, s20;
	[sflag:s22] =	ssyncset.done $0x0  }
0xa1: {  	[sflag:s22] =	ssyncadd.s32 s5;
	_ =	sdelay $0x1  }
0xa2: {  	s23 =	simm.s32 $0x1B8B  }
0xa3: {  	_ =	swait.ge [sflag:s23], $0x1  }
0xa4: {  	[sflag:s23] =	ssyncset.done $0x0  }
0xa5: {  	s25 =	simm.s32 $0x1B8E;
	s24 =	sld [smem:$0x3FFE];
	[sflag:s23] =	ssyncadd.s32 $0xFFFFFFFF  }
0xa6: {  	s26 =	simm.s32 $execute0_lowered;
	[smem:$0x3FD2] =	sst s25  }
0xa7: {  	s6 =	sshll.u32 s26, $0x1;
	_ =	strace $0x80000046;
	[dreg:$0x1] =	wrdreg $0xFFFFFFFF  }
0xa8: {  	s28 =	simm.s32 $_size_execute0_lowered;
	s4 =	sadd.s32 s4, s6;
	[dreg:$0x0] =	wrdreg $0x0  }
0xa9: {  	s6 =	sshll.u32 s28, $0x1;
	[dreg:$0x2] =	wrdreg s4  }
0xaa: {  	[dreg:$0x3] =	wrdreg s6  }
0xab: {  	[dreg:$0x4] =	wrdreg $0xC0  }
0xac: {  	_ =	task [dreg:s8], $0x5FFFF  }
0xad: {  	[dreg:$0x1] =	wrdreg $0xFFFFFFFF  }
0xae: {  	[dreg:$0x0] =	wrdreg $0x60  }
0xaf: {  	[dreg:$0x2] =	wrdreg s24  }
0xb0: {  	[dreg:$0x3] =	wrdreg s18  }
0xb1: {  	[dreg:$0x4] =	wrdreg s2  }
0xb2: {  	[dreg:$0x5] =	wrdreg $0x9C000  }
0xb3: {  	[dreg:$0x6] =	wrdreg $0x9  }
0xb4: {  	_ =	task.clear_ibuf [dreg:s8], $0x7FFFF;
	_ =	strace $0x90000046  }
0xb5: {  	s29 =	simm.s32 $0x9;
	_ =	strace $0x80000048  }
0xb6: {  	_ =	swait.ge [sflag:s29], $0x1  }
0xb7: {  	[sflag:s29] =	ssyncadd.s32 $0xFFFFFFFF  }
0xb8: {  	_ =	strace $0x90000048  }
0xb9: {  	_ =	sfence  }
0xba: {  	s30 =	sld [smem:$0x0];
	_ =	sdelay $0x2  }
0xbb: {  	s31 =	sshll.u32 s1, $0xD;
	s1 =	sshrl.u32 s1, $0x2  }
0xbc: {  	s3 =	sand.u32 $0x4000, s31;
	s1 =	sadd.s32 s1, s30  }
0xbd: {  	s0 =	sor.u32 s3, s0;
	s1 =	sshll.u32 s1, $0x11  }
0xbe: {  	s0 =	sor.u32 s1, s0  }
0xbf: {  	s0 =	sadd.s32 $0x8F2B, s0  }
0xc0: {  	[sflag:s0] =	ssyncadd.remote.s32 $0x1  }
0xc1: {  	_ =	sfence.sel $0xFFFF  }
0xc2: {  	[dreg:$0x0] =	wrdreg $0xFFFFFFFF;
	(pc) =	sbr.abs _section_cstart, $3  }
0xc3: {  	[dreg:$0x1] =	wrdreg $0xFFFFFFFF  }
0xc4: {  	_ =	task.clear_ibuf [dreg:s8], $0x2FFFF;
	_ =	strace $0x9FFFFFFF  }
0xc5: {  	(tm) =	ssettm $0x7FFFFFFF  }
tec
execute0_lowered:
.L_overlay_start_1:
0x0: {  	(tag) =	ssettag $0x1  }
0x1: {  	s1 =	rddreg [dreg:$0x0]  }
0x2: {  	s0 =	rddreg [dreg:$0x1]  }
0x3: {  	s3 =	rddreg [dreg:$0x2];
	s2 =	srdreg.scid  }
0x4: {  	s4 =	rddreg [dreg:$0x3];
	s11 =	stileid.u32  }
0x5: {  	s5 =	simm.s32 $0x0;
	s16 =	simm.s32 $0x1C00;
	s17 =	simm.s32 $0x3  }
0x6: {  	s18 =	simm.s32 $0xC00;
	s19 =	simm.s32 $0x1400;
	s20 =	simm.s32 $0x80  }
0x7: {  	s21 =	simm.s32 $0x5C00;
	s22 =	simm.s32 $0x1;
	s23 =	simm.s32 $0x2  }
0x8: {  	s24 =	simm.s32 $0x0;
	s2 =	sand.u32 $0x1, s2;
	s7 =	smul.u32 $0x14000, s11  }
0x9: {  	[smem:$0x7FF] =	sst s5;
	s9 =	smul.u32 $0x50000, s11;
	s11 =	sshll.u32 s11, $0x1  }
0xa: {  	s6 =	smul.u32 $0x140000, s2;
	_ =	strace $0x80000047;
	s31 =	ssub.s32 $0x2, s2  }
0xb: {  	s2 =	sor.u32 s2, s11;
	s10 =	sshrl.u32 s31, $0x1;
	s9 =	sshrl.u32 s9, $0x2  }
0xc: {  	s13 =	smul.u32 $0x2800, s2;
	s7 =	sadd.s32 s7, s6;
	s6 =	sadd.s32 $0xA600, s1  }
0xd: {  	s15 =	ssub.s32 s31, s10;
	s8 =	sshrl.u32 s7, $0x3;
	s7 =	sadd.s32 $0x600, s1  }
0xe: {  	s15 =	smax.u32 s15, $0x1;
	s1 =	sadd.s32 s8, s1;
	s8 =	sadd.s32 s9, s4  }
0xf: {  	s9 =	sadd.s32 $0x4000, s8;
	s10 =	sadd.s32 $0x8000, s8;
	s11 =	sadd.s32 $0xC000, s8  }
0x10: {  	v0 =	vimm.s32 $0x0;
	v1 =	vimm.f32 $0.0e+00;
	s12 =	sadd.s32 $0x10000, s8;
	s14 =	sadd.s32 $0x14600, s1;
	[dreg:$0x5] =	wrdreg s9  }
.LBB2_1:
0x11: {  	[tilespmem:$0x800] =	vst v0  }
0x12: {  	[tilespmem:$0x810] =	vst v0  }
0x13: {  	[tilespmem:$0x820] =	vst v0  }
0x14: {  	[tilespmem:$0x830] =	vst v0  }
0x15: {  	[tilespmem:$0x840] =	vst v0  }
0x16: {  	[tilespmem:$0x850] =	vst v0  }
0x17: {  	[tilespmem:$0x860] =	vst v0  }
0x18: {  	[tilespmem:$0x870] =	vst v0  }
0x19: {  	[tilespmem:$0x880] =	vst v0  }
0x1a: {  	[tilespmem:$0x890] =	vst v0  }
0x1b: {  	[tilespmem:$0x8A0] =	vst v0  }
0x1c: {  	[tilespmem:$0x8B0] =	vst v0  }
0x1d: {  	[tilespmem:$0x8C0] =	vst v0  }
0x1e: {  	[tilespmem:$0x8D0] =	vst v0  }
0x1f: {  	[tilespmem:$0x8E0] =	vst v0  }
0x20: {  	[tilespmem:$0x8F0] =	vst v0;
	s1 =	simm.s32 $0x0;
	s2 =	simm.s32 $0x200  }
.LBB2_2:
0x21: {  	p0 =	sne.s32 s2, $0xFE00;
	[tilespmem:s1+$0x1C70] =	vst v1  }
0x22: {  	[tilespmem:s1+$0x1C00] =	vst v1  }
0x23: {  	[tilespmem:s1+$0x1C10] =	vst v1  }
.Ltmp0:
0x24: {  	[tilespmem:s1+$0x1C20] =	vst v1;
	(pc) =	sbr.rel @p0 .LBB2_2-.Ltmp0, $4  }
0x25: {  	[tilespmem:s1+$0x1C30] =	vst v1  }
0x26: {  	[tilespmem:s1+$0x1C40] =	vst v1  }
0x27: {  	[tilespmem:s1+$0x1C50] =	vst v1  }
0x28: {  	[tilespmem:s1+$0x1C60] =	vst v1;
	s1 =	sshra.s32 s2, $0x2;
	s2 =	sadd.s32 $0x200, s2  }
0x29: {  	[tilespmem:s1+$0x1C70] =	vst v1  }
0x2a: {  	[tilespmem:s1+$0x1C00] =	vst v1  }
0x2b: {  	[tilespmem:s1+$0x1C10] =	vst v1  }
0x2c: {  	[tilespmem:s1+$0x1C20] =	vst v1  }
0x2d: {  	[tilespmem:s1+$0x1C30] =	vst v1  }
0x2e: {  	[tilespmem:s1+$0x1C40] =	vst v1  }
0x2f: {  	[tilespmem:s1+$0x1C50] =	vst v1  }
0x30: {  	[tilespmem:s1+$0x1C60] =	vst v1  }
0x31: {  	[spmem:s8] =	stream.linear.scatter [tilespmem:s16], [sflag:$0x3], $0x4000, $0x38;
	[tilespmem:$0x1DC00] =	vst v63  }
0x32: {  	_ =	swait.ge [sflag:s17], $0x4000  }
0x33: {  	[sflag:s17] =	ssyncset.done $0x0  }
0x34: {  	s31 =	rddreg [dreg:$0x5];
	[sflag:s17] =	ssyncadd.s32 $0xFFFFC000  }
0x35: {  	[spmem:s31] =	stream.linear.scatter [tilespmem:s16], [sflag:$0x3], $0x4000, $0x38;
	[tilespmem:$0x1DC00] =	vst v63  }
0x36: {  	_ =	swait.ge [sflag:s17], $0x4000  }
0x37: {  	[sflag:s17] =	ssyncset.done $0x0  }
0x38: {  	[sflag:s17] =	ssyncadd.s32 $0xFFFFC000  }
0x39: {  	[spmem:s10] =	stream.linear.scatter [tilespmem:s16], [sflag:$0x3], $0x4000, $0x38;
	[tilespmem:$0x1DC00] =	vst v63  }
0x3a: {  	_ =	swait.ge [sflag:s17], $0x4000  }
0x3b: {  	[sflag:s17] =	ssyncset.done $0x0  }
0x3c: {  	[sflag:s17] =	ssyncadd.s32 $0xFFFFC000  }
0x3d: {  	[spmem:s11] =	stream.linear.scatter [tilespmem:s16], [sflag:$0x3], $0x4000, $0x38;
	[tilespmem:$0x1DC00] =	vst v63  }
0x3e: {  	_ =	swait.ge [sflag:s17], $0x4000  }
0x3f: {  	[sflag:s17] =	ssyncset.done $0x0  }
0x40: {  	[sflag:s17] =	ssyncadd.s32 $0xFFFFC000  }
0x41: {  	[spmem:s12] =	stream.linear.scatter [tilespmem:s16], [sflag:$0x3], $0x4000, $0x38;
	[tilespmem:$0x1DC00] =	vst v63  }
0x42: {  	_ =	swait.ge [sflag:s17], $0x4000  }
0x43: {  	[sflag:s17] =	ssyncset.done $0x0  }
0x44: {  	[sflag:s17] =	ssyncadd.s32 $0xFFFFC000  }
0x45: {  	s25 =	simm.s32 $0x0;
	[bflag:$0x0] =	sbarrier.arrive $0xFFFF  }
.LBB2_4:
0x46: {  	s1 =	sshll.u32 s25, $0xB  }
0x47: {  	s1 =	sadd.s32 s13, s1  }
0x48: {  	s1 =	sshrl.u32 s1, $0x3  }
0x49: {  	s2 =	sadd.s32 s6, s1  }
0x4a: {  	[tilespmem:s24], [sflag:$0x3] =	stream.linear.gather [hbm4b:s2+s24], $0x800, $0x38;
	[tilespmem:$0x1DC00] =	vst v63  }
0x4b: {  	_ =	swait.ge [sflag:s17], $0x800  }
0x4c: {  	[sflag:s17] =	ssyncset.done $0x0  }
0x4d: {  	s31 =	sadd.s32 s0, s1;
	[sflag:s17] =	ssyncadd.s32 $0xFFFFF800  }
0x4e: {  	[tilespmem:s18], [sflag:$0x3] =	stream.linear.gather [hbm4b:s31+s24], $0x800, $0x38;
	[tilespmem:$0x1DC00] =	vst v63  }
0x4f: {  	_ =	swait.ge [sflag:s17], $0x800  }
0x50: {  	[sflag:s17] =	ssyncset.done $0x0  }
0x51: {  	s1 =	sadd.s32 s7, s1;
	[sflag:s17] =	ssyncadd.s32 $0xFFFFF800  }
0x52: {  	[tilespmem:s19], [sflag:$0x3] =	stream.linear.gather [hbm4b:s1+s24], $0x800, $0x38;
	[tilespmem:$0x1DC00] =	vst v63  }
0x53: {  	_ =	swait.ge [sflag:s17], $0x800  }
0x54: {  	[sflag:s17] =	ssyncset.done $0x0  }
0x55: {  	s26 =	simm.s32 $0x0;
	[sflag:s17] =	ssyncadd.s32 $0xFFFFF800  }
.LBB2_5:
0x56: {  	s29 =	sshll.u32 s26, $0x8  }
0x57: {  	[tilespmem:s16], [sflag:$0x1] =	stream.indirect.gather [hbm4b:s3+s20], $0x80, s29, s20, $0xb8;
	[tilespmem:$0x1DC00] =	vst v63  }
0x58: {  	s1 =	sadd.s32 $0x1400, s29  }
0x59: {  	s28 =	sor.u32 $0x80, s29;
	v3 =	vmov s1  }
0x5a: {  	[tilespmem:s21], [sflag:$0x2] =	stream.indirect.gather [hbm4b:s3+s20], $0x80, s28, s20, $0xb8;
	[tilespmem:$0x1DC00] =	vst v63  }
0x5b: {  	_ =	swait.ge [sflag:s22], $0x4000  }
0x5c: {  	s9 =	simm.s32 $0x0;
	[sflag:s22] =	ssyncset.done $0x0  }
0x5d: {  	s2 =	simm.s32 $0x0;
	s1 =	sand.u32 $0x3FFFFFF0, s9;
	[sflag:s22] =	ssyncadd.s32 $0xFFFFC000  }
0x5e: {  	s31 =	sand.u32 $0x3FFFF800, s2;
	v6 =	vld.idx.msk [tilespmem:v3+s1+$0x0 ss:$0x1], $0xffff  }
0x5f: {  	v2 =	vld [tilespmem:s31+$0x23F0]  }
0x60: {  	v5 =	vld [tilespmem:s31+$0x1C00]  }
0x61: {  	v7 =	vld [tilespmem:s31+$0x1C10]  }
0x62: {  	v8 =	vld [tilespmem:s31+$0x1C20]  }
0x63: {  	v9 =	vld [tilespmem:s31+$0x1C30]  }
0x64: {  	v10 =	vld [tilespmem:s31+$0x1C40]  }
0x65: {  	v11 =	vld [tilespmem:s31+$0x1C50]  }
0x66: {  	v12 =	vld [tilespmem:s31+$0x1C60]  }
0x67: {  	v14 =	vld [tilespmem:s31+$0x1C80]  }
0x68: {  	v15 =	vld [tilespmem:s31+$0x1C90]  }
0x69: {  	v16 =	vld [tilespmem:s31+$0x1CA0]  }
0x6a: {  	v19 =	vld [tilespmem:s31+$0x1D60];
	v4 =	vbroadcast v6, $0xF  }
0x6b: {  	v32 =	vld [tilespmem:s31+$0x1D80];
	v13 =	vbroadcast v6, $0x0  }
0x6c: {  	s9 =	simm.s32 $0x800;
	v17 =	vld [tilespmem:s31+$0x1CB0];
	v2 =	vmul.f32 v2, v4  }
0x6d: {  	s30 =	sand.u32 $0x3FFFF800, s9;
	v18 =	vld [tilespmem:s31+$0x1CC0];
	v56 =	vbroadcast v6, $0x2;
	v5 =	vmul.f32 v13, v5  }
0x6e: {  	v20 =	vld [tilespmem:s30+$0x23F0];
	v36 =	vbroadcast v6, $0x3;
	v7 =	vmul.f32 v7, v13;
	[tilespmem:s31+$0x23F0] =	vst v2  }
0x6f: {  	v21 =	vld [tilespmem:s30+$0x1C00];
	v19 =	vmul.f32 v19, v56;
	[tilespmem:s31+$0x1C00] =	vst v5  }
0x70: {  	v22 =	vld [tilespmem:s30+$0x1C10];
	v38 =	vmul.f32 v32, v36;
	[tilespmem:s31+$0x1C10] =	vst v7  }
0x71: {  	v2 =	vld [tilespmem:s31+$0x1C70];
	v5 =	vmul.f32 v8, v13;
	[tilespmem:s31+$0x1D60] =	vst v19  }
0x72: {  	v23 =	vld [tilespmem:s30+$0x1C20];
	v8 =	vmul.f32 v9, v13;
	[tilespmem:s31+$0x1D80] =	vst v38  }
0x73: {  	v24 =	vld [tilespmem:s30+$0x1C30];
	[tilespmem:s31+$0x1C20] =	vst v5;
	v5 =	vmul.f32 v10, v13  }
0x74: {  	v25 =	vld [tilespmem:s30+$0x1C40];
	[tilespmem:s31+$0x1C30] =	vst v8;
	v10 =	vmul.f32 v11, v13  }
0x75: {  	v7 =	vld [tilespmem:s31+$0x1CD0];
	[tilespmem:s31+$0x1C40] =	vst v5;
	v5 =	vmul.f32 v12, v13;
	v12 =	vbroadcast v6, $0x1  }
0x76: {  	v9 =	vld [tilespmem:s31+$0x1CE0];
	[tilespmem:s31+$0x1C50] =	vst v10;
	v2 =	vmul.f32 v2, v13  }
0x77: {  	v26 =	vld [tilespmem:s30+$0x1C50];
	[tilespmem:s31+$0x1C60] =	vst v5;
	v5 =	vmul.f32 v14, v12  }
0x78: {  	v8 =	vld [tilespmem:s31+$0x1CF0];
	v17 =	vmul.f32 v17, v12;
	[tilespmem:s31+$0x1C70] =	vst v2  }
0x79: {  	v11 =	vld [tilespmem:s31+$0x1D00];
	v18 =	vmul.f32 v18, v12;
	[tilespmem:s31+$0x1C80] =	vst v5  }
0x7a: {  	v10 =	vld [tilespmem:s31+$0x1D10];
	v7 =	vmul.f32 v7, v12;
	[tilespmem:s31+$0x1CB0] =	vst v17  }
0x7b: {  	v13 =	vld [tilespmem:s31+$0x1D20];
	v9 =	vmul.f32 v9, v12;
	[tilespmem:s31+$0x1CC0] =	vst v18  }
0x7c: {  	s2 =	simm.s32 $0x10;
	v14 =	vld [tilespmem:s31+$0x1D30];
	v5 =	vmul.f32 v16, v12;
	[tilespmem:s31+$0x1CD0] =	vst v7  }
0x7d: {  	s1 =	sand.u32 $0x3FFFFFF0, s2;
	v2 =	vmul.f32 v15, v12;
	v15 =	vld [tilespmem:s31+$0x1D40];
	[tilespmem:s31+$0x1CE0] =	vst v9  }
0x7e: {  	v8 =	vmul.f32 v8, v12;
	[tilespmem:s31+$0x1CA0] =	vst v5;
	v5 =	vld.idx.msk [tilespmem:v3+s1+$0x0 ss:$0x1], $0xffff  }
0x7f: {  	v11 =	vmul.f32 v11, v56;
	v16 =	vld [tilespmem:s31+$0x1D50];
	[tilespmem:s31+$0x1C90] =	vst v2  }
0x80: {  	v27 =	vld [tilespmem:s31+$0x1D70];
	[tilespmem:s31+$0x1CF0] =	vst v8;
	v10 =	vmul.f32 v10, v56  }
0x81: {  	v29 =	vld [tilespmem:s30+$0x1C80];
	[tilespmem:s31+$0x1D00] =	vst v11;
	v13 =	vmul.f32 v13, v56  }
0x82: {  	v30 =	vld [tilespmem:s30+$0x1C90];
	[tilespmem:s31+$0x1D10] =	vst v10;
	v14 =	vmul.f32 v14, v56  }
0x83: {  	v31 =	vld [tilespmem:s30+$0x1CA0];
	[tilespmem:s31+$0x1D20] =	vst v13;
	v15 =	vmul.f32 v15, v56;
	v2 =	vbroadcast v5, $0xF  }
0x84: {  	v55 =	vld [tilespmem:s31+$0x1D90];
	[tilespmem:s31+$0x1D30] =	vst v14;
	v16 =	vmul.f32 v16, v56;
	v28 =	vbroadcast v5, $0x0  }
0x85: {  	v57 =	vld [tilespmem:s31+$0x1DB0];
	[tilespmem:s31+$0x1D40] =	vst v15;
	v20 =	vmul.f32 v20, v2  }
0x86: {  	v58 =	vld [tilespmem:s31+$0x1DC0];
	[tilespmem:s31+$0x1D50] =	vst v16;
	v21 =	vmul.f32 v28, v21  }
0x87: {  	v17 =	vld [tilespmem:s30+$0x1C60];
	v22 =	vmul.f32 v22, v28;
	[tilespmem:s30+$0x23F0] =	vst v20  }
0x88: {  	v59 =	vld [tilespmem:s31+$0x1DD0];
	v23 =	vmul.f32 v23, v28;
	[tilespmem:s30+$0x1C00] =	vst v21  }
0x89: {  	v60 =	vld [tilespmem:s31+$0x1DE0];
	v24 =	vmul.f32 v24, v28;
	[tilespmem:s30+$0x1C10] =	vst v22  }
0x8a: {  	v63 =	vld [tilespmem:s31+$0x1E10];
	v25 =	vmul.f32 v25, v28;
	[tilespmem:s30+$0x1C20] =	vst v23  }
0x8b: {  	v18 =	vld [tilespmem:s30+$0x1CB0];
	v33 =	vbroadcast v5, $0x1;
	v26 =	vmul.f32 v26, v28;
	[tilespmem:s30+$0x1C30] =	vst v24  }
0x8c: {  	v7 =	vld [tilespmem:s30+$0x1CC0];
	v17 =	vmul.f32 v17, v28;
	[tilespmem:s30+$0x1C40] =	vst v25  }
0x8d: {  	v9 =	vld [tilespmem:s30+$0x1CD0];
	v61 =	vmul.f32 v29, v33;
	[tilespmem:s30+$0x1C50] =	vst v26  }
0x8e: {  	v8 =	vld [tilespmem:s30+$0x1CE0];
	v62 =	vmul.f32 v30, v33;
	[tilespmem:s30+$0x1C60] =	vst v17  }
0x8f: {  	v11 =	vld [tilespmem:s30+$0x1CF0];
	v35 =	vmul.f32 v31, v33;
	[tilespmem:s30+$0x1C80] =	vst v61  }
0x90: {  	v10 =	vld [tilespmem:s30+$0x1D00];
	v18 =	vmul.f32 v18, v33;
	[tilespmem:s30+$0x1C90] =	vst v62  }
0x91: {  	v13 =	vld [tilespmem:s30+$0x1D10];
	v7 =	vmul.f32 v7, v33;
	[tilespmem:s30+$0x1CA0] =	vst v35  }
0x92: {  	v19 =	vld [tilespmem:s30+$0x1D50];
	v9 =	vmul.f32 v9, v33;
	[tilespmem:s30+$0x1CB0] =	vst v18  }
0x93: {  	v14 =	vld [tilespmem:s30+$0x1D20];
	v44 =	vbroadcast v5, $0x2;
	v8 =	vmul.f32 v8, v33;
	[tilespmem:s30+$0x1CC0] =	vst v7  }
0x94: {  	v37 =	vld [tilespmem:s31+$0x1E20];
	v11 =	vmul.f32 v11, v33;
	[tilespmem:s30+$0x1CD0] =	vst v9  }
0x95: {  	v39 =	vld [tilespmem:s30+$0x1D60];
	v10 =	vmul.f32 v10, v44;
	[tilespmem:s30+$0x1CE0] =	vst v8  }
0x96: {  	v12 =	vld [tilespmem:s31+$0x1DA0];
	v13 =	vmul.f32 v13, v44;
	[tilespmem:s30+$0x1CF0] =	vst v11  }
0x97: {  	v40 =	vld [tilespmem:s31+$0x1E30];
	v19 =	vmul.f32 v19, v44;
	[tilespmem:s30+$0x1D00] =	vst v10  }
0x98: {  	v41 =	vld [tilespmem:s30+$0x1D70];
	v14 =	vmul.f32 v14, v44;
	[tilespmem:s30+$0x1D10] =	vst v13  }
0x99: {  	v42 =	vld [tilespmem:s31+$0x1E40];
	v22 =	vmul.f32 v27, v56;
	[tilespmem:s30+$0x1D50] =	vst v19  }
0x9a: {  	v43 =	vld [tilespmem:s31+$0x1E60];
	v18 =	vmul.f32 v55, v36;
	[tilespmem:s30+$0x1D20] =	vst v14  }
0x9b: {  	v15 =	vld [tilespmem:s30+$0x1D30];
	v7 =	vmul.f32 v12, v36;
	[tilespmem:s31+$0x1D70] =	vst v22  }
0x9c: {  	v45 =	vld [tilespmem:s31+$0x1E70];
	v9 =	vmul.f32 v57, v36;
	[tilespmem:s31+$0x1D90] =	vst v18  }
0x9d: {  	v16 =	vld [tilespmem:s30+$0x1D40];
	v8 =	vmul.f32 v58, v36;
	[tilespmem:s31+$0x1DA0] =	vst v7  }
0x9e: {  	v46 =	vld [tilespmem:s31+$0x1E80];
	v11 =	vmul.f32 v59, v36;
	[tilespmem:s31+$0x1DB0] =	vst v9  }
0x9f: {  	v47 =	vld [tilespmem:s31+$0x1E90];
	v10 =	vmul.f32 v60, v36;
	[tilespmem:s31+$0x1DC0] =	vst v8  }
0xa0: {  	v48 =	vld [tilespmem:s31+$0x1EA0];
	v15 =	vmul.f32 v15, v44;
	[tilespmem:s31+$0x1DD0] =	vst v11  }
0xa1: {  	v49 =	vld [tilespmem:s31+$0x1EC0];
	v13 =	vbroadcast v6, $0x4;
	v21 =	vmul.f32 v41, v44;
	[tilespmem:s31+$0x1DE0] =	vst v10  }
0xa2: {  	v50 =	vld [tilespmem:s31+$0x1ED0];
	v16 =	vmul.f32 v16, v44;
	[tilespmem:s30+$0x1D30] =	vst v15  }
0xa3: {  	v20 =	vld [tilespmem:s30+$0x1C70];
	v15 =	vmul.f32 v63, v13;
	[tilespmem:s30+$0x1D70] =	vst v21  }
0xa4: {  	v17 =	vld [tilespmem:s31+$0x1DF0];
	v22 =	vmul.f32 v39, v44;
	[tilespmem:s30+$0x1D40] =	vst v16  }
0xa5: {  	v12 =	vld [tilespmem:s30+$0x1D80];
	v19 =	vmul.f32 v40, v13;
	[tilespmem:s31+$0x1E10] =	vst v15  }
0xa6: {  	v55 =	vld [tilespmem:s30+$0x1E30];
	v53 =	vmul.f32 v42, v13;
	[tilespmem:s30+$0x1D60] =	vst v22  }
0xa7: {  	v18 =	vld [tilespmem:s31+$0x1E50];
	v16 =	vmul.f32 v37, v13;
	[tilespmem:s31+$0x1E30] =	vst v19  }
0xa8: {  	v52 =	vbroadcast v5, $0x3;
	v7 =	vld [tilespmem:s30+$0x1D90];
	[tilespmem:s31+$0x1E40] =	vst v53;
	v20 =	vmul.f32 v20, v28  }
0xa9: {  	v51 =	vld [tilespmem:s31+$0x1EE0];
	v62 =	vbroadcast v5, $0x4;
	v17 =	vmul.f32 v17, v36;
	[tilespmem:s31+$0x1E20] =	vst v16  }
0xaa: {  	v9 =	vld [tilespmem:s30+$0x1DA0];
	v12 =	vmul.f32 v12, v52;
	[tilespmem:s30+$0x1C70] =	vst v20  }
0xab: {  	v8 =	vld [tilespmem:s30+$0x1DB0];
	v21 =	vmul.f32 v55, v62;
	[tilespmem:s31+$0x1DF0] =	vst v17  }
0xac: {  	v11 =	vld [tilespmem:s30+$0x1DC0];
	v18 =	vmul.f32 v18, v13;
	[tilespmem:s30+$0x1D80] =	vst v12  }
0xad: {  	v10 =	vld [tilespmem:s30+$0x1DD0];
	v7 =	vmul.f32 v7, v52;
	[tilespmem:s30+$0x1E30] =	vst v21  }
0xae: {  	v42 =	vld [tilespmem:s30+$0x1F00];
	v12 =	vmul.f32 v43, v13;
	[tilespmem:s31+$0x1E50] =	vst v18  }
0xaf: {  	v15 =	vld [tilespmem:s30+$0x1E00];
	v9 =	vmul.f32 v9, v52;
	[tilespmem:s30+$0x1D90] =	vst v7  }
0xb0: {  	v19 =	vld [tilespmem:s30+$0x1E20];
	v8 =	vmul.f32 v8, v52;
	[tilespmem:s31+$0x1E60] =	vst v12  }
0xb1: {  	v53 =	vbroadcast v5, $0x6;
	v16 =	vld [tilespmem:s30+$0x1E10];
	v11 =	vmul.f32 v11, v52;
	[tilespmem:s30+$0x1DA0] =	vst v9  }
0xb2: {  	v54 =	vld [tilespmem:s31+$0x1EF0];
	v10 =	vmul.f32 v10, v52;
	[tilespmem:s30+$0x1DB0] =	vst v8  }
0xb3: {  	v38 =	vld [tilespmem:s31+$0x1FA0];
	v21 =	vmul.f32 v42, v53;
	[tilespmem:s30+$0x1DC0] =	vst v11  }
0xb4: {  	v56 =	vld [tilespmem:s31+$0x1F00];
	[tilespmem:s30+$0x1DD0] =	vst v10;
	v15 =	vmul.f32 v15, v62  }
0xb5: {  	v57 =	vld [tilespmem:s31+$0x1F10];
	v7 =	vbroadcast v6, $0x5;
	v19 =	vmul.f32 v19, v62;
	[tilespmem:s30+$0x1F00] =	vst v21  }
0xb6: {  	v20 =	vld [tilespmem:s31+$0x1E00];
	v16 =	vmul.f32 v16, v62;
	[tilespmem:s30+$0x1E00] =	vst v15  }
0xb7: {  	v17 =	vld [tilespmem:s30+$0x1DE0];
	v9 =	vmul.f32 v46, v7;
	[tilespmem:s30+$0x1E20] =	vst v19  }
0xb8: {  	v58 =	vld [tilespmem:s31+$0x1F20];
	v8 =	vmul.f32 v47, v7;
	[tilespmem:s30+$0x1E10] =	vst v16  }
0xb9: {  	v59 =	vld [tilespmem:s31+$0x1F30];
	v11 =	vmul.f32 v48, v7;
	[tilespmem:s31+$0x1E80] =	vst v9  }
0xba: {  	v60 =	vld [tilespmem:s31+$0x1F40];
	v15 =	vmul.f32 v51, v7;
	[tilespmem:s31+$0x1E90] =	vst v8  }
0xbb: {  	v18 =	vld [tilespmem:s30+$0x1E40];
	v14 =	vmul.f32 v20, v13;
	[tilespmem:s31+$0x1EA0] =	vst v11  }
0xbc: {  	v61 =	vld [tilespmem:s31+$0x1F50];
	v17 =	vmul.f32 v17, v52;
	[tilespmem:s31+$0x1EE0] =	vst v15  }
0xbd: {  	v12 =	vld [tilespmem:s30+$0x1E50];
	v13 =	vmul.f32 v45, v13;
	v16 =	vbroadcast v6, $0x6;
	[tilespmem:s31+$0x1E00] =	vst v14  }
0xbe: {  	v41 =	vld [tilespmem:s31+$0x1FC0];
	[tilespmem:s30+$0x1DE0] =	vst v17;
	v17 =	vmul.f32 v49, v7  }
0xbf: {  	v63 =	vld [tilespmem:s31+$0x1F70];
	[tilespmem:s31+$0x1E70] =	vst v13;
	v19 =	vmul.f32 v56, v16  }
0xc0: {  	v20 =	vld [tilespmem:s31+$0x1EB0];
	v18 =	vmul.f32 v18, v62;
	[tilespmem:s31+$0x1EC0] =	vst v17  }
0xc1: {  	v9 =	vld [tilespmem:s30+$0x1E70];
	v40 =	vmul.f32 v57, v16;
	[tilespmem:s31+$0x1F00] =	vst v19  }
0xc2: {  	v8 =	vld [tilespmem:s30+$0x1E80];
	v12 =	vmul.f32 v12, v62;
	[tilespmem:s30+$0x1E40] =	vst v18  }
0xc3: {  	v11 =	vld [tilespmem:s30+$0x1E90];
	v18 =	vmul.f32 v58, v16;
	[tilespmem:s31+$0x1F10] =	vst v40  }
0xc4: {  	v15 =	vld [tilespmem:s30+$0x1ED0];
	[tilespmem:s30+$0x1E50] =	vst v12;
	v12 =	vmul.f32 v59, v16  }
0xc5: {  	v45 =	vbroadcast v5, $0x5;
	v14 =	vld [tilespmem:s30+$0x1DF0];
	v10 =	vmul.f32 v20, v7;
	[tilespmem:s31+$0x1F20] =	vst v18  }
0xc6: {  	v13 =	vld [tilespmem:s30+$0x1E60];
	v9 =	vmul.f32 v9, v62;
	[tilespmem:s31+$0x1F30] =	vst v12  }
0xc7: {  	v39 =	vld [tilespmem:s31+$0x1FB0];
	v8 =	vmul.f32 v8, v45;
	[tilespmem:s31+$0x1EB0] =	vst v10  }
0xc8: {  	v44 =	vld [tilespmem:s31+$0x1FE0];
	v11 =	vmul.f32 v11, v45;
	[tilespmem:s30+$0x1E70] =	vst v9  }
0xc9: {  	v37 =	vld [tilespmem:s31+$0x1F90];
	v15 =	vmul.f32 v15, v45;
	[tilespmem:s30+$0x1E80] =	vst v8  }
0xca: {  	v36 =	vld [tilespmem:s31+$0x1F80];
	v14 =	vmul.f32 v14, v52;
	[tilespmem:s30+$0x1E90] =	vst v11  }
0xcb: {  	v17 =	vld [tilespmem:s30+$0x1EB0];
	v13 =	vmul.f32 v13, v62;
	[tilespmem:s30+$0x1ED0] =	vst v15  }
0xcc: {  	v19 =	vld [tilespmem:s30+$0x1EF0];
	v9 =	vmul.f32 v61, v16;
	[tilespmem:s30+$0x1DF0] =	vst v14  }
0xcd: {  	v20 =	vld [tilespmem:s31+$0x1F60];
	v14 =	vmul.f32 v50, v7;
	[tilespmem:s30+$0x1E60] =	vst v13  }
0xce: {  	v55 =	vld [tilespmem:s31+$0x2080];
	v7 =	vmul.f32 v54, v7;
	[tilespmem:s31+$0x1F50] =	vst v9  }
0xcf: {  	v43 =	vld [tilespmem:s31+$0x1FD0];
	v13 =	vmul.f32 v60, v16;
	[tilespmem:s31+$0x1ED0] =	vst v14  }
0xd0: {  	v46 =	vld [tilespmem:s31+$0x1FF0];
	v17 =	vmul.f32 v17, v45;
	[tilespmem:s31+$0x1EF0] =	vst v7  }
0xd1: {  	v47 =	vld [tilespmem:s31+$0x2000];
	v19 =	vmul.f32 v19, v45;
	[tilespmem:s31+$0x1F40] =	vst v13  }
0xd2: {  	v48 =	vld [tilespmem:s31+$0x2020];
	v11 =	vbroadcast v6, $0x7;
	v8 =	vmul.f32 v20, v16;
	[tilespmem:s30+$0x1EB0] =	vst v17  }
0xd3: {  	v18 =	vld [tilespmem:s30+$0x1F10];
	v16 =	vmul.f32 v63, v16;
	[tilespmem:s30+$0x1EF0] =	vst v19  }
0xd4: {  	v12 =	vld [tilespmem:s30+$0x1F20];
	v15 =	vmul.f32 v39, v11;
	[tilespmem:s31+$0x1F60] =	vst v8  }
0xd5: {  	v10 =	vld [tilespmem:s30+$0x1EA0];
	v56 =	vmul.f32 v44, v11;
	[tilespmem:s31+$0x1F70] =	vst v16  }
0xd6: {  	v58 =	vld [tilespmem:s30+$0x1FD0];
	v17 =	vmul.f32 v37, v11;
	[tilespmem:s31+$0x1FB0] =	vst v15  }
0xd7: {  	v51 =	vld [tilespmem:s31+$0x2050];
	v19 =	vmul.f32 v43, v11;
	[tilespmem:s31+$0x1FE0] =	vst v56  }
0xd8: {  	v49 =	vld [tilespmem:s31+$0x2030];
	v18 =	vmul.f32 v18, v53;
	[tilespmem:s31+$0x1F90] =	vst v17  }
0xd9: {  	v9 =	vld [tilespmem:s30+$0x1F40];
	v63 =	vbroadcast v5, $0x7;
	v12 =	vmul.f32 v12, v53;
	[tilespmem:s31+$0x1FD0] =	vst v19  }
0xda: {  	v14 =	vld [tilespmem:s30+$0x1EC0];
	v10 =	vmul.f32 v10, v45;
	[tilespmem:s30+$0x1F10] =	vst v18  }
0xdb: {  	v7 =	vld [tilespmem:s30+$0x1EE0];
	v21 =	vmul.f32 v58, v63;
	v18 =	vbroadcast v6, $0x8;
	[tilespmem:s30+$0x1F20] =	vst v12  }
0xdc: {  	v13 =	vld [tilespmem:s30+$0x1F30];
	[tilespmem:s30+$0x1EA0] =	vst v10;
	v10 =	vmul.f32 v36, v11  }
0xdd: {  	v8 =	vld [tilespmem:s30+$0x1F50];
	[tilespmem:s30+$0x1FD0] =	vst v21;
	v12 =	vmul.f32 v47, v18  }
0xde: {  	v57 =	vld [tilespmem:s31+$0x2090];
	v9 =	vmul.f32 v9, v53;
	[tilespmem:s31+$0x1F80] =	vst v10  }
0xdf: {  	v16 =	vld [tilespmem:s30+$0x1F60];
	v14 =	vmul.f32 v14, v45;
	[tilespmem:s31+$0x2000] =	vst v12  }
0xe0: {  	v15 =	vld [tilespmem:s30+$0x1FA0];
	v7 =	vmul.f32 v7, v45;
	[tilespmem:s30+$0x1F40] =	vst v9  }
0xe1: {  	v42 =	vld [tilespmem:s31+$0x2150];
	v13 =	vmul.f32 v13, v53;
	[tilespmem:s30+$0x1EC0] =	vst v14  }
0xe2: {  	v59 =	vld [tilespmem:s31+$0x20A0];
	v8 =	vmul.f32 v8, v53;
	[tilespmem:s30+$0x1EE0] =	vst v7  }
0xe3: {  	v40 =	vld [tilespmem:s31+$0x2130];
	v9 =	vmul.f32 v48, v18;
	[tilespmem:s30+$0x1F30] =	vst v13  }
0xe4: {  	v20 =	vld [tilespmem:s31+$0x2010];
	v16 =	vmul.f32 v16, v53;
	[tilespmem:s30+$0x1F50] =	vst v8  }
0xe5: {  	v17 =	vld [tilespmem:s30+$0x1F80];
	v15 =	vmul.f32 v15, v63;
	[tilespmem:s31+$0x2020] =	vst v9  }
0xe6: {  	v19 =	vld [tilespmem:s30+$0x1FC0];
	v14 =	vmul.f32 v38, v11;
	[tilespmem:s30+$0x1F60] =	vst v16  }
0xe7: {  	v52 =	vld [tilespmem:s31+$0x2060];
	v7 =	vmul.f32 v41, v11;
	[tilespmem:s30+$0x1FA0] =	vst v15  }
0xe8: {  	v50 =	vld [tilespmem:s31+$0x2040];
	v11 =	vmul.f32 v46, v11;
	[tilespmem:s31+$0x1FA0] =	vst v14  }
0xe9: {  	v62 =	vld [tilespmem:s31+$0x20E0];
	v13 =	vmul.f32 v20, v18;
	[tilespmem:s31+$0x1FC0] =	vst v7  }
0xea: {  	v10 =	vld [tilespmem:s30+$0x1F70];
	v17 =	vmul.f32 v17, v63;
	[tilespmem:s31+$0x1FF0] =	vst v11  }
0xeb: {  	v12 =	vld [tilespmem:s30+$0x1FF0];
	v19 =	vmul.f32 v19, v63;
	[tilespmem:s31+$0x2010] =	vst v13  }
0xec: {  	v61 =	vld [tilespmem:s31+$0x20D0];
	v8 =	vmul.f32 v49, v18;
	[tilespmem:s30+$0x1F80] =	vst v17  }
0xed: {  	v54 =	vld [tilespmem:s31+$0x2070];
	v16 =	vmul.f32 v50, v18;
	[tilespmem:s30+$0x1FC0] =	vst v19  }
0xee: {  	v9 =	vld [tilespmem:s30+$0x2010];
	v17 =	vmul.f32 v52, v18;
	[tilespmem:s31+$0x2030] =	vst v8  }
0xef: {  	v14 =	vld [tilespmem:s30+$0x1F90];
	v10 =	vmul.f32 v10, v53;
	[tilespmem:s31+$0x2040] =	vst v16  }
0xf0: {  	v7 =	vld [tilespmem:s30+$0x1FB0];
	[tilespmem:s31+$0x2060] =	vst v17;
	v12 =	vmul.f32 v12, v63  }
0xf1: {  	v45 =	vbroadcast v5, $0x8;
	v11 =	vld [tilespmem:s30+$0x1FE0];
	[tilespmem:s30+$0x1F70] =	vst v10;
	v10 =	vmul.f32 v51, v18  }
0xf2: {  	v13 =	vld [tilespmem:s30+$0x2000];
	v18 =	vmul.f32 v54, v18;
	[tilespmem:s30+$0x1FF0] =	vst v12  }
0xf3: {  	v8 =	vld [tilespmem:s30+$0x2020];
	v9 =	vmul.f32 v9, v45;
	[tilespmem:s31+$0x2050] =	vst v10  }
0xf4: {  	v16 =	vld [tilespmem:s30+$0x2030];
	v14 =	vmul.f32 v14, v63;
	[tilespmem:s31+$0x2070] =	vst v18  }
0xf5: {  	v17 =	vld [tilespmem:s30+$0x2050];
	v7 =	vmul.f32 v7, v63;
	[tilespmem:s30+$0x2010] =	vst v9  }
0xf6: {  	v37 =	vld [tilespmem:s31+$0x2100];
	v11 =	vmul.f32 v11, v63;
	[tilespmem:s30+$0x1F90] =	vst v14  }
0xf7: {  	v38 =	vld [tilespmem:s31+$0x2110];
	v13 =	vmul.f32 v13, v45;
	[tilespmem:s30+$0x1FB0] =	vst v7  }
0xf8: {  	v60 =	vld [tilespmem:s31+$0x20B0];
	v8 =	vmul.f32 v8, v45;
	[tilespmem:s30+$0x1FE0] =	vst v11  }
0xf9: {  	v39 =	vld [tilespmem:s31+$0x2120];
	v9 =	vbroadcast v6, $0xA;
	v16 =	vmul.f32 v16, v45;
	[tilespmem:s30+$0x2000] =	vst v13  }
0xfa: {  	v44 =	vld [tilespmem:s31+$0x2160];
	v17 =	vmul.f32 v17, v45;
	[tilespmem:s30+$0x2020] =	vst v8  }
0xfb: {  	v56 =	vld [tilespmem:s31+$0x2200];
	v14 =	vbroadcast v6, $0x9;
	v8 =	vmul.f32 v37, v9;
	[tilespmem:s30+$0x2030] =	vst v16  }
0xfc: {  	v20 =	vld [tilespmem:s31+$0x20C0];
	v16 =	vmul.f32 v38, v9;
	[tilespmem:s30+$0x2050] =	vst v17  }
0xfd: {  	v58 =	vld [tilespmem:s31+$0x2220];
	v15 =	vmul.f32 v55, v14;
	[tilespmem:s31+$0x2100] =	vst v8  }
0xfe: {  	v36 =	vld [tilespmem:s31+$0x20F0];
	v7 =	vmul.f32 v57, v14;
	[tilespmem:s31+$0x2110] =	vst v16  }
0xff: {  	v47 =	vld [tilespmem:s31+$0x2180];
	v19 =	vmul.f32 v59, v14;
	[tilespmem:s31+$0x2080] =	vst v15  }
0x100: {  	v48 =	vld [tilespmem:s31+$0x2190];
	v43 =	vmul.f32 v60, v14;
	[tilespmem:s31+$0x2090] =	vst v7  }
0x101: {  	v10 =	vld [tilespmem:s30+$0x2040];
	v11 =	vmul.f32 v20, v14;
	[tilespmem:s31+$0x20A0] =	vst v19  }
0x102: {  	v18 =	vld [tilespmem:s30+$0x2060];
	v12 =	vmul.f32 v61, v14;
	[tilespmem:s31+$0x20B0] =	vst v43  }
0x103: {  	v41 =	vld [tilespmem:s31+$0x2140];
	v13 =	vmul.f32 v62, v14;
	[tilespmem:s31+$0x20C0] =	vst v11  }
0x104: {  	v46 =	vld [tilespmem:s31+$0x2170];
	v14 =	vmul.f32 v36, v14;
	[tilespmem:s31+$0x20D0] =	vst v12  }
0x105: {  	v20 =	vld [tilespmem:s30+$0x20A0];
	v17 =	vmul.f32 v40, v9;
	[tilespmem:s31+$0x20E0] =	vst v13  }
0x106: {  	v10 =	vmul.f32 v10, v45;
	v8 =	vld [tilespmem:s30+$0x20F0];
	[tilespmem:s31+$0x20F0] =	vst v14  }
0x107: {  	v16 =	vld [tilespmem:s30+$0x2100];
	v18 =	vmul.f32 v18, v45;
	[tilespmem:s31+$0x2130] =	vst v17  }
0x108: {  	v54 =	vbroadcast v5, $0x9;
	v15 =	vld [tilespmem:s30+$0x2070];
	[tilespmem:s30+$0x2040] =	vst v10;
	v10 =	vmul.f32 v39, v9  }
0x109: {  	v7 =	vld [tilespmem:s30+$0x2080];
	[tilespmem:s30+$0x2060] =	vst v18;
	v18 =	vmul.f32 v41, v9  }
0x10a: {  	v63 =	vbroadcast v5, $0xA;
	v19 =	vld [tilespmem:s30+$0x2090];
	[tilespmem:s31+$0x2120] =	vst v10;
	v20 =	vmul.f32 v20, v54  }
0x10b: {  	v11 =	vld [tilespmem:s30+$0x20B0];
	[tilespmem:s31+$0x2140] =	vst v18;
	v8 =	vmul.f32 v8, v54  }
0x10c: {  	v12 =	vld [tilespmem:s30+$0x20C0];
	v16 =	vmul.f32 v16, v63;
	[tilespmem:s30+$0x20A0] =	vst v20  }
0x10d: {  	v13 =	vld [tilespmem:s30+$0x20D0];
	v15 =	vmul.f32 v15, v45;
	[tilespmem:s30+$0x20F0] =	vst v8  }
0x10e: {  	v14 =	vld [tilespmem:s30+$0x20E0];
	v7 =	vmul.f32 v7, v54;
	[tilespmem:s30+$0x2100] =	vst v16  }
0x10f: {  	v17 =	vld [tilespmem:s30+$0x2120];
	v19 =	vmul.f32 v19, v54;
	[tilespmem:s30+$0x2070] =	vst v15  }
0x110: {  	v49 =	vld [tilespmem:s31+$0x21A0];
	v11 =	vmul.f32 v11, v54;
	[tilespmem:s30+$0x2080] =	vst v7  }
0x111: {  	v50 =	vld [tilespmem:s31+$0x21B0];
	v12 =	vmul.f32 v12, v54;
	[tilespmem:s30+$0x2090] =	vst v19  }
0x112: {  	v52 =	vld [tilespmem:s31+$0x21D0];
	v13 =	vmul.f32 v13, v54;
	[tilespmem:s30+$0x20B0] =	vst v11  }
0x113: {  	v10 =	vld [tilespmem:s30+$0x2110];
	v14 =	vmul.f32 v14, v54;
	[tilespmem:s30+$0x20C0] =	vst v12  }
0x114: {  	v18 =	vld [tilespmem:s30+$0x2130];
	v17 =	vmul.f32 v17, v63;
	[tilespmem:s30+$0x20D0] =	vst v13  }
0x115: {  	v53 =	vld [tilespmem:s31+$0x21E0];
	v15 =	vmul.f32 v42, v9;
	[tilespmem:s30+$0x20E0] =	vst v14  }
0x116: {  	v51 =	vld [tilespmem:s31+$0x21C0];
	v7 =	vmul.f32 v44, v9;
	[tilespmem:s30+$0x2120] =	vst v17  }
0x117: {  	v37 =	vld [tilespmem:s31+$0x2280];
	v9 =	vmul.f32 v46, v9;
	[tilespmem:s31+$0x2150] =	vst v15  }
0x118: {  	v38 =	vld [tilespmem:s31+$0x2290];
	v19 =	vbroadcast v6, $0xB;
	v10 =	vmul.f32 v10, v63;
	[tilespmem:s31+$0x2160] =	vst v7  }
0x119: {  	v55 =	vld [tilespmem:s31+$0x21F0];
	v18 =	vmul.f32 v18, v63;
	[tilespmem:s31+$0x2170] =	vst v9  }
0x11a: {  	v57 =	vld [tilespmem:s31+$0x2210];
	v20 =	vmul.f32 v47, v19;
	[tilespmem:s30+$0x2110] =	vst v10  }
0x11b: {  	v59 =	vld [tilespmem:s31+$0x2230];
	v11 =	vmul.f32 v48, v19;
	[tilespmem:s30+$0x2130] =	vst v18  }
0x11c: {  	v60 =	vld [tilespmem:s31+$0x2240];
	v12 =	vmul.f32 v49, v19;
	[tilespmem:s31+$0x2180] =	vst v20  }
0x11d: {  	v61 =	vld [tilespmem:s31+$0x2250];
	v13 =	vmul.f32 v50, v19;
	[tilespmem:s31+$0x2190] =	vst v11  }
0x11e: {  	v62 =	vld [tilespmem:s31+$0x2260];
	v14 =	vmul.f32 v51, v19;
	[tilespmem:s31+$0x21A0] =	vst v12  }
0x11f: {  	v15 =	vld [tilespmem:s30+$0x2140];
	v8 =	vmul.f32 v52, v19;
	[tilespmem:s31+$0x21B0] =	vst v13  }
0x120: {  	v7 =	vld [tilespmem:s30+$0x2150];
	v16 =	vmul.f32 v53, v19;
	v10 =	vbroadcast v6, $0xC;
	[tilespmem:s31+$0x21C0] =	vst v14  }
0x121: {  	v9 =	vld [tilespmem:s30+$0x2160];
	v19 =	vmul.f32 v55, v19;
	[tilespmem:s31+$0x21D0] =	vst v8  }
0x122: {  	v36 =	vld [tilespmem:s31+$0x2270];
	[tilespmem:s31+$0x21E0] =	vst v16;
	v17 =	vmul.f32 v56, v10  }
0x123: {  	v40 =	vld [tilespmem:s31+$0x22B0];
	[tilespmem:s31+$0x21F0] =	vst v19;
	v18 =	vmul.f32 v57, v10  }
0x124: {  	v20 =	vld [tilespmem:s30+$0x2170];
	v15 =	vmul.f32 v15, v63;
	[tilespmem:s31+$0x2200] =	vst v17  }
0x125: {  	v43 =	vld [tilespmem:s31+$0x22E0];
	v7 =	vmul.f32 v7, v63;
	[tilespmem:s31+$0x2210] =	vst v18  }
0x126: {  	v11 =	vld [tilespmem:s30+$0x2180];
	v9 =	vmul.f32 v9, v63;
	[tilespmem:s30+$0x2140] =	vst v15  }
0x127: {  	v12 =	vld [tilespmem:s30+$0x2190];
	v15 =	vmul.f32 v58, v10;
	[tilespmem:s30+$0x2150] =	vst v7  }
0x128: {  	v13 =	vld [tilespmem:s30+$0x21A0];
	v7 =	vmul.f32 v59, v10;
	[tilespmem:s30+$0x2160] =	vst v9  }
0x129: {  	v44 =	vbroadcast v5, $0xB;
	v14 =	vld [tilespmem:s30+$0x21B0];
	v20 =	vmul.f32 v20, v63;
	[tilespmem:s31+$0x2220] =	vst v15  }
0x12a: {  	v8 =	vld [tilespmem:s30+$0x21C0];
	v9 =	vmul.f32 v60, v10;
	[tilespmem:s31+$0x2230] =	vst v7  }
0x12b: {  	v16 =	vld [tilespmem:s30+$0x21D0];
	v11 =	vmul.f32 v11, v44;
	[tilespmem:s30+$0x2170] =	vst v20  }
0x12c: {  	v19 =	vld [tilespmem:s30+$0x21E0];
	v12 =	vmul.f32 v12, v44;
	[tilespmem:s31+$0x2240] =	vst v9  }
0x12d: {  	v39 =	vld [tilespmem:s31+$0x22A0];
	v13 =	vmul.f32 v13, v44;
	[tilespmem:s30+$0x2180] =	vst v11  }
0x12e: {  	v41 =	vld [tilespmem:s31+$0x22C0];
	v14 =	vmul.f32 v14, v44;
	[tilespmem:s30+$0x2190] =	vst v12  }
0x12f: {  	v45 =	vld [tilespmem:s31+$0x22F0];
	v8 =	vmul.f32 v8, v44;
	[tilespmem:s30+$0x21A0] =	vst v13  }
0x130: {  	v17 =	vld [tilespmem:s30+$0x21F0];
	v16 =	vmul.f32 v16, v44;
	[tilespmem:s30+$0x21B0] =	vst v14  }
0x131: {  	v18 =	vld [tilespmem:s30+$0x2200];
	v19 =	vmul.f32 v19, v44;
	[tilespmem:s30+$0x21C0] =	vst v8  }
0x132: {  	v54 =	vld [tilespmem:s31+$0x2370];
	v20 =	vmul.f32 v61, v10;
	[tilespmem:s30+$0x21D0] =	vst v16  }
0x133: {  	v42 =	vld [tilespmem:s31+$0x22D0];
	v11 =	vmul.f32 v62, v10;
	[tilespmem:s30+$0x21E0] =	vst v19  }
0x134: {  	v46 =	vld [tilespmem:s31+$0x2300];
	v53 =	vbroadcast v5, $0xC;
	v10 =	vmul.f32 v36, v10;
	[tilespmem:s31+$0x2250] =	vst v20  }
0x135: {  	v47 =	vld [tilespmem:s31+$0x2310];
	v12 =	vbroadcast v6, $0xD;
	v17 =	vmul.f32 v17, v44;
	[tilespmem:s31+$0x2260] =	vst v11  }
0x136: {  	v48 =	vld [tilespmem:s31+$0x2320];
	v18 =	vmul.f32 v18, v53;
	[tilespmem:s31+$0x2270] =	vst v10  }
0x137: {  	v49 =	vld [tilespmem:s31+$0x2330];
	v13 =	vmul.f32 v37, v12;
	[tilespmem:s30+$0x21F0] =	vst v17  }
0x138: {  	v50 =	vld [tilespmem:s31+$0x2340];
	v14 =	vmul.f32 v38, v12;
	[tilespmem:s30+$0x2200] =	vst v18  }
0x139: {  	v51 =	vld [tilespmem:s31+$0x2350];
	v8 =	vmul.f32 v39, v12;
	[tilespmem:s31+$0x2280] =	vst v13  }
0x13a: {  	v58 =	vld [tilespmem:s31+$0x23C0];
	v16 =	vmul.f32 v40, v12;
	[tilespmem:s31+$0x2290] =	vst v14  }
0x13b: {  	v15 =	vld [tilespmem:s30+$0x2210];
	v19 =	vmul.f32 v41, v12;
	[tilespmem:s31+$0x22A0] =	vst v8  }
0x13c: {  	v7 =	vld [tilespmem:s30+$0x2220];
	v17 =	vmul.f32 v42, v12;
	[tilespmem:s31+$0x22B0] =	vst v16  }
0x13d: {  	v9 =	vld [tilespmem:s30+$0x2230];
	v18 =	vmul.f32 v43, v12;
	[tilespmem:s31+$0x22C0] =	vst v19  }
0x13e: {  	v52 =	vld [tilespmem:s31+$0x2360];
	v12 =	vmul.f32 v45, v12;
	[tilespmem:s31+$0x22D0] =	vst v17  }
0x13f: {  	v20 =	vld [tilespmem:s30+$0x2240];
	v63 =	vmul.f32 v58, v4;
	[tilespmem:s31+$0x22E0] =	vst v18  }
0x140: {  	v55 =	vld [tilespmem:s31+$0x2380];
	v15 =	vmul.f32 v15, v53;
	[tilespmem:s31+$0x22F0] =	vst v12  }
0x141: {  	v6 =	vbroadcast v6, $0xE;
	v11 =	vld [tilespmem:s30+$0x2250];
	v7 =	vmul.f32 v7, v53;
	[tilespmem:s31+$0x23C0] =	vst v63  }
0x142: {  	v56 =	vld [tilespmem:s31+$0x2390];
	v9 =	vmul.f32 v9, v53;
	[tilespmem:s30+$0x2210] =	vst v15  }
0x143: {  	v10 =	vld [tilespmem:s30+$0x2260];
	[tilespmem:s30+$0x2220] =	vst v7;
	v7 =	vmul.f32 v46, v6  }
0x144: {  	v57 =	vld [tilespmem:s31+$0x23B0];
	v20 =	vmul.f32 v20, v53;
	[tilespmem:s30+$0x2230] =	vst v9  }
0x145: {  	v13 =	vld [tilespmem:s30+$0x2270];
	v9 =	vmul.f32 v47, v6;
	[tilespmem:s31+$0x2300] =	vst v7  }
0x146: {  	v8 =	vld [tilespmem:s30+$0x2290];
	v11 =	vmul.f32 v11, v53;
	[tilespmem:s30+$0x2240] =	vst v20  }
0x147: {  	v59 =	vld [tilespmem:s30+$0x2300];
	v20 =	vmul.f32 v48, v6;
	[tilespmem:s31+$0x2310] =	vst v9  }
0x148: {  	v14 =	vld [tilespmem:s30+$0x2280];
	v9 =	vmul.f32 v10, v53;
	[tilespmem:s30+$0x2250] =	vst v11  }
0x149: {  	v60 =	vbroadcast v5, $0xD;
	v61 =	vld [tilespmem:s30+$0x2320];
	v10 =	vmul.f32 v49, v6;
	[tilespmem:s31+$0x2320] =	vst v20  }
0x14a: {  	v19 =	vld [tilespmem:s30+$0x22B0];
	v13 =	vmul.f32 v13, v53;
	[tilespmem:s30+$0x2260] =	vst v9  }
0x14b: {  	v62 =	vld [tilespmem:s31+$0x23E0];
	v8 =	vmul.f32 v8, v60;
	[tilespmem:s31+$0x2330] =	vst v10  }
0x14c: {  	v16 =	vld [tilespmem:s30+$0x22A0];
	v9 =	vmul.f32 v50, v6;
	[tilespmem:s30+$0x2270] =	vst v13  }
0x14d: {  	v17 =	vld [tilespmem:s30+$0x22C0];
	v10 =	vmul.f32 v14, v60;
	[tilespmem:s30+$0x2290] =	vst v8  }
0x14e: {  	v18 =	vld [tilespmem:s31+$0x23A0];
	v13 =	vmul.f32 v51, v6;
	[tilespmem:s31+$0x2340] =	vst v9  }
0x14f: {  	v12 =	vld [tilespmem:s30+$0x22E0];
	v8 =	vmul.f32 v19, v60;
	[tilespmem:s30+$0x2280] =	vst v10  }
0x150: {  	v15 =	vld [tilespmem:s30+$0x22D0];
	v9 =	vmul.f32 v52, v6;
	[tilespmem:s31+$0x2350] =	vst v13  }
0x151: {  	v7 =	vld [tilespmem:s30+$0x22F0];
	v10 =	vmul.f32 v16, v60;
	[tilespmem:s30+$0x22B0] =	vst v8  }
0x152: {  	v11 =	vld [tilespmem:s31+$0x23D0];
	v6 =	vmul.f32 v54, v6;
	[tilespmem:s31+$0x2360] =	vst v9  }
0x153: {  	v20 =	vld [tilespmem:s30+$0x2310];
	v8 =	vmul.f32 v56, v4;
	[tilespmem:s30+$0x22A0] =	vst v10  }
0x154: {  	v14 =	vld [tilespmem:s30+$0x2330];
	v9 =	vmul.f32 v55, v4;
	[tilespmem:s31+$0x2370] =	vst v6  }
0x155: {  	v19 =	vld [tilespmem:s30+$0x2360];
	v15 =	vmul.f32 v15, v60;
	v6 =	vmul.f32 v17, v60;
	[tilespmem:s31+$0x2390] =	vst v8  }
0x156: {  	v13 =	vld [tilespmem:s30+$0x2340];
	v17 =	vmul.f32 v18, v4;
	v18 =	vmul.f32 v57, v4;
	[tilespmem:s31+$0x2380] =	vst v9  }
0x157: {  	v16 =	vld [tilespmem:s30+$0x2350];
	v8 =	vmul.f32 v12, v60;
	[tilespmem:s30+$0x22C0] =	vst v6;
	v6 =	vbroadcast v5, $0xE  }
0x158: {  	v9 =	vld [tilespmem:s30+$0x2370];
	[tilespmem:s31+$0x23A0] =	vst v17;
	v5 =	vmul.f32 v11, v4;
	v4 =	vmul.f32 v62, v4  }
0x159: {  	v10 =	vld [tilespmem:s30+$0x2380];
	v17 =	vmul.f32 v7, v60;
	[tilespmem:s30+$0x22E0] =	vst v8;
	v7 =	vmul.f32 v59, v6  }
0x15a: {  	v11 =	vld [tilespmem:s30+$0x2390];
	[tilespmem:s31+$0x23B0] =	vst v18;
	v8 =	vmul.f32 v20, v6;
	v18 =	vmul.f32 v61, v6  }
0x15b: {  	[tilespmem:s30+$0x22D0] =	vst v15;
	v12 =	vld [tilespmem:s30+$0x23A0];
	v15 =	vmul.f32 v14, v6;
	v13 =	vmul.f32 v13, v6  }
0x15c: {  	s9 =	simm.s32 $0x20;
	s2 =	simm.s32 $0x3;
	s1 =	simm.s32 $0x2;
	[tilespmem:s30+$0x22F0] =	vst v17;
	v14 =	vmul.f32 v16, v6;
	v17 =	vmul.f32 v19, v6;
	v16 =	vld [tilespmem:s30+$0x23B0]  }
.LBB2_6:
0x15d: {  	p0 =	sne.s32 s2, $0x7;
	s9 =	sand.u32 $0x3FFFFFF0, s9;
	[tilespmem:s30+$0x2300] =	vst v7;
	v6 =	vmul.f32 v9, v6;
	v7 =	vld [tilespmem:s30+$0x23C0]  }
0x15e: {  	v19 =	vld.idx.msk [tilespmem:v3+s9+$0x0 ss:$0x1], $0xffff;
	[tilespmem:s30+$0x2310] =	vst v8;
	v8 =	vmul.f32 v10, v2  }
0x15f: {  	s9 =	sshll.u32 s1, $0xB;
	s1 =	smov.u32 s2;
	[tilespmem:s30+$0x2320] =	vst v18;
	v9 =	vmul.f32 v11, v2;
	v18 =	vld [tilespmem:s30+$0x23D0]  }
0x160: {  	s9 =	sand.u32 $0x3FFFF800, s9;
	[tilespmem:s30+$0x2330] =	vst v15;
	v10 =	vmul.f32 v12, v2;
	v20 =	vld [tilespmem:s30+$0x23E0]  }
0x161: {  	v11 =	vld [tilespmem:s9+$0x23F0];
	[tilespmem:s30+$0x2340] =	vst v13;
	v21 =	vmul.f32 v16, v2  }
0x162: {  	v22 =	vld [tilespmem:s9+$0x1C00];
	[tilespmem:s30+$0x2350] =	vst v14;
	v7 =	vmul.f32 v7, v2  }
0x163: {  	v23 =	vld [tilespmem:s9+$0x1C10];
	[tilespmem:s30+$0x2360] =	vst v17  }
0x164: {  	v24 =	vbroadcast v19, $0x0;
	v26 =	vbroadcast v19, $0xF;
	v25 =	vld [tilespmem:s9+$0x1C20];
	[tilespmem:s30+$0x2370] =	vst v6  }
0x165: {  	v28 =	vbroadcast v19, $0x1;
	v29 =	vbroadcast v19, $0x2;
	v27 =	vld [tilespmem:s9+$0x1C30];
	[tilespmem:s30+$0x2380] =	vst v8  }
0x166: {  	v17 =	vbroadcast v19, $0x3;
	v30 =	vld [tilespmem:s9+$0x1C40];
	v6 =	vmul.f32 v11, v26;
	[tilespmem:s30+$0x2390] =	vst v9  }
0x167: {  	v16 =	vbroadcast v19, $0x4;
	v15 =	vbroadcast v19, $0x5;
	v31 =	vld [tilespmem:s9+$0x1C50];
	[tilespmem:s30+$0x23A0] =	vst v10  }
0x168: {  	v14 =	vbroadcast v19, $0x6;
	v13 =	vbroadcast v19, $0x7;
	v32 =	vld [tilespmem:s9+$0x1C60];
	[tilespmem:s9+$0x23F0] =	vst v6  }
0x169: {  	v12 =	vbroadcast v19, $0x8;
	v11 =	vbroadcast v19, $0x9;
	v33 =	vld [tilespmem:s9+$0x1C70];
	[tilespmem:s30+$0x23B0] =	vst v21  }
0x16a: {  	v9 =	vbroadcast v19, $0xB;
	v10 =	vbroadcast v19, $0xA;
	v21 =	vld [tilespmem:s9+$0x1C80];
	[tilespmem:s30+$0x23C0] =	vst v7  }
0x16b: {  	v8 =	vbroadcast v19, $0xC;
	v7 =	vbroadcast v19, $0xD;
	v34 =	vld [tilespmem:s9+$0x1C90];
	[tilespmem:s31+$0x23D0] =	vst v5  }
0x16c: {  	v6 =	vbroadcast v19, $0xE;
	v5 =	vmul.f32 v24, v22;
	v22 =	vld [tilespmem:s9+$0x1CA0];
	[tilespmem:s31+$0x23E0] =	vst v4;
	s31 =	smov.u32 s30;
	s30 =	smov.u32 s9  }
0x16d: {  	v19 =	vmul.f32 v25, v24;
	v4 =	vmul.f32 v23, v24;
	v23 =	vld [tilespmem:s30+$0x1CB0]  }
0x16e: {  	v25 =	vmul.f32 v30, v24;
	[tilespmem:s30+$0x1C00] =	vst v5;
	v5 =	vmul.f32 v27, v24;
	v27 =	vld [tilespmem:s30+$0x1CC0]  }
0x16f: {  	v30 =	vmul.f32 v32, v24;
	[tilespmem:s30+$0x1C10] =	vst v4;
	v4 =	vmul.f32 v31, v24;
	v31 =	vld [tilespmem:s30+$0x1CD0]  }
0x170: {  	v21 =	vmul.f32 v21, v28;
	[tilespmem:s30+$0x1C20] =	vst v19;
	v19 =	vmul.f32 v33, v24;
	v24 =	vld [tilespmem:s30+$0x1CE0]  }
0x171: {  	v32 =	vmul.f32 v34, v28;
	[tilespmem:s30+$0x1C30] =	vst v5;
	v22 =	vmul.f32 v22, v28;
	v33 =	vld [tilespmem:s30+$0x1CF0]  }
0x172: {  	v5 =	vmul.f32 v18, v2;
	[tilespmem:s30+$0x1C40] =	vst v25;
	v23 =	vmul.f32 v23, v28;
	v25 =	vld [tilespmem:s30+$0x1D00]  }
0x173: {  	[tilespmem:s30+$0x1C50] =	vst v4;
	v18 =	vmul.f32 v27, v28;
	v27 =	vld [tilespmem:s30+$0x1D10];
	v4 =	vmul.f32 v20, v2;
	v2 =	vmov v26  }
0x174: {  	[tilespmem:s30+$0x1C60] =	vst v30;
	v20 =	vmul.f32 v31, v28;
	v26 =	vld [tilespmem:s30+$0x1D20]  }
0x175: {  	[tilespmem:s30+$0x1C70] =	vst v19;
	v19 =	vmul.f32 v24, v28;
	v24 =	vld [tilespmem:s30+$0x1D30]  }
0x176: {  	[tilespmem:s30+$0x1C80] =	vst v21;
	v21 =	vmul.f32 v33, v28;
	v28 =	vld [tilespmem:s30+$0x1D40]  }
0x177: {  	[tilespmem:s30+$0x1C90] =	vst v32;
	v25 =	vmul.f32 v25, v29;
	v30 =	vld [tilespmem:s30+$0x1D50]  }
0x178: {  	[tilespmem:s30+$0x1CA0] =	vst v22;
	v22 =	vmul.f32 v27, v29;
	v27 =	vld [tilespmem:s30+$0x1D60]  }
0x179: {  	[tilespmem:s30+$0x1CB0] =	vst v23;
	v23 =	vmul.f32 v26, v29;
	v26 =	vld [tilespmem:s30+$0x1D70]  }
0x17a: {  	[tilespmem:s30+$0x1CC0] =	vst v18;
	v18 =	vmul.f32 v24, v29;
	v24 =	vld [tilespmem:s30+$0x1D80]  }
0x17b: {  	[tilespmem:s30+$0x1CD0] =	vst v20;
	v20 =	vmul.f32 v28, v29;
	v28 =	vld [tilespmem:s30+$0x1D90]  }
0x17c: {  	[tilespmem:s30+$0x1CE0] =	vst v19;
	v19 =	vmul.f32 v30, v29;
	v30 =	vld [tilespmem:s30+$0x1DA0]  }
0x17d: {  	[tilespmem:s30+$0x1CF0] =	vst v21;
	v21 =	vmul.f32 v27, v29;
	v27 =	vld [tilespmem:s30+$0x1DB0]  }
0x17e: {  	[tilespmem:s30+$0x1D00] =	vst v25;
	v25 =	vmul.f32 v26, v29;
	v26 =	vld [tilespmem:s30+$0x1DC0]  }
0x17f: {  	[tilespmem:s30+$0x1D10] =	vst v22;
	v22 =	vmul.f32 v24, v17;
	v24 =	vld [tilespmem:s30+$0x1DD0]  }
0x180: {  	[tilespmem:s30+$0x1D20] =	vst v23;
	v23 =	vmul.f32 v28, v17;
	v28 =	vld [tilespmem:s30+$0x1DE0]  }
0x181: {  	[tilespmem:s30+$0x1D30] =	vst v18;
	v18 =	vmul.f32 v30, v17;
	v29 =	vld [tilespmem:s30+$0x1DF0]  }
0x182: {  	[tilespmem:s30+$0x1D40] =	vst v20;
	v20 =	vmul.f32 v27, v17;
	v27 =	vld [tilespmem:s30+$0x1E00]  }
0x183: {  	[tilespmem:s30+$0x1D50] =	vst v19;
	v19 =	vmul.f32 v26, v17;
	v26 =	vld [tilespmem:s30+$0x1E10]  }
0x184: {  	[tilespmem:s30+$0x1D60] =	vst v21;
	v21 =	vmul.f32 v24, v17;
	v24 =	vld [tilespmem:s30+$0x1E20]  }
0x185: {  	[tilespmem:s30+$0x1D70] =	vst v25;
	v25 =	vmul.f32 v28, v17;
	v28 =	vld [tilespmem:s30+$0x1E30]  }
0x186: {  	[tilespmem:s30+$0x1D80] =	vst v22;
	v17 =	vmul.f32 v29, v17;
	v22 =	vld [tilespmem:s30+$0x1E40]  }
0x187: {  	[tilespmem:s30+$0x1D90] =	vst v23;
	v23 =	vmul.f32 v27, v16;
	v27 =	vld [tilespmem:s30+$0x1E50]  }
0x188: {  	[tilespmem:s30+$0x1DA0] =	vst v18;
	v18 =	vmul.f32 v26, v16;
	v26 =	vld [tilespmem:s30+$0x1E60]  }
0x189: {  	[tilespmem:s30+$0x1DB0] =	vst v20;
	v20 =	vmul.f32 v24, v16;
	v24 =	vld [tilespmem:s30+$0x1E70]  }
0x18a: {  	[tilespmem:s30+$0x1DC0] =	vst v19;
	v19 =	vmul.f32 v28, v16;
	v28 =	vld [tilespmem:s30+$0x1E80]  }
0x18b: {  	[tilespmem:s30+$0x1DD0] =	vst v21;
	v21 =	vmul.f32 v22, v16;
	v22 =	vld [tilespmem:s30+$0x1E90]  }
0x18c: {  	[tilespmem:s30+$0x1DE0] =	vst v25;
	v25 =	vmul.f32 v27, v16;
	v27 =	vld [tilespmem:s30+$0x1EA0]  }
0x18d: {  	[tilespmem:s30+$0x1DF0] =	vst v17;
	v17 =	vmul.f32 v26, v16;
	v26 =	vld [tilespmem:s30+$0x1EB0]  }
0x18e: {  	[tilespmem:s30+$0x1E00] =	vst v23;
	v16 =	vmul.f32 v24, v16;
	v23 =	vld [tilespmem:s30+$0x1EC0]  }
0x18f: {  	[tilespmem:s30+$0x1E10] =	vst v18;
	v18 =	vmul.f32 v28, v15;
	v24 =	vld [tilespmem:s30+$0x1ED0]  }
0x190: {  	[tilespmem:s30+$0x1E20] =	vst v20;
	v20 =	vmul.f32 v22, v15;
	v22 =	vld [tilespmem:s30+$0x1EE0]  }
0x191: {  	[tilespmem:s30+$0x1E30] =	vst v19;
	v19 =	vmul.f32 v27, v15;
	v27 =	vld [tilespmem:s30+$0x1EF0]  }
0x192: {  	[tilespmem:s30+$0x1E40] =	vst v21;
	v21 =	vmul.f32 v26, v15;
	v26 =	vld [tilespmem:s30+$0x1F00]  }
0x193: {  	[tilespmem:s30+$0x1E50] =	vst v25;
	v23 =	vmul.f32 v23, v15;
	v25 =	vld [tilespmem:s30+$0x1F10]  }
0x194: {  	[tilespmem:s30+$0x1E60] =	vst v17;
	v17 =	vmul.f32 v24, v15;
	v24 =	vld [tilespmem:s30+$0x1F20]  }
0x195: {  	[tilespmem:s30+$0x1E70] =	vst v16;
	v16 =	vmul.f32 v22, v15;
	v22 =	vld [tilespmem:s30+$0x1F30]  }
0x196: {  	[tilespmem:s30+$0x1E80] =	vst v18;
	v15 =	vmul.f32 v27, v15;
	v18 =	vld [tilespmem:s30+$0x1F40]  }
0x197: {  	[tilespmem:s30+$0x1E90] =	vst v20;
	v20 =	vmul.f32 v26, v14;
	v26 =	vld [tilespmem:s30+$0x1F50]  }
0x198: {  	[tilespmem:s30+$0x1EA0] =	vst v19;
	v19 =	vmul.f32 v25, v14;
	v25 =	vld [tilespmem:s30+$0x1F60]  }
0x199: {  	[tilespmem:s30+$0x1EB0] =	vst v21;
	v21 =	vmul.f32 v24, v14;
	v24 =	vld [tilespmem:s30+$0x1F70]  }
0x19a: {  	[tilespmem:s30+$0x1EC0] =	vst v23;
	v22 =	vmul.f32 v22, v14;
	v23 =	vld [tilespmem:s30+$0x1F80]  }
0x19b: {  	[tilespmem:s30+$0x1ED0] =	vst v17;
	v17 =	vmul.f32 v18, v14;
	v18 =	vld [tilespmem:s30+$0x1F90]  }
0x19c: {  	[tilespmem:s30+$0x1EE0] =	vst v16;
	v16 =	vmul.f32 v26, v14;
	v26 =	vld [tilespmem:s30+$0x1FA0]  }
0x19d: {  	[tilespmem:s30+$0x1EF0] =	vst v15;
	v15 =	vmul.f32 v25, v14;
	v25 =	vld [tilespmem:s30+$0x1FB0]  }
0x19e: {  	[tilespmem:s30+$0x1F00] =	vst v20;
	v14 =	vmul.f32 v24, v14;
	v20 =	vld [tilespmem:s30+$0x1FC0]  }
0x19f: {  	[tilespmem:s30+$0x1F10] =	vst v19;
	v19 =	vmul.f32 v23, v13;
	v23 =	vld [tilespmem:s30+$0x1FD0]  }
0x1a0: {  	[tilespmem:s30+$0x1F20] =	vst v21;
	v18 =	vmul.f32 v18, v13;
	v21 =	vld [tilespmem:s30+$0x1FE0]  }
0x1a1: {  	[tilespmem:s30+$0x1F30] =	vst v22;
	v22 =	vmul.f32 v26, v13;
	v24 =	vld [tilespmem:s30+$0x1FF0]  }
0x1a2: {  	[tilespmem:s30+$0x1F40] =	vst v17;
	v17 =	vmul.f32 v25, v13;
	v25 =	vld [tilespmem:s30+$0x2000]  }
0x1a3: {  	[tilespmem:s30+$0x1F50] =	vst v16;
	v16 =	vmul.f32 v20, v13;
	v20 =	vld [tilespmem:s30+$0x2010]  }
0x1a4: {  	[tilespmem:s30+$0x1F60] =	vst v15;
	v15 =	vmul.f32 v23, v13;
	v23 =	vld [tilespmem:s30+$0x2020]  }
0x1a5: {  	[tilespmem:s30+$0x1F70] =	vst v14;
	v14 =	vmul.f32 v21, v13;
	v21 =	vld [tilespmem:s30+$0x2030]  }
0x1a6: {  	[tilespmem:s30+$0x1F80] =	vst v19;
	v13 =	vmul.f32 v24, v13;
	v19 =	vld [tilespmem:s30+$0x2040]  }
0x1a7: {  	[tilespmem:s30+$0x1F90] =	vst v18;
	v18 =	vmul.f32 v25, v12;
	v24 =	vld [tilespmem:s30+$0x2050]  }
0x1a8: {  	[tilespmem:s30+$0x1FA0] =	vst v22;
	v20 =	vmul.f32 v20, v12;
	v22 =	vld [tilespmem:s30+$0x2060]  }
0x1a9: {  	[tilespmem:s30+$0x1FB0] =	vst v17;
	v17 =	vmul.f32 v23, v12;
	v23 =	vld [tilespmem:s30+$0x2070]  }
0x1aa: {  	[tilespmem:s30+$0x1FC0] =	vst v16;
	v16 =	vmul.f32 v21, v12;
	v21 =	vld [tilespmem:s30+$0x2080]  }
0x1ab: {  	[tilespmem:s30+$0x1FD0] =	vst v15;
	v15 =	vmul.f32 v19, v12;
	v19 =	vld [tilespmem:s30+$0x2090]  }
0x1ac: {  	[tilespmem:s30+$0x1FE0] =	vst v14;
	v14 =	vmul.f32 v24, v12;
	v24 =	vld [tilespmem:s30+$0x20A0]  }
0x1ad: {  	[tilespmem:s30+$0x1FF0] =	vst v13;
	v13 =	vmul.f32 v22, v12;
	v22 =	vld [tilespmem:s30+$0x20B0]  }
0x1ae: {  	[tilespmem:s30+$0x2000] =	vst v18;
	v12 =	vmul.f32 v23, v12;
	v18 =	vld [tilespmem:s30+$0x20C0]  }
0x1af: {  	[tilespmem:s30+$0x2010] =	vst v20;
	v20 =	vmul.f32 v21, v11;
	v21 =	vld [tilespmem:s30+$0x20D0]  }
0x1b0: {  	[tilespmem:s30+$0x2020] =	vst v17;
	v17 =	vmul.f32 v19, v11;
	v19 =	vld [tilespmem:s30+$0x20E0]  }
0x1b1: {  	[tilespmem:s30+$0x2030] =	vst v16;
	v16 =	vmul.f32 v24, v11;
	v23 =	vld [tilespmem:s30+$0x20F0]  }
0x1b2: {  	[tilespmem:s30+$0x2040] =	vst v15;
	v15 =	vmul.f32 v22, v11;
	v22 =	vld [tilespmem:s30+$0x2100]  }
0x1b3: {  	[tilespmem:s30+$0x2050] =	vst v14;
	v14 =	vmul.f32 v18, v11;
	v18 =	vld [tilespmem:s30+$0x2110]  }
0x1b4: {  	[tilespmem:s30+$0x2060] =	vst v13;
	v13 =	vmul.f32 v21, v11;
	v21 =	vld [tilespmem:s30+$0x2120]  }
0x1b5: {  	[tilespmem:s30+$0x2070] =	vst v12;
	v12 =	vmul.f32 v19, v11;
	v19 =	vld [tilespmem:s30+$0x2130]  }
0x1b6: {  	[tilespmem:s30+$0x2080] =	vst v20;
	v11 =	vmul.f32 v23, v11;
	v20 =	vld [tilespmem:s30+$0x2140]  }
0x1b7: {  	[tilespmem:s30+$0x2090] =	vst v17;
	v17 =	vmul.f32 v22, v10;
	v22 =	vld [tilespmem:s30+$0x2150]  }
0x1b8: {  	[tilespmem:s30+$0x20A0] =	vst v16;
	v16 =	vmul.f32 v18, v10;
	v18 =	vld [tilespmem:s30+$0x2160]  }
0x1b9: {  	[tilespmem:s30+$0x20B0] =	vst v15;
	v15 =	vmul.f32 v21, v10;
	v21 =	vld [tilespmem:s30+$0x2170]  }
0x1ba: {  	[tilespmem:s30+$0x20C0] =	vst v14;
	v14 =	vmul.f32 v19, v10;
	v19 =	vld [tilespmem:s30+$0x2180]  }
0x1bb: {  	[tilespmem:s30+$0x20D0] =	vst v13;
	v13 =	vmul.f32 v20, v10;
	v20 =	vld [tilespmem:s30+$0x2190]  }
0x1bc: {  	[tilespmem:s30+$0x20E0] =	vst v12;
	v12 =	vmul.f32 v22, v10;
	v22 =	vld [tilespmem:s30+$0x21A0]  }
0x1bd: {  	[tilespmem:s30+$0x20F0] =	vst v11;
	v11 =	vmul.f32 v18, v10;
	v18 =	vld [tilespmem:s30+$0x21B0]  }
0x1be: {  	[tilespmem:s30+$0x2100] =	vst v17;
	v10 =	vmul.f32 v21, v10;
	v17 =	vld [tilespmem:s30+$0x21C0]  }
0x1bf: {  	[tilespmem:s30+$0x2110] =	vst v16;
	v16 =	vmul.f32 v19, v9;
	v19 =	vld [tilespmem:s30+$0x21D0]  }
0x1c0: {  	[tilespmem:s30+$0x2120] =	vst v15;
	v15 =	vmul.f32 v20, v9;
	v20 =	vld [tilespmem:s30+$0x21E0]  }
0x1c1: {  	[tilespmem:s30+$0x2130] =	vst v14;
	v14 =	vmul.f32 v22, v9;
	v21 =	vld [tilespmem:s30+$0x21F0]  }
0x1c2: {  	[tilespmem:s30+$0x2140] =	vst v13;
	v13 =	vmul.f32 v18, v9;
	v18 =	vld [tilespmem:s30+$0x2200]  }
0x1c3: {  	[tilespmem:s30+$0x2150] =	vst v12;
	v12 =	vmul.f32 v17, v9;
	v17 =	vld [tilespmem:s30+$0x2210]  }
0x1c4: {  	[tilespmem:s30+$0x2160] =	vst v11;
	v11 =	vmul.f32 v19, v9;
	v19 =	vld [tilespmem:s30+$0x2220]  }
0x1c5: {  	[tilespmem:s30+$0x2170] =	vst v10;
	v10 =	vmul.f32 v20, v9;
	v20 =	vld [tilespmem:s30+$0x2230]  }
0x1c6: {  	[tilespmem:s30+$0x2180] =	vst v16;
	v9 =	vmul.f32 v21, v9;
	v16 =	vld [tilespmem:s30+$0x2240]  }
0x1c7: {  	[tilespmem:s30+$0x2190] =	vst v15;
	v15 =	vmul.f32 v18, v8;
	v18 =	vld [tilespmem:s30+$0x2250]  }
0x1c8: {  	[tilespmem:s30+$0x21A0] =	vst v14;
	v14 =	vmul.f32 v17, v8;
	v17 =	vld [tilespmem:s30+$0x2260]  }
0x1c9: {  	[tilespmem:s30+$0x21B0] =	vst v13;
	v13 =	vmul.f32 v19, v8;
	v19 =	vld [tilespmem:s30+$0x2270]  }
0x1ca: {  	[tilespmem:s30+$0x21C0] =	vst v12;
	v12 =	vmul.f32 v20, v8;
	v20 =	vld [tilespmem:s30+$0x2280]  }
0x1cb: {  	[tilespmem:s30+$0x21D0] =	vst v11;
	v11 =	vmul.f32 v16, v8;
	v16 =	vld [tilespmem:s30+$0x2290]  }
0x1cc: {  	[tilespmem:s30+$0x21E0] =	vst v10;
	v10 =	vmul.f32 v18, v8;
	v18 =	vld [tilespmem:s30+$0x22A0]  }
0x1cd: {  	[tilespmem:s30+$0x21F0] =	vst v9;
	v9 =	vmul.f32 v17, v8;
	v17 =	vld [tilespmem:s30+$0x22B0]  }
0x1ce: {  	[tilespmem:s30+$0x2200] =	vst v15;
	v8 =	vmul.f32 v19, v8;
	v15 =	vld [tilespmem:s30+$0x22C0]  }
0x1cf: {  	[tilespmem:s30+$0x2210] =	vst v14;
	v14 =	vmul.f32 v20, v7;
	v19 =	vld [tilespmem:s30+$0x22D0]  }
0x1d0: {  	[tilespmem:s30+$0x2220] =	vst v13;
	v13 =	vmul.f32 v16, v7;
	v16 =	vld [tilespmem:s30+$0x22E0]  }
0x1d1: {  	[tilespmem:s30+$0x2230] =	vst v12;
	v12 =	vmul.f32 v18, v7;
	v18 =	vld [tilespmem:s30+$0x22F0]  }
0x1d2: {  	[tilespmem:s30+$0x2240] =	vst v11;
	v11 =	vmul.f32 v17, v7;
	v17 =	vld [tilespmem:s30+$0x2300]  }
0x1d3: {  	[tilespmem:s30+$0x2250] =	vst v10;
	v10 =	vmul.f32 v15, v7;
	v15 =	vld [tilespmem:s30+$0x2310]  }
0x1d4: {  	[tilespmem:s30+$0x2260] =	vst v9;
	v19 =	vmul.f32 v19, v7;
	v9 =	vld [tilespmem:s30+$0x2320]  }
0x1d5: {  	[tilespmem:s30+$0x2270] =	vst v8;
	v16 =	vmul.f32 v16, v7;
	v20 =	vld [tilespmem:s30+$0x2330]  }
0x1d6: {  	[tilespmem:s30+$0x2280] =	vst v14;
	v21 =	vmul.f32 v18, v7;
	v14 =	vld [tilespmem:s30+$0x2340]  }
0x1d7: {  	[tilespmem:s30+$0x2290] =	vst v13;
	v7 =	vmul.f32 v17, v6;
	v17 =	vld [tilespmem:s30+$0x2350]  }
0x1d8: {  	[tilespmem:s30+$0x22A0] =	vst v12;
	v8 =	vmul.f32 v15, v6;
	v22 =	vld [tilespmem:s30+$0x2360]  }
.Ltmp1:
0x1d9: {  	[tilespmem:s30+$0x22B0] =	vst v11;
	v18 =	vmul.f32 v9, v6;
	v9 =	vld [tilespmem:s30+$0x2370];
	(pc) =	sbr.rel @p0 .LBB2_6-.Ltmp1, $4  }
0x1da: {  	[tilespmem:s30+$0x22C0] =	vst v10;
	v15 =	vmul.f32 v20, v6;
	v10 =	vld [tilespmem:s30+$0x2380]  }
0x1db: {  	[tilespmem:s30+$0x22D0] =	vst v19;
	v13 =	vmul.f32 v14, v6;
	v11 =	vld [tilespmem:s30+$0x2390]  }
0x1dc: {  	[tilespmem:s30+$0x22E0] =	vst v16;
	v14 =	vmul.f32 v17, v6;
	v12 =	vld [tilespmem:s30+$0x23A0]  }
0x1dd: {  	s2 =	sadd.s32 $0x1, s2;
	s9 =	sshll.u32 s1, $0x4;
	[tilespmem:s30+$0x22F0] =	vst v21;
	v17 =	vmul.f32 v22, v6;
	v16 =	vld [tilespmem:s30+$0x23B0]  }
0x1de: {  	_ =	sdelay $0x2  }
0x1df: {  	[tilespmem:s30+$0x2300] =	vst v7;
	s2 =	sand.u32 $0x3FFFFFF0, s9  }
0x1e0: {  	[tilespmem:s30+$0x2310] =	vst v8;
	s1 =	sshll.u32 s1, $0xB;
	v8 =	vld.idx.msk [tilespmem:v3+s2+$0x0 ss:$0x1], $0xffff  }
0x1e1: {  	[tilespmem:s30+$0x2330] =	vst v15;
	s1 =	sand.u32 $0x3FFFF800, s1  }
0x1e2: {  	[tilespmem:s30+$0x2340] =	vst v13;
	v9 =	vmul.f32 v9, v6;
	v15 =	vld [tilespmem:s1+$0x23F0]  }
0x1e3: {  	[tilespmem:s30+$0x2350] =	vst v14;
	v10 =	vmul.f32 v10, v2  }
0x1e4: {  	v19 =	vld [tilespmem:s30+$0x23C0];
	v11 =	vmul.f32 v11, v2;
	[tilespmem:s30+$0x2370] =	vst v9  }
0x1e5: {  	v13 =	vld [tilespmem:s1+$0x1C10];
	v9 =	vmul.f32 v12, v2;
	[tilespmem:s30+$0x2380] =	vst v10;
	v6 =	vbroadcast v8, $0xF  }
0x1e6: {  	v10 =	vld [tilespmem:s1+$0x1C00];
	[tilespmem:s30+$0x2390] =	vst v11;
	v11 =	vmul.f32 v16, v2  }
0x1e7: {  	v14 =	vld [tilespmem:s1+$0x1C20];
	[tilespmem:s30+$0x23A0] =	vst v9;
	v12 =	vmul.f32 v15, v6  }
0x1e8: {  	v16 =	vld [tilespmem:s1+$0x1CB0];
	[tilespmem:s30+$0x23B0] =	vst v11  }
0x1e9: {  	v9 =	vmul.f32 v19, v2;
	v11 =	vld [tilespmem:s1+$0x1C40];
	[tilespmem:s1+$0x23F0] =	vst v12;
	v12 =	vbroadcast v8, $0x0  }
0x1ea: {  	[tilespmem:s31+$0x23D0] =	vst v5;
	v15 =	vld [tilespmem:s1+$0x1C30]  }
0x1eb: {  	[tilespmem:s30+$0x23C0] =	vst v9;
	v9 =	vld [tilespmem:s1+$0x1C50];
	v5 =	vmul.f32 v12, v10  }
0x1ec: {  	[tilespmem:s31+$0x23E0] =	vst v4;
	v10 =	vld [tilespmem:s1+$0x1C60];
	v4 =	vmul.f32 v13, v12  }
0x1ed: {  	v13 =	vld [tilespmem:s1+$0x1C70];
	v14 =	vmul.f32 v14, v12;
	[tilespmem:s1+$0x1C00] =	vst v5  }
0x1ee: {  	v11 =	vmul.f32 v11, v12;
	v5 =	vld [tilespmem:s1+$0x1C80];
	[tilespmem:s1+$0x1C10] =	vst v4  }
0x1ef: {  	v15 =	vmul.f32 v15, v12;
	v4 =	vld [tilespmem:s1+$0x1C90];
	[tilespmem:s1+$0x1C20] =	vst v14  }
0x1f0: {  	v9 =	vmul.f32 v9, v12;
	v14 =	vld [tilespmem:s1+$0x1CA0];
	[tilespmem:s1+$0x1C40] =	vst v11  }
0x1f1: {  	v11 =	vld [tilespmem:s1+$0x1CC0];
	[tilespmem:s1+$0x1C30] =	vst v15;
	v15 =	vbroadcast v8, $0x1;
	v10 =	vmul.f32 v10, v12  }
0x1f2: {  	[tilespmem:s1+$0x1C50] =	vst v9;
	v9 =	vld [tilespmem:s1+$0x1CD0];
	v12 =	vmul.f32 v13, v12  }
0x1f3: {  	v13 =	vld [tilespmem:s1+$0x1CF0];
	v5 =	vmul.f32 v5, v15;
	[tilespmem:s1+$0x1C60] =	vst v10  }
0x1f4: {  	v10 =	vld [tilespmem:s1+$0x1CE0];
	v4 =	vmul.f32 v4, v15;
	[tilespmem:s1+$0x1C70] =	vst v12  }
0x1f5: {  	v12 =	vmul.f32 v14, v15;
	v14 =	vld [tilespmem:s1+$0x1D00];
	[tilespmem:s1+$0x1C80] =	vst v5  }
0x1f6: {  	v5 =	vmul.f32 v16, v15;
	[tilespmem:s1+$0x1C90] =	vst v4;
	v4 =	vmul.f32 v11, v15;
	v11 =	vld [tilespmem:s1+$0x1D10]  }
0x1f7: {  	[tilespmem:s1+$0x1CA0] =	vst v12;
	v12 =	vld [tilespmem:s1+$0x1D20]  }
0x1f8: {  	v9 =	vmul.f32 v9, v15;
	v16 =	vld [tilespmem:s1+$0x1D30];
	[tilespmem:s1+$0x1CB0] =	vst v5  }
0x1f9: {  	v5 =	vbroadcast v8, $0x2;
	[tilespmem:s1+$0x1CC0] =	vst v4;
	v4 =	vmul.f32 v13, v15;
	v13 =	vld [tilespmem:s1+$0x1D40]  }
0x1fa: {  	[tilespmem:s1+$0x1CD0] =	vst v9;
	v10 =	vmul.f32 v10, v15;
	v15 =	vld [tilespmem:s1+$0x1D80]  }
0x1fb: {  	v9 =	vmul.f32 v14, v5;
	v14 =	vld [tilespmem:s1+$0x1D50];
	[tilespmem:s1+$0x1CF0] =	vst v4  }
0x1fc: {  	[tilespmem:s1+$0x1CE0] =	vst v10;
	v10 =	vmul.f32 v11, v5;
	v11 =	vld [tilespmem:s1+$0x1D60]  }
0x1fd: {  	v4 =	vmul.f32 v12, v5;
	v12 =	vld [tilespmem:s1+$0x1D70];
	[tilespmem:s1+$0x1D00] =	vst v9  }
0x1fe: {  	v9 =	vmul.f32 v16, v5;
	v16 =	vld [tilespmem:s1+$0x1DB0];
	[tilespmem:s1+$0x1D10] =	vst v10  }
0x1ff: {  	v10 =	vmul.f32 v13, v5;
	v13 =	vld [tilespmem:s1+$0x1D90];
	[tilespmem:s1+$0x1D20] =	vst v4  }
0x200: {  	[tilespmem:s1+$0x1D30] =	vst v9;
	v4 =	vmul.f32 v14, v5;
	v14 =	vld [tilespmem:s1+$0x1DA0]  }
0x201: {  	v9 =	vbroadcast v8, $0x3;
	[tilespmem:s1+$0x1D40] =	vst v10;
	v10 =	vld [tilespmem:s1+$0x1DC0];
	v11 =	vmul.f32 v11, v5  }
0x202: {  	v5 =	vmul.f32 v12, v5;
	v12 =	vld [tilespmem:s1+$0x1DD0];
	[tilespmem:s1+$0x1D50] =	vst v4  }
0x203: {  	v4 =	vmul.f32 v15, v9;
	v15 =	vld [tilespmem:s1+$0x1E00];
	[tilespmem:s1+$0x1D60] =	vst v11  }
0x204: {  	v11 =	vmul.f32 v13, v9;
	v13 =	vld [tilespmem:s1+$0x1DE0];
	[tilespmem:s1+$0x1D70] =	vst v5  }
0x205: {  	[tilespmem:s1+$0x1D80] =	vst v4;
	v4 =	vmul.f32 v16, v9;
	v16 =	vld [tilespmem:s1+$0x1E30]  }
0x206: {  	v5 =	vmul.f32 v14, v9;
	v14 =	vld [tilespmem:s1+$0x1DF0];
	[tilespmem:s1+$0x1D90] =	vst v11  }
0x207: {  	v10 =	vmul.f32 v10, v9;
	v11 =	vld [tilespmem:s1+$0x1E10];
	[tilespmem:s1+$0x1DB0] =	vst v4  }
0x208: {  	v4 =	vbroadcast v8, $0x4;
	[tilespmem:s1+$0x1DA0] =	vst v5;
	v5 =	vmul.f32 v12, v9;
	v12 =	vld [tilespmem:s1+$0x1E20]  }
0x209: {  	[tilespmem:s1+$0x1DC0] =	vst v10;
	v13 =	vmul.f32 v13, v9  }
0x20a: {  	v10 =	vld [tilespmem:s1+$0x1E40];
	[tilespmem:s1+$0x1DD0] =	vst v5;
	v5 =	vmul.f32 v15, v4  }
0x20b: {  	v9 =	vmul.f32 v14, v9;
	v14 =	vld [tilespmem:s1+$0x1E50];
	[tilespmem:s1+$0x1DE0] =	vst v13  }
0x20c: {  	v11 =	vmul.f32 v11, v4;
	v13 =	vld [tilespmem:s1+$0x1E60];
	[tilespmem:s1+$0x1E00] =	vst v5  }
0x20d: {  	v5 =	vmul.f32 v16, v4;
	[tilespmem:s1+$0x1DF0] =	vst v9;
	v9 =	vmul.f32 v12, v4;
	v12 =	vld [tilespmem:s1+$0x1E70]  }
0x20e: {  	v15 =	vld [tilespmem:s1+$0x1E80];
	[tilespmem:s1+$0x1E10] =	vst v11  }
0x20f: {  	v10 =	vmul.f32 v10, v4;
	v11 =	vld [tilespmem:s1+$0x1E90];
	[tilespmem:s1+$0x1E30] =	vst v5  }
0x210: {  	v16 =	vld [tilespmem:s1+$0x1EB0];
	[tilespmem:s1+$0x1E20] =	vst v9;
	v9 =	vmul.f32 v14, v4  }
0x211: {  	v5 =	vbroadcast v8, $0x5;
	[tilespmem:s1+$0x1E40] =	vst v10;
	v14 =	vld [tilespmem:s1+$0x1EA0];
	v13 =	vmul.f32 v13, v4  }
0x212: {  	v10 =	vld [tilespmem:s1+$0x1EC0];
	v4 =	vmul.f32 v12, v4;
	[tilespmem:s1+$0x1E50] =	vst v9  }
0x213: {  	v9 =	vmul.f32 v15, v5;
	v12 =	vld [tilespmem:s1+$0x1ED0];
	[tilespmem:s1+$0x1E60] =	vst v13  }
0x214: {  	v11 =	vmul.f32 v11, v5;
	v13 =	vld [tilespmem:s1+$0x1EE0];
	[tilespmem:s1+$0x1E70] =	vst v4  }
0x215: {  	v15 =	vld [tilespmem:s1+$0x1F00];
	[tilespmem:s1+$0x1E80] =	vst v9;
	v9 =	vmul.f32 v16, v5  }
0x216: {  	[tilespmem:s1+$0x1E90] =	vst v11;
	v11 =	vld [tilespmem:s1+$0x1F10];
	v4 =	vmul.f32 v14, v5  }
0x217: {  	v10 =	vmul.f32 v10, v5;
	v16 =	vld [tilespmem:s1+$0x1F30];
	[tilespmem:s1+$0x1EB0] =	vst v9  }
0x218: {  	v14 =	vld [tilespmem:s1+$0x1EF0];
	[tilespmem:s1+$0x1EA0] =	vst v4;
	v4 =	vmul.f32 v12, v5  }
0x219: {  	v9 =	vbroadcast v8, $0x6;
	[tilespmem:s1+$0x1EC0] =	vst v10;
	v10 =	vld [tilespmem:s1+$0x1F40];
	v13 =	vmul.f32 v13, v5  }
0x21a: {  	v12 =	vld [tilespmem:s1+$0x1F20];
	[tilespmem:s1+$0x1ED0] =	vst v4  }
0x21b: {  	v4 =	vmul.f32 v15, v9;
	[tilespmem:s1+$0x1EE0] =	vst v13;
	v13 =	vld [tilespmem:s1+$0x1F60]  }
0x21c: {  	[tilespmem:s30+$0x2320] =	vst v18;
	v11 =	vmul.f32 v11, v9;
	v15 =	vld [tilespmem:s1+$0x1F80]  }
0x21d: {  	v5 =	vmul.f32 v14, v5;
	v14 =	vld [tilespmem:s1+$0x1F50];
	[tilespmem:s1+$0x1F00] =	vst v4  }
0x21e: {  	v4 =	vmul.f32 v16, v9;
	[tilespmem:s1+$0x1F10] =	vst v11;
	v11 =	vld [tilespmem:s1+$0x1F90]  }
0x21f: {  	v10 =	vmul.f32 v10, v9;
	[tilespmem:s1+$0x1EF0] =	vst v5;
	v5 =	vmul.f32 v12, v9;
	v12 =	vld [tilespmem:s1+$0x1F70]  }
0x220: {  	v16 =	vld [tilespmem:s1+$0x1FB0];
	[tilespmem:s1+$0x1F30] =	vst v4  }
0x221: {  	v4 =	vbroadcast v8, $0x7;
	[tilespmem:s1+$0x1F40] =	vst v10;
	v10 =	vld [tilespmem:s1+$0x1FC0];
	v13 =	vmul.f32 v13, v9  }
0x222: {  	[tilespmem:s1+$0x1F20] =	vst v5;
	v5 =	vmul.f32 v14, v9;
	v14 =	vld [tilespmem:s1+$0x1FA0]  }
0x223: {  	[tilespmem:s1+$0x1F60] =	vst v13;
	v11 =	vmul.f32 v11, v4;
	v13 =	vld [tilespmem:s1+$0x1FE0]  }
0x224: {  	v9 =	vmul.f32 v12, v9;
	[tilespmem:s1+$0x1F50] =	vst v5;
	v12 =	vld [tilespmem:s1+$0x1FD0]  }
0x225: {  	v5 =	vmul.f32 v15, v4;
	v15 =	vld [tilespmem:s1+$0x2000];
	[tilespmem:s1+$0x1F90] =	vst v11  }
0x226: {  	v10 =	vmul.f32 v10, v4;
	v11 =	vld [tilespmem:s1+$0x2010];
	[tilespmem:s1+$0x1F70] =	vst v9  }
0x227: {  	[tilespmem:s1+$0x1F80] =	vst v5;
	v5 =	vmul.f32 v16, v4;
	v16 =	vld [tilespmem:s1+$0x2030]  }
0x228: {  	v9 =	vmul.f32 v14, v4;
	v14 =	vld [tilespmem:s1+$0x1FF0];
	[tilespmem:s1+$0x1FC0] =	vst v10  }
0x229: {  	v10 =	vld [tilespmem:s1+$0x2040];
	[tilespmem:s1+$0x1FB0] =	vst v5;
	v5 =	vbroadcast v8, $0x8;
	v13 =	vmul.f32 v13, v4  }
0x22a: {  	[tilespmem:s1+$0x1FA0] =	vst v9;
	v9 =	vmul.f32 v12, v4;
	v12 =	vld [tilespmem:s1+$0x2020]  }
0x22b: {  	[tilespmem:s1+$0x1FE0] =	vst v13;
	v11 =	vmul.f32 v11, v5;
	v13 =	vld [tilespmem:s1+$0x2060]  }
0x22c: {  	[tilespmem:s1+$0x1FD0] =	vst v9;
	v9 =	vmul.f32 v15, v5;
	v15 =	vld [tilespmem:s1+$0x2080]  }
0x22d: {  	v4 =	vmul.f32 v14, v4;
	v14 =	vld [tilespmem:s1+$0x2050];
	[tilespmem:s1+$0x2010] =	vst v11  }
0x22e: {  	v10 =	vmul.f32 v10, v5;
	v11 =	vld [tilespmem:s1+$0x2090];
	[tilespmem:s1+$0x2000] =	vst v9  }
0x22f: {  	v9 =	vmul.f32 v16, v5;
	[tilespmem:s1+$0x1FF0] =	vst v4;
	v4 =	vmul.f32 v12, v5;
	v12 =	vld [tilespmem:s1+$0x2070]  }
0x230: {  	[tilespmem:s1+$0x2040] =	vst v10;
	v10 =	vld [tilespmem:s1+$0x20C0]  }
0x231: {  	v16 =	vld [tilespmem:s1+$0x20B0];
	[tilespmem:s1+$0x2030] =	vst v9;
	v9 =	vbroadcast v8, $0x9;
	v13 =	vmul.f32 v13, v5  }
0x232: {  	[tilespmem:s1+$0x2020] =	vst v4;
	v4 =	vmul.f32 v14, v5;
	v14 =	vld [tilespmem:s1+$0x20A0]  }
0x233: {  	[tilespmem:s1+$0x2060] =	vst v13;
	v11 =	vmul.f32 v11, v9;
	v13 =	vld [tilespmem:s1+$0x20E0]  }
0x234: {  	v5 =	vmul.f32 v12, v5;
	[tilespmem:s1+$0x2050] =	vst v4;
	v4 =	vmul.f32 v15, v9;
	v12 =	vld [tilespmem:s1+$0x20D0]  }
0x235: {  	v15 =	vld [tilespmem:s1+$0x2100];
	[tilespmem:s1+$0x2090] =	vst v11;
	v10 =	vmul.f32 v10, v9  }
0x236: {  	v11 =	vld [tilespmem:s1+$0x2110];
	[tilespmem:s1+$0x2080] =	vst v4  }
0x237: {  	v4 =	vmul.f32 v16, v9;
	[tilespmem:s1+$0x20C0] =	vst v10;
	v10 =	vld [tilespmem:s1+$0x2140]  }
0x238: {  	[tilespmem:s1+$0x2070] =	vst v5;
	v5 =	vmul.f32 v14, v9;
	v14 =	vld [tilespmem:s1+$0x20F0]  }
0x239: {  	v16 =	vld [tilespmem:s1+$0x2130];
	v13 =	vmul.f32 v13, v9;
	[tilespmem:s1+$0x20B0] =	vst v4;
	v4 =	vbroadcast v8, $0xA  }
0x23a: {  	[tilespmem:s1+$0x20A0] =	vst v5;
	v5 =	vmul.f32 v12, v9;
	v12 =	vld [tilespmem:s1+$0x2120]  }
0x23b: {  	[tilespmem:s1+$0x20E0] =	vst v13;
	v13 =	vld [tilespmem:s1+$0x2160];
	v11 =	vmul.f32 v11, v4  }
0x23c: {  	[tilespmem:s1+$0x20D0] =	vst v5;
	v5 =	vmul.f32 v15, v4;
	v15 =	vld [tilespmem:s1+$0x2180]  }
0x23d: {  	v10 =	vmul.f32 v10, v4;
	v9 =	vmul.f32 v14, v9;
	v14 =	vld [tilespmem:s1+$0x2150];
	[tilespmem:s1+$0x2110] =	vst v11  }
0x23e: {  	v11 =	vld [tilespmem:s1+$0x2190];
	[tilespmem:s1+$0x2100] =	vst v5  }
0x23f: {  	v5 =	vmul.f32 v16, v4;
	[tilespmem:s1+$0x2140] =	vst v10;
	v10 =	vld [tilespmem:s1+$0x21C0]  }
0x240: {  	[tilespmem:s1+$0x20F0] =	vst v9;
	v9 =	vmul.f32 v12, v4;
	v12 =	vld [tilespmem:s1+$0x2170]  }
0x241: {  	v7 =	vld [tilespmem:s30+$0x23D0];
	v13 =	vmul.f32 v13, v4;
	[tilespmem:s1+$0x2130] =	vst v5;
	v5 =	vbroadcast v8, $0xB  }
0x242: {  	v16 =	vld [tilespmem:s1+$0x21B0];
	[tilespmem:s1+$0x2120] =	vst v9;
	v9 =	vmul.f32 v14, v4  }
0x243: {  	[tilespmem:s1+$0x2160] =	vst v13;
	v13 =	vld [tilespmem:s1+$0x21E0];
	v11 =	vmul.f32 v11, v5  }
0x244: {  	v14 =	vld [tilespmem:s1+$0x21A0];
	v10 =	vmul.f32 v10, v5;
	[tilespmem:s1+$0x2150] =	vst v9  }
0x245: {  	v4 =	vmul.f32 v12, v4;
	v9 =	vmul.f32 v15, v5;
	v12 =	vld [tilespmem:s1+$0x21D0];
	[tilespmem:s1+$0x2190] =	vst v11  }
0x246: {  	v15 =	vld [tilespmem:s1+$0x2200];
	[tilespmem:s1+$0x21C0] =	vst v10  }
0x247: {  	v11 =	vld [tilespmem:s1+$0x2210];
	[tilespmem:s1+$0x2180] =	vst v9;
	v9 =	vmul.f32 v16, v5  }
0x248: {  	v10 =	vld [tilespmem:s1+$0x2240];
	[tilespmem:s1+$0x2170] =	vst v4;
	v13 =	vmul.f32 v13, v5  }
0x249: {  	v4 =	vmul.f32 v14, v5;
	v14 =	vld [tilespmem:s1+$0x21F0];
	[tilespmem:s1+$0x21B0] =	vst v9  }
0x24a: {  	v16 =	vld [tilespmem:s1+$0x2230];
	v9 =	vbroadcast v8, $0xC;
	[tilespmem:s1+$0x21E0] =	vst v13  }
0x24b: {  	v13 =	vld [tilespmem:s1+$0x2260];
	[tilespmem:s1+$0x21A0] =	vst v4;
	v4 =	vmul.f32 v12, v5  }
0x24c: {  	[tilespmem:s30+$0x2360] =	vst v17;
	v12 =	vld [tilespmem:s1+$0x2220];
	v11 =	vmul.f32 v11, v9  }
0x24d: {  	v10 =	vmul.f32 v10, v9;
	[tilespmem:s1+$0x21D0] =	vst v4;
	v4 =	vmul.f32 v15, v9;
	v15 =	vld [tilespmem:s1+$0x2280]  }
0x24e: {  	v5 =	vmul.f32 v14, v5;
	v14 =	vld [tilespmem:s1+$0x2250];
	[tilespmem:s1+$0x2210] =	vst v11  }
0x24f: {  	v11 =	vld [tilespmem:s1+$0x2290];
	[tilespmem:s1+$0x2240] =	vst v10  }
0x250: {  	v10 =	vld [tilespmem:s1+$0x22C0];
	[tilespmem:s1+$0x2200] =	vst v4;
	v4 =	vmul.f32 v16, v9  }
0x251: {  	[tilespmem:s1+$0x21F0] =	vst v5;
	v5 =	vmul.f32 v12, v9;
	v12 =	vld [tilespmem:s1+$0x2270]  }
0x252: {  	v3 =	vld [tilespmem:s30+$0x23E0];
	v13 =	vmul.f32 v13, v9;
	[tilespmem:s1+$0x2230] =	vst v4;
	v4 =	vbroadcast v8, $0xD  }
0x253: {  	v16 =	vld [tilespmem:s1+$0x22B0];
	[tilespmem:s1+$0x2220] =	vst v5;
	v5 =	vmul.f32 v14, v9  }
0x254: {  	[tilespmem:s1+$0x2260] =	vst v13;
	v14 =	vld [tilespmem:s1+$0x22A0];
	v11 =	vmul.f32 v11, v4  }
0x255: {  	v13 =	vld [tilespmem:s1+$0x22E0];
	v10 =	vmul.f32 v10, v4;
	[tilespmem:s1+$0x2250] =	vst v5  }
0x256: {  	v9 =	vmul.f32 v12, v9;
	v5 =	vmul.f32 v15, v4;
	v12 =	vld [tilespmem:s1+$0x22D0];
	[tilespmem:s1+$0x2290] =	vst v11  }
0x257: {  	v15 =	vld [tilespmem:s1+$0x2300];
	[tilespmem:s1+$0x22C0] =	vst v10  }
0x258: {  	v11 =	vld [tilespmem:s1+$0x2310];
	[tilespmem:s1+$0x2280] =	vst v5;
	v5 =	vmul.f32 v16, v4  }
0x259: {  	[tilespmem:s1+$0x2270] =	vst v9;
	v9 =	vmul.f32 v14, v4;
	v14 =	vld [tilespmem:s1+$0x22F0]  }
0x25a: {  	v7 =	vmul.f32 v7, v2;
	v10 =	vld [tilespmem:s1+$0x2340];
	[tilespmem:s1+$0x22B0] =	vst v5;
	v5 =	vbroadcast v8, $0xE  }
0x25b: {  	v8 =	vmul.f32 v13, v4;
	[tilespmem:s1+$0x22A0] =	vst v9;
	v9 =	vmul.f32 v12, v4;
	v12 =	vld [tilespmem:s1+$0x2320]  }
0x25c: {  	[tilespmem:s30+$0x23D0] =	vst v7;
	v13 =	vld [tilespmem:s1+$0x2330]  }
0x25d: {  	[tilespmem:s1+$0x22E0] =	vst v8;
	v8 =	vmul.f32 v11, v5  }
0x25e: {  	v11 =	vld [tilespmem:s1+$0x2360];
	[tilespmem:s1+$0x22D0] =	vst v9;
	v4 =	vmul.f32 v14, v4  }
0x25f: {  	v9 =	vmul.f32 v15, v5;
	v14 =	vld [tilespmem:s1+$0x2350];
	[tilespmem:s1+$0x2310] =	vst v8  }
0x260: {  	v8 =	vmul.f32 v10, v5;
	[tilespmem:s1+$0x22F0] =	vst v4;
	v4 =	vmul.f32 v12, v5;
	v12 =	vld [tilespmem:s1+$0x2370]  }
0x261: {  	[tilespmem:s1+$0x2300] =	vst v9;
	v9 =	vmul.f32 v13, v5;
	v13 =	vld [tilespmem:s1+$0x2380]  }
0x262: {  	[tilespmem:s1+$0x2340] =	vst v8  }
0x263: {  	v10 =	vld [tilespmem:s1+$0x2390];
	[tilespmem:s1+$0x2330] =	vst v9;
	v9 =	vmul.f32 v11, v5  }
0x264: {  	v8 =	vld [tilespmem:s1+$0x23C0];
	[tilespmem:s1+$0x2320] =	vst v4;
	v4 =	vmul.f32 v14, v5  }
0x265: {  	v11 =	vld [tilespmem:s1+$0x23B0];
	[tilespmem:s1+$0x2360] =	vst v9;
	v5 =	vmul.f32 v12, v5  }
0x266: {  	v14 =	vld [tilespmem:s1+$0x23A0];
	[tilespmem:s1+$0x2350] =	vst v4;
	v4 =	vmul.f32 v13, v6  }
0x267: {  	v2 =	vmul.f32 v3, v2;
	[tilespmem:s1+$0x2370] =	vst v5;
	v5 =	vld [tilespmem:s1+$0x23D0]  }
0x268: {  	v9 =	vmul.f32 v10, v6;
	[tilespmem:s1+$0x2380] =	vst v4;
	v4 =	vld [tilespmem:s1+$0x23E0]  }
0x269: {  	[tilespmem:s30+$0x23E0] =	vst v2;
	v8 =	vmul.f32 v8, v6  }
0x26a: {  	[tilespmem:s1+$0x2390] =	vst v9;
	v11 =	vmul.f32 v11, v6  }
0x26b: {  	[tilespmem:s1+$0x23C0] =	vst v8;
	v10 =	vmul.f32 v14, v6  }
0x26c: {  	[tilespmem:s1+$0x23B0] =	vst v11;
	v3 =	vmul.f32 v5, v6  }
0x26d: {  	[tilespmem:s1+$0x23A0] =	vst v10;
	v2 =	vmul.f32 v4, v6  }
0x26e: {  	[tilespmem:s1+$0x23D0] =	vst v3  }
0x26f: {  	s31 =	sadd.s32 $0xC00, s29;
	[tilespmem:s1+$0x23E0] =	vst v2  }
0x270: {  	[spmem:s4] =	stream.indirect.scatter.add.f32 [tilespmem:s16], [sflag:$0x3], $0x80, s31, s20, $0xb8;
	[tilespmem:$0x1DC00] =	vst v63  }
0x271: {  	s2 =	sadd.s32 $0x1400, s28;
	_ =	swait.ge [sflag:s17], $0x4000  }
0x272: {  	v3 =	vmov s2;
	[sflag:s17] =	ssyncset.done $0x0  }
0x273: {  	[sflag:s17] =	ssyncadd.s32 $0xFFFFC000  }
0x274: {  	_ =	swait.ge [sflag:s23], $0x4000  }
0x275: {  	s9 =	simm.s32 $0x0;
	[sflag:s23] =	ssyncset.done $0x0  }
0x276: {  	s1 =	sand.u32 $0x3FFFFFF0, s9;
	s31 =	simm.s32 $0x0;
	[sflag:s23] =	ssyncadd.s32 $0xFFFFC000  }
0x277: {  	s30 =	sand.u32 $0x3FFFF800, s31;
	v6 =	vld.idx.msk [tilespmem:v3+s1+$0x0 ss:$0x1], $0xffff  }
0x278: {  	v2 =	vld [tilespmem:s30+$0x63F0]  }
0x279: {  	v5 =	vld [tilespmem:s30+$0x5C00]  }
0x27a: {  	v7 =	vld [tilespmem:s30+$0x5C10]  }
0x27b: {  	v8 =	vld [tilespmem:s30+$0x5C20]  }
0x27c: {  	v9 =	vld [tilespmem:s30+$0x5C30]  }
0x27d: {  	v10 =	vld [tilespmem:s30+$0x5C40]  }
0x27e: {  	v11 =	vld [tilespmem:s30+$0x5C50]  }
0x27f: {  	v12 =	vld [tilespmem:s30+$0x5C60]  }
0x280: {  	v14 =	vld [tilespmem:s30+$0x5C80]  }
0x281: {  	v15 =	vld [tilespmem:s30+$0x5C90]  }
0x282: {  	v16 =	vld [tilespmem:s30+$0x5CA0]  }
0x283: {  	v19 =	vld [tilespmem:s30+$0x5D60];
	v4 =	vbroadcast v6, $0xF  }
0x284: {  	v32 =	vld [tilespmem:s30+$0x5D80];
	v13 =	vbroadcast v6, $0x0  }
0x285: {  	s31 =	simm.s32 $0x800;
	v17 =	vld [tilespmem:s30+$0x5CB0];
	v2 =	vmul.f32 v2, v4  }
0x286: {  	s29 =	sand.u32 $0x3FFFF800, s31;
	v18 =	vld [tilespmem:s30+$0x5CC0];
	v56 =	vbroadcast v6, $0x2;
	v5 =	vmul.f32 v13, v5  }
0x287: {  	v20 =	vld [tilespmem:s29+$0x63F0];
	v36 =	vbroadcast v6, $0x3;
	v7 =	vmul.f32 v7, v13;
	[tilespmem:s30+$0x63F0] =	vst v2  }
0x288: {  	v21 =	vld [tilespmem:s29+$0x5C00];
	v19 =	vmul.f32 v19, v56;
	[tilespmem:s30+$0x5C00] =	vst v5  }
0x289: {  	v22 =	vld [tilespmem:s29+$0x5C10];
	v38 =	vmul.f32 v32, v36;
	[tilespmem:s30+$0x5C10] =	vst v7  }
0x28a: {  	v2 =	vld [tilespmem:s30+$0x5C70];
	v5 =	vmul.f32 v8, v13;
	[tilespmem:s30+$0x5D60] =	vst v19  }
0x28b: {  	v23 =	vld [tilespmem:s29+$0x5C20];
	v8 =	vmul.f32 v9, v13;
	[tilespmem:s30+$0x5D80] =	vst v38  }
0x28c: {  	v24 =	vld [tilespmem:s29+$0x5C30];
	[tilespmem:s30+$0x5C20] =	vst v5;
	v5 =	vmul.f32 v10, v13  }
0x28d: {  	v25 =	vld [tilespmem:s29+$0x5C40];
	[tilespmem:s30+$0x5C30] =	vst v8;
	v10 =	vmul.f32 v11, v13  }
0x28e: {  	v7 =	vld [tilespmem:s30+$0x5CD0];
	[tilespmem:s30+$0x5C40] =	vst v5;
	v5 =	vmul.f32 v12, v13;
	v12 =	vbroadcast v6, $0x1  }
0x28f: {  	v9 =	vld [tilespmem:s30+$0x5CE0];
	[tilespmem:s30+$0x5C50] =	vst v10;
	v2 =	vmul.f32 v2, v13  }
0x290: {  	v26 =	vld [tilespmem:s29+$0x5C50];
	[tilespmem:s30+$0x5C60] =	vst v5;
	v5 =	vmul.f32 v14, v12  }
0x291: {  	v8 =	vld [tilespmem:s30+$0x5CF0];
	v17 =	vmul.f32 v17, v12;
	[tilespmem:s30+$0x5C70] =	vst v2  }
0x292: {  	v11 =	vld [tilespmem:s30+$0x5D00];
	v18 =	vmul.f32 v18, v12;
	[tilespmem:s30+$0x5C80] =	vst v5  }
0x293: {  	v10 =	vld [tilespmem:s30+$0x5D10];
	v7 =	vmul.f32 v7, v12;
	[tilespmem:s30+$0x5CB0] =	vst v17  }
0x294: {  	v13 =	vld [tilespmem:s30+$0x5D20];
	v9 =	vmul.f32 v9, v12;
	[tilespmem:s30+$0x5CC0] =	vst v18  }
0x295: {  	s9 =	simm.s32 $0x10;
	v14 =	vld [tilespmem:s30+$0x5D30];
	v5 =	vmul.f32 v16, v12;
	[tilespmem:s30+$0x5CD0] =	vst v7  }
0x296: {  	s1 =	sand.u32 $0x3FFFFFF0, s9;
	v2 =	vmul.f32 v15, v12;
	v15 =	vld [tilespmem:s30+$0x5D40];
	[tilespmem:s30+$0x5CE0] =	vst v9  }
0x297: {  	v8 =	vmul.f32 v8, v12;
	[tilespmem:s30+$0x5CA0] =	vst v5;
	v5 =	vld.idx.msk [tilespmem:v3+s1+$0x0 ss:$0x1], $0xffff  }
0x298: {  	v11 =	vmul.f32 v11, v56;
	v16 =	vld [tilespmem:s30+$0x5D50];
	[tilespmem:s30+$0x5C90] =	vst v2  }
0x299: {  	v27 =	vld [tilespmem:s30+$0x5D70];
	[tilespmem:s30+$0x5CF0] =	vst v8;
	v10 =	vmul.f32 v10, v56  }
0x29a: {  	v29 =	vld [tilespmem:s29+$0x5C80];
	[tilespmem:s30+$0x5D00] =	vst v11;
	v13 =	vmul.f32 v13, v56  }
0x29b: {  	v30 =	vld [tilespmem:s29+$0x5C90];
	[tilespmem:s30+$0x5D10] =	vst v10;
	v14 =	vmul.f32 v14, v56  }
0x29c: {  	v31 =	vld [tilespmem:s29+$0x5CA0];
	[tilespmem:s30+$0x5D20] =	vst v13;
	v15 =	vmul.f32 v15, v56;
	v2 =	vbroadcast v5, $0xF  }
0x29d: {  	v55 =	vld [tilespmem:s30+$0x5D90];
	[tilespmem:s30+$0x5D30] =	vst v14;
	v16 =	vmul.f32 v16, v56;
	v28 =	vbroadcast v5, $0x0  }
0x29e: {  	v57 =	vld [tilespmem:s30+$0x5DB0];
	[tilespmem:s30+$0x5D40] =	vst v15;
	v20 =	vmul.f32 v20, v2  }
0x29f: {  	v58 =	vld [tilespmem:s30+$0x5DC0];
	[tilespmem:s30+$0x5D50] =	vst v16;
	v21 =	vmul.f32 v28, v21  }
0x2a0: {  	v17 =	vld [tilespmem:s29+$0x5C60];
	v22 =	vmul.f32 v22, v28;
	[tilespmem:s29+$0x63F0] =	vst v20  }
0x2a1: {  	v59 =	vld [tilespmem:s30+$0x5DD0];
	v23 =	vmul.f32 v23, v28;
	[tilespmem:s29+$0x5C00] =	vst v21  }
0x2a2: {  	v60 =	vld [tilespmem:s30+$0x5DE0];
	v24 =	vmul.f32 v24, v28;
	[tilespmem:s29+$0x5C10] =	vst v22  }
0x2a3: {  	v63 =	vld [tilespmem:s30+$0x5E10];
	v25 =	vmul.f32 v25, v28;
	[tilespmem:s29+$0x5C20] =	vst v23  }
0x2a4: {  	v18 =	vld [tilespmem:s29+$0x5CB0];
	v33 =	vbroadcast v5, $0x1;
	v26 =	vmul.f32 v26, v28;
	[tilespmem:s29+$0x5C30] =	vst v24  }
0x2a5: {  	v7 =	vld [tilespmem:s29+$0x5CC0];
	v17 =	vmul.f32 v17, v28;
	[tilespmem:s29+$0x5C40] =	vst v25  }
0x2a6: {  	v9 =	vld [tilespmem:s29+$0x5CD0];
	v61 =	vmul.f32 v29, v33;
	[tilespmem:s29+$0x5C50] =	vst v26  }
0x2a7: {  	v8 =	vld [tilespmem:s29+$0x5CE0];
	v62 =	vmul.f32 v30, v33;
	[tilespmem:s29+$0x5C60] =	vst v17  }
0x2a8: {  	v11 =	vld [tilespmem:s29+$0x5CF0];
	v35 =	vmul.f32 v31, v33;
	[tilespmem:s29+$0x5C80] =	vst v61  }
0x2a9: {  	v10 =	vld [tilespmem:s29+$0x5D00];
	v18 =	vmul.f32 v18, v33;
	[tilespmem:s29+$0x5C90] =	vst v62  }
0x2aa: {  	v13 =	vld [tilespmem:s29+$0x5D10];
	v7 =	vmul.f32 v7, v33;
	[tilespmem:s29+$0x5CA0] =	vst v35  }
0x2ab: {  	v19 =	vld [tilespmem:s29+$0x5D50];
	v9 =	vmul.f32 v9, v33;
	[tilespmem:s29+$0x5CB0] =	vst v18  }
0x2ac: {  	v14 =	vld [tilespmem:s29+$0x5D20];
	v44 =	vbroadcast v5, $0x2;
	v8 =	vmul.f32 v8, v33;
	[tilespmem:s29+$0x5CC0] =	vst v7  }
0x2ad: {  	v37 =	vld [tilespmem:s30+$0x5E20];
	v11 =	vmul.f32 v11, v33;
	[tilespmem:s29+$0x5CD0] =	vst v9  }
0x2ae: {  	v39 =	vld [tilespmem:s29+$0x5D60];
	v10 =	vmul.f32 v10, v44;
	[tilespmem:s29+$0x5CE0] =	vst v8  }
0x2af: {  	v12 =	vld [tilespmem:s30+$0x5DA0];
	v13 =	vmul.f32 v13, v44;
	[tilespmem:s29+$0x5CF0] =	vst v11  }
0x2b0: {  	v40 =	vld [tilespmem:s30+$0x5E30];
	v19 =	vmul.f32 v19, v44;
	[tilespmem:s29+$0x5D00] =	vst v10  }
0x2b1: {  	v41 =	vld [tilespmem:s29+$0x5D70];
	v14 =	vmul.f32 v14, v44;
	[tilespmem:s29+$0x5D10] =	vst v13  }
0x2b2: {  	v42 =	vld [tilespmem:s30+$0x5E40];
	v22 =	vmul.f32 v27, v56;
	[tilespmem:s29+$0x5D50] =	vst v19  }
0x2b3: {  	v43 =	vld [tilespmem:s30+$0x5E60];
	v18 =	vmul.f32 v55, v36;
	[tilespmem:s29+$0x5D20] =	vst v14  }
0x2b4: {  	v15 =	vld [tilespmem:s29+$0x5D30];
	v7 =	vmul.f32 v12, v36;
	[tilespmem:s30+$0x5D70] =	vst v22  }
0x2b5: {  	v45 =	vld [tilespmem:s30+$0x5E70];
	v9 =	vmul.f32 v57, v36;
	[tilespmem:s30+$0x5D90] =	vst v18  }
0x2b6: {  	v16 =	vld [tilespmem:s29+$0x5D40];
	v8 =	vmul.f32 v58, v36;
	[tilespmem:s30+$0x5DA0] =	vst v7  }
0x2b7: {  	v46 =	vld [tilespmem:s30+$0x5E80];
	v11 =	vmul.f32 v59, v36;
	[tilespmem:s30+$0x5DB0] =	vst v9  }
0x2b8: {  	v47 =	vld [tilespmem:s30+$0x5E90];
	v10 =	vmul.f32 v60, v36;
	[tilespmem:s30+$0x5DC0] =	vst v8  }
0x2b9: {  	v48 =	vld [tilespmem:s30+$0x5EA0];
	v15 =	vmul.f32 v15, v44;
	[tilespmem:s30+$0x5DD0] =	vst v11  }
0x2ba: {  	v49 =	vld [tilespmem:s30+$0x5EC0];
	v13 =	vbroadcast v6, $0x4;
	v21 =	vmul.f32 v41, v44;
	[tilespmem:s30+$0x5DE0] =	vst v10  }
0x2bb: {  	v50 =	vld [tilespmem:s30+$0x5ED0];
	v16 =	vmul.f32 v16, v44;
	[tilespmem:s29+$0x5D30] =	vst v15  }
0x2bc: {  	v20 =	vld [tilespmem:s29+$0x5C70];
	v15 =	vmul.f32 v63, v13;
	[tilespmem:s29+$0x5D70] =	vst v21  }
0x2bd: {  	v17 =	vld [tilespmem:s30+$0x5DF0];
	v22 =	vmul.f32 v39, v44;
	[tilespmem:s29+$0x5D40] =	vst v16  }
0x2be: {  	v12 =	vld [tilespmem:s29+$0x5D80];
	v19 =	vmul.f32 v40, v13;
	[tilespmem:s30+$0x5E10] =	vst v15  }
0x2bf: {  	v55 =	vld [tilespmem:s29+$0x5E30];
	v53 =	vmul.f32 v42, v13;
	[tilespmem:s29+$0x5D60] =	vst v22  }
0x2c0: {  	v18 =	vld [tilespmem:s30+$0x5E50];
	v16 =	vmul.f32 v37, v13;
	[tilespmem:s30+$0x5E30] =	vst v19  }
0x2c1: {  	v52 =	vbroadcast v5, $0x3;
	v7 =	vld [tilespmem:s29+$0x5D90];
	[tilespmem:s30+$0x5E40] =	vst v53;
	v20 =	vmul.f32 v20, v28  }
0x2c2: {  	v51 =	vld [tilespmem:s30+$0x5EE0];
	v62 =	vbroadcast v5, $0x4;
	v17 =	vmul.f32 v17, v36;
	[tilespmem:s30+$0x5E20] =	vst v16  }
0x2c3: {  	v9 =	vld [tilespmem:s29+$0x5DA0];
	v12 =	vmul.f32 v12, v52;
	[tilespmem:s29+$0x5C70] =	vst v20  }
0x2c4: {  	v8 =	vld [tilespmem:s29+$0x5DB0];
	v21 =	vmul.f32 v55, v62;
	[tilespmem:s30+$0x5DF0] =	vst v17  }
0x2c5: {  	v11 =	vld [tilespmem:s29+$0x5DC0];
	v18 =	vmul.f32 v18, v13;
	[tilespmem:s29+$0x5D80] =	vst v12  }
0x2c6: {  	v10 =	vld [tilespmem:s29+$0x5DD0];
	v7 =	vmul.f32 v7, v52;
	[tilespmem:s29+$0x5E30] =	vst v21  }
0x2c7: {  	v42 =	vld [tilespmem:s29+$0x5F00];
	v12 =	vmul.f32 v43, v13;
	[tilespmem:s30+$0x5E50] =	vst v18  }
0x2c8: {  	v15 =	vld [tilespmem:s29+$0x5E00];
	v9 =	vmul.f32 v9, v52;
	[tilespmem:s29+$0x5D90] =	vst v7  }
0x2c9: {  	v19 =	vld [tilespmem:s29+$0x5E20];
	v8 =	vmul.f32 v8, v52;
	[tilespmem:s30+$0x5E60] =	vst v12  }
0x2ca: {  	v53 =	vbroadcast v5, $0x6;
	v16 =	vld [tilespmem:s29+$0x5E10];
	v11 =	vmul.f32 v11, v52;
	[tilespmem:s29+$0x5DA0] =	vst v9  }
0x2cb: {  	v54 =	vld [tilespmem:s30+$0x5EF0];
	v10 =	vmul.f32 v10, v52;
	[tilespmem:s29+$0x5DB0] =	vst v8  }
0x2cc: {  	v38 =	vld [tilespmem:s30+$0x5FA0];
	v21 =	vmul.f32 v42, v53;
	[tilespmem:s29+$0x5DC0] =	vst v11  }
0x2cd: {  	v56 =	vld [tilespmem:s30+$0x5F00];
	[tilespmem:s29+$0x5DD0] =	vst v10;
	v15 =	vmul.f32 v15, v62  }
0x2ce: {  	v57 =	vld [tilespmem:s30+$0x5F10];
	v7 =	vbroadcast v6, $0x5;
	v19 =	vmul.f32 v19, v62;
	[tilespmem:s29+$0x5F00] =	vst v21  }
0x2cf: {  	v20 =	vld [tilespmem:s30+$0x5E00];
	v16 =	vmul.f32 v16, v62;
	[tilespmem:s29+$0x5E00] =	vst v15  }
0x2d0: {  	v17 =	vld [tilespmem:s29+$0x5DE0];
	v9 =	vmul.f32 v46, v7;
	[tilespmem:s29+$0x5E20] =	vst v19  }
0x2d1: {  	v58 =	vld [tilespmem:s30+$0x5F20];
	v8 =	vmul.f32 v47, v7;
	[tilespmem:s29+$0x5E10] =	vst v16  }
0x2d2: {  	v59 =	vld [tilespmem:s30+$0x5F30];
	v11 =	vmul.f32 v48, v7;
	[tilespmem:s30+$0x5E80] =	vst v9  }
0x2d3: {  	v60 =	vld [tilespmem:s30+$0x5F40];
	v15 =	vmul.f32 v51, v7;
	[tilespmem:s30+$0x5E90] =	vst v8  }
0x2d4: {  	v18 =	vld [tilespmem:s29+$0x5E40];
	v14 =	vmul.f32 v20, v13;
	[tilespmem:s30+$0x5EA0] =	vst v11  }
0x2d5: {  	v61 =	vld [tilespmem:s30+$0x5F50];
	v17 =	vmul.f32 v17, v52;
	[tilespmem:s30+$0x5EE0] =	vst v15  }
0x2d6: {  	v12 =	vld [tilespmem:s29+$0x5E50];
	v13 =	vmul.f32 v45, v13;
	v16 =	vbroadcast v6, $0x6;
	[tilespmem:s30+$0x5E00] =	vst v14  }
0x2d7: {  	v41 =	vld [tilespmem:s30+$0x5FC0];
	[tilespmem:s29+$0x5DE0] =	vst v17;
	v17 =	vmul.f32 v49, v7  }
0x2d8: {  	v63 =	vld [tilespmem:s30+$0x5F70];
	[tilespmem:s30+$0x5E70] =	vst v13;
	v19 =	vmul.f32 v56, v16  }
0x2d9: {  	v20 =	vld [tilespmem:s30+$0x5EB0];
	v18 =	vmul.f32 v18, v62;
	[tilespmem:s30+$0x5EC0] =	vst v17  }
0x2da: {  	v9 =	vld [tilespmem:s29+$0x5E70];
	v40 =	vmul.f32 v57, v16;
	[tilespmem:s30+$0x5F00] =	vst v19  }
0x2db: {  	v8 =	vld [tilespmem:s29+$0x5E80];
	v12 =	vmul.f32 v12, v62;
	[tilespmem:s29+$0x5E40] =	vst v18  }
0x2dc: {  	v11 =	vld [tilespmem:s29+$0x5E90];
	v18 =	vmul.f32 v58, v16;
	[tilespmem:s30+$0x5F10] =	vst v40  }
0x2dd: {  	v15 =	vld [tilespmem:s29+$0x5ED0];
	[tilespmem:s29+$0x5E50] =	vst v12;
	v12 =	vmul.f32 v59, v16  }
0x2de: {  	v45 =	vbroadcast v5, $0x5;
	v14 =	vld [tilespmem:s29+$0x5DF0];
	v10 =	vmul.f32 v20, v7;
	[tilespmem:s30+$0x5F20] =	vst v18  }
0x2df: {  	v13 =	vld [tilespmem:s29+$0x5E60];
	v9 =	vmul.f32 v9, v62;
	[tilespmem:s30+$0x5F30] =	vst v12  }
0x2e0: {  	v39 =	vld [tilespmem:s30+$0x5FB0];
	v8 =	vmul.f32 v8, v45;
	[tilespmem:s30+$0x5EB0] =	vst v10  }
0x2e1: {  	v44 =	vld [tilespmem:s30+$0x5FE0];
	v11 =	vmul.f32 v11, v45;
	[tilespmem:s29+$0x5E70] =	vst v9  }
0x2e2: {  	v37 =	vld [tilespmem:s30+$0x5F90];
	v15 =	vmul.f32 v15, v45;
	[tilespmem:s29+$0x5E80] =	vst v8  }
0x2e3: {  	v36 =	vld [tilespmem:s30+$0x5F80];
	v14 =	vmul.f32 v14, v52;
	[tilespmem:s29+$0x5E90] =	vst v11  }
0x2e4: {  	v17 =	vld [tilespmem:s29+$0x5EB0];
	v13 =	vmul.f32 v13, v62;
	[tilespmem:s29+$0x5ED0] =	vst v15  }
0x2e5: {  	v19 =	vld [tilespmem:s29+$0x5EF0];
	v9 =	vmul.f32 v61, v16;
	[tilespmem:s29+$0x5DF0] =	vst v14  }
0x2e6: {  	v20 =	vld [tilespmem:s30+$0x5F60];
	v14 =	vmul.f32 v50, v7;
	[tilespmem:s29+$0x5E60] =	vst v13  }
0x2e7: {  	v55 =	vld [tilespmem:s30+$0x6080];
	v7 =	vmul.f32 v54, v7;
	[tilespmem:s30+$0x5F50] =	vst v9  }
0x2e8: {  	v43 =	vld [tilespmem:s30+$0x5FD0];
	v13 =	vmul.f32 v60, v16;
	[tilespmem:s30+$0x5ED0] =	vst v14  }
0x2e9: {  	v46 =	vld [tilespmem:s30+$0x5FF0];
	v17 =	vmul.f32 v17, v45;
	[tilespmem:s30+$0x5EF0] =	vst v7  }
0x2ea: {  	v47 =	vld [tilespmem:s30+$0x6000];
	v19 =	vmul.f32 v19, v45;
	[tilespmem:s30+$0x5F40] =	vst v13  }
0x2eb: {  	v48 =	vld [tilespmem:s30+$0x6020];
	v11 =	vbroadcast v6, $0x7;
	v8 =	vmul.f32 v20, v16;
	[tilespmem:s29+$0x5EB0] =	vst v17  }
0x2ec: {  	v18 =	vld [tilespmem:s29+$0x5F10];
	v16 =	vmul.f32 v63, v16;
	[tilespmem:s29+$0x5EF0] =	vst v19  }
0x2ed: {  	v12 =	vld [tilespmem:s29+$0x5F20];
	v15 =	vmul.f32 v39, v11;
	[tilespmem:s30+$0x5F60] =	vst v8  }
0x2ee: {  	v10 =	vld [tilespmem:s29+$0x5EA0];
	v56 =	vmul.f32 v44, v11;
	[tilespmem:s30+$0x5F70] =	vst v16  }
0x2ef: {  	v58 =	vld [tilespmem:s29+$0x5FD0];
	v17 =	vmul.f32 v37, v11;
	[tilespmem:s30+$0x5FB0] =	vst v15  }
0x2f0: {  	v51 =	vld [tilespmem:s30+$0x6050];
	v19 =	vmul.f32 v43, v11;
	[tilespmem:s30+$0x5FE0] =	vst v56  }
0x2f1: {  	v49 =	vld [tilespmem:s30+$0x6030];
	v18 =	vmul.f32 v18, v53;
	[tilespmem:s30+$0x5F90] =	vst v17  }
0x2f2: {  	v9 =	vld [tilespmem:s29+$0x5F40];
	v63 =	vbroadcast v5, $0x7;
	v12 =	vmul.f32 v12, v53;
	[tilespmem:s30+$0x5FD0] =	vst v19  }
0x2f3: {  	v14 =	vld [tilespmem:s29+$0x5EC0];
	v10 =	vmul.f32 v10, v45;
	[tilespmem:s29+$0x5F10] =	vst v18  }
0x2f4: {  	v7 =	vld [tilespmem:s29+$0x5EE0];
	v21 =	vmul.f32 v58, v63;
	v18 =	vbroadcast v6, $0x8;
	[tilespmem:s29+$0x5F20] =	vst v12  }
0x2f5: {  	v13 =	vld [tilespmem:s29+$0x5F30];
	[tilespmem:s29+$0x5EA0] =	vst v10;
	v10 =	vmul.f32 v36, v11  }
0x2f6: {  	v8 =	vld [tilespmem:s29+$0x5F50];
	[tilespmem:s29+$0x5FD0] =	vst v21;
	v12 =	vmul.f32 v47, v18  }
0x2f7: {  	v57 =	vld [tilespmem:s30+$0x6090];
	v9 =	vmul.f32 v9, v53;
	[tilespmem:s30+$0x5F80] =	vst v10  }
0x2f8: {  	v16 =	vld [tilespmem:s29+$0x5F60];
	v14 =	vmul.f32 v14, v45;
	[tilespmem:s30+$0x6000] =	vst v12  }
0x2f9: {  	v15 =	vld [tilespmem:s29+$0x5FA0];
	v7 =	vmul.f32 v7, v45;
	[tilespmem:s29+$0x5F40] =	vst v9  }
0x2fa: {  	v42 =	vld [tilespmem:s30+$0x6150];
	v13 =	vmul.f32 v13, v53;
	[tilespmem:s29+$0x5EC0] =	vst v14  }
0x2fb: {  	v59 =	vld [tilespmem:s30+$0x60A0];
	v8 =	vmul.f32 v8, v53;
	[tilespmem:s29+$0x5EE0] =	vst v7  }
0x2fc: {  	v40 =	vld [tilespmem:s30+$0x6130];
	v9 =	vmul.f32 v48, v18;
	[tilespmem:s29+$0x5F30] =	vst v13  }
0x2fd: {  	v20 =	vld [tilespmem:s30+$0x6010];
	v16 =	vmul.f32 v16, v53;
	[tilespmem:s29+$0x5F50] =	vst v8  }
0x2fe: {  	v17 =	vld [tilespmem:s29+$0x5F80];
	v15 =	vmul.f32 v15, v63;
	[tilespmem:s30+$0x6020] =	vst v9  }
0x2ff: {  	v19 =	vld [tilespmem:s29+$0x5FC0];
	v14 =	vmul.f32 v38, v11;
	[tilespmem:s29+$0x5F60] =	vst v16  }
0x300: {  	v52 =	vld [tilespmem:s30+$0x6060];
	v7 =	vmul.f32 v41, v11;
	[tilespmem:s29+$0x5FA0] =	vst v15  }
0x301: {  	v50 =	vld [tilespmem:s30+$0x6040];
	v11 =	vmul.f32 v46, v11;
	[tilespmem:s30+$0x5FA0] =	vst v14  }
0x302: {  	v62 =	vld [tilespmem:s30+$0x60E0];
	v13 =	vmul.f32 v20, v18;
	[tilespmem:s30+$0x5FC0] =	vst v7  }
0x303: {  	v10 =	vld [tilespmem:s29+$0x5F70];
	v17 =	vmul.f32 v17, v63;
	[tilespmem:s30+$0x5FF0] =	vst v11  }
0x304: {  	v12 =	vld [tilespmem:s29+$0x5FF0];
	v19 =	vmul.f32 v19, v63;
	[tilespmem:s30+$0x6010] =	vst v13  }
0x305: {  	v61 =	vld [tilespmem:s30+$0x60D0];
	v8 =	vmul.f32 v49, v18;
	[tilespmem:s29+$0x5F80] =	vst v17  }
0x306: {  	v54 =	vld [tilespmem:s30+$0x6070];
	v16 =	vmul.f32 v50, v18;
	[tilespmem:s29+$0x5FC0] =	vst v19  }
0x307: {  	v9 =	vld [tilespmem:s29+$0x6010];
	v17 =	vmul.f32 v52, v18;
	[tilespmem:s30+$0x6030] =	vst v8  }
0x308: {  	v14 =	vld [tilespmem:s29+$0x5F90];
	v10 =	vmul.f32 v10, v53;
	[tilespmem:s30+$0x6040] =	vst v16  }
0x309: {  	v7 =	vld [tilespmem:s29+$0x5FB0];
	[tilespmem:s30+$0x6060] =	vst v17;
	v12 =	vmul.f32 v12, v63  }
0x30a: {  	v45 =	vbroadcast v5, $0x8;
	v11 =	vld [tilespmem:s29+$0x5FE0];
	[tilespmem:s29+$0x5F70] =	vst v10;
	v10 =	vmul.f32 v51, v18  }
0x30b: {  	v13 =	vld [tilespmem:s29+$0x6000];
	v18 =	vmul.f32 v54, v18;
	[tilespmem:s29+$0x5FF0] =	vst v12  }
0x30c: {  	v8 =	vld [tilespmem:s29+$0x6020];
	v9 =	vmul.f32 v9, v45;
	[tilespmem:s30+$0x6050] =	vst v10  }
0x30d: {  	v16 =	vld [tilespmem:s29+$0x6030];
	v14 =	vmul.f32 v14, v63;
	[tilespmem:s30+$0x6070] =	vst v18  }
0x30e: {  	v17 =	vld [tilespmem:s29+$0x6050];
	v7 =	vmul.f32 v7, v63;
	[tilespmem:s29+$0x6010] =	vst v9  }
0x30f: {  	v37 =	vld [tilespmem:s30+$0x6100];
	v11 =	vmul.f32 v11, v63;
	[tilespmem:s29+$0x5F90] =	vst v14  }
0x310: {  	v38 =	vld [tilespmem:s30+$0x6110];
	v13 =	vmul.f32 v13, v45;
	[tilespmem:s29+$0x5FB0] =	vst v7  }
0x311: {  	v60 =	vld [tilespmem:s30+$0x60B0];
	v8 =	vmul.f32 v8, v45;
	[tilespmem:s29+$0x5FE0] =	vst v11  }
0x312: {  	v39 =	vld [tilespmem:s30+$0x6120];
	v9 =	vbroadcast v6, $0xA;
	v16 =	vmul.f32 v16, v45;
	[tilespmem:s29+$0x6000] =	vst v13  }
0x313: {  	v44 =	vld [tilespmem:s30+$0x6160];
	v17 =	vmul.f32 v17, v45;
	[tilespmem:s29+$0x6020] =	vst v8  }
0x314: {  	v56 =	vld [tilespmem:s30+$0x6200];
	v14 =	vbroadcast v6, $0x9;
	v8 =	vmul.f32 v37, v9;
	[tilespmem:s29+$0x6030] =	vst v16  }
0x315: {  	v20 =	vld [tilespmem:s30+$0x60C0];
	v16 =	vmul.f32 v38, v9;
	[tilespmem:s29+$0x6050] =	vst v17  }
0x316: {  	v58 =	vld [tilespmem:s30+$0x6220];
	v15 =	vmul.f32 v55, v14;
	[tilespmem:s30+$0x6100] =	vst v8  }
0x317: {  	v36 =	vld [tilespmem:s30+$0x60F0];
	v7 =	vmul.f32 v57, v14;
	[tilespmem:s30+$0x6110] =	vst v16  }
0x318: {  	v47 =	vld [tilespmem:s30+$0x6180];
	v19 =	vmul.f32 v59, v14;
	[tilespmem:s30+$0x6080] =	vst v15  }
0x319: {  	v48 =	vld [tilespmem:s30+$0x6190];
	v43 =	vmul.f32 v60, v14;
	[tilespmem:s30+$0x6090] =	vst v7  }
0x31a: {  	v10 =	vld [tilespmem:s29+$0x6040];
	v11 =	vmul.f32 v20, v14;
	[tilespmem:s30+$0x60A0] =	vst v19  }
0x31b: {  	v18 =	vld [tilespmem:s29+$0x6060];
	v12 =	vmul.f32 v61, v14;
	[tilespmem:s30+$0x60B0] =	vst v43  }
0x31c: {  	v41 =	vld [tilespmem:s30+$0x6140];
	v13 =	vmul.f32 v62, v14;
	[tilespmem:s30+$0x60C0] =	vst v11  }
0x31d: {  	v46 =	vld [tilespmem:s30+$0x6170];
	v14 =	vmul.f32 v36, v14;
	[tilespmem:s30+$0x60D0] =	vst v12  }
0x31e: {  	v20 =	vld [tilespmem:s29+$0x60A0];
	v17 =	vmul.f32 v40, v9;
	[tilespmem:s30+$0x60E0] =	vst v13  }
0x31f: {  	v10 =	vmul.f32 v10, v45;
	v8 =	vld [tilespmem:s29+$0x60F0];
	[tilespmem:s30+$0x60F0] =	vst v14  }
0x320: {  	v16 =	vld [tilespmem:s29+$0x6100];
	v18 =	vmul.f32 v18, v45;
	[tilespmem:s30+$0x6130] =	vst v17  }
0x321: {  	v54 =	vbroadcast v5, $0x9;
	v15 =	vld [tilespmem:s29+$0x6070];
	[tilespmem:s29+$0x6040] =	vst v10;
	v10 =	vmul.f32 v39, v9  }
0x322: {  	v7 =	vld [tilespmem:s29+$0x6080];
	[tilespmem:s29+$0x6060] =	vst v18;
	v18 =	vmul.f32 v41, v9  }
0x323: {  	v63 =	vbroadcast v5, $0xA;
	v19 =	vld [tilespmem:s29+$0x6090];
	[tilespmem:s30+$0x6120] =	vst v10;
	v20 =	vmul.f32 v20, v54  }
0x324: {  	v11 =	vld [tilespmem:s29+$0x60B0];
	[tilespmem:s30+$0x6140] =	vst v18;
	v8 =	vmul.f32 v8, v54  }
0x325: {  	v12 =	vld [tilespmem:s29+$0x60C0];
	v16 =	vmul.f32 v16, v63;
	[tilespmem:s29+$0x60A0] =	vst v20  }
0x326: {  	v13 =	vld [tilespmem:s29+$0x60D0];
	v15 =	vmul.f32 v15, v45;
	[tilespmem:s29+$0x60F0] =	vst v8  }
0x327: {  	v14 =	vld [tilespmem:s29+$0x60E0];
	v7 =	vmul.f32 v7, v54;
	[tilespmem:s29+$0x6100] =	vst v16  }
0x328: {  	v17 =	vld [tilespmem:s29+$0x6120];
	v19 =	vmul.f32 v19, v54;
	[tilespmem:s29+$0x6070] =	vst v15  }
0x329: {  	v49 =	vld [tilespmem:s30+$0x61A0];
	v11 =	vmul.f32 v11, v54;
	[tilespmem:s29+$0x6080] =	vst v7  }
0x32a: {  	v50 =	vld [tilespmem:s30+$0x61B0];
	v12 =	vmul.f32 v12, v54;
	[tilespmem:s29+$0x6090] =	vst v19  }
0x32b: {  	v52 =	vld [tilespmem:s30+$0x61D0];
	v13 =	vmul.f32 v13, v54;
	[tilespmem:s29+$0x60B0] =	vst v11  }
0x32c: {  	v10 =	vld [tilespmem:s29+$0x6110];
	v14 =	vmul.f32 v14, v54;
	[tilespmem:s29+$0x60C0] =	vst v12  }
0x32d: {  	v18 =	vld [tilespmem:s29+$0x6130];
	v17 =	vmul.f32 v17, v63;
	[tilespmem:s29+$0x60D0] =	vst v13  }
0x32e: {  	v53 =	vld [tilespmem:s30+$0x61E0];
	v15 =	vmul.f32 v42, v9;
	[tilespmem:s29+$0x60E0] =	vst v14  }
0x32f: {  	v51 =	vld [tilespmem:s30+$0x61C0];
	v7 =	vmul.f32 v44, v9;
	[tilespmem:s29+$0x6120] =	vst v17  }
0x330: {  	v37 =	vld [tilespmem:s30+$0x6280];
	v9 =	vmul.f32 v46, v9;
	[tilespmem:s30+$0x6150] =	vst v15  }
0x331: {  	v38 =	vld [tilespmem:s30+$0x6290];
	v19 =	vbroadcast v6, $0xB;
	v10 =	vmul.f32 v10, v63;
	[tilespmem:s30+$0x6160] =	vst v7  }
0x332: {  	v55 =	vld [tilespmem:s30+$0x61F0];
	v18 =	vmul.f32 v18, v63;
	[tilespmem:s30+$0x6170] =	vst v9  }
0x333: {  	v57 =	vld [tilespmem:s30+$0x6210];
	v20 =	vmul.f32 v47, v19;
	[tilespmem:s29+$0x6110] =	vst v10  }
0x334: {  	v59 =	vld [tilespmem:s30+$0x6230];
	v11 =	vmul.f32 v48, v19;
	[tilespmem:s29+$0x6130] =	vst v18  }
0x335: {  	v60 =	vld [tilespmem:s30+$0x6240];
	v12 =	vmul.f32 v49, v19;
	[tilespmem:s30+$0x6180] =	vst v20  }
0x336: {  	v61 =	vld [tilespmem:s30+$0x6250];
	v13 =	vmul.f32 v50, v19;
	[tilespmem:s30+$0x6190] =	vst v11  }
0x337: {  	v62 =	vld [tilespmem:s30+$0x6260];
	v14 =	vmul.f32 v51, v19;
	[tilespmem:s30+$0x61A0] =	vst v12  }
0x338: {  	v15 =	vld [tilespmem:s29+$0x6140];
	v8 =	vmul.f32 v52, v19;
	[tilespmem:s30+$0x61B0] =	vst v13  }
0x339: {  	v7 =	vld [tilespmem:s29+$0x6150];
	v16 =	vmul.f32 v53, v19;
	v10 =	vbroadcast v6, $0xC;
	[tilespmem:s30+$0x61C0] =	vst v14  }
0x33a: {  	v9 =	vld [tilespmem:s29+$0x6160];
	v19 =	vmul.f32 v55, v19;
	[tilespmem:s30+$0x61D0] =	vst v8  }
0x33b: {  	v36 =	vld [tilespmem:s30+$0x6270];
	[tilespmem:s30+$0x61E0] =	vst v16;
	v17 =	vmul.f32 v56, v10  }
0x33c: {  	v40 =	vld [tilespmem:s30+$0x62B0];
	[tilespmem:s30+$0x61F0] =	vst v19;
	v18 =	vmul.f32 v57, v10  }
0x33d: {  	v20 =	vld [tilespmem:s29+$0x6170];
	v15 =	vmul.f32 v15, v63;
	[tilespmem:s30+$0x6200] =	vst v17  }
0x33e: {  	v43 =	vld [tilespmem:s30+$0x62E0];
	v7 =	vmul.f32 v7, v63;
	[tilespmem:s30+$0x6210] =	vst v18  }
0x33f: {  	v11 =	vld [tilespmem:s29+$0x6180];
	v9 =	vmul.f32 v9, v63;
	[tilespmem:s29+$0x6140] =	vst v15  }
0x340: {  	v12 =	vld [tilespmem:s29+$0x6190];
	v15 =	vmul.f32 v58, v10;
	[tilespmem:s29+$0x6150] =	vst v7  }
0x341: {  	v13 =	vld [tilespmem:s29+$0x61A0];
	v7 =	vmul.f32 v59, v10;
	[tilespmem:s29+$0x6160] =	vst v9  }
0x342: {  	v44 =	vbroadcast v5, $0xB;
	v14 =	vld [tilespmem:s29+$0x61B0];
	v20 =	vmul.f32 v20, v63;
	[tilespmem:s30+$0x6220] =	vst v15  }
0x343: {  	v8 =	vld [tilespmem:s29+$0x61C0];
	v9 =	vmul.f32 v60, v10;
	[tilespmem:s30+$0x6230] =	vst v7  }
0x344: {  	v16 =	vld [tilespmem:s29+$0x61D0];
	v11 =	vmul.f32 v11, v44;
	[tilespmem:s29+$0x6170] =	vst v20  }
0x345: {  	v19 =	vld [tilespmem:s29+$0x61E0];
	v12 =	vmul.f32 v12, v44;
	[tilespmem:s30+$0x6240] =	vst v9  }
0x346: {  	v39 =	vld [tilespmem:s30+$0x62A0];
	v13 =	vmul.f32 v13, v44;
	[tilespmem:s29+$0x6180] =	vst v11  }
0x347: {  	v41 =	vld [tilespmem:s30+$0x62C0];
	v14 =	vmul.f32 v14, v44;
	[tilespmem:s29+$0x6190] =	vst v12  }
0x348: {  	v45 =	vld [tilespmem:s30+$0x62F0];
	v8 =	vmul.f32 v8, v44;
	[tilespmem:s29+$0x61A0] =	vst v13  }
0x349: {  	v17 =	vld [tilespmem:s29+$0x61F0];
	v16 =	vmul.f32 v16, v44;
	[tilespmem:s29+$0x61B0] =	vst v14  }
0x34a: {  	v18 =	vld [tilespmem:s29+$0x6200];
	v19 =	vmul.f32 v19, v44;
	[tilespmem:s29+$0x61C0] =	vst v8  }
0x34b: {  	v54 =	vld [tilespmem:s30+$0x6370];
	v20 =	vmul.f32 v61, v10;
	[tilespmem:s29+$0x61D0] =	vst v16  }
0x34c: {  	v42 =	vld [tilespmem:s30+$0x62D0];
	v11 =	vmul.f32 v62, v10;
	[tilespmem:s29+$0x61E0] =	vst v19  }
0x34d: {  	v46 =	vld [tilespmem:s30+$0x6300];
	v53 =	vbroadcast v5, $0xC;
	v10 =	vmul.f32 v36, v10;
	[tilespmem:s30+$0x6250] =	vst v20  }
0x34e: {  	v47 =	vld [tilespmem:s30+$0x6310];
	v12 =	vbroadcast v6, $0xD;
	v17 =	vmul.f32 v17, v44;
	[tilespmem:s30+$0x6260] =	vst v11  }
0x34f: {  	v48 =	vld [tilespmem:s30+$0x6320];
	v18 =	vmul.f32 v18, v53;
	[tilespmem:s30+$0x6270] =	vst v10  }
0x350: {  	v49 =	vld [tilespmem:s30+$0x6330];
	v13 =	vmul.f32 v37, v12;
	[tilespmem:s29+$0x61F0] =	vst v17  }
0x351: {  	v50 =	vld [tilespmem:s30+$0x6340];
	v14 =	vmul.f32 v38, v12;
	[tilespmem:s29+$0x6200] =	vst v18  }
0x352: {  	v51 =	vld [tilespmem:s30+$0x6350];
	v8 =	vmul.f32 v39, v12;
	[tilespmem:s30+$0x6280] =	vst v13  }
0x353: {  	v58 =	vld [tilespmem:s30+$0x63C0];
	v16 =	vmul.f32 v40, v12;
	[tilespmem:s30+$0x6290] =	vst v14  }
0x354: {  	v15 =	vld [tilespmem:s29+$0x6210];
	v19 =	vmul.f32 v41, v12;
	[tilespmem:s30+$0x62A0] =	vst v8  }
0x355: {  	v7 =	vld [tilespmem:s29+$0x6220];
	v17 =	vmul.f32 v42, v12;
	[tilespmem:s30+$0x62B0] =	vst v16  }
0x356: {  	v9 =	vld [tilespmem:s29+$0x6230];
	v18 =	vmul.f32 v43, v12;
	[tilespmem:s30+$0x62C0] =	vst v19  }
0x357: {  	v52 =	vld [tilespmem:s30+$0x6360];
	v12 =	vmul.f32 v45, v12;
	[tilespmem:s30+$0x62D0] =	vst v17  }
0x358: {  	v20 =	vld [tilespmem:s29+$0x6240];
	v63 =	vmul.f32 v58, v4;
	[tilespmem:s30+$0x62E0] =	vst v18  }
0x359: {  	v55 =	vld [tilespmem:s30+$0x6380];
	v15 =	vmul.f32 v15, v53;
	[tilespmem:s30+$0x62F0] =	vst v12  }
0x35a: {  	v6 =	vbroadcast v6, $0xE;
	v11 =	vld [tilespmem:s29+$0x6250];
	v7 =	vmul.f32 v7, v53;
	[tilespmem:s30+$0x63C0] =	vst v63  }
0x35b: {  	v56 =	vld [tilespmem:s30+$0x6390];
	v9 =	vmul.f32 v9, v53;
	[tilespmem:s29+$0x6210] =	vst v15  }
0x35c: {  	v10 =	vld [tilespmem:s29+$0x6260];
	[tilespmem:s29+$0x6220] =	vst v7;
	v7 =	vmul.f32 v46, v6  }
0x35d: {  	v57 =	vld [tilespmem:s30+$0x63B0];
	v20 =	vmul.f32 v20, v53;
	[tilespmem:s29+$0x6230] =	vst v9  }
0x35e: {  	v13 =	vld [tilespmem:s29+$0x6270];
	v9 =	vmul.f32 v47, v6;
	[tilespmem:s30+$0x6300] =	vst v7  }
0x35f: {  	v8 =	vld [tilespmem:s29+$0x6290];
	v11 =	vmul.f32 v11, v53;
	[tilespmem:s29+$0x6240] =	vst v20  }
0x360: {  	v59 =	vld [tilespmem:s29+$0x6300];
	v20 =	vmul.f32 v48, v6;
	[tilespmem:s30+$0x6310] =	vst v9  }
0x361: {  	v14 =	vld [tilespmem:s29+$0x6280];
	v9 =	vmul.f32 v10, v53;
	[tilespmem:s29+$0x6250] =	vst v11  }
0x362: {  	v60 =	vbroadcast v5, $0xD;
	v61 =	vld [tilespmem:s29+$0x6320];
	v10 =	vmul.f32 v49, v6;
	[tilespmem:s30+$0x6320] =	vst v20  }
0x363: {  	v19 =	vld [tilespmem:s29+$0x62B0];
	v13 =	vmul.f32 v13, v53;
	[tilespmem:s29+$0x6260] =	vst v9  }
0x364: {  	v62 =	vld [tilespmem:s30+$0x63E0];
	v8 =	vmul.f32 v8, v60;
	[tilespmem:s30+$0x6330] =	vst v10  }
0x365: {  	v16 =	vld [tilespmem:s29+$0x62A0];
	v9 =	vmul.f32 v50, v6;
	[tilespmem:s29+$0x6270] =	vst v13  }
0x366: {  	v17 =	vld [tilespmem:s29+$0x62C0];
	v10 =	vmul.f32 v14, v60;
	[tilespmem:s29+$0x6290] =	vst v8  }
0x367: {  	v18 =	vld [tilespmem:s30+$0x63A0];
	v13 =	vmul.f32 v51, v6;
	[tilespmem:s30+$0x6340] =	vst v9  }
0x368: {  	v12 =	vld [tilespmem:s29+$0x62E0];
	v8 =	vmul.f32 v19, v60;
	[tilespmem:s29+$0x6280] =	vst v10  }
0x369: {  	v15 =	vld [tilespmem:s29+$0x62D0];
	v9 =	vmul.f32 v52, v6;
	[tilespmem:s30+$0x6350] =	vst v13  }
0x36a: {  	v7 =	vld [tilespmem:s29+$0x62F0];
	v10 =	vmul.f32 v16, v60;
	[tilespmem:s29+$0x62B0] =	vst v8  }
0x36b: {  	v11 =	vld [tilespmem:s30+$0x63D0];
	v6 =	vmul.f32 v54, v6;
	[tilespmem:s30+$0x6360] =	vst v9  }
0x36c: {  	v20 =	vld [tilespmem:s29+$0x6310];
	v8 =	vmul.f32 v56, v4;
	[tilespmem:s29+$0x62A0] =	vst v10  }
0x36d: {  	v14 =	vld [tilespmem:s29+$0x6330];
	v9 =	vmul.f32 v55, v4;
	[tilespmem:s30+$0x6370] =	vst v6  }
0x36e: {  	v19 =	vld [tilespmem:s29+$0x6360];
	v15 =	vmul.f32 v15, v60;
	v6 =	vmul.f32 v17, v60;
	[tilespmem:s30+$0x6390] =	vst v8  }
0x36f: {  	v13 =	vld [tilespmem:s29+$0x6340];
	v17 =	vmul.f32 v18, v4;
	v18 =	vmul.f32 v57, v4;
	[tilespmem:s30+$0x6380] =	vst v9  }
0x370: {  	v16 =	vld [tilespmem:s29+$0x6350];
	v8 =	vmul.f32 v12, v60;
	[tilespmem:s29+$0x62C0] =	vst v6;
	v6 =	vbroadcast v5, $0xE  }
0x371: {  	v9 =	vld [tilespmem:s29+$0x6370];
	[tilespmem:s30+$0x63A0] =	vst v17;
	v5 =	vmul.f32 v11, v4;
	v4 =	vmul.f32 v62, v4  }
0x372: {  	v10 =	vld [tilespmem:s29+$0x6380];
	v17 =	vmul.f32 v7, v60;
	[tilespmem:s29+$0x62E0] =	vst v8;
	v7 =	vmul.f32 v59, v6  }
0x373: {  	v11 =	vld [tilespmem:s29+$0x6390];
	[tilespmem:s30+$0x63B0] =	vst v18;
	v8 =	vmul.f32 v20, v6;
	v18 =	vmul.f32 v61, v6  }
0x374: {  	[tilespmem:s29+$0x62D0] =	vst v15;
	v12 =	vld [tilespmem:s29+$0x63A0];
	v15 =	vmul.f32 v14, v6;
	v13 =	vmul.f32 v13, v6  }
0x375: {  	s2 =	simm.s32 $0x3;
	s9 =	simm.s32 $0x20;
	s1 =	simm.s32 $0x2;
	[tilespmem:s29+$0x62F0] =	vst v17;
	v14 =	vmul.f32 v16, v6;
	v17 =	vmul.f32 v19, v6;
	v16 =	vld [tilespmem:s29+$0x63B0]  }
.LBB2_8:
0x376: {  	p0 =	sne.s32 s2, $0x7;
	s9 =	sand.u32 $0x3FFFFFF0, s9;
	[tilespmem:s29+$0x6300] =	vst v7;
	v6 =	vmul.f32 v9, v6;
	v7 =	vld [tilespmem:s29+$0x63C0]  }
0x377: {  	v19 =	vld.idx.msk [tilespmem:v3+s9+$0x0 ss:$0x1], $0xffff;
	[tilespmem:s29+$0x6310] =	vst v8;
	v8 =	vmul.f32 v10, v2  }
0x378: {  	s9 =	sshll.u32 s1, $0xB;
	s1 =	smov.u32 s2;
	[tilespmem:s29+$0x6320] =	vst v18;
	v9 =	vmul.f32 v11, v2;
	v18 =	vld [tilespmem:s29+$0x63D0]  }
0x379: {  	s9 =	sand.u32 $0x3FFFF800, s9;
	[tilespmem:s29+$0x6330] =	vst v15;
	v10 =	vmul.f32 v12, v2;
	v20 =	vld [tilespmem:s29+$0x63E0]  }
0x37a: {  	v11 =	vld [tilespmem:s9+$0x63F0];
	[tilespmem:s29+$0x6340] =	vst v13;
	v21 =	vmul.f32 v16, v2  }
0x37b: {  	v22 =	vld [tilespmem:s9+$0x5C00];
	[tilespmem:s29+$0x6350] =	vst v14;
	v7 =	vmul.f32 v7, v2  }
0x37c: {  	v23 =	vld [tilespmem:s9+$0x5C10];
	[tilespmem:s29+$0x6360] =	vst v17  }
0x37d: {  	v24 =	vbroadcast v19, $0x0;
	v26 =	vbroadcast v19, $0xF;
	v25 =	vld [tilespmem:s9+$0x5C20];
	[tilespmem:s29+$0x6370] =	vst v6  }
0x37e: {  	v28 =	vbroadcast v19, $0x1;
	v29 =	vbroadcast v19, $0x2;
	v27 =	vld [tilespmem:s9+$0x5C30];
	[tilespmem:s29+$0x6380] =	vst v8  }
0x37f: {  	v17 =	vbroadcast v19, $0x3;
	v30 =	vld [tilespmem:s9+$0x5C40];
	v6 =	vmul.f32 v11, v26;
	[tilespmem:s29+$0x6390] =	vst v9  }
0x380: {  	v16 =	vbroadcast v19, $0x4;
	v15 =	vbroadcast v19, $0x5;
	v31 =	vld [tilespmem:s9+$0x5C50];
	[tilespmem:s29+$0x63A0] =	vst v10  }
0x381: {  	v14 =	vbroadcast v19, $0x6;
	v13 =	vbroadcast v19, $0x7;
	v32 =	vld [tilespmem:s9+$0x5C60];
	[tilespmem:s9+$0x63F0] =	vst v6  }
0x382: {  	v12 =	vbroadcast v19, $0x8;
	v11 =	vbroadcast v19, $0x9;
	v33 =	vld [tilespmem:s9+$0x5C70];
	[tilespmem:s29+$0x63B0] =	vst v21  }
0x383: {  	v9 =	vbroadcast v19, $0xB;
	v10 =	vbroadcast v19, $0xA;
	v21 =	vld [tilespmem:s9+$0x5C80];
	[tilespmem:s29+$0x63C0] =	vst v7  }
0x384: {  	v8 =	vbroadcast v19, $0xC;
	v7 =	vbroadcast v19, $0xD;
	v34 =	vld [tilespmem:s9+$0x5C90];
	[tilespmem:s30+$0x63D0] =	vst v5  }
0x385: {  	v6 =	vbroadcast v19, $0xE;
	v5 =	vmul.f32 v24, v22;
	v22 =	vld [tilespmem:s9+$0x5CA0];
	[tilespmem:s30+$0x63E0] =	vst v4;
	s30 =	smov.u32 s29;
	s29 =	smov.u32 s9  }
0x386: {  	v19 =	vmul.f32 v25, v24;
	v4 =	vmul.f32 v23, v24;
	v23 =	vld [tilespmem:s29+$0x5CB0]  }
0x387: {  	v25 =	vmul.f32 v30, v24;
	[tilespmem:s29+$0x5C00] =	vst v5;
	v5 =	vmul.f32 v27, v24;
	v27 =	vld [tilespmem:s29+$0x5CC0]  }
0x388: {  	v30 =	vmul.f32 v32, v24;
	[tilespmem:s29+$0x5C10] =	vst v4;
	v4 =	vmul.f32 v31, v24;
	v31 =	vld [tilespmem:s29+$0x5CD0]  }
0x389: {  	v21 =	vmul.f32 v21, v28;
	[tilespmem:s29+$0x5C20] =	vst v19;
	v19 =	vmul.f32 v33, v24;
	v24 =	vld [tilespmem:s29+$0x5CE0]  }
0x38a: {  	v32 =	vmul.f32 v34, v28;
	[tilespmem:s29+$0x5C30] =	vst v5;
	v22 =	vmul.f32 v22, v28;
	v33 =	vld [tilespmem:s29+$0x5CF0]  }
0x38b: {  	v5 =	vmul.f32 v18, v2;
	[tilespmem:s29+$0x5C40] =	vst v25;
	v23 =	vmul.f32 v23, v28;
	v25 =	vld [tilespmem:s29+$0x5D00]  }
0x38c: {  	[tilespmem:s29+$0x5C50] =	vst v4;
	v18 =	vmul.f32 v27, v28;
	v27 =	vld [tilespmem:s29+$0x5D10];
	v4 =	vmul.f32 v20, v2;
	v2 =	vmov v26  }
0x38d: {  	[tilespmem:s29+$0x5C60] =	vst v30;
	v20 =	vmul.f32 v31, v28;
	v26 =	vld [tilespmem:s29+$0x5D20]  }
0x38e: {  	[tilespmem:s29+$0x5C70] =	vst v19;
	v19 =	vmul.f32 v24, v28;
	v24 =	vld [tilespmem:s29+$0x5D30]  }
0x38f: {  	[tilespmem:s29+$0x5C80] =	vst v21;
	v21 =	vmul.f32 v33, v28;
	v28 =	vld [tilespmem:s29+$0x5D40]  }
0x390: {  	[tilespmem:s29+$0x5C90] =	vst v32;
	v25 =	vmul.f32 v25, v29;
	v30 =	vld [tilespmem:s29+$0x5D50]  }
0x391: {  	[tilespmem:s29+$0x5CA0] =	vst v22;
	v22 =	vmul.f32 v27, v29;
	v27 =	vld [tilespmem:s29+$0x5D60]  }
0x392: {  	[tilespmem:s29+$0x5CB0] =	vst v23;
	v23 =	vmul.f32 v26, v29;
	v26 =	vld [tilespmem:s29+$0x5D70]  }
0x393: {  	[tilespmem:s29+$0x5CC0] =	vst v18;
	v18 =	vmul.f32 v24, v29;
	v24 =	vld [tilespmem:s29+$0x5D80]  }
0x394: {  	[tilespmem:s29+$0x5CD0] =	vst v20;
	v20 =	vmul.f32 v28, v29;
	v28 =	vld [tilespmem:s29+$0x5D90]  }
0x395: {  	[tilespmem:s29+$0x5CE0] =	vst v19;
	v19 =	vmul.f32 v30, v29;
	v30 =	vld [tilespmem:s29+$0x5DA0]  }
0x396: {  	[tilespmem:s29+$0x5CF0] =	vst v21;
	v21 =	vmul.f32 v27, v29;
	v27 =	vld [tilespmem:s29+$0x5DB0]  }
0x397: {  	[tilespmem:s29+$0x5D00] =	vst v25;
	v25 =	vmul.f32 v26, v29;
	v26 =	vld [tilespmem:s29+$0x5DC0]  }
0x398: {  	[tilespmem:s29+$0x5D10] =	vst v22;
	v22 =	vmul.f32 v24, v17;
	v24 =	vld [tilespmem:s29+$0x5DD0]  }
0x399: {  	[tilespmem:s29+$0x5D20] =	vst v23;
	v23 =	vmul.f32 v28, v17;
	v28 =	vld [tilespmem:s29+$0x5DE0]  }
0x39a: {  	[tilespmem:s29+$0x5D30] =	vst v18;
	v18 =	vmul.f32 v30, v17;
	v29 =	vld [tilespmem:s29+$0x5DF0]  }
0x39b: {  	[tilespmem:s29+$0x5D40] =	vst v20;
	v20 =	vmul.f32 v27, v17;
	v27 =	vld [tilespmem:s29+$0x5E00]  }
0x39c: {  	[tilespmem:s29+$0x5D50] =	vst v19;
	v19 =	vmul.f32 v26, v17;
	v26 =	vld [tilespmem:s29+$0x5E10]  }
0x39d: {  	[tilespmem:s29+$0x5D60] =	vst v21;
	v21 =	vmul.f32 v24, v17;
	v24 =	vld [tilespmem:s29+$0x5E20]  }
0x39e: {  	[tilespmem:s29+$0x5D70] =	vst v25;
	v25 =	vmul.f32 v28, v17;
	v28 =	vld [tilespmem:s29+$0x5E30]  }
0x39f: {  	[tilespmem:s29+$0x5D80] =	vst v22;
	v17 =	vmul.f32 v29, v17;
	v22 =	vld [tilespmem:s29+$0x5E40]  }
0x3a0: {  	[tilespmem:s29+$0x5D90] =	vst v23;
	v23 =	vmul.f32 v27, v16;
	v27 =	vld [tilespmem:s29+$0x5E50]  }
0x3a1: {  	[tilespmem:s29+$0x5DA0] =	vst v18;
	v18 =	vmul.f32 v26, v16;
	v26 =	vld [tilespmem:s29+$0x5E60]  }
0x3a2: {  	[tilespmem:s29+$0x5DB0] =	vst v20;
	v20 =	vmul.f32 v24, v16;
	v24 =	vld [tilespmem:s29+$0x5E70]  }
0x3a3: {  	[tilespmem:s29+$0x5DC0] =	vst v19;
	v19 =	vmul.f32 v28, v16;
	v28 =	vld [tilespmem:s29+$0x5E80]  }
0x3a4: {  	[tilespmem:s29+$0x5DD0] =	vst v21;
	v21 =	vmul.f32 v22, v16;
	v22 =	vld [tilespmem:s29+$0x5E90]  }
0x3a5: {  	[tilespmem:s29+$0x5DE0] =	vst v25;
	v25 =	vmul.f32 v27, v16;
	v27 =	vld [tilespmem:s29+$0x5EA0]  }
0x3a6: {  	[tilespmem:s29+$0x5DF0] =	vst v17;
	v17 =	vmul.f32 v26, v16;
	v26 =	vld [tilespmem:s29+$0x5EB0]  }
0x3a7: {  	[tilespmem:s29+$0x5E00] =	vst v23;
	v16 =	vmul.f32 v24, v16;
	v23 =	vld [tilespmem:s29+$0x5EC0]  }
0x3a8: {  	[tilespmem:s29+$0x5E10] =	vst v18;
	v18 =	vmul.f32 v28, v15;
	v24 =	vld [tilespmem:s29+$0x5ED0]  }
0x3a9: {  	[tilespmem:s29+$0x5E20] =	vst v20;
	v20 =	vmul.f32 v22, v15;
	v22 =	vld [tilespmem:s29+$0x5EE0]  }
0x3aa: {  	[tilespmem:s29+$0x5E30] =	vst v19;
	v19 =	vmul.f32 v27, v15;
	v27 =	vld [tilespmem:s29+$0x5EF0]  }
0x3ab: {  	[tilespmem:s29+$0x5E40] =	vst v21;
	v21 =	vmul.f32 v26, v15;
	v26 =	vld [tilespmem:s29+$0x5F00]  }
0x3ac: {  	[tilespmem:s29+$0x5E50] =	vst v25;
	v23 =	vmul.f32 v23, v15;
	v25 =	vld [tilespmem:s29+$0x5F10]  }
0x3ad: {  	[tilespmem:s29+$0x5E60] =	vst v17;
	v17 =	vmul.f32 v24, v15;
	v24 =	vld [tilespmem:s29+$0x5F20]  }
0x3ae: {  	[tilespmem:s29+$0x5E70] =	vst v16;
	v16 =	vmul.f32 v22, v15;
	v22 =	vld [tilespmem:s29+$0x5F30]  }
0x3af: {  	[tilespmem:s29+$0x5E80] =	vst v18;
	v15 =	vmul.f32 v27, v15;
	v18 =	vld [tilespmem:s29+$0x5F40]  }
0x3b0: {  	[tilespmem:s29+$0x5E90] =	vst v20;
	v20 =	vmul.f32 v26, v14;
	v26 =	vld [tilespmem:s29+$0x5F50]  }
0x3b1: {  	[tilespmem:s29+$0x5EA0] =	vst v19;
	v19 =	vmul.f32 v25, v14;
	v25 =	vld [tilespmem:s29+$0x5F60]  }
0x3b2: {  	[tilespmem:s29+$0x5EB0] =	vst v21;
	v21 =	vmul.f32 v24, v14;
	v24 =	vld [tilespmem:s29+$0x5F70]  }
0x3b3: {  	[tilespmem:s29+$0x5EC0] =	vst v23;
	v22 =	vmul.f32 v22, v14;
	v23 =	vld [tilespmem:s29+$0x5F80]  }
0x3b4: {  	[tilespmem:s29+$0x5ED0] =	vst v17;
	v17 =	vmul.f32 v18, v14;
	v18 =	vld [tilespmem:s29+$0x5F90]  }
0x3b5: {  	[tilespmem:s29+$0x5EE0] =	vst v16;
	v16 =	vmul.f32 v26, v14;
	v26 =	vld [tilespmem:s29+$0x5FA0]  }
0x3b6: {  	[tilespmem:s29+$0x5EF0] =	vst v15;
	v15 =	vmul.f32 v25, v14;
	v25 =	vld [tilespmem:s29+$0x5FB0]  }
0x3b7: {  	[tilespmem:s29+$0x5F00] =	vst v20;
	v14 =	vmul.f32 v24, v14;
	v20 =	vld [tilespmem:s29+$0x5FC0]  }
0x3b8: {  	[tilespmem:s29+$0x5F10] =	vst v19;
	v19 =	vmul.f32 v23, v13;
	v23 =	vld [tilespmem:s29+$0x5FD0]  }
0x3b9: {  	[tilespmem:s29+$0x5F20] =	vst v21;
	v18 =	vmul.f32 v18, v13;
	v21 =	vld [tilespmem:s29+$0x5FE0]  }
0x3ba: {  	[tilespmem:s29+$0x5F30] =	vst v22;
	v22 =	vmul.f32 v26, v13;
	v24 =	vld [tilespmem:s29+$0x5FF0]  }
0x3bb: {  	[tilespmem:s29+$0x5F40] =	vst v17;
	v17 =	vmul.f32 v25, v13;
	v25 =	vld [tilespmem:s29+$0x6000]  }
0x3bc: {  	[tilespmem:s29+$0x5F50] =	vst v16;
	v16 =	vmul.f32 v20, v13;
	v20 =	vld [tilespmem:s29+$0x6010]  }
0x3bd: {  	[tilespmem:s29+$0x5F60] =	vst v15;
	v15 =	vmul.f32 v23, v13;
	v23 =	vld [tilespmem:s29+$0x6020]  }
0x3be: {  	[tilespmem:s29+$0x5F70] =	vst v14;
	v14 =	vmul.f32 v21, v13;
	v21 =	vld [tilespmem:s29+$0x6030]  }
0x3bf: {  	[tilespmem:s29+$0x5F80] =	vst v19;
	v13 =	vmul.f32 v24, v13;
	v19 =	vld [tilespmem:s29+$0x6040]  }
0x3c0: {  	[tilespmem:s29+$0x5F90] =	vst v18;
	v18 =	vmul.f32 v25, v12;
	v24 =	vld [tilespmem:s29+$0x6050]  }
0x3c1: {  	[tilespmem:s29+$0x5FA0] =	vst v22;
	v20 =	vmul.f32 v20, v12;
	v22 =	vld [tilespmem:s29+$0x6060]  }
0x3c2: {  	[tilespmem:s29+$0x5FB0] =	vst v17;
	v17 =	vmul.f32 v23, v12;
	v23 =	vld [tilespmem:s29+$0x6070]  }
0x3c3: {  	[tilespmem:s29+$0x5FC0] =	vst v16;
	v16 =	vmul.f32 v21, v12;
	v21 =	vld [tilespmem:s29+$0x6080]  }
0x3c4: {  	[tilespmem:s29+$0x5FD0] =	vst v15;
	v15 =	vmul.f32 v19, v12;
	v19 =	vld [tilespmem:s29+$0x6090]  }
0x3c5: {  	[tilespmem:s29+$0x5FE0] =	vst v14;
	v14 =	vmul.f32 v24, v12;
	v24 =	vld [tilespmem:s29+$0x60A0]  }
0x3c6: {  	[tilespmem:s29+$0x5FF0] =	vst v13;
	v13 =	vmul.f32 v22, v12;
	v22 =	vld [tilespmem:s29+$0x60B0]  }
0x3c7: {  	[tilespmem:s29+$0x6000] =	vst v18;
	v12 =	vmul.f32 v23, v12;
	v18 =	vld [tilespmem:s29+$0x60C0]  }
0x3c8: {  	[tilespmem:s29+$0x6010] =	vst v20;
	v20 =	vmul.f32 v21, v11;
	v21 =	vld [tilespmem:s29+$0x60D0]  }
0x3c9: {  	[tilespmem:s29+$0x6020] =	vst v17;
	v17 =	vmul.f32 v19, v11;
	v19 =	vld [tilespmem:s29+$0x60E0]  }
0x3ca: {  	[tilespmem:s29+$0x6030] =	vst v16;
	v16 =	vmul.f32 v24, v11;
	v23 =	vld [tilespmem:s29+$0x60F0]  }
0x3cb: {  	[tilespmem:s29+$0x6040] =	vst v15;
	v15 =	vmul.f32 v22, v11;
	v22 =	vld [tilespmem:s29+$0x6100]  }
0x3cc: {  	[tilespmem:s29+$0x6050] =	vst v14;
	v14 =	vmul.f32 v18, v11;
	v18 =	vld [tilespmem:s29+$0x6110]  }
0x3cd: {  	[tilespmem:s29+$0x6060] =	vst v13;
	v13 =	vmul.f32 v21, v11;
	v21 =	vld [tilespmem:s29+$0x6120]  }
0x3ce: {  	[tilespmem:s29+$0x6070] =	vst v12;
	v12 =	vmul.f32 v19, v11;
	v19 =	vld [tilespmem:s29+$0x6130]  }
0x3cf: {  	[tilespmem:s29+$0x6080] =	vst v20;
	v11 =	vmul.f32 v23, v11;
	v20 =	vld [tilespmem:s29+$0x6140]  }
0x3d0: {  	[tilespmem:s29+$0x6090] =	vst v17;
	v17 =	vmul.f32 v22, v10;
	v22 =	vld [tilespmem:s29+$0x6150]  }
0x3d1: {  	[tilespmem:s29+$0x60A0] =	vst v16;
	v16 =	vmul.f32 v18, v10;
	v18 =	vld [tilespmem:s29+$0x6160]  }
0x3d2: {  	[tilespmem:s29+$0x60B0] =	vst v15;
	v15 =	vmul.f32 v21, v10;
	v21 =	vld [tilespmem:s29+$0x6170]  }
0x3d3: {  	[tilespmem:s29+$0x60C0] =	vst v14;
	v14 =	vmul.f32 v19, v10;
	v19 =	vld [tilespmem:s29+$0x6180]  }
0x3d4: {  	[tilespmem:s29+$0x60D0] =	vst v13;
	v13 =	vmul.f32 v20, v10;
	v20 =	vld [tilespmem:s29+$0x6190]  }
0x3d5: {  	[tilespmem:s29+$0x60E0] =	vst v12;
	v12 =	vmul.f32 v22, v10;
	v22 =	vld [tilespmem:s29+$0x61A0]  }
0x3d6: {  	[tilespmem:s29+$0x60F0] =	vst v11;
	v11 =	vmul.f32 v18, v10;
	v18 =	vld [tilespmem:s29+$0x61B0]  }
0x3d7: {  	[tilespmem:s29+$0x6100] =	vst v17;
	v10 =	vmul.f32 v21, v10;
	v17 =	vld [tilespmem:s29+$0x61C0]  }
0x3d8: {  	[tilespmem:s29+$0x6110] =	vst v16;
	v16 =	vmul.f32 v19, v9;
	v19 =	vld [tilespmem:s29+$0x61D0]  }
0x3d9: {  	[tilespmem:s29+$0x6120] =	vst v15;
	v15 =	vmul.f32 v20, v9;
	v20 =	vld [tilespmem:s29+$0x61E0]  }
0x3da: {  	[tilespmem:s29+$0x6130] =	vst v14;
	v14 =	vmul.f32 v22, v9;
	v21 =	vld [tilespmem:s29+$0x61F0]  }
0x3db: {  	[tilespmem:s29+$0x6140] =	vst v13;
	v13 =	vmul.f32 v18, v9;
	v18 =	vld [tilespmem:s29+$0x6200]  }
0x3dc: {  	[tilespmem:s29+$0x6150] =	vst v12;
	v12 =	vmul.f32 v17, v9;
	v17 =	vld [tilespmem:s29+$0x6210]  }
0x3dd: {  	[tilespmem:s29+$0x6160] =	vst v11;
	v11 =	vmul.f32 v19, v9;
	v19 =	vld [tilespmem:s29+$0x6220]  }
0x3de: {  	[tilespmem:s29+$0x6170] =	vst v10;
	v10 =	vmul.f32 v20, v9;
	v20 =	vld [tilespmem:s29+$0x6230]  }
0x3df: {  	[tilespmem:s29+$0x6180] =	vst v16;
	v9 =	vmul.f32 v21, v9;
	v16 =	vld [tilespmem:s29+$0x6240]  }
0x3e0: {  	[tilespmem:s29+$0x6190] =	vst v15;
	v15 =	vmul.f32 v18, v8;
	v18 =	vld [tilespmem:s29+$0x6250]  }
0x3e1: {  	[tilespmem:s29+$0x61A0] =	vst v14;
	v14 =	vmul.f32 v17, v8;
	v17 =	vld [tilespmem:s29+$0x6260]  }
0x3e2: {  	[tilespmem:s29+$0x61B0] =	vst v13;
	v13 =	vmul.f32 v19, v8;
	v19 =	vld [tilespmem:s29+$0x6270]  }
0x3e3: {  	[tilespmem:s29+$0x61C0] =	vst v12;
	v12 =	vmul.f32 v20, v8;
	v20 =	vld [tilespmem:s29+$0x6280]  }
0x3e4: {  	[tilespmem:s29+$0x61D0] =	vst v11;
	v11 =	vmul.f32 v16, v8;
	v16 =	vld [tilespmem:s29+$0x6290]  }
0x3e5: {  	[tilespmem:s29+$0x61E0] =	vst v10;
	v10 =	vmul.f32 v18, v8;
	v18 =	vld [tilespmem:s29+$0x62A0]  }
0x3e6: {  	[tilespmem:s29+$0x61F0] =	vst v9;
	v9 =	vmul.f32 v17, v8;
	v17 =	vld [tilespmem:s29+$0x62B0]  }
0x3e7: {  	[tilespmem:s29+$0x6200] =	vst v15;
	v8 =	vmul.f32 v19, v8;
	v15 =	vld [tilespmem:s29+$0x62C0]  }
0x3e8: {  	[tilespmem:s29+$0x6210] =	vst v14;
	v14 =	vmul.f32 v20, v7;
	v19 =	vld [tilespmem:s29+$0x62D0]  }
0x3e9: {  	[tilespmem:s29+$0x6220] =	vst v13;
	v13 =	vmul.f32 v16, v7;
	v16 =	vld [tilespmem:s29+$0x62E0]  }
0x3ea: {  	[tilespmem:s29+$0x6230] =	vst v12;
	v12 =	vmul.f32 v18, v7;
	v18 =	vld [tilespmem:s29+$0x62F0]  }
0x3eb: {  	[tilespmem:s29+$0x6240] =	vst v11;
	v11 =	vmul.f32 v17, v7;
	v17 =	vld [tilespmem:s29+$0x6300]  }
0x3ec: {  	[tilespmem:s29+$0x6250] =	vst v10;
	v10 =	vmul.f32 v15, v7;
	v15 =	vld [tilespmem:s29+$0x6310]  }
0x3ed: {  	[tilespmem:s29+$0x6260] =	vst v9;
	v19 =	vmul.f32 v19, v7;
	v9 =	vld [tilespmem:s29+$0x6320]  }
0x3ee: {  	[tilespmem:s29+$0x6270] =	vst v8;
	v16 =	vmul.f32 v16, v7;
	v20 =	vld [tilespmem:s29+$0x6330]  }
0x3ef: {  	[tilespmem:s29+$0x6280] =	vst v14;
	v21 =	vmul.f32 v18, v7;
	v14 =	vld [tilespmem:s29+$0x6340]  }
0x3f0: {  	[tilespmem:s29+$0x6290] =	vst v13;
	v7 =	vmul.f32 v17, v6;
	v17 =	vld [tilespmem:s29+$0x6350]  }
0x3f1: {  	[tilespmem:s29+$0x62A0] =	vst v12;
	v8 =	vmul.f32 v15, v6;
	v22 =	vld [tilespmem:s29+$0x6360]  }
.Ltmp2:
0x3f2: {  	[tilespmem:s29+$0x62B0] =	vst v11;
	v18 =	vmul.f32 v9, v6;
	v9 =	vld [tilespmem:s29+$0x6370];
	(pc) =	sbr.rel @p0 .LBB2_8-.Ltmp2, $4  }
0x3f3: {  	[tilespmem:s29+$0x62C0] =	vst v10;
	v15 =	vmul.f32 v20, v6;
	v10 =	vld [tilespmem:s29+$0x6380]  }
0x3f4: {  	[tilespmem:s29+$0x62D0] =	vst v19;
	v13 =	vmul.f32 v14, v6;
	v11 =	vld [tilespmem:s29+$0x6390]  }
0x3f5: {  	[tilespmem:s29+$0x62E0] =	vst v16;
	v14 =	vmul.f32 v17, v6;
	v12 =	vld [tilespmem:s29+$0x63A0]  }
0x3f6: {  	s2 =	sadd.s32 $0x1, s2;
	s9 =	sshll.u32 s1, $0x4;
	[tilespmem:s29+$0x62F0] =	vst v21;
	v17 =	vmul.f32 v22, v6;
	v16 =	vld [tilespmem:s29+$0x63B0]  }
0x3f7: {  	[tilespmem:s29+$0x6300] =	vst v7  }
0x3f8: {  	[tilespmem:s29+$0x6310] =	vst v8  }
0x3f9: {  	[tilespmem:s29+$0x6320] =	vst v18  }
0x3fa: {  	[tilespmem:s29+$0x6330] =	vst v15  }
0x3fb: {  	[tilespmem:s29+$0x6340] =	vst v13  }
0x3fc: {  	[tilespmem:s29+$0x6350] =	vst v14  }
0x3fd: {  	v19 =	vld [tilespmem:s29+$0x63C0];
	[tilespmem:s30+$0x63D0] =	vst v5  }
0x3fe: {  	s2 =	sand.u32 $0x3FFFFFF0, s9;
	v7 =	vld [tilespmem:s29+$0x63D0];
	v9 =	vmul.f32 v9, v6;
	[tilespmem:s30+$0x63E0] =	vst v4  }
0x3ff: {  	s1 =	sshll.u32 s1, $0xB;
	v8 =	vld.idx.msk [tilespmem:v3+s2+$0x0 ss:$0x1], $0xffff;
	v10 =	vmul.f32 v10, v2;
	[tilespmem:s29+$0x6360] =	vst v17  }
0x400: {  	s1 =	sand.u32 $0x3FFFF800, s1;
	v3 =	vld [tilespmem:s29+$0x63E0];
	v11 =	vmul.f32 v11, v2;
	[tilespmem:s29+$0x6370] =	vst v9  }
0x401: {  	v31 =	vld [tilespmem:s1+$0x63F0];
	v32 =	vmul.f32 v12, v2;
	[tilespmem:s29+$0x6380] =	vst v10  }
0x402: {  	v33 =	vld [tilespmem:s1+$0x5C00];
	[tilespmem:s29+$0x6390] =	vst v11;
	v35 =	vmul.f32 v16, v2  }
0x403: {  	v36 =	vld [tilespmem:s1+$0x5C10];
	[tilespmem:s29+$0x63A0] =	vst v32;
	v37 =	vmul.f32 v19, v2  }
0x404: {  	v38 =	vld [tilespmem:s1+$0x5C20];
	v7 =	vmul.f32 v7, v2;
	v6 =	vbroadcast v8, $0xF;
	[tilespmem:s29+$0x63B0] =	vst v35  }
0x405: {  	v40 =	vld [tilespmem:s1+$0x5C30];
	v39 =	vbroadcast v8, $0x0;
	v2 =	vmul.f32 v3, v2;
	[tilespmem:s29+$0x63C0] =	vst v37  }
0x406: {  	v41 =	vld [tilespmem:s1+$0x5C40];
	v34 =	vmul.f32 v31, v6;
	[tilespmem:s29+$0x63D0] =	vst v7  }
0x407: {  	v42 =	vld [tilespmem:s1+$0x5C50];
	v43 =	vmul.f32 v39, v33;
	[tilespmem:s29+$0x63E0] =	vst v2  }
0x408: {  	v44 =	vld [tilespmem:s1+$0x5C60];
	v45 =	vmul.f32 v36, v39;
	[tilespmem:s1+$0x63F0] =	vst v34  }
0x409: {  	v46 =	vld [tilespmem:s1+$0x5C70];
	v14 =	vmul.f32 v38, v39;
	[tilespmem:s1+$0x5C00] =	vst v43  }
0x40a: {  	v47 =	vld [tilespmem:s1+$0x5C80];
	v15 =	vmul.f32 v40, v39;
	[tilespmem:s1+$0x5C10] =	vst v45  }
0x40b: {  	v48 =	vld [tilespmem:s1+$0x5C90];
	v11 =	vmul.f32 v41, v39;
	[tilespmem:s1+$0x5C20] =	vst v14  }
0x40c: {  	v49 =	vld [tilespmem:s1+$0x5CA0];
	v9 =	vmul.f32 v42, v39;
	[tilespmem:s1+$0x5C30] =	vst v15  }
0x40d: {  	v51 =	vld [tilespmem:s1+$0x5CB0];
	v50 =	vbroadcast v8, $0x1;
	v10 =	vmul.f32 v44, v39;
	[tilespmem:s1+$0x5C40] =	vst v11  }
0x40e: {  	v52 =	vld [tilespmem:s1+$0x5CC0];
	v12 =	vmul.f32 v46, v39;
	[tilespmem:s1+$0x5C50] =	vst v9  }
0x40f: {  	v56 =	vld [tilespmem:s1+$0x5CF0];
	v5 =	vmul.f32 v47, v50;
	[tilespmem:s1+$0x5C60] =	vst v10  }
0x410: {  	v58 =	vld [tilespmem:s1+$0x5D00];
	v4 =	vmul.f32 v48, v50;
	[tilespmem:s1+$0x5C70] =	vst v12  }
0x411: {  	v60 =	vld [tilespmem:s1+$0x5D10];
	v55 =	vmul.f32 v49, v50;
	[tilespmem:s1+$0x5C80] =	vst v5  }
0x412: {  	v61 =	vld [tilespmem:s1+$0x5D20];
	v57 =	vmul.f32 v51, v50;
	[tilespmem:s1+$0x5C90] =	vst v4  }
0x413: {  	v63 =	vld [tilespmem:s1+$0x5D30];
	v62 =	vbroadcast v8, $0x2;
	v59 =	vmul.f32 v52, v50;
	[tilespmem:s1+$0x5CA0] =	vst v55  }
0x414: {  	v21 =	vld [tilespmem:s1+$0x5D40];
	v20 =	vmul.f32 v56, v50;
	[tilespmem:s1+$0x5CB0] =	vst v57  }
0x415: {  	v23 =	vld [tilespmem:s1+$0x5D50];
	v22 =	vmul.f32 v58, v62;
	[tilespmem:s1+$0x5CC0] =	vst v59  }
0x416: {  	v53 =	vld [tilespmem:s1+$0x5CD0];
	v24 =	vmul.f32 v60, v62;
	[tilespmem:s1+$0x5CF0] =	vst v20  }
0x417: {  	v54 =	vld [tilespmem:s1+$0x5CE0];
	v26 =	vmul.f32 v61, v62;
	[tilespmem:s1+$0x5D00] =	vst v22  }
0x418: {  	v25 =	vld [tilespmem:s1+$0x5D60];
	v28 =	vmul.f32 v63, v62;
	[tilespmem:s1+$0x5D10] =	vst v24  }
0x419: {  	v27 =	vld [tilespmem:s1+$0x5D70];
	v30 =	vmul.f32 v21, v62;
	[tilespmem:s1+$0x5D20] =	vst v26  }
0x41a: {  	v18 =	vld [tilespmem:s1+$0x5ED0];
	v32 =	vmul.f32 v23, v62;
	[tilespmem:s1+$0x5D30] =	vst v28  }
0x41b: {  	v29 =	vld [tilespmem:s1+$0x5D80];
	v9 =	vmul.f32 v53, v50;
	[tilespmem:s1+$0x5D40] =	vst v30  }
0x41c: {  	v35 =	vld [tilespmem:s1+$0x5DB0];
	v10 =	vmul.f32 v54, v50;
	[tilespmem:s1+$0x5D50] =	vst v32  }
0x41d: {  	v31 =	vld [tilespmem:s1+$0x5D90];
	v61 =	vbroadcast v8, $0x5;
	v11 =	vmul.f32 v25, v62;
	[tilespmem:s1+$0x5CD0] =	vst v9  }
0x41e: {  	v33 =	vld [tilespmem:s1+$0x5DA0];
	v34 =	vbroadcast v8, $0x3;
	v5 =	vmul.f32 v27, v62;
	[tilespmem:s1+$0x5CE0] =	vst v10  }
0x41f: {  	v36 =	vld [tilespmem:s1+$0x5DC0];
	v25 =	vmul.f32 v18, v61;
	[tilespmem:s1+$0x5D60] =	vst v11  }
0x420: {  	v38 =	vld [tilespmem:s1+$0x5DD0];
	v37 =	vmul.f32 v29, v34;
	[tilespmem:s1+$0x5D70] =	vst v5  }
0x421: {  	v40 =	vld [tilespmem:s1+$0x5DE0];
	v43 =	vmul.f32 v35, v34;
	[tilespmem:s1+$0x5ED0] =	vst v25  }
0x422: {  	v42 =	vld [tilespmem:s1+$0x5DF0];
	v39 =	vmul.f32 v31, v34;
	[tilespmem:s1+$0x5D80] =	vst v37  }
0x423: {  	v44 =	vld [tilespmem:s1+$0x5E00];
	v41 =	vmul.f32 v33, v34;
	[tilespmem:s1+$0x5DB0] =	vst v43  }
0x424: {  	v47 =	vld [tilespmem:s1+$0x5E20];
	v10 =	vmul.f32 v36, v34;
	[tilespmem:s1+$0x5D90] =	vst v39  }
0x425: {  	v49 =	vld [tilespmem:s1+$0x5E30];
	v46 =	vmul.f32 v38, v34;
	[tilespmem:s1+$0x5DA0] =	vst v41  }
0x426: {  	v48 =	vbroadcast v8, $0x4;
	v52 =	vld [tilespmem:s1+$0x5E50];
	v13 =	vmul.f32 v40, v34;
	[tilespmem:s1+$0x5DC0] =	vst v10  }
0x427: {  	v60 =	vld [tilespmem:s1+$0x5EA0];
	v9 =	vmul.f32 v42, v34;
	[tilespmem:s1+$0x5DD0] =	vst v46  }
0x428: {  	v21 =	vld [tilespmem:s1+$0x5EF0];
	v51 =	vmul.f32 v44, v48;
	[tilespmem:s1+$0x5DE0] =	vst v13  }
0x429: {  	v23 =	vld [tilespmem:s1+$0x5F00];
	v54 =	vmul.f32 v47, v48;
	[tilespmem:s1+$0x5DF0] =	vst v9  }
0x42a: {  	v45 =	vld [tilespmem:s1+$0x5E10];
	v56 =	vmul.f32 v49, v48;
	[tilespmem:s1+$0x5E00] =	vst v51  }
0x42b: {  	v50 =	vld [tilespmem:s1+$0x5E40];
	v59 =	vmul.f32 v52, v48;
	[tilespmem:s1+$0x5E20] =	vst v54  }
0x42c: {  	v53 =	vld [tilespmem:s1+$0x5E60];
	v27 =	vbroadcast v8, $0x6;
	v20 =	vmul.f32 v60, v61;
	[tilespmem:s1+$0x5E30] =	vst v56  }
0x42d: {  	v55 =	vld [tilespmem:s1+$0x5E70];
	v5 =	vmul.f32 v21, v61;
	[tilespmem:s1+$0x5E50] =	vst v59  }
0x42e: {  	v57 =	vld [tilespmem:s1+$0x5E80];
	v30 =	vmul.f32 v23, v27;
	[tilespmem:s1+$0x5EA0] =	vst v20  }
0x42f: {  	v62 =	vld [tilespmem:s1+$0x5EB0];
	v11 =	vmul.f32 v45, v48;
	[tilespmem:s1+$0x5EF0] =	vst v5  }
0x430: {  	v26 =	vld [tilespmem:s1+$0x5F20];
	v10 =	vmul.f32 v50, v48;
	[tilespmem:s1+$0x5F00] =	vst v30  }
0x431: {  	v28 =	vld [tilespmem:s1+$0x5F30];
	v13 =	vmul.f32 v53, v48;
	[tilespmem:s1+$0x5E10] =	vst v11  }
0x432: {  	v58 =	vld [tilespmem:s1+$0x5E90];
	v4 =	vmul.f32 v55, v48;
	[tilespmem:s1+$0x5E40] =	vst v10  }
0x433: {  	v63 =	vld [tilespmem:s1+$0x5EC0];
	v17 =	vmul.f32 v57, v61;
	[tilespmem:s1+$0x5E60] =	vst v13  }
0x434: {  	v19 =	vld [tilespmem:s1+$0x5EE0];
	v22 =	vmul.f32 v62, v61;
	[tilespmem:s1+$0x5E70] =	vst v4  }
0x435: {  	v31 =	vld [tilespmem:s1+$0x5F50];
	v33 =	vmul.f32 v26, v27;
	[tilespmem:s1+$0x5E80] =	vst v17  }
0x436: {  	v34 =	vld [tilespmem:s1+$0x5F70];
	v35 =	vmul.f32 v28, v27;
	[tilespmem:s1+$0x5EB0] =	vst v22  }
0x437: {  	v36 =	vld [tilespmem:s1+$0x5F80];
	v11 =	vmul.f32 v58, v61;
	[tilespmem:s1+$0x5F20] =	vst v33  }
0x438: {  	v44 =	vld [tilespmem:s1+$0x5FD0];
	v10 =	vmul.f32 v63, v61;
	[tilespmem:s1+$0x5F30] =	vst v35  }
0x439: {  	v47 =	vld [tilespmem:s1+$0x5FF0];
	v13 =	vmul.f32 v19, v61;
	[tilespmem:s1+$0x5E90] =	vst v11  }
0x43a: {  	v40 =	vbroadcast v8, $0x7;
	v49 =	vld [tilespmem:s1+$0x6000];
	v38 =	vmul.f32 v31, v27;
	[tilespmem:s1+$0x5EC0] =	vst v10  }
0x43b: {  	v52 =	vld [tilespmem:s1+$0x6020];
	v9 =	vmul.f32 v34, v27;
	[tilespmem:s1+$0x5EE0] =	vst v13  }
0x43c: {  	v60 =	vld [tilespmem:s1+$0x6070];
	v43 =	vmul.f32 v36, v40;
	[tilespmem:s1+$0x5F50] =	vst v38  }
0x43d: {  	v24 =	vld [tilespmem:s1+$0x5F10];
	v53 =	vbroadcast v8, $0x8;
	v51 =	vmul.f32 v44, v40;
	[tilespmem:s1+$0x5F70] =	vst v9  }
0x43e: {  	v29 =	vld [tilespmem:s1+$0x5F40];
	v4 =	vmul.f32 v47, v40;
	[tilespmem:s1+$0x5F80] =	vst v43  }
0x43f: {  	v32 =	vld [tilespmem:s1+$0x5F60];
	v56 =	vmul.f32 v49, v53;
	[tilespmem:s1+$0x5FD0] =	vst v51  }
0x440: {  	v21 =	vld [tilespmem:s1+$0x60A0];
	v59 =	vmul.f32 v52, v53;
	[tilespmem:s1+$0x5FF0] =	vst v4  }
0x441: {  	v23 =	vld [tilespmem:s1+$0x60B0];
	v5 =	vmul.f32 v60, v53;
	[tilespmem:s1+$0x6000] =	vst v56  }
0x442: {  	v39 =	vld [tilespmem:s1+$0x5FA0];
	v11 =	vmul.f32 v24, v27;
	[tilespmem:s1+$0x6020] =	vst v59  }
0x443: {  	v41 =	vld [tilespmem:s1+$0x5FB0];
	v22 =	vbroadcast v8, $0x9;
	v10 =	vmul.f32 v29, v27;
	[tilespmem:s1+$0x6070] =	vst v5  }
0x444: {  	v54 =	vld [tilespmem:s1+$0x6030];
	v13 =	vmul.f32 v32, v27;
	[tilespmem:s1+$0x5F10] =	vst v11  }
0x445: {  	v57 =	vld [tilespmem:s1+$0x6050];
	v28 =	vmul.f32 v21, v22;
	[tilespmem:s1+$0x5F40] =	vst v10  }
0x446: {  	v62 =	vld [tilespmem:s1+$0x6080];
	v30 =	vmul.f32 v23, v22;
	[tilespmem:s1+$0x5F60] =	vst v13  }
0x447: {  	v26 =	vld [tilespmem:s1+$0x60D0];
	v46 =	vmul.f32 v39, v40;
	[tilespmem:s1+$0x60A0] =	vst v28  }
0x448: {  	v37 =	vld [tilespmem:s1+$0x5F90];
	v48 =	vmul.f32 v41, v40;
	[tilespmem:s1+$0x60B0] =	vst v30  }
0x449: {  	v42 =	vld [tilespmem:s1+$0x5FC0];
	v61 =	vmul.f32 v54, v53;
	[tilespmem:s1+$0x5FA0] =	vst v46  }
0x44a: {  	v45 =	vld [tilespmem:s1+$0x5FE0];
	v20 =	vmul.f32 v57, v53;
	[tilespmem:s1+$0x5FB0] =	vst v48  }
0x44b: {  	v50 =	vld [tilespmem:s1+$0x6010];
	v25 =	vmul.f32 v62, v22;
	[tilespmem:s1+$0x6030] =	vst v61  }
0x44c: {  	v55 =	vld [tilespmem:s1+$0x6040];
	v33 =	vmul.f32 v26, v22;
	[tilespmem:s1+$0x6050] =	vst v20  }
0x44d: {  	v58 =	vld [tilespmem:s1+$0x6060];
	v11 =	vmul.f32 v37, v40;
	[tilespmem:s1+$0x6080] =	vst v25  }
0x44e: {  	v31 =	vld [tilespmem:s1+$0x6100];
	v10 =	vmul.f32 v42, v40;
	[tilespmem:s1+$0x60D0] =	vst v33  }
0x44f: {  	v34 =	vld [tilespmem:s1+$0x6120];
	v13 =	vmul.f32 v45, v40;
	[tilespmem:s1+$0x5F90] =	vst v11  }
0x450: {  	v36 =	vld [tilespmem:s1+$0x6130];
	[tilespmem:s1+$0x5FC0] =	vst v10;
	v11 =	vmul.f32 v50, v53  }
0x451: {  	v35 =	vbroadcast v8, $0xA;
	v29 =	vld [tilespmem:s1+$0x60F0];
	[tilespmem:s1+$0x5FE0] =	vst v13;
	v10 =	vmul.f32 v55, v53  }
0x452: {  	v44 =	vld [tilespmem:s1+$0x6180];
	v13 =	vmul.f32 v58, v53;
	[tilespmem:s1+$0x6010] =	vst v11  }
0x453: {  	v47 =	vld [tilespmem:s1+$0x61A0];
	v38 =	vmul.f32 v31, v35;
	[tilespmem:s1+$0x6040] =	vst v10  }
0x454: {  	v49 =	vld [tilespmem:s1+$0x61B0];
	v41 =	vmul.f32 v34, v35;
	[tilespmem:s1+$0x6060] =	vst v13  }
0x455: {  	v52 =	vld [tilespmem:s1+$0x61D0];
	v48 =	vbroadcast v8, $0xB;
	v43 =	vmul.f32 v36, v35;
	[tilespmem:s1+$0x6100] =	vst v38  }
0x456: {  	v60 =	vld [tilespmem:s1+$0x6220];
	v9 =	vmul.f32 v29, v22;
	[tilespmem:s1+$0x6120] =	vst v41  }
0x457: {  	v18 =	vld [tilespmem:s1+$0x6250];
	v51 =	vmul.f32 v44, v48;
	[tilespmem:s1+$0x6130] =	vst v43  }
0x458: {  	v63 =	vld [tilespmem:s1+$0x6090];
	v54 =	vmul.f32 v47, v48;
	[tilespmem:s1+$0x60F0] =	vst v9  }
0x459: {  	v24 =	vld [tilespmem:s1+$0x60C0];
	v61 =	vbroadcast v8, $0xC;
	v56 =	vmul.f32 v49, v48;
	[tilespmem:s1+$0x6180] =	vst v51  }
0x45a: {  	v27 =	vld [tilespmem:s1+$0x60E0];
	v59 =	vmul.f32 v52, v48;
	[tilespmem:s1+$0x61A0] =	vst v54  }
0x45b: {  	v39 =	vld [tilespmem:s1+$0x6150];
	v20 =	vmul.f32 v60, v61;
	[tilespmem:s1+$0x61B0] =	vst v56  }
0x45c: {  	v57 =	vld [tilespmem:s1+$0x6200];
	v25 =	vmul.f32 v18, v61;
	[tilespmem:s1+$0x61D0] =	vst v59  }
0x45d: {  	v62 =	vld [tilespmem:s1+$0x6230];
	v11 =	vmul.f32 v63, v22;
	[tilespmem:s1+$0x6220] =	vst v20  }
0x45e: {  	v42 =	vld [tilespmem:s1+$0x6170];
	v10 =	vmul.f32 v24, v22;
	[tilespmem:s1+$0x6250] =	vst v25  }
0x45f: {  	v21 =	vld [tilespmem:s1+$0x6270];
	v13 =	vmul.f32 v27, v22;
	[tilespmem:s1+$0x6090] =	vst v11  }
0x460: {  	v32 =	vld [tilespmem:s1+$0x6110];
	v46 =	vmul.f32 v39, v35;
	[tilespmem:s1+$0x60C0] =	vst v10  }
0x461: {  	v37 =	vld [tilespmem:s1+$0x6140];
	v17 =	vmul.f32 v57, v61;
	[tilespmem:s1+$0x60E0] =	vst v13  }
0x462: {  	v40 =	vld [tilespmem:s1+$0x6160];
	v22 =	vmul.f32 v62, v61;
	[tilespmem:s1+$0x6150] =	vst v46  }
0x463: {  	v23 =	vld [tilespmem:s1+$0x6280];
	v4 =	vmul.f32 v42, v35;
	[tilespmem:s1+$0x6200] =	vst v17  }
0x464: {  	v26 =	vld [tilespmem:s1+$0x62A0];
	v9 =	vmul.f32 v21, v61;
	[tilespmem:s1+$0x6230] =	vst v22  }
0x465: {  	v28 =	vld [tilespmem:s1+$0x62B0];
	v11 =	vmul.f32 v32, v35;
	[tilespmem:s1+$0x6170] =	vst v4  }
0x466: {  	v55 =	vld [tilespmem:s1+$0x61F0];
	v27 =	vbroadcast v8, $0xD;
	v10 =	vmul.f32 v37, v35;
	[tilespmem:s1+$0x6270] =	vst v9  }
0x467: {  	v31 =	vld [tilespmem:s1+$0x62D0];
	v13 =	vmul.f32 v40, v35;
	[tilespmem:s1+$0x6110] =	vst v11  }
0x468: {  	v34 =	vld [tilespmem:s1+$0x62F0];
	v30 =	vmul.f32 v23, v27;
	[tilespmem:s1+$0x6140] =	vst v10  }
0x469: {  	v45 =	vld [tilespmem:s1+$0x6190];
	v33 =	vmul.f32 v26, v27;
	[tilespmem:s1+$0x6160] =	vst v13  }
0x46a: {  	v50 =	vld [tilespmem:s1+$0x61C0];
	v35 =	vmul.f32 v28, v27;
	[tilespmem:s1+$0x6280] =	vst v30  }
0x46b: {  	v53 =	vld [tilespmem:s1+$0x61E0];
	v5 =	vmul.f32 v55, v48;
	[tilespmem:s1+$0x62A0] =	vst v33  }
0x46c: {  	v36 =	vld [tilespmem:s1+$0x6300];
	v38 =	vmul.f32 v31, v27;
	[tilespmem:s1+$0x62B0] =	vst v35  }
0x46d: {  	v47 =	vld [tilespmem:s1+$0x6360];
	v4 =	vmul.f32 v34, v27;
	[tilespmem:s1+$0x61F0] =	vst v5  }
0x46e: {  	v39 =	vld [tilespmem:s1+$0x6320];
	v11 =	vmul.f32 v45, v48;
	[tilespmem:s1+$0x62D0] =	vst v38  }
0x46f: {  	v43 =	vld [tilespmem:s1+$0x6340];
	v40 =	vbroadcast v8, $0xE;
	v10 =	vmul.f32 v50, v48;
	[tilespmem:s1+$0x62F0] =	vst v4  }
0x470: {  	v49 =	vld [tilespmem:s1+$0x6370];
	v13 =	vmul.f32 v53, v48;
	[tilespmem:s1+$0x6190] =	vst v11  }
0x471: {  	v58 =	vld [tilespmem:s1+$0x6210];
	v44 =	vmul.f32 v36, v40;
	[tilespmem:s1+$0x61C0] =	vst v10  }
0x472: {  	v63 =	vld [tilespmem:s1+$0x6240];
	v56 =	vmul.f32 v47, v40;
	[tilespmem:s1+$0x61E0] =	vst v13  }
0x473: {  	v19 =	vld [tilespmem:s1+$0x6260];
	v48 =	vmul.f32 v39, v40;
	[tilespmem:s1+$0x6300] =	vst v44  }
0x474: {  	v42 =	vld [tilespmem:s1+$0x6330];
	v52 =	vmul.f32 v43, v40;
	[tilespmem:s1+$0x6360] =	vst v56  }
0x475: {  	v51 =	vld [tilespmem:s1+$0x6380];
	v5 =	vmul.f32 v49, v40;
	[tilespmem:s1+$0x6320] =	vst v48  }
0x476: {  	v32 =	vld [tilespmem:s1+$0x62E0];
	v11 =	vmul.f32 v58, v61;
	[tilespmem:s1+$0x6340] =	vst v52  }
0x477: {  	v37 =	vld [tilespmem:s1+$0x6310];
	v10 =	vmul.f32 v63, v61;
	[tilespmem:s1+$0x6370] =	vst v5  }
0x478: {  	v24 =	vld [tilespmem:s1+$0x6290];
	v13 =	vmul.f32 v19, v61;
	[tilespmem:s1+$0x6210] =	vst v11  }
0x479: {  	v29 =	vld [tilespmem:s1+$0x62C0];
	v50 =	vmul.f32 v42, v40;
	[tilespmem:s1+$0x6240] =	vst v10  }
0x47a: {  	v55 =	vld [tilespmem:s1+$0x63A0];
	v59 =	vmul.f32 v51, v6;
	[tilespmem:s1+$0x6260] =	vst v13  }
0x47b: {  	v45 =	vld [tilespmem:s1+$0x6350];
	v41 =	vmul.f32 v32, v27;
	[tilespmem:s1+$0x6330] =	vst v50  }
0x47c: {  	v53 =	vld [tilespmem:s1+$0x6390];
	v46 =	vmul.f32 v37, v40;
	[tilespmem:s1+$0x6380] =	vst v59  }
0x47d: {  	v57 =	vld [tilespmem:s1+$0x63B0];
	v11 =	vmul.f32 v24, v27;
	[tilespmem:s1+$0x62E0] =	vst v41  }
0x47e: {  	v58 =	vld [tilespmem:s1+$0x63C0];
	v10 =	vmul.f32 v29, v27;
	[tilespmem:s1+$0x6310] =	vst v46  }
0x47f: {  	v61 =	vld [tilespmem:s1+$0x63D0];
	v62 =	vmul.f32 v55, v6;
	[tilespmem:s1+$0x6290] =	vst v11  }
0x480: {  	v63 =	vld [tilespmem:s1+$0x63E0];
	v54 =	vmul.f32 v45, v40;
	[tilespmem:s1+$0x62C0] =	vst v10  }
0x481: {  	v60 =	vmul.f32 v53, v6;
	[tilespmem:s1+$0x63A0] =	vst v62  }
0x482: {  	v11 =	vmul.f32 v57, v6;
	[tilespmem:s1+$0x6350] =	vst v54  }
0x483: {  	[tilespmem:s1+$0x6390] =	vst v60;
	v8 =	vmul.f32 v58, v6  }
0x484: {  	v3 =	vmul.f32 v61, v6;
	[tilespmem:s1+$0x63B0] =	vst v11  }
0x485: {  	s26 =	sadd.s32 $0x1, s26;
	v2 =	vmul.f32 v63, v6;
	[tilespmem:s1+$0x63C0] =	vst v8  }
0x486: {  	p0 =	sne.s32 s26, $0x8;
	[tilespmem:s1+$0x63D0] =	vst v3  }
.Ltmp3:
0x487: {  	s31 =	sadd.s32 $0xC00, s28;
	[tilespmem:s1+$0x63E0] =	vst v2;
	(pc) =	sbr.rel @p0 .LBB2_5-.Ltmp3, $4  }
0x488: {  	[spmem:s4] =	stream.indirect.scatter.add.f32 [tilespmem:s21], [sflag:$0x3], $0x80, s31, s20, $0xb8;
	[tilespmem:$0x1DC00] =	vst v63  }
0x489: {  	_ =	swait.ge [sflag:s17], $0x4000  }
0x48a: {  	[sflag:s17] =	ssyncset.done $0x0  }
0x48b: {  	[sflag:s17] =	ssyncadd.s32 $0xFFFFC000  }
0x48c: {  	s25 =	sadd.s32 $0x1, s25  }
0x48d: {  	p0 =	sne.s32 s25, $0x5  }
.Ltmp4:
0x48e: {  	_ = 	snop;
	(pc) =	sbr.rel @p0 .LBB2_4-.Ltmp4, $1  }
0x48f: {  	_ =	sdelay $0x3  }
0x490: {  	s1 =	stileid.u32;
	s5 =	sadd.s32 $0x1, s5  }
0x491: {  	[bflag:$0x0] =	sbarrier.arrive $0xFFFF;
	s1 =	sshll.u32 s1, $0x6;
	p0 =	sne.s32 s5, s15  }
.Ltmp5:
0x492: {  	s2 =	sshrl.u32 s8, $0x3;
	s1 =	sor.u32 $0x1C03, s1;
	(pc) =	sbr.rel @p0 .LBB2_1-.Ltmp5, $4  }
0x493: {  	[hbm:s14], [sflag:s1] =	dma.local [spmem:s2], $0x2800  }
0x494: {  	_ =	swait.ge [sflag:s17], $0x2800  }
0x495: {  	[sflag:s17] =	ssyncset.done $0x0  }
0x496: {  	[sflag:s17] =	ssyncadd.s32 $0xFFFFD800  }
0x497: {  	_ =	sfence.sel $0x180000  }
0x498: {  	[bflag:$0x0] =	sbarrier.arrive $0xFFFF  }
0x499: {  	_ =	strace $0x90000047  }
0x49a: {  	s0 =	stileid.u32;
	[bflag:$0x2] =	sbarrier.arrive $0xFFFF  }
0x49b: {  	p0 =	sne.s32 s0, $0x0;
	s0 =	rddreg [dreg:$0x4]  }
0x49c: {  	s0 =	sadd.s32 @!p0 $0x100000, s0  }
0x49d: {  	[sflag:s0] =	ssyncadd.tile.s32 @!p0 $0x1;
	_ =	shalt  }
.Lfunc_end2:
_tile_overlayer_lowered:
.L_overlay_start_2:
0x49e: {  	(tag) =	ssettag $0x2  }
0x49f: {  	s0 =	rddreg [dreg:$0x0];
	s2 =	stileid.u32  }
0x4a0: {  	s1 =	rddreg [dreg:$0x1];
	p0 =	sne.s32 s2, $0x0  }
0x4a1: {  	s3 =	rddreg [dreg:$0x2];
	[bflag:$0x3] =	sbarrier.arrive $0xFFFF;
	s2 =	simm.s32 @!p0 $0x1C03  }
0x4a2: {  	[timem:s3], [sflag:s2] =	dma.local @!p0 [hbm:s0], s1  }
0x4a3: {  	s0 =	simm.s32 @!p0 $0x3  }
0x4a4: {  	_ =	swait.ge @!p0 [sflag:s0], s1  }
0x4a5: {  	s1 =	ssub.s32 @!p0 $0x0, s1;
	[sflag:s0] =	ssyncset.done @!p0 $0x0  }
0x4a6: {  	[sflag:s0] =	ssyncadd.s32 @!p0 s1  }
0x4a7: {  	[bflag:$0x3] =	sbarrier.arrive $0xFFFF  }
0x4a8: {  	_ =	shalt  }

</sc_bundles>
